<compile_context>
chip_gen: v7x
topology: tpu7x:2x2x1
jax: 0.10.2.dev20260603
libtpu: 0.0.44.dev20260713+nightly
codegen_flags: <defaults>
</compile_context>

<pallas_src>
import functools

import jax
import jax.numpy as jnp
from jax import lax
from jax.experimental import pallas as pl
from jax.experimental.pallas import tpu as pltpu
from jax.experimental.pallas import tpu_sc as plsc


def _lrelu(v):
    return jnp.where(v > 0, v, v * 0.2)


def _dot(a, b, prec=None):
    return jnp.dot(a, b, preferred_element_type=jnp.float32, precision=prec)


_SC_CH = 128


def _sc_gather(table, idx_flat):
    e = idx_flat.shape[0]
    c = table.shape[1]
    nw = 32
    per_w = e // nw
    n_chunks = per_w // _SC_CH
    n_pairs = n_chunks // 2
    mesh = plsc.VectorSubcoreMesh(core_axis_name="c", subcore_axis_name="s")

    @functools.partial(
        pl.kernel,
        mesh=mesh,
        out_type=jax.ShapeDtypeStruct((e, c), jnp.float32),
        scratch_types=[
            pltpu.VMEM((per_w,), jnp.int32),
            pltpu.VMEM((_SC_CH, c), jnp.float32),
            pltpu.VMEM((_SC_CH, c), jnp.float32),
            pltpu.SemaphoreType.DMA,
            pltpu.SemaphoreType.DMA,
            pltpu.SemaphoreType.DMA,
            pltpu.SemaphoreType.DMA,
        ],
    )
    def gk(table_hbm, idx_hbm, out_hbm, idx_all, rows0, rows1, gsem0, gsem1, ssem0, ssem1):
        wid = lax.axis_index("s") * 2 + lax.axis_index("c")
        base0 = wid * per_w
        pltpu.sync_copy(idx_hbm.at[pl.ds(base0, per_w)], idx_all)

        def g_start(ci, rows, gsem):
            pltpu.async_copy(table_hbm.at[idx_all.at[pl.ds(ci * _SC_CH, _SC_CH)]], rows, gsem)

        def g_wait(ci, rows, gsem):
            pltpu.make_async_copy(
                table_hbm.at[idx_all.at[pl.ds(ci * _SC_CH, _SC_CH)]], rows, gsem
            ).wait()

        def s_start(ci, rows, ssem):
            pltpu.async_copy(rows, out_hbm.at[pl.ds(base0 + ci * _SC_CH, _SC_CH)], ssem)

        def s_wait(ci, rows, ssem):
            pltpu.make_async_copy(
                rows, out_hbm.at[pl.ds(base0 + ci * _SC_CH, _SC_CH)], ssem
            ).wait()

        g_start(0, rows0, gsem0)
        g_start(1, rows1, gsem1)

        def body(g2, carry):
            c0 = 2 * g2 - 2
            g_wait(c0, rows0, gsem0)
            s_start(c0, rows0, ssem0)
            s_wait(c0, rows0, ssem0)
            g_start(2 * g2, rows0, gsem0)
            g_wait(c0 + 1, rows1, gsem1)
            s_start(c0 + 1, rows1, ssem1)
            s_wait(c0 + 1, rows1, ssem1)
            g_start(2 * g2 + 1, rows1, gsem1)
            return carry

        lax.fori_loop(1, n_pairs, body, 0)
        c0 = 2 * n_pairs - 2
        g_wait(c0, rows0, gsem0)
        s_start(c0, rows0, ssem0)
        g_wait(c0 + 1, rows1, gsem1)
        s_start(c0 + 1, rows1, ssem1)
        s_wait(c0, rows0, ssem0)
        s_wait(c0 + 1, rows1, ssem1)

    return gk(table, idx_flat)


def _edge_body(k, x_ref, g_ref, wn_ref, wc_ref, b_ref, o_ref):
    x = x_ref[...]
    zc = _dot(x, wc_ref[...]) + b_ref[...]
    m = None
    for kk in range(k):
        h = _dot(g_ref[kk] - x, wn_ref[...]) + zc
        m = h if m is None else jnp.maximum(m, h)
    o_ref[...] = _lrelu(m)


def _edge_conv(x, g, wn, wc, b, k, br=512):
    r, c = x.shape
    d = wn.shape[1]
    grid = r // br
    body = functools.partial(_edge_body, k)
    return pl.pallas_call(
        body,
        grid=(grid,),
        in_specs=[
            pl.BlockSpec((br, c), lambda i: (i, 0)),
            pl.BlockSpec((k, br, c), lambda i: (0, i, 0)),
            pl.BlockSpec((c, d), lambda i: (0, 0)),
            pl.BlockSpec((c, d), lambda i: (0, 0)),
            pl.BlockSpec((1, d), lambda i: (0, 0)),
        ],
        out_specs=pl.BlockSpec((br, d), lambda i: (i, 0)),
        out_shape=jax.ShapeDtypeStruct((r, d), jnp.float32),
    )(x, g.reshape(k, r, c), wn, wc, b.reshape(1, d))


def _a_body(d1, wm_ref, f1_ref, f2_ref, f3_ref, a_ref):
    wm = wm_ref[0]
    s = jnp.sum(wm, axis=-1, keepdims=True) + 1e-05
    a_ref[0, :, 0:d1] = _dot(wm, f1_ref[...][:, :d1]) / s
    d2 = f2_ref.shape[-1]
    a_ref[0, :, d1:d1 + d2] = _dot(wm, f2_ref[...]) / s
    d3 = f3_ref.shape[-1]
    a_ref[0, :, d1 + d2:d1 + d2 + d3] = _dot(wm, f3_ref[...]) / s


def _a_matmul(wm, f1, d1, f2, f3):
    p, j, n = wm.shape
    dtot = d1 + f2.shape[-1] + f3.shape[-1]
    c1 = f1.shape[-1]
    body = functools.partial(_a_body, d1)
    return pl.pallas_call(
        body,
        grid=(p,),
        in_specs=[
            pl.BlockSpec((1, j, n), lambda i: (i, 0, 0)),
            pl.BlockSpec((n, c1), lambda i: (i, 0)),
            pl.BlockSpec((n, f2.shape[-1]), lambda i: (i, 0)),
            pl.BlockSpec((n, f3.shape[-1]), lambda i: (i, 0)),
        ],
        out_specs=pl.BlockSpec((1, j, dtot), lambda i: (i, 0, 0)),
        out_shape=jax.ShapeDtypeStruct((p, j, dtot), jnp.float32),
    )(wm, f1, f2, f3)


def _mega_body(nres, cat_ref, o192_ref, o96_ref, *refs):
    refs = list(refs)
    out_ref = refs.pop()
    cur = [0]

    def take():
        v = refs[cur[0]]
        cur[0] += 1
        return v

    def conv(x, act=True):
        w, b = take()[...], take()[...]
        v = _dot(x, w) + b
        return _lrelu(v) if act else v

    def triple(x, o_ref):
        outs = []
        for _ in range(3):
            c = x.shape[-1]
            w, b = take()[...], take()[...]
            wn, wc = w[:c], w[c:]
            zc = _dot(x, wc) + b
            m = None
            for kk in range(4):
                nb = _dot(o_ref[kk], x, prec=lax.Precision.HIGHEST)
                h = _dot(nb - x, wn) + zc
                m = h if m is None else jnp.maximum(m, h)
            x = _lrelu(m)
            outs.append(x)
        return jnp.concatenate(outs, axis=-1)

    f192 = triple(cat_ref[...], o192_ref)
    x = jnp.concatenate([f192[:96], f192[96:]], axis=-1)
    x = conv(x)
    x = conv(x)
    x = conv(x, act=False)
    for _ in range(nres):
        f = triple(x, o96_ref)
        f = conv(f)
        f = conv(f)
        f = conv(f, act=False)
        x = x + f
    f = triple(x, o96_ref)
    f = conv(f)
    f = conv(f)
    out_ref[...] = conv(f, act=False)


def _mega(cat, o192, o96, flat_ws, nres):
    body = functools.partial(_mega_body, nres)
    return pl.pallas_call(
        body,
        out_shape=jax.ShapeDtypeStruct((96, 3), jnp.float32),
    )(cat, o192, o96, *flat_ws)


def _triple_ws(p):
    out = []
    for l in ("1", "2", "3"):
        out.append(p["W" + l])
        out.append(p["b" + l].reshape(1, -1))
    return out


def kernel(sV, sFacesOneRingIdx, sW, sJ, rV, rFacesOneRingIdx, rW, rJ, skeleton_idx, params):
    b, n, k = sFacesOneRingIdx.shape
    j = sW.shape[1]
    p = 2 * b
    r = p * n

    geo = params["geo"]
    rb = b * n

    def geo_branch(vb, idxb, wmb):
        x = jnp.pad(vb.reshape(rb, 3), ((0, 0), (0, 125)))
        idxf = idxb.astype(jnp.int32) + (jnp.arange(b, dtype=jnp.int32) * n)[:, None, None]
        idx_kmaj = jnp.transpose(idxf.reshape(rb, k), (1, 0)).reshape(-1)
        feats = []
        d1 = 0
        for l in ("1", "2", "3"):
            w, bias = geo["W" + l], geo["b" + l]
            c = w.shape[0] // 2
            d = w.shape[1]
            wn, wc = w[:c], w[c:]
            cp = max(c, 128)
            dp = max(d, 128)
            wn = jnp.pad(wn, ((0, cp - c), (0, dp - d)))
            wc = jnp.pad(wc, ((0, cp - c), (0, dp - d)))
            bias = jnp.pad(bias, (0, dp - d))
            g = _sc_gather(x, idx_kmaj)
            x = _edge_conv(x, g, wn, wc, bias, k)
            feats.append(x)
            if l == "1":
                d1 = d
        return _a_matmul(wmb, feats[0], d1, feats[1], feats[2])

    a_s = geo_branch(sV, sFacesOneRingIdx, sW)
    a_r = geo_branch(rV, rFacesOneRingIdx, rW)
    a = jnp.concatenate([a_s, a_r], axis=0)
    jf = jnp.concatenate([sJ, rJ], axis=0)
    cat = jnp.concatenate([a, jf], axis=-1).reshape(p * j, -1)

    oh = jax.nn.one_hot(skeleton_idx, j, dtype=jnp.float32)
    oh_p = jnp.concatenate([oh, oh], axis=0)
    eye_p = jnp.eye(p, dtype=jnp.float32)
    eye_b = jnp.eye(b, dtype=jnp.float32)
    o192 = jnp.stack([
        jnp.einsum("pq,pjm->pjqm", eye_p, oh_p[:, :, kk, :]).reshape(p * j, p * j)
        for kk in range(4)
    ])
    o96 = jnp.stack([
        jnp.einsum("pq,pjm->pjqm", eye_b, oh[:, :, kk, :]).reshape(b * j, b * j)
        for kk in range(4)
    ])

    ws = []
    ws.extend(_triple_ws(params["skc"]))
    for nm in ("1", "2", "3"):
        ws.append(params["joint"]["W" + nm])
        ws.append(params["joint"]["b" + nm].reshape(1, -1))
    for blk in params["res"]:
        ws.extend(_triple_ws(blk["sk"]))
        for nm in ("1", "2", "3"):
            ws.append(blk["W" + nm])
            ws.append(blk["b" + nm].reshape(1, -1))
    ws.extend(_triple_ws(params["last"]["sk"]))
    for nm in ("1", "2", "3"):
        ws.append(params["last"]["W" + nm])
        ws.append(params["last"]["b" + nm].reshape(1, -1))

    out = _mega(cat, o192, o96, ws, len(params["res"]))
    return out.reshape(b, j, 3)

# --- scband reference (transcript-rebuilt; emitter-appended) ---
"""Pipeline reference for scband-transformation-net-9474697855042 (READ-ONLY COPY).

The authoritative reference and input builder live on the scoring server;
editing this copy changes nothing except your own understanding.
"""

import jax, jax.numpy as jnp
import numpy as np


def _lrelu(x):
    return jax.nn.leaky_relu(x, 0.2)


def _dgcnn_layer(x, idx, W, b):
    # x: [B, C, N], idx: [B, N, K] -> [B, Cout, N]
    xt = jnp.transpose(x, (0, 2, 1))
    B = xt.shape[0]
    nb = xt[jnp.arange(B)[:, None, None], idx]
    center = xt[:, :, None, :]
    edge = jnp.concatenate([nb - center, jnp.broadcast_to(center, nb.shape)], axis=-1)
    h = _lrelu(edge @ W + b)
    out = jnp.max(h, axis=2)
    return jnp.transpose(out, (0, 2, 1))


def _triple(x, idx, p):
    x1 = _dgcnn_layer(x, idx, p['W1'], p['b1'])
    x2 = _dgcnn_layer(x1, idx, p['W2'], p['b2'])
    x3 = _dgcnn_layer(x2, idx, p['W3'], p['b3'])
    return jnp.concatenate([x1, x2, x3], axis=1)


def _conv1d(x, W, b):
    return jnp.einsum('bcn,cd->bdn', x, W) + b[None, :, None]


def _forward(sV, sIdx, sW, sJ, rV, rIdx, rW, rJ, skIdx, params):
    def branch(V, idx, Wm, Jf):
        Vp = jnp.transpose(V, (0, 2, 1))
        F = _triple(Vp, idx, params['geo'])
        F = jnp.transpose(F, (0, 2, 1))
        A = jnp.matmul(Wm, F)
        A = A / (jnp.sum(Wm, axis=-1)[..., None] + 1e-05)
        cat = jnp.transpose(jnp.concatenate([A, Jf], axis=-1), (0, 2, 1))
        return _triple(cat, skIdx, params['skc'])
    sF = branch(sV, sIdx, sW, sJ)
    rF = branch(rV, rIdx, rW, rJ)
    jp = params['joint']
    x = jnp.concatenate([sF, rF], axis=1)
    x = _lrelu(_conv1d(x, jp['W1'], jp['b1']))
    x = _lrelu(_conv1d(x, jp['W2'], jp['b2']))
    x = _conv1d(x, jp['W3'], jp['b3'])
    for blk in params['res']:
        f = _triple(x, skIdx, blk['sk'])
        f = _lrelu(_conv1d(f, blk['W1'], blk['b1']))
        f = _lrelu(_conv1d(f, blk['W2'], blk['b2']))
        f = _conv1d(f, blk['W3'], blk['b3'])
        x = x + f
    lp = params['last']
    f = _triple(x, skIdx, lp['sk'])
    f = _lrelu(_conv1d(f, lp['W1'], lp['b1']))
    f = _lrelu(_conv1d(f, lp['W2'], lp['b2']))
    f = _conv1d(f, lp['W3'], lp['b3'])
    return jnp.transpose(f, (0, 2, 1))


def setup_inputs(seed: int = 0):
    key = jax.random.key(seed)
    c = [0]
    def nk():
        c[0] += 1
        return jax.random.fold_in(key, c[0])
    B, N, K, J = 4, 2048, 16, 24
    sV = jax.random.normal(nk(), (B, N, 3), dtype=jnp.float32)
    rV = jax.random.normal(nk(), (B, N, 3), dtype=jnp.float32)
    sIdx = jax.random.randint(nk(), (B, N, K), 0, N)
    rIdx = jax.random.randint(nk(), (B, N, K), 0, N)
    sW = jax.random.uniform(nk(), (B, J, N), dtype=jnp.float32)
    rW = jax.random.uniform(nk(), (B, J, N), dtype=jnp.float32)
    sJ = jax.random.normal(nk(), (B, J, 9), dtype=jnp.float32)
    rJ = jax.random.normal(nk(), (B, J, 9), dtype=jnp.float32)
    skIdx = jax.random.randint(nk(), (B, J, 4), 0, J)
    def lin(cin, cout):
        W = jax.random.normal(nk(), (cin, cout), dtype=jnp.float32) * 0.05
        return W, jnp.zeros((cout,), jnp.float32)
    def triple_p(cin, l1, l2, l3):
        W1, b1 = lin(2 * cin, l1)
        W2, b2 = lin(2 * l1, l2)
        W3, b3 = lin(2 * l2, l3)
        return {'W1': W1, 'b1': b1, 'W2': W2, 'b2': b2, 'W3': W3, 'b3': b3}
    geo = triple_p(3, 64, 128, 256)
    skc = triple_p(457, 256, 128, 64)
    jW1, jb1 = lin(896, 1024)
    jW2, jb2 = lin(1024, 512)
    jW3, jb3 = lin(512, 512)
    joint = {'W1': jW1, 'b1': jb1, 'W2': jW2, 'b2': jb2, 'W3': jW3, 'b3': jb3}
    res = []
    for _ in range(4):
        sk = triple_p(512, 256, 128, 64)
        W1, b1 = lin(448, 1024)
        W2, b2 = lin(1024, 512)
        W3, b3 = lin(512, 512)
        res.append({'sk': sk, 'W1': W1, 'b1': b1, 'W2': W2, 'b2': b2, 'W3': W3, 'b3': b3})
    sk = triple_p(512, 256, 128, 64)
    W1, b1 = lin(448, 512)
    W2, b2 = lin(512, 256)
    W3, b3 = lin(256, 3)
    last = {'sk': sk, 'W1': W1, 'b1': b1, 'W2': W2, 'b2': b2, 'W3': W3, 'b3': b3}
    params = {'geo': geo, 'skc': skc, 'joint': joint, 'res': res, 'last': last}
    return {'sV': sV, 'sFacesOneRingIdx': sIdx, 'sW': sW, 'sJ': sJ, 'rV': rV, 'rFacesOneRingIdx': rIdx, 'rW': rW, 'rJ': rJ, 'skeleton_idx': skIdx, 'params': params}


def reference(sV, sFacesOneRingIdx, sW, sJ, rV, rFacesOneRingIdx, rW, rJ, skeleton_idx, params):
    return _forward(sV, sFacesOneRingIdx, sW, sJ, rV, rFacesOneRingIdx, rW, rJ, skeleton_idx, params)

if __name__ == "__main__":
    import jax
    _d = setup_inputs()
    print(jax.jit(kernel)(*tuple(_d.values())))

</pallas_src>

<mosaic_0001>
#map = affine_map<(d0, d1) -> (0, 0)>
#map1 = affine_map<(d0, d1) -> (0)>
module attributes {stable_mosaic.version = 14 : i64} {
  func.func @gk(%arg0: i32, %arg1: i32, %arg2: memref<8192x128xf32, #tpu.memory_space<hbm>>, %arg3: memref<131072xi32, #tpu.memory_space<hbm>>, %arg4: memref<131072x128xf32, #tpu.memory_space<hbm>>, %arg5: memref<4096xi32, #tpu.memory_space<vmem>>, %arg6: memref<128x128xf32, #tpu.memory_space<vmem>>, %arg7: memref<128x128xf32, #tpu.memory_space<vmem>>, %arg8: memref<!tpu.dma_semaphore, #tpu.memory_space<semaphore_mem>>, %arg9: memref<!tpu.dma_semaphore, #tpu.memory_space<semaphore_mem>>, %arg10: memref<!tpu.dma_semaphore, #tpu.memory_space<semaphore_mem>>, %arg11: memref<!tpu.dma_semaphore, #tpu.memory_space<semaphore_mem>>) attributes {dimension_semantics = [#tpu.dimension_semantics<core_parallel>, #tpu.dimension_semantics<subcore_parallel>], iteration_bounds = array<i64: 2, 16>, scalar_prefetch = 0 : i64, scratch_operands = 7 : i64, tpu.core_type = #tpu.core_type<sc_vector_subcore>, window_params = [{transform_indices = #map}, {transform_indices = #map1}, {transform_indices = #map}]} {
    %mul3A = arith.constant 2 : i32
    %mul3A_0 = arith.muli %arg1, %mul3A : i32
    %add3A = arith.addi %mul3A_0, %arg0 : i32
    %mul3A_1 = arith.constant 4096 : i32
    %mul3A_2 = arith.muli %add3A, %mul3A_1 : i32
    "tpu.region"() ({
      %run_scoped3A = tpu.sem_alloc : memref<!tpu.dma_semaphore, #tpu.memory_space<semaphore_mem>>
      %dma_start3A_50 = tpu.memref_slice %arg3[%mul3A_2] : memref<131072xi32, #tpu.memory_space<hbm>> -> memref<4096xi32, #tpu.memory_space<hbm>>
      %dma_start3A_51 = tpu.memref_slice %arg3[%mul3A_2] : memref<131072xi32, #tpu.memory_space<hbm>> -> memref<4096xi32, #tpu.memory_space<hbm>>
      tpu.enqueue_dma source(%dma_start3A_51 : memref<4096xi32, #tpu.memory_space<hbm>>) target(%arg5 : memref<4096xi32, #tpu.memory_space<vmem>>) target_semaphore(%run_scoped3A : memref<!tpu.dma_semaphore, #tpu.memory_space<semaphore_mem>>)
      %dma_wait3A_52 = tpu.memref_slice %arg3[%mul3A_2] : memref<131072xi32, #tpu.memory_space<hbm>> -> memref<4096xi32, #tpu.memory_space<hbm>>
      %dma_wait3A_53 = tpu.memref_slice %arg3[%mul3A_2] : memref<131072xi32, #tpu.memory_space<hbm>> -> memref<4096xi32, #tpu.memory_space<hbm>>
      tpu.wait_dma2 semaphore(%run_scoped3A : memref<!tpu.dma_semaphore, #tpu.memory_space<semaphore_mem>>) src(%dma_wait3A_53 : memref<4096xi32, #tpu.memory_space<hbm>>) dst(%arg5 : memref<4096xi32, #tpu.memory_space<vmem>>)
      tpu.yield
    }) : () -> ()
    %dma_start3A = arith.constant 0 : i32
    %dma_start3A_3 = tpu.memref_slice %arg5[%dma_start3A] : memref<4096xi32, #tpu.memory_space<vmem>> -> memref<128xi32, #tpu.memory_space<vmem>>
    %dma_start3A_4 = arith.constant 0 : i32
    %dma_start3A_5 = arith.constant 0 : i32
    %dma_start3A_6 = tpu.memref_slice %arg2[%dma_start3A_4, %dma_start3A_5] : memref<8192x128xf32, #tpu.memory_space<hbm>> -> memref<8192x128xf32, #tpu.memory_space<hbm>>
    tpu.enqueue_indirect_dma source(%dma_start3A_6 : memref<8192x128xf32, #tpu.memory_space<hbm>>) target(%arg6 : memref<128x128xf32, #tpu.memory_space<vmem>>) offsets(%dma_start3A_3 : memref<128xi32, #tpu.memory_space<vmem>>) semaphore(%arg8 : memref<!tpu.dma_semaphore, #tpu.memory_space<semaphore_mem>>)
    %dma_start3A_7 = arith.constant 128 : i32
    %dma_start3A_8 = tpu.memref_slice %arg5[%dma_start3A_7] : memref<4096xi32, #tpu.memory_space<vmem>> -> memref<128xi32, #tpu.memory_space<vmem>>
    %dma_start3A_9 = arith.constant 0 : i32
    %dma_start3A_10 = arith.constant 0 : i32
    %dma_start3A_11 = tpu.memref_slice %arg2[%dma_start3A_9, %dma_start3A_10] : memref<8192x128xf32, #tpu.memory_space<hbm>> -> memref<8192x128xf32, #tpu.memory_space<hbm>>
    tpu.enqueue_indirect_dma source(%dma_start3A_11 : memref<8192x128xf32, #tpu.memory_space<hbm>>) target(%arg7 : memref<128x128xf32, #tpu.memory_space<vmem>>) offsets(%dma_start3A_8 : memref<128xi32, #tpu.memory_space<vmem>>) semaphore(%arg9 : memref<!tpu.dma_semaphore, #tpu.memory_space<semaphore_mem>>)
    %scan3A = arith.constant 0 : i32
    %scan3A_12 = arith.constant 1 : i32
    %scan3A_13 = arith.constant 15 : i32
    %scan3A_14 = arith.addi %scan3A_12, %scan3A_13 : i32
    %scan3A_15 = arith.constant 1 : i32
    scf.for %scan3A_50 = %scan3A_12 to %scan3A_14 step %scan3A_15  : i32 {
      %mul3A_51 = arith.constant 2 : i32
      %mul3A_52 = arith.muli %mul3A_51, %scan3A_50 : i32
      %sub3A = arith.constant 2 : i32
      %sub3A_53 = arith.subi %mul3A_52, %sub3A : i32
      %mul3A_54 = arith.constant 128 : i32
      %mul3A_55 = arith.muli %sub3A_53, %mul3A_54 : i32
      %dma_wait3A_56 = tpu.memref_slice %arg5[%mul3A_55] : memref<4096xi32, #tpu.memory_space<vmem>> -> memref<128xi32, #tpu.memory_space<vmem>>
      %dma_wait3A_57 = arith.constant 0 : i32
      %dma_wait3A_58 = arith.constant 0 : i32
      %dma_wait3A_59 = tpu.memref_slice %arg2[%dma_wait3A_57, %dma_wait3A_58] : memref<8192x128xf32, #tpu.memory_space<hbm>> -> memref<8192x128xf32, #tpu.memory_space<hbm>>
      tpu.wait_indirect_dma semaphore(%arg8 : memref<!tpu.dma_semaphore, #tpu.memory_space<semaphore_mem>>) src(%dma_wait3A_59 : memref<8192x128xf32, #tpu.memory_space<hbm>>) dst(%arg6 : memref<128x128xf32, #tpu.memory_space<vmem>>)
      %mul3A_60 = arith.constant 128 : i32
      %mul3A_61 = arith.muli %sub3A_53, %mul3A_60 : i32
      %add3A_62 = arith.addi %mul3A_2, %mul3A_61 : i32
      %dma_start3A_63 = arith.constant 0 : i32
      %dma_start3A_64 = tpu.memref_slice %arg4[%add3A_62, %dma_start3A_63] : memref<131072x128xf32, #tpu.memory_space<hbm>> -> memref<128x128xf32, #tpu.memory_space<hbm>>
      %dma_start3A_65 = arith.constant 0 : i32
      %dma_start3A_66 = tpu.memref_slice %arg4[%add3A_62, %dma_start3A_65] : memref<131072x128xf32, #tpu.memory_space<hbm>> -> memref<128x128xf32, #tpu.memory_space<hbm>>
      tpu.enqueue_dma source(%arg6 : memref<128x128xf32, #tpu.memory_space<vmem>>) target(%dma_start3A_66 : memref<128x128xf32, #tpu.memory_space<hbm>>) target_semaphore(%arg10 : memref<!tpu.dma_semaphore, #tpu.memory_space<semaphore_mem>>)
      %mul3A_67 = arith.constant 128 : i32
      %mul3A_68 = arith.muli %sub3A_53, %mul3A_67 : i32
      %add3A_69 = arith.addi %mul3A_2, %mul3A_68 : i32
      %dma_wait3A_70 = arith.constant 0 : i32
      %dma_wait3A_71 = tpu.memref_slice %arg4[%add3A_69, %dma_wait3A_70] : memref<131072x128xf32, #tpu.memory_space<hbm>> -> memref<128x128xf32, #tpu.memory_space<hbm>>
      %dma_wait3A_72 = arith.constant 0 : i32
      %dma_wait3A_73 = tpu.memref_slice %arg4[%add3A_69, %dma_wait3A_72] : memref<131072x128xf32, #tpu.memory_space<hbm>> -> memref<128x128xf32, #tpu.memory_space<hbm>>
      tpu.wait_dma2 semaphore(%arg10 : memref<!tpu.dma_semaphore, #tpu.memory_space<semaphore_mem>>) src(%arg6 : memref<128x128xf32, #tpu.memory_space<vmem>>) dst(%dma_wait3A_73 : memref<128x128xf32, #tpu.memory_space<hbm>>)
      %mul3A_74 = arith.constant 2 : i32
      %mul3A_75 = arith.muli %mul3A_74, %scan3A_50 : i32
      %mul3A_76 = arith.constant 128 : i32
      %mul3A_77 = arith.muli %mul3A_75, %mul3A_76 : i32
      %dma_start3A_78 = tpu.memref_slice %arg5[%mul3A_77] : memref<4096xi32, #tpu.memory_space<vmem>> -> memref<128xi32, #tpu.memory_space<vmem>>
      %dma_start3A_79 = arith.constant 0 : i32
      %dma_start3A_80 = arith.constant 0 : i32
      %dma_start3A_81 = tpu.memref_slice %arg2[%dma_start3A_79, %dma_start3A_80] : memref<8192x128xf32, #tpu.memory_space<hbm>> -> memref<8192x128xf32, #tpu.memory_space<hbm>>
      tpu.enqueue_indirect_dma source(%dma_start3A_81 : memref<8192x128xf32, #tpu.memory_space<hbm>>) target(%arg6 : memref<128x128xf32, #tpu.memory_space<vmem>>) offsets(%dma_start3A_78 : memref<128xi32, #tpu.memory_space<vmem>>) semaphore(%arg8 : memref<!tpu.dma_semaphore, #tpu.memory_space<semaphore_mem>>)
      %add3A_82 = arith.constant 1 : i32
      %add3A_83 = arith.addi %sub3A_53, %add3A_82 : i32
      %mul3A_84 = arith.constant 128 : i32
      %mul3A_85 = arith.muli %add3A_83, %mul3A_84 : i32
      %dma_wait3A_86 = tpu.memref_slice %arg5[%mul3A_85] : memref<4096xi32, #tpu.memory_space<vmem>> -> memref<128xi32, #tpu.memory_space<vmem>>
      %dma_wait3A_87 = arith.constant 0 : i32
      %dma_wait3A_88 = arith.constant 0 : i32
      %dma_wait3A_89 = tpu.memref_slice %arg2[%dma_wait3A_87, %dma_wait3A_88] : memref<8192x128xf32, #tpu.memory_space<hbm>> -> memref<8192x128xf32, #tpu.memory_space<hbm>>
      tpu.wait_indirect_dma semaphore(%arg9 : memref<!tpu.dma_semaphore, #tpu.memory_space<semaphore_mem>>) src(%dma_wait3A_89 : memref<8192x128xf32, #tpu.memory_space<hbm>>) dst(%arg7 : memref<128x128xf32, #tpu.memory_space<vmem>>)
      %add3A_90 = arith.constant 1 : i32
      %add3A_91 = arith.addi %sub3A_53, %add3A_90 : i32
      %mul3A_92 = arith.constant 128 : i32
      %mul3A_93 = arith.muli %add3A_91, %mul3A_92 : i32
      %add3A_94 = arith.addi %mul3A_2, %mul3A_93 : i32
      %dma_start3A_95 = arith.constant 0 : i32
      %dma_start3A_96 = tpu.memref_slice %arg4[%add3A_94, %dma_start3A_95] : memref<131072x128xf32, #tpu.memory_space<hbm>> -> memref<128x128xf32, #tpu.memory_space<hbm>>
      %dma_start3A_97 = arith.constant 0 : i32
      %dma_start3A_98 = tpu.memref_slice %arg4[%add3A_94, %dma_start3A_97] : memref<131072x128xf32, #tpu.memory_space<hbm>> -> memref<128x128xf32, #tpu.memory_space<hbm>>
      tpu.enqueue_dma source(%arg7 : memref<128x128xf32, #tpu.memory_space<vmem>>) target(%dma_start3A_98 : memref<128x128xf32, #tpu.memory_space<hbm>>) target_semaphore(%arg11 : memref<!tpu.dma_semaphore, #tpu.memory_space<semaphore_mem>>)
      %add3A_99 = arith.constant 1 : i32
      %add3A_100 = arith.addi %sub3A_53, %add3A_99 : i32
      %mul3A_101 = arith.constant 128 : i32
      %mul3A_102 = arith.muli %add3A_100, %mul3A_101 : i32
      %add3A_103 = arith.addi %mul3A_2, %mul3A_102 : i32
      %dma_wait3A_104 = arith.constant 0 : i32
      %dma_wait3A_105 = tpu.memref_slice %arg4[%add3A_103, %dma_wait3A_104] : memref<131072x128xf32, #tpu.memory_space<hbm>> -> memref<128x128xf32, #tpu.memory_space<hbm>>
      %dma_wait3A_106 = arith.constant 0 : i32
      %dma_wait3A_107 = tpu.memref_slice %arg4[%add3A_103, %dma_wait3A_106] : memref<131072x128xf32, #tpu.memory_space<hbm>> -> memref<128x128xf32, #tpu.memory_space<hbm>>
      tpu.wait_dma2 semaphore(%arg11 : memref<!tpu.dma_semaphore, #tpu.memory_space<semaphore_mem>>) src(%arg7 : memref<128x128xf32, #tpu.memory_space<vmem>>) dst(%dma_wait3A_107 : memref<128x128xf32, #tpu.memory_space<hbm>>)
      %mul3A_108 = arith.constant 2 : i32
      %mul3A_109 = arith.muli %mul3A_108, %scan3A_50 : i32
      %add3A_110 = arith.constant 1 : i32
      %add3A_111 = arith.addi %mul3A_109, %add3A_110 : i32
      %mul3A_112 = arith.constant 128 : i32
      %mul3A_113 = arith.muli %add3A_111, %mul3A_112 : i32
      %dma_start3A_114 = tpu.memref_slice %arg5[%mul3A_113] : memref<4096xi32, #tpu.memory_space<vmem>> -> memref<128xi32, #tpu.memory_space<vmem>>
      %dma_start3A_115 = arith.constant 0 : i32
      %dma_start3A_116 = arith.constant 0 : i32
      %dma_start3A_117 = tpu.memref_slice %arg2[%dma_start3A_115, %dma_start3A_116] : memref<8192x128xf32, #tpu.memory_space<hbm>> -> memref<8192x128xf32, #tpu.memory_space<hbm>>
      tpu.enqueue_indirect_dma source(%dma_start3A_117 : memref<8192x128xf32, #tpu.memory_space<hbm>>) target(%arg7 : memref<128x128xf32, #tpu.memory_space<vmem>>) offsets(%dma_start3A_114 : memref<128xi32, #tpu.memory_space<vmem>>) semaphore(%arg9 : memref<!tpu.dma_semaphore, #tpu.memory_space<semaphore_mem>>)
    }
    %scan3A_16 = arith.constant 15 : i32
    %dma_wait3A = arith.constant 3840 : i32
    %dma_wait3A_17 = tpu.memref_slice %arg5[%dma_wait3A] : memref<4096xi32, #tpu.memory_space<vmem>> -> memref<128xi32, #tpu.memory_space<vmem>>
    %dma_wait3A_18 = arith.constant 0 : i32
    %dma_wait3A_19 = arith.constant 0 : i32
    %dma_wait3A_20 = tpu.memref_slice %arg2[%dma_wait3A_18, %dma_wait3A_19] : memref<8192x128xf32, #tpu.memory_space<hbm>> -> memref<8192x128xf32, #tpu.memory_space<hbm>>
    tpu.wait_indirect_dma semaphore(%arg8 : memref<!tpu.dma_semaphore, #tpu.memory_space<semaphore_mem>>) src(%dma_wait3A_20 : memref<8192x128xf32, #tpu.memory_space<hbm>>) dst(%arg6 : memref<128x128xf32, #tpu.memory_space<vmem>>)
    %add3A_21 = arith.constant 3840 : i32
    %add3A_22 = arith.addi %mul3A_2, %add3A_21 : i32
    %dma_start3A_23 = arith.constant 0 : i32
    %dma_start3A_24 = tpu.memref_slice %arg4[%add3A_22, %dma_start3A_23] : memref<131072x128xf32, #tpu.memory_space<hbm>> -> memref<128x128xf32, #tpu.memory_space<hbm>>
    %dma_start3A_25 = arith.constant 0 : i32
    %dma_start3A_26 = tpu.memref_slice %arg4[%add3A_22, %dma_start3A_25] : memref<131072x128xf32, #tpu.memory_space<hbm>> -> memref<128x128xf32, #tpu.memory_space<hbm>>
    tpu.enqueue_dma source(%arg6 : memref<128x128xf32, #tpu.memory_space<vmem>>) target(%dma_start3A_26 : memref<128x128xf32, #tpu.memory_space<hbm>>) target_semaphore(%arg10 : memref<!tpu.dma_semaphore, #tpu.memory_space<semaphore_mem>>)
    %dma_wait3A_27 = arith.constant 3968 : i32
    %dma_wait3A_28 = tpu.memref_slice %arg5[%dma_wait3A_27] : memref<4096xi32, #tpu.memory_space<vmem>> -> memref<128xi32, #tpu.memory_space<vmem>>
    %dma_wait3A_29 = arith.constant 0 : i32
    %dma_wait3A_30 = arith.constant 0 : i32
    %dma_wait3A_31 = tpu.memref_slice %arg2[%dma_wait3A_29, %dma_wait3A_30] : memref<8192x128xf32, #tpu.memory_space<hbm>> -> memref<8192x128xf32, #tpu.memory_space<hbm>>
    tpu.wait_indirect_dma semaphore(%arg9 : memref<!tpu.dma_semaphore, #tpu.memory_space<semaphore_mem>>) src(%dma_wait3A_31 : memref<8192x128xf32, #tpu.memory_space<hbm>>) dst(%arg7 : memref<128x128xf32, #tpu.memory_space<vmem>>)
    %add3A_32 = arith.constant 3968 : i32
    %add3A_33 = arith.addi %mul3A_2, %add3A_32 : i32
    %dma_start3A_34 = arith.constant 0 : i32
    %dma_start3A_35 = tpu.memref_slice %arg4[%add3A_33, %dma_start3A_34] : memref<131072x128xf32, #tpu.memory_space<hbm>> -> memref<128x128xf32, #tpu.memory_space<hbm>>
    %dma_start3A_36 = arith.constant 0 : i32
    %dma_start3A_37 = tpu.memref_slice %arg4[%add3A_33, %dma_start3A_36] : memref<131072x128xf32, #tpu.memory_space<hbm>> -> memref<128x128xf32, #tpu.memory_space<hbm>>
    tpu.enqueue_dma source(%arg7 : memref<128x128xf32, #tpu.memory_space<vmem>>) target(%dma_start3A_37 : memref<128x128xf32, #tpu.memory_space<hbm>>) target_semaphore(%arg11 : memref<!tpu.dma_semaphore, #tpu.memory_space<semaphore_mem>>)
    %add3A_38 = arith.constant 3840 : i32
    %add3A_39 = arith.addi %mul3A_2, %add3A_38 : i32
    %dma_wait3A_40 = arith.constant 0 : i32
    %dma_wait3A_41 = tpu.memref_slice %arg4[%add3A_39, %dma_wait3A_40] : memref<131072x128xf32, #tpu.memory_space<hbm>> -> memref<128x128xf32, #tpu.memory_space<hbm>>
    %dma_wait3A_42 = arith.constant 0 : i32
    %dma_wait3A_43 = tpu.memref_slice %arg4[%add3A_39, %dma_wait3A_42] : memref<131072x128xf32, #tpu.memory_space<hbm>> -> memref<128x128xf32, #tpu.memory_space<hbm>>
    tpu.wait_dma2 semaphore(%arg10 : memref<!tpu.dma_semaphore, #tpu.memory_space<semaphore_mem>>) src(%arg6 : memref<128x128xf32, #tpu.memory_space<vmem>>) dst(%dma_wait3A_43 : memref<128x128xf32, #tpu.memory_space<hbm>>)
    %add3A_44 = arith.constant 3968 : i32
    %add3A_45 = arith.addi %mul3A_2, %add3A_44 : i32
    %dma_wait3A_46 = arith.constant 0 : i32
    %dma_wait3A_47 = tpu.memref_slice %arg4[%add3A_45, %dma_wait3A_46] : memref<131072x128xf32, #tpu.memory_space<hbm>> -> memref<128x128xf32, #tpu.memory_space<hbm>>
    %dma_wait3A_48 = arith.constant 0 : i32
    %dma_wait3A_49 = tpu.memref_slice %arg4[%add3A_45, %dma_wait3A_48] : memref<131072x128xf32, #tpu.memory_space<hbm>> -> memref<128x128xf32, #tpu.memory_space<hbm>>
    tpu.wait_dma2 semaphore(%arg11 : memref<!tpu.dma_semaphore, #tpu.memory_space<semaphore_mem>>) src(%arg7 : memref<128x128xf32, #tpu.memory_space<vmem>>) dst(%dma_wait3A_49 : memref<128x128xf32, #tpu.memory_space<hbm>>)
    return
  }
}

#map = affine_map<(d0, d1) -> (0, 0)>
#map1 = affine_map<(d0, d1) -> (0)>
module attributes {stable_mosaic.version = 14 : i64} {
  func.func @gk(%arg0: i32, %arg1: i32, %arg2: memref<8192x128xf32, #tpu.memory_space<hbm>>, %arg3: memref<131072xi32, #tpu.memory_space<hbm>>, %arg4: memref<131072x128xf32, #tpu.memory_space<hbm>>, %arg5: memref<4096xi32, #tpu.memory_space<vmem>>, %arg6: memref<128x128xf32, #tpu.memory_space<vmem>>, %arg7: memref<128x128xf32, #tpu.memory_space<vmem>>, %arg8: memref<!tpu.dma_semaphore, #tpu.memory_space<semaphore_mem>>, %arg9: memref<!tpu.dma_semaphore, #tpu.memory_space<semaphore_mem>>, %arg10: memref<!tpu.dma_semaphore, #tpu.memory_space<semaphore_mem>>, %arg11: memref<!tpu.dma_semaphore, #tpu.memory_space<semaphore_mem>>) attributes {dimension_semantics = [#tpu.dimension_semantics<core_parallel>, #tpu.dimension_semantics<subcore_parallel>], iteration_bounds = array<i64: 2, 16>, scalar_prefetch = 0 : i64, scratch_operands = 7 : i64, tpu.core_type = #tpu.core_type<sc_vector_subcore>, window_params = [{transform_indices = #map}, {transform_indices = #map1}, {transform_indices = #map}]} {
    %mul3A = arith.constant 2 : i32
    %mul3A_0 = arith.muli %arg1, %mul3A : i32
    %add3A = arith.addi %mul3A_0, %arg0 : i32
    %mul3A_1 = arith.constant 4096 : i32
    %mul3A_2 = arith.muli %add3A, %mul3A_1 : i32
    "tpu.region"() ({
      %run_scoped3A = tpu.sem_alloc : memref<!tpu.dma_semaphore, #tpu.memory_space<semaphore_mem>>
      %dma_start3A_50 = tpu.memref_slice %arg3[%mul3A_2] : memref<131072xi32, #tpu.memory_space<hbm>> -> memref<4096xi32, #tpu.memory_space<hbm>>
      %dma_start3A_51 = tpu.memref_slice %arg3[%mul3A_2] : memref<131072xi32, #tpu.memory_space<hbm>> -> memref<4096xi32, #tpu.memory_space<hbm>>
      tpu.enqueue_dma source(%dma_start3A_51 : memref<4096xi32, #tpu.memory_space<hbm>>) target(%arg5 : memref<4096xi32, #tpu.memory_space<vmem>>) target_semaphore(%run_scoped3A : memref<!tpu.dma_semaphore, #tpu.memory_space<semaphore_mem>>)
      %dma_wait3A_52 = tpu.memref_slice %arg3[%mul3A_2] : memref<131072xi32, #tpu.memory_space<hbm>> -> memref<4096xi32, #tpu.memory_space<hbm>>
      %dma_wait3A_53 = tpu.memref_slice %arg3[%mul3A_2] : memref<131072xi32, #tpu.memory_space<hbm>> -> memref<4096xi32, #tpu.memory_space<hbm>>
      tpu.wait_dma2 semaphore(%run_scoped3A : memref<!tpu.dma_semaphore, #tpu.memory_space<semaphore_mem>>) src(%dma_wait3A_53 : memref<4096xi32, #tpu.memory_space<hbm>>) dst(%arg5 : memref<4096xi32, #tpu.memory_space<vmem>>)
      tpu.yield
    }) : () -> ()
    %dma_start3A = arith.constant 0 : i32
    %dma_start3A_3 = tpu.memref_slice %arg5[%dma_start3A] : memref<4096xi32, #tpu.memory_space<vmem>> -> memref<128xi32, #tpu.memory_space<vmem>>
    %dma_start3A_4 = arith.constant 0 : i32
    %dma_start3A_5 = arith.constant 0 : i32
    %dma_start3A_6 = tpu.memref_slice %arg2[%dma_start3A_4, %dma_start3A_5] : memref<8192x128xf32, #tpu.memory_space<hbm>> -> memref<8192x128xf32, #tpu.memory_space<hbm>>
    tpu.enqueue_indirect_dma source(%dma_start3A_6 : memref<8192x128xf32, #tpu.memory_space<hbm>>) target(%arg6 : memref<128x128xf32, #tpu.memory_space<vmem>>) offsets(%dma_start3A_3 : memref<128xi32, #tpu.memory_space<vmem>>) semaphore(%arg8 : memref<!tpu.dma_semaphore, #tpu.memory_space<semaphore_mem>>)
    %dma_start3A_7 = arith.constant 128 : i32
    %dma_start3A_8 = tpu.memref_slice %arg5[%dma_start3A_7] : memref<4096xi32, #tpu.memory_space<vmem>> -> memref<128xi32, #tpu.memory_space<vmem>>
    %dma_start3A_9 = arith.constant 0 : i32
    %dma_start3A_10 = arith.constant 0 : i32
    %dma_start3A_11 = tpu.memref_slice %arg2[%dma_start3A_9, %dma_start3A_10] : memref<8192x128xf32, #tpu.memory_space<hbm>> -> memref<8192x128xf32, #tpu.memory_space<hbm>>
    tpu.enqueue_indirect_dma source(%dma_start3A_11 : memref<8192x128xf32, #tpu.memory_space<hbm>>) target(%arg7 : memref<128x128xf32, #tpu.memory_space<vmem>>) offsets(%dma_start3A_8 : memref<128xi32, #tpu.memory_space<vmem>>) semaphore(%arg9 : memref<!tpu.dma_semaphore, #tpu.memory_space<semaphore_mem>>)
    %scan3A = arith.constant 0 : i32
    %scan3A_12 = arith.constant 1 : i32
    %scan3A_13 = arith.constant 15 : i32
    %scan3A_14 = arith.addi %scan3A_12, %scan3A_13 : i32
    %scan3A_15 = arith.constant 1 : i32
    scf.for %scan3A_50 = %scan3A_12 to %scan3A_14 step %scan3A_15  : i32 {
      %mul3A_51 = arith.constant 2 : i32
      %mul3A_52 = arith.muli %mul3A_51, %scan3A_50 : i32
      %sub3A = arith.constant 2 : i32
      %sub3A_53 = arith.subi %mul3A_52, %sub3A : i32
      %mul3A_54 = arith.constant 128 : i32
      %mul3A_55 = arith.muli %sub3A_53, %mul3A_54 : i32
      %dma_wait3A_56 = tpu.memref_slice %arg5[%mul3A_55] : memref<4096xi32, #tpu.memory_space<vmem>> -> memref<128xi32, #tpu.memory_space<vmem>>
      %dma_wait3A_57 = arith.constant 0 : i32
      %dma_wait3A_58 = arith.constant 0 : i32
      %dma_wait3A_59 = tpu.memref_slice %arg2[%dma_wait3A_57, %dma_wait3A_58] : memref<8192x128xf32, #tpu.memory_space<hbm>> -> memref<8192x128xf32, #tpu.memory_space<hbm>>
      tpu.wait_indirect_dma semaphore(%arg8 : memref<!tpu.dma_semaphore, #tpu.memory_space<semaphore_mem>>) src(%dma_wait3A_59 : memref<8192x128xf32, #tpu.memory_space<hbm>>) dst(%arg6 : memref<128x128xf32, #tpu.memory_space<vmem>>)
      %mul3A_60 = arith.constant 128 : i32
      %mul3A_61 = arith.muli %sub3A_53, %mul3A_60 : i32
      %add3A_62 = arith.addi %mul3A_2, %mul3A_61 : i32
      %dma_start3A_63 = arith.constant 0 : i32
      %dma_start3A_64 = tpu.memref_slice %arg4[%add3A_62, %dma_start3A_63] : memref<131072x128xf32, #tpu.memory_space<hbm>> -> memref<128x128xf32, #tpu.memory_space<hbm>>
      %dma_start3A_65 = arith.constant 0 : i32
      %dma_start3A_66 = tpu.memref_slice %arg4[%add3A_62, %dma_start3A_65] : memref<131072x128xf32, #tpu.memory_space<hbm>> -> memref<128x128xf32, #tpu.memory_space<hbm>>
      tpu.enqueue_dma source(%arg6 : memref<128x128xf32, #tpu.memory_space<vmem>>) target(%dma_start3A_66 : memref<128x128xf32, #tpu.memory_space<hbm>>) target_semaphore(%arg10 : memref<!tpu.dma_semaphore, #tpu.memory_space<semaphore_mem>>)
      %mul3A_67 = arith.constant 128 : i32
      %mul3A_68 = arith.muli %sub3A_53, %mul3A_67 : i32
      %add3A_69 = arith.addi %mul3A_2, %mul3A_68 : i32
      %dma_wait3A_70 = arith.constant 0 : i32
      %dma_wait3A_71 = tpu.memref_slice %arg4[%add3A_69, %dma_wait3A_70] : memref<131072x128xf32, #tpu.memory_space<hbm>> -> memref<128x128xf32, #tpu.memory_space<hbm>>
      %dma_wait3A_72 = arith.constant 0 : i32
      %dma_wait3A_73 = tpu.memref_slice %arg4[%add3A_69, %dma_wait3A_72] : memref<131072x128xf32, #tpu.memory_space<hbm>> -> memref<128x128xf32, #tpu.memory_space<hbm>>
      tpu.wait_dma2 semaphore(%arg10 : memref<!tpu.dma_semaphore, #tpu.memory_space<semaphore_mem>>) src(%arg6 : memref<128x128xf32, #tpu.memory_space<vmem>>) dst(%dma_wait3A_73 : memref<128x128xf32, #tpu.memory_space<hbm>>)
      %mul3A_74 = arith.constant 2 : i32
      %mul3A_75 = arith.muli %mul3A_74, %scan3A_50 : i32
      %mul3A_76 = arith.constant 128 : i32
      %mul3A_77 = arith.muli %mul3A_75, %mul3A_76 : i32
      %dma_start3A_78 = tpu.memref_slice %arg5[%mul3A_77] : memref<4096xi32, #tpu.memory_space<vmem>> -> memref<128xi32, #tpu.memory_space<vmem>>
      %dma_start3A_79 = arith.constant 0 : i32
      %dma_start3A_80 = arith.constant 0 : i32
      %dma_start3A_81 = tpu.memref_slice %arg2[%dma_start3A_79, %dma_start3A_80] : memref<8192x128xf32, #tpu.memory_space<hbm>> -> memref<8192x128xf32, #tpu.memory_space<hbm>>
      tpu.enqueue_indirect_dma source(%dma_start3A_81 : memref<8192x128xf32, #tpu.memory_space<hbm>>) target(%arg6 : memref<128x128xf32, #tpu.memory_space<vmem>>) offsets(%dma_start3A_78 : memref<128xi32, #tpu.memory_space<vmem>>) semaphore(%arg8 : memref<!tpu.dma_semaphore, #tpu.memory_space<semaphore_mem>>)
      %add3A_82 = arith.constant 1 : i32
      %add3A_83 = arith.addi %sub3A_53, %add3A_82 : i32
      %mul3A_84 = arith.constant 128 : i32
      %mul3A_85 = arith.muli %add3A_83, %mul3A_84 : i32
      %dma_wait3A_86 = tpu.memref_slice %arg5[%mul3A_85] : memref<4096xi32, #tpu.memory_space<vmem>> -> memref<128xi32, #tpu.memory_space<vmem>>
      %dma_wait3A_87 = arith.constant 0 : i32
      %dma_wait3A_88 = arith.constant 0 : i32
      %dma_wait3A_89 = tpu.memref_slice %arg2[%dma_wait3A_87, %dma_wait3A_88] : memref<8192x128xf32, #tpu.memory_space<hbm>> -> memref<8192x128xf32, #tpu.memory_space<hbm>>
      tpu.wait_indirect_dma semaphore(%arg9 : memref<!tpu.dma_semaphore, #tpu.memory_space<semaphore_mem>>) src(%dma_wait3A_89 : memref<8192x128xf32, #tpu.memory_space<hbm>>) dst(%arg7 : memref<128x128xf32, #tpu.memory_space<vmem>>)
      %add3A_90 = arith.constant 1 : i32
      %add3A_91 = arith.addi %sub3A_53, %add3A_90 : i32
      %mul3A_92 = arith.constant 128 : i32
      %mul3A_93 = arith.muli %add3A_91, %mul3A_92 : i32
      %add3A_94 = arith.addi %mul3A_2, %mul3A_93 : i32
      %dma_start3A_95 = arith.constant 0 : i32
      %dma_start3A_96 = tpu.memref_slice %arg4[%add3A_94, %dma_start3A_95] : memref<131072x128xf32, #tpu.memory_space<hbm>> -> memref<128x128xf32, #tpu.memory_space<hbm>>
      %dma_start3A_97 = arith.constant 0 : i32
      %dma_start3A_98 = tpu.memref_slice %arg4[%add3A_94, %dma_start3A_97] : memref<131072x128xf32, #tpu.memory_space<hbm>> -> memref<128x128xf32, #tpu.memory_space<hbm>>
      tpu.enqueue_dma source(%arg7 : memref<128x128xf32, #tpu.memory_space<vmem>>) target(%dma_start3A_98 : memref<128x128xf32, #tpu.memory_space<hbm>>) target_semaphore(%arg11 : memref<!tpu.dma_semaphore, #tpu.memory_space<semaphore_mem>>)
      %add3A_99 = arith.constant 1 : i32
      %add3A_100 = arith.addi %sub3A_53, %add3A_99 : i32
      %mul3A_101 = arith.constant 128 : i32
      %mul3A_102 = arith.muli %add3A_100, %mul3A_101 : i32
      %add3A_103 = arith.addi %mul3A_2, %mul3A_102 : i32
      %dma_wait3A_104 = arith.constant 0 : i32
      %dma_wait3A_105 = tpu.memref_slice %arg4[%add3A_103, %dma_wait3A_104] : memref<131072x128xf32, #tpu.memory_space<hbm>> -> memref<128x128xf32, #tpu.memory_space<hbm>>
      %dma_wait3A_106 = arith.constant 0 : i32
      %dma_wait3A_107 = tpu.memref_slice %arg4[%add3A_103, %dma_wait3A_106] : memref<131072x128xf32, #tpu.memory_space<hbm>> -> memref<128x128xf32, #tpu.memory_space<hbm>>
      tpu.wait_dma2 semaphore(%arg11 : memref<!tpu.dma_semaphore, #tpu.memory_space<semaphore_mem>>) src(%arg7 : memref<128x128xf32, #tpu.memory_space<vmem>>) dst(%dma_wait3A_107 : memref<128x128xf32, #tpu.memory_space<hbm>>)
      %mul3A_108 = arith.constant 2 : i32
      %mul3A_109 = arith.muli %mul3A_108, %scan3A_50 : i32
      %add3A_110 = arith.constant 1 : i32
      %add3A_111 = arith.addi %mul3A_109, %add3A_110 : i32
      %mul3A_112 = arith.constant 128 : i32
      %mul3A_113 = arith.muli %add3A_111, %mul3A_112 : i32
      %dma_start3A_114 = tpu.memref_slice %arg5[%mul3A_113] : memref<4096xi32, #tpu.memory_space<vmem>> -> memref<128xi32, #tpu.memory_space<vmem>>
      %dma_start3A_115 = arith.constant 0 : i32
      %dma_start3A_116 = arith.constant 0 : i32
      %dma_start3A_117 = tpu.memref_slice %arg2[%dma_start3A_115, %dma_start3A_116] : memref<8192x128xf32, #tpu.memory_space<hbm>> -> memref<8192x128xf32, #tpu.memory_space<hbm>>
      tpu.enqueue_indirect_dma source(%dma_start3A_117 : memref<8192x128xf32, #tpu.memory_space<hbm>>) target(%arg7 : memref<128x128xf32, #tpu.memory_space<vmem>>) offsets(%dma_start3A_114 : memref<128xi32, #tpu.memory_space<vmem>>) semaphore(%arg9 : memref<!tpu.dma_semaphore, #tpu.memory_space<semaphore_mem>>)
    }
    %scan3A_16 = arith.constant 15 : i32
    %dma_wait3A = arith.constant 3840 : i32
    %dma_wait3A_17 = tpu.memref_slice %arg5[%dma_wait3A] : memref<4096xi32, #tpu.memory_space<vmem>> -> memref<128xi32, #tpu.memory_space<vmem>>
    %dma_wait3A_18 = arith.constant 0 : i32
    %dma_wait3A_19 = arith.constant 0 : i32
    %dma_wait3A_20 = tpu.memref_slice %arg2[%dma_wait3A_18, %dma_wait3A_19] : memref<8192x128xf32, #tpu.memory_space<hbm>> -> memref<8192x128xf32, #tpu.memory_space<hbm>>
    tpu.wait_indirect_dma semaphore(%arg8 : memref<!tpu.dma_semaphore, #tpu.memory_space<semaphore_mem>>) src(%dma_wait3A_20 : memref<8192x128xf32, #tpu.memory_space<hbm>>) dst(%arg6 : memref<128x128xf32, #tpu.memory_space<vmem>>)
    %add3A_21 = arith.constant 3840 : i32
    %add3A_22 = arith.addi %mul3A_2, %add3A_21 : i32
    %dma_start3A_23 = arith.constant 0 : i32
    %dma_start3A_24 = tpu.memref_slice %arg4[%add3A_22, %dma_start3A_23] : memref<131072x128xf32, #tpu.memory_space<hbm>> -> memref<128x128xf32, #tpu.memory_space<hbm>>
    %dma_start3A_25 = arith.constant 0 : i32
    %dma_start3A_26 = tpu.memref_slice %arg4[%add3A_22, %dma_start3A_25] : memref<131072x128xf32, #tpu.memory_space<hbm>> -> memref<128x128xf32, #tpu.memory_space<hbm>>
    tpu.enqueue_dma source(%arg6 : memref<128x128xf32, #tpu.memory_space<vmem>>) target(%dma_start3A_26 : memref<128x128xf32, #tpu.memory_space<hbm>>) target_semaphore(%arg10 : memref<!tpu.dma_semaphore, #tpu.memory_space<semaphore_mem>>)
    %dma_wait3A_27 = arith.constant 3968 : i32
    %dma_wait3A_28 = tpu.memref_slice %arg5[%dma_wait3A_27] : memref<4096xi32, #tpu.memory_space<vmem>> -> memref<128xi32, #tpu.memory_space<vmem>>
    %dma_wait3A_29 = arith.constant 0 : i32
    %dma_wait3A_30 = arith.constant 0 : i32
    %dma_wait3A_31 = tpu.memref_slice %arg2[%dma_wait3A_29, %dma_wait3A_30] : memref<8192x128xf32, #tpu.memory_space<hbm>> -> memref<8192x128xf32, #tpu.memory_space<hbm>>
    tpu.wait_indirect_dma semaphore(%arg9 : memref<!tpu.dma_semaphore, #tpu.memory_space<semaphore_mem>>) src(%dma_wait3A_31 : memref<8192x128xf32, #tpu.memory_space<hbm>>) dst(%arg7 : memref<128x128xf32, #tpu.memory_space<vmem>>)
    %add3A_32 = arith.constant 3968 : i32
    %add3A_33 = arith.addi %mul3A_2, %add3A_32 : i32
    %dma_start3A_34 = arith.constant 0 : i32
    %dma_start3A_35 = tpu.memref_slice %arg4[%add3A_33, %dma_start3A_34] : memref<131072x128xf32, #tpu.memory_space<hbm>> -> memref<128x128xf32, #tpu.memory_space<hbm>>
    %dma_start3A_36 = arith.constant 0 : i32
    %dma_start3A_37 = tpu.memref_slice %arg4[%add3A_33, %dma_start3A_36] : memref<131072x128xf32, #tpu.memory_space<hbm>> -> memref<128x128xf32, #tpu.memory_space<hbm>>
    tpu.enqueue_dma source(%arg7 : memref<128x128xf32, #tpu.memory_space<vmem>>) target(%dma_start3A_37 : memref<128x128xf32, #tpu.memory_space<hbm>>) target_semaphore(%arg11 : memref<!tpu.dma_semaphore, #tpu.memory_space<semaphore_mem>>)
    %add3A_38 = arith.constant 3840 : i32
    %add3A_39 = arith.addi %mul3A_2, %add3A_38 : i32
    %dma_wait3A_40 = arith.constant 0 : i32
    %dma_wait3A_41 = tpu.memref_slice %arg4[%add3A_39, %dma_wait3A_40] : memref<131072x128xf32, #tpu.memory_space<hbm>> -> memref<128x128xf32, #tpu.memory_space<hbm>>
    %dma_wait3A_42 = arith.constant 0 : i32
    %dma_wait3A_43 = tpu.memref_slice %arg4[%add3A_39, %dma_wait3A_42] : memref<131072x128xf32, #tpu.memory_space<hbm>> -> memref<128x128xf32, #tpu.memory_space<hbm>>
    tpu.wait_dma2 semaphore(%arg10 : memref<!tpu.dma_semaphore, #tpu.memory_space<semaphore_mem>>) src(%arg6 : memref<128x128xf32, #tpu.memory_space<vmem>>) dst(%dma_wait3A_43 : memref<128x128xf32, #tpu.memory_space<hbm>>)
    %add3A_44 = arith.constant 3968 : i32
    %add3A_45 = arith.addi %mul3A_2, %add3A_44 : i32
    %dma_wait3A_46 = arith.constant 0 : i32
    %dma_wait3A_47 = tpu.memref_slice %arg4[%add3A_45, %dma_wait3A_46] : memref<131072x128xf32, #tpu.memory_space<hbm>> -> memref<128x128xf32, #tpu.memory_space<hbm>>
    %dma_wait3A_48 = arith.constant 0 : i32
    %dma_wait3A_49 = tpu.memref_slice %arg4[%add3A_45, %dma_wait3A_48] : memref<131072x128xf32, #tpu.memory_space<hbm>> -> memref<128x128xf32, #tpu.memory_space<hbm>>
    tpu.wait_dma2 semaphore(%arg11 : memref<!tpu.dma_semaphore, #tpu.memory_space<semaphore_mem>>) src(%arg7 : memref<128x128xf32, #tpu.memory_space<vmem>>) dst(%dma_wait3A_49 : memref<128x128xf32, #tpu.memory_space<hbm>>)
    return
  }
}

#map = affine_map<(d0, d1) -> (0, 0)>
#map1 = affine_map<(d0, d1) -> (0)>
module attributes {stable_mosaic.version = 14 : i64} {
  func.func @gk(%arg0: i32, %arg1: i32, %arg2: memref<8192x128xf32, #tpu.memory_space<hbm>>, %arg3: memref<131072xi32, #tpu.memory_space<hbm>>, %arg4: memref<131072x128xf32, #tpu.memory_space<hbm>>, %arg5: memref<4096xi32, #tpu.memory_space<vmem>>, %arg6: memref<128x128xf32, #tpu.memory_space<vmem>>, %arg7: memref<128x128xf32, #tpu.memory_space<vmem>>, %arg8: memref<!tpu.dma_semaphore, #tpu.memory_space<semaphore_mem>>, %arg9: memref<!tpu.dma_semaphore, #tpu.memory_space<semaphore_mem>>, %arg10: memref<!tpu.dma_semaphore, #tpu.memory_space<semaphore_mem>>, %arg11: memref<!tpu.dma_semaphore, #tpu.memory_space<semaphore_mem>>) attributes {dimension_semantics = [#tpu.dimension_semantics<core_parallel>, #tpu.dimension_semantics<subcore_parallel>], iteration_bounds = array<i64: 2, 16>, scalar_prefetch = 0 : i64, scratch_operands = 7 : i64, tpu.core_type = #tpu.core_type<sc_vector_subcore>, window_params = [{transform_indices = #map}, {transform_indices = #map1}, {transform_indices = #map}]} {
    %mul3A = arith.constant 2 : i32
    %mul3A_0 = arith.muli %arg1, %mul3A : i32
    %add3A = arith.addi %mul3A_0, %arg0 : i32
    %mul3A_1 = arith.constant 4096 : i32
    %mul3A_2 = arith.muli %add3A, %mul3A_1 : i32
    "tpu.region"() ({
      %run_scoped3A = tpu.sem_alloc : memref<!tpu.dma_semaphore, #tpu.memory_space<semaphore_mem>>
      %dma_start3A_50 = tpu.memref_slice %arg3[%mul3A_2] : memref<131072xi32, #tpu.memory_space<hbm>> -> memref<4096xi32, #tpu.memory_space<hbm>>
      %dma_start3A_51 = tpu.memref_slice %arg3[%mul3A_2] : memref<131072xi32, #tpu.memory_space<hbm>> -> memref<4096xi32, #tpu.memory_space<hbm>>
      tpu.enqueue_dma source(%dma_start3A_51 : memref<4096xi32, #tpu.memory_space<hbm>>) target(%arg5 : memref<4096xi32, #tpu.memory_space<vmem>>) target_semaphore(%run_scoped3A : memref<!tpu.dma_semaphore, #tpu.memory_space<semaphore_mem>>)
      %dma_wait3A_52 = tpu.memref_slice %arg3[%mul3A_2] : memref<131072xi32, #tpu.memory_space<hbm>> -> memref<4096xi32, #tpu.memory_space<hbm>>
      %dma_wait3A_53 = tpu.memref_slice %arg3[%mul3A_2] : memref<131072xi32, #tpu.memory_space<hbm>> -> memref<4096xi32, #tpu.memory_space<hbm>>
      tpu.wait_dma2 semaphore(%run_scoped3A : memref<!tpu.dma_semaphore, #tpu.memory_space<semaphore_mem>>) src(%dma_wait3A_53 : memref<4096xi32, #tpu.memory_space<hbm>>) dst(%arg5 : memref<4096xi32, #tpu.memory_space<vmem>>)
      tpu.yield
    }) : () -> ()
    %dma_start3A = arith.constant 0 : i32
    %dma_start3A_3 = tpu.memref_slice %arg5[%dma_start3A] : memref<4096xi32, #tpu.memory_space<vmem>> -> memref<128xi32, #tpu.memory_space<vmem>>
    %dma_start3A_4 = arith.constant 0 : i32
    %dma_start3A_5 = arith.constant 0 : i32
    %dma_start3A_6 = tpu.memref_slice %arg2[%dma_start3A_4, %dma_start3A_5] : memref<8192x128xf32, #tpu.memory_space<hbm>> -> memref<8192x128xf32, #tpu.memory_space<hbm>>
    tpu.enqueue_indirect_dma source(%dma_start3A_6 : memref<8192x128xf32, #tpu.memory_space<hbm>>) target(%arg6 : memref<128x128xf32, #tpu.memory_space<vmem>>) offsets(%dma_start3A_3 : memref<128xi32, #tpu.memory_space<vmem>>) semaphore(%arg8 : memref<!tpu.dma_semaphore, #tpu.memory_space<semaphore_mem>>)
    %dma_start3A_7 = arith.constant 128 : i32
    %dma_start3A_8 = tpu.memref_slice %arg5[%dma_start3A_7] : memref<4096xi32, #tpu.memory_space<vmem>> -> memref<128xi32, #tpu.memory_space<vmem>>
    %dma_start3A_9 = arith.constant 0 : i32
    %dma_start3A_10 = arith.constant 0 : i32
    %dma_start3A_11 = tpu.memref_slice %arg2[%dma_start3A_9, %dma_start3A_10] : memref<8192x128xf32, #tpu.memory_space<hbm>> -> memref<8192x128xf32, #tpu.memory_space<hbm>>
    tpu.enqueue_indirect_dma source(%dma_start3A_11 : memref<8192x128xf32, #tpu.memory_space<hbm>>) target(%arg7 : memref<128x128xf32, #tpu.memory_space<vmem>>) offsets(%dma_start3A_8 : memref<128xi32, #tpu.memory_space<vmem>>) semaphore(%arg9 : memref<!tpu.dma_semaphore, #tpu.memory_space<semaphore_mem>>)
    %scan3A = arith.constant 0 : i32
    %scan3A_12 = arith.constant 1 : i32
    %scan3A_13 = arith.constant 15 : i32
    %scan3A_14 = arith.addi %scan3A_12, %scan3A_13 : i32
    %scan3A_15 = arith.constant 1 : i32
    scf.for %scan3A_50 = %scan3A_12 to %scan3A_14 step %scan3A_15  : i32 {
      %mul3A_51 = arith.constant 2 : i32
      %mul3A_52 = arith.muli %mul3A_51, %scan3A_50 : i32
      %sub3A = arith.constant 2 : i32
      %sub3A_53 = arith.subi %mul3A_52, %sub3A : i32
      %mul3A_54 = arith.constant 128 : i32
      %mul3A_55 = arith.muli %sub3A_53, %mul3A_54 : i32
      %dma_wait3A_56 = tpu.memref_slice %arg5[%mul3A_55] : memref<4096xi32, #tpu.memory_space<vmem>> -> memref<128xi32, #tpu.memory_space<vmem>>
      %dma_wait3A_57 = arith.constant 0 : i32
      %dma_wait3A_58 = arith.constant 0 : i32
      %dma_wait3A_59 = tpu.memref_slice %arg2[%dma_wait3A_57, %dma_wait3A_58] : memref<8192x128xf32, #tpu.memory_space<hbm>> -> memref<8192x128xf32, #tpu.memory_space<hbm>>
      tpu.wait_indirect_dma semaphore(%arg8 : memref<!tpu.dma_semaphore, #tpu.memory_space<semaphore_mem>>) src(%dma_wait3A_59 : memref<8192x128xf32, #tpu.memory_space<hbm>>) dst(%arg6 : memref<128x128xf32, #tpu.memory_space<vmem>>)
      %mul3A_60 = arith.constant 128 : i32
      %mul3A_61 = arith.muli %sub3A_53, %mul3A_60 : i32
      %add3A_62 = arith.addi %mul3A_2, %mul3A_61 : i32
      %dma_start3A_63 = arith.constant 0 : i32
      %dma_start3A_64 = tpu.memref_slice %arg4[%add3A_62, %dma_start3A_63] : memref<131072x128xf32, #tpu.memory_space<hbm>> -> memref<128x128xf32, #tpu.memory_space<hbm>>
      %dma_start3A_65 = arith.constant 0 : i32
      %dma_start3A_66 = tpu.memref_slice %arg4[%add3A_62, %dma_start3A_65] : memref<131072x128xf32, #tpu.memory_space<hbm>> -> memref<128x128xf32, #tpu.memory_space<hbm>>
      tpu.enqueue_dma source(%arg6 : memref<128x128xf32, #tpu.memory_space<vmem>>) target(%dma_start3A_66 : memref<128x128xf32, #tpu.memory_space<hbm>>) target_semaphore(%arg10 : memref<!tpu.dma_semaphore, #tpu.memory_space<semaphore_mem>>)
      %mul3A_67 = arith.constant 128 : i32
      %mul3A_68 = arith.muli %sub3A_53, %mul3A_67 : i32
      %add3A_69 = arith.addi %mul3A_2, %mul3A_68 : i32
      %dma_wait3A_70 = arith.constant 0 : i32
      %dma_wait3A_71 = tpu.memref_slice %arg4[%add3A_69, %dma_wait3A_70] : memref<131072x128xf32, #tpu.memory_space<hbm>> -> memref<128x128xf32, #tpu.memory_space<hbm>>
      %dma_wait3A_72 = arith.constant 0 : i32
      %dma_wait3A_73 = tpu.memref_slice %arg4[%add3A_69, %dma_wait3A_72] : memref<131072x128xf32, #tpu.memory_space<hbm>> -> memref<128x128xf32, #tpu.memory_space<hbm>>
      tpu.wait_dma2 semaphore(%arg10 : memref<!tpu.dma_semaphore, #tpu.memory_space<semaphore_mem>>) src(%arg6 : memref<128x128xf32, #tpu.memory_space<vmem>>) dst(%dma_wait3A_73 : memref<128x128xf32, #tpu.memory_space<hbm>>)
      %mul3A_74 = arith.constant 2 : i32
      %mul3A_75 = arith.muli %mul3A_74, %scan3A_50 : i32
      %mul3A_76 = arith.constant 128 : i32
      %mul3A_77 = arith.muli %mul3A_75, %mul3A_76 : i32
      %dma_start3A_78 = tpu.memref_slice %arg5[%mul3A_77] : memref<4096xi32, #tpu.memory_space<vmem>> -> memref<128xi32, #tpu.memory_space<vmem>>
      %dma_start3A_79 = arith.constant 0 : i32
      %dma_start3A_80 = arith.constant 0 : i32
      %dma_start3A_81 = tpu.memref_slice %arg2[%dma_start3A_79, %dma_start3A_80] : memref<8192x128xf32, #tpu.memory_space<hbm>> -> memref<8192x128xf32, #tpu.memory_space<hbm>>
      tpu.enqueue_indirect_dma source(%dma_start3A_81 : memref<8192x128xf32, #tpu.memory_space<hbm>>) target(%arg6 : memref<128x128xf32, #tpu.memory_space<vmem>>) offsets(%dma_start3A_78 : memref<128xi32, #tpu.memory_space<vmem>>) semaphore(%arg8 : memref<!tpu.dma_semaphore, #tpu.memory_space<semaphore_mem>>)
      %add3A_82 = arith.constant 1 : i32
      %add3A_83 = arith.addi %sub3A_53, %add3A_82 : i32
      %mul3A_84 = arith.constant 128 : i32
      %mul3A_85 = arith.muli %add3A_83, %mul3A_84 : i32
      %dma_wait3A_86 = tpu.memref_slice %arg5[%mul3A_85] : memref<4096xi32, #tpu.memory_space<vmem>> -> memref<128xi32, #tpu.memory_space<vmem>>
      %dma_wait3A_87 = arith.constant 0 : i32
      %dma_wait3A_88 = arith.constant 0 : i32
      %dma_wait3A_89 = tpu.memref_slice %arg2[%dma_wait3A_87, %dma_wait3A_88] : memref<8192x128xf32, #tpu.memory_space<hbm>> -> memref<8192x128xf32, #tpu.memory_space<hbm>>
      tpu.wait_indirect_dma semaphore(%arg9 : memref<!tpu.dma_semaphore, #tpu.memory_space<semaphore_mem>>) src(%dma_wait3A_89 : memref<8192x128xf32, #tpu.memory_space<hbm>>) dst(%arg7 : memref<128x128xf32, #tpu.memory_space<vmem>>)
      %add3A_90 = arith.constant 1 : i32
      %add3A_91 = arith.addi %sub3A_53, %add3A_90 : i32
      %mul3A_92 = arith.constant 128 : i32
      %mul3A_93 = arith.muli %add3A_91, %mul3A_92 : i32
      %add3A_94 = arith.addi %mul3A_2, %mul3A_93 : i32
      %dma_start3A_95 = arith.constant 0 : i32
      %dma_start3A_96 = tpu.memref_slice %arg4[%add3A_94, %dma_start3A_95] : memref<131072x128xf32, #tpu.memory_space<hbm>> -> memref<128x128xf32, #tpu.memory_space<hbm>>
      %dma_start3A_97 = arith.constant 0 : i32
      %dma_start3A_98 = tpu.memref_slice %arg4[%add3A_94, %dma_start3A_97] : memref<131072x128xf32, #tpu.memory_space<hbm>> -> memref<128x128xf32, #tpu.memory_space<hbm>>
      tpu.enqueue_dma source(%arg7 : memref<128x128xf32, #tpu.memory_space<vmem>>) target(%dma_start3A_98 : memref<128x128xf32, #tpu.memory_space<hbm>>) target_semaphore(%arg11 : memref<!tpu.dma_semaphore, #tpu.memory_space<semaphore_mem>>)
      %add3A_99 = arith.constant 1 : i32
      %add3A_100 = arith.addi %sub3A_53, %add3A_99 : i32
      %mul3A_101 = arith.constant 128 : i32
      %mul3A_102 = arith.muli %add3A_100, %mul3A_101 : i32
      %add3A_103 = arith.addi %mul3A_2, %mul3A_102 : i32
      %dma_wait3A_104 = arith.constant 0 : i32
      %dma_wait3A_105 = tpu.memref_slice %arg4[%add3A_103, %dma_wait3A_104] : memref<131072x128xf32, #tpu.memory_space<hbm>> -> memref<128x128xf32, #tpu.memory_space<hbm>>
      %dma_wait3A_106 = arith.constant 0 : i32
      %dma_wait3A_107 = tpu.memref_slice %arg4[%add3A_103, %dma_wait3A_106] : memref<131072x128xf32, #tpu.memory_space<hbm>> -> memref<128x128xf32, #tpu.memory_space<hbm>>
      tpu.wait_dma2 semaphore(%arg11 : memref<!tpu.dma_semaphore, #tpu.memory_space<semaphore_mem>>) src(%arg7 : memref<128x128xf32, #tpu.memory_space<vmem>>) dst(%dma_wait3A_107 : memref<128x128xf32, #tpu.memory_space<hbm>>)
      %mul3A_108 = arith.constant 2 : i32
      %mul3A_109 = arith.muli %mul3A_108, %scan3A_50 : i32
      %add3A_110 = arith.constant 1 : i32
      %add3A_111 = arith.addi %mul3A_109, %add3A_110 : i32
      %mul3A_112 = arith.constant 128 : i32
      %mul3A_113 = arith.muli %add3A_111, %mul3A_112 : i32
      %dma_start3A_114 = tpu.memref_slice %arg5[%mul3A_113] : memref<4096xi32, #tpu.memory_space<vmem>> -> memref<128xi32, #tpu.memory_space<vmem>>
      %dma_start3A_115 = arith.constant 0 : i32
      %dma_start3A_116 = arith.constant 0 : i32
      %dma_start3A_117 = tpu.memref_slice %arg2[%dma_start3A_115, %dma_start3A_116] : memref<8192x128xf32, #tpu.memory_space<hbm>> -> memref<8192x128xf32, #tpu.memory_space<hbm>>
      tpu.enqueue_indirect_dma source(%dma_start3A_117 : memref<8192x128xf32, #tpu.memory_space<hbm>>) target(%arg7 : memref<128x128xf32, #tpu.memory_space<vmem>>) offsets(%dma_start3A_114 : memref<128xi32, #tpu.memory_space<vmem>>) semaphore(%arg9 : memref<!tpu.dma_semaphore, #tpu.memory_space<semaphore_mem>>)
    }
    %scan3A_16 = arith.constant 15 : i32
    %dma_wait3A = arith.constant 3840 : i32
    %dma_wait3A_17 = tpu.memref_slice %arg5[%dma_wait3A] : memref<4096xi32, #tpu.memory_space<vmem>> -> memref<128xi32, #tpu.memory_space<vmem>>
    %dma_wait3A_18 = arith.constant 0 : i32
    %dma_wait3A_19 = arith.constant 0 : i32
    %dma_wait3A_20 = tpu.memref_slice %arg2[%dma_wait3A_18, %dma_wait3A_19] : memref<8192x128xf32, #tpu.memory_space<hbm>> -> memref<8192x128xf32, #tpu.memory_space<hbm>>
    tpu.wait_indirect_dma semaphore(%arg8 : memref<!tpu.dma_semaphore, #tpu.memory_space<semaphore_mem>>) src(%dma_wait3A_20 : memref<8192x128xf32, #tpu.memory_space<hbm>>) dst(%arg6 : memref<128x128xf32, #tpu.memory_space<vmem>>)
    %add3A_21 = arith.constant 3840 : i32
    %add3A_22 = arith.addi %mul3A_2, %add3A_21 : i32
    %dma_start3A_23 = arith.constant 0 : i32
    %dma_start3A_24 = tpu.memref_slice %arg4[%add3A_22, %dma_start3A_23] : memref<131072x128xf32, #tpu.memory_space<hbm>> -> memref<128x128xf32, #tpu.memory_space<hbm>>
    %dma_start3A_25 = arith.constant 0 : i32
    %dma_start3A_26 = tpu.memref_slice %arg4[%add3A_22, %dma_start3A_25] : memref<131072x128xf32, #tpu.memory_space<hbm>> -> memref<128x128xf32, #tpu.memory_space<hbm>>
    tpu.enqueue_dma source(%arg6 : memref<128x128xf32, #tpu.memory_space<vmem>>) target(%dma_start3A_26 : memref<128x128xf32, #tpu.memory_space<hbm>>) target_semaphore(%arg10 : memref<!tpu.dma_semaphore, #tpu.memory_space<semaphore_mem>>)
    %dma_wait3A_27 = arith.constant 3968 : i32
    %dma_wait3A_28 = tpu.memref_slice %arg5[%dma_wait3A_27] : memref<4096xi32, #tpu.memory_space<vmem>> -> memref<128xi32, #tpu.memory_space<vmem>>
    %dma_wait3A_29 = arith.constant 0 : i32
    %dma_wait3A_30 = arith.constant 0 : i32
    %dma_wait3A_31 = tpu.memref_slice %arg2[%dma_wait3A_29, %dma_wait3A_30] : memref<8192x128xf32, #tpu.memory_space<hbm>> -> memref<8192x128xf32, #tpu.memory_space<hbm>>
    tpu.wait_indirect_dma semaphore(%arg9 : memref<!tpu.dma_semaphore, #tpu.memory_space<semaphore_mem>>) src(%dma_wait3A_31 : memref<8192x128xf32, #tpu.memory_space<hbm>>) dst(%arg7 : memref<128x128xf32, #tpu.memory_space<vmem>>)
    %add3A_32 = arith.constant 3968 : i32
    %add3A_33 = arith.addi %mul3A_2, %add3A_32 : i32
    %dma_start3A_34 = arith.constant 0 : i32
    %dma_start3A_35 = tpu.memref_slice %arg4[%add3A_33, %dma_start3A_34] : memref<131072x128xf32, #tpu.memory_space<hbm>> -> memref<128x128xf32, #tpu.memory_space<hbm>>
    %dma_start3A_36 = arith.constant 0 : i32
    %dma_start3A_37 = tpu.memref_slice %arg4[%add3A_33, %dma_start3A_36] : memref<131072x128xf32, #tpu.memory_space<hbm>> -> memref<128x128xf32, #tpu.memory_space<hbm>>
    tpu.enqueue_dma source(%arg7 : memref<128x128xf32, #tpu.memory_space<vmem>>) target(%dma_start3A_37 : memref<128x128xf32, #tpu.memory_space<hbm>>) target_semaphore(%arg11 : memref<!tpu.dma_semaphore, #tpu.memory_space<semaphore_mem>>)
    %add3A_38 = arith.constant 3840 : i32
    %add3A_39 = arith.addi %mul3A_2, %add3A_38 : i32
    %dma_wait3A_40 = arith.constant 0 : i32
    %dma_wait3A_41 = tpu.memref_slice %arg4[%add3A_39, %dma_wait3A_40] : memref<131072x128xf32, #tpu.memory_space<hbm>> -> memref<128x128xf32, #tpu.memory_space<hbm>>
    %dma_wait3A_42 = arith.constant 0 : i32
    %dma_wait3A_43 = tpu.memref_slice %arg4[%add3A_39, %dma_wait3A_42] : memref<131072x128xf32, #tpu.memory_space<hbm>> -> memref<128x128xf32, #tpu.memory_space<hbm>>
    tpu.wait_dma2 semaphore(%arg10 : memref<!tpu.dma_semaphore, #tpu.memory_space<semaphore_mem>>) src(%arg6 : memref<128x128xf32, #tpu.memory_space<vmem>>) dst(%dma_wait3A_43 : memref<128x128xf32, #tpu.memory_space<hbm>>)
    %add3A_44 = arith.constant 3968 : i32
    %add3A_45 = arith.addi %mul3A_2, %add3A_44 : i32
    %dma_wait3A_46 = arith.constant 0 : i32
    %dma_wait3A_47 = tpu.memref_slice %arg4[%add3A_45, %dma_wait3A_46] : memref<131072x128xf32, #tpu.memory_space<hbm>> -> memref<128x128xf32, #tpu.memory_space<hbm>>
    %dma_wait3A_48 = arith.constant 0 : i32
    %dma_wait3A_49 = tpu.memref_slice %arg4[%add3A_45, %dma_wait3A_48] : memref<131072x128xf32, #tpu.memory_space<hbm>> -> memref<128x128xf32, #tpu.memory_space<hbm>>
    tpu.wait_dma2 semaphore(%arg11 : memref<!tpu.dma_semaphore, #tpu.memory_space<semaphore_mem>>) src(%arg7 : memref<128x128xf32, #tpu.memory_space<vmem>>) dst(%dma_wait3A_49 : memref<128x128xf32, #tpu.memory_space<hbm>>)
    return
  }
}

#map = affine_map<(d0, d1) -> (0, 0)>
#map1 = affine_map<(d0, d1) -> (0)>
module attributes {stable_mosaic.version = 14 : i64} {
  func.func @gk(%arg0: i32, %arg1: i32, %arg2: memref<8192x128xf32, #tpu.memory_space<hbm>>, %arg3: memref<131072xi32, #tpu.memory_space<hbm>>, %arg4: memref<131072x128xf32, #tpu.memory_space<hbm>>, %arg5: memref<4096xi32, #tpu.memory_space<vmem>>, %arg6: memref<128x128xf32, #tpu.memory_space<vmem>>, %arg7: memref<128x128xf32, #tpu.memory_space<vmem>>, %arg8: memref<!tpu.dma_semaphore, #tpu.memory_space<semaphore_mem>>, %arg9: memref<!tpu.dma_semaphore, #tpu.memory_space<semaphore_mem>>, %arg10: memref<!tpu.dma_semaphore, #tpu.memory_space<semaphore_mem>>, %arg11: memref<!tpu.dma_semaphore, #tpu.memory_space<semaphore_mem>>) attributes {dimension_semantics = [#tpu.dimension_semantics<core_parallel>, #tpu.dimension_semantics<subcore_parallel>], iteration_bounds = array<i64: 2, 16>, scalar_prefetch = 0 : i64, scratch_operands = 7 : i64, tpu.core_type = #tpu.core_type<sc_vector_subcore>, window_params = [{transform_indices = #map}, {transform_indices = #map1}, {transform_indices = #map}]} {
    %mul3A = arith.constant 2 : i32
    %mul3A_0 = arith.muli %arg1, %mul3A : i32
    %add3A = arith.addi %mul3A_0, %arg0 : i32
    %mul3A_1 = arith.constant 4096 : i32
    %mul3A_2 = arith.muli %add3A, %mul3A_1 : i32
    "tpu.region"() ({
      %run_scoped3A = tpu.sem_alloc : memref<!tpu.dma_semaphore, #tpu.memory_space<semaphore_mem>>
      %dma_start3A_50 = tpu.memref_slice %arg3[%mul3A_2] : memref<131072xi32, #tpu.memory_space<hbm>> -> memref<4096xi32, #tpu.memory_space<hbm>>
      %dma_start3A_51 = tpu.memref_slice %arg3[%mul3A_2] : memref<131072xi32, #tpu.memory_space<hbm>> -> memref<4096xi32, #tpu.memory_space<hbm>>
      tpu.enqueue_dma source(%dma_start3A_51 : memref<4096xi32, #tpu.memory_space<hbm>>) target(%arg5 : memref<4096xi32, #tpu.memory_space<vmem>>) target_semaphore(%run_scoped3A : memref<!tpu.dma_semaphore, #tpu.memory_space<semaphore_mem>>)
      %dma_wait3A_52 = tpu.memref_slice %arg3[%mul3A_2] : memref<131072xi32, #tpu.memory_space<hbm>> -> memref<4096xi32, #tpu.memory_space<hbm>>
      %dma_wait3A_53 = tpu.memref_slice %arg3[%mul3A_2] : memref<131072xi32, #tpu.memory_space<hbm>> -> memref<4096xi32, #tpu.memory_space<hbm>>
      tpu.wait_dma2 semaphore(%run_scoped3A : memref<!tpu.dma_semaphore, #tpu.memory_space<semaphore_mem>>) src(%dma_wait3A_53 : memref<4096xi32, #tpu.memory_space<hbm>>) dst(%arg5 : memref<4096xi32, #tpu.memory_space<vmem>>)
      tpu.yield
    }) : () -> ()
    %dma_start3A = arith.constant 0 : i32
    %dma_start3A_3 = tpu.memref_slice %arg5[%dma_start3A] : memref<4096xi32, #tpu.memory_space<vmem>> -> memref<128xi32, #tpu.memory_space<vmem>>
    %dma_start3A_4 = arith.constant 0 : i32
    %dma_start3A_5 = arith.constant 0 : i32
    %dma_start3A_6 = tpu.memref_slice %arg2[%dma_start3A_4, %dma_start3A_5] : memref<8192x128xf32, #tpu.memory_space<hbm>> -> memref<8192x128xf32, #tpu.memory_space<hbm>>
    tpu.enqueue_indirect_dma source(%dma_start3A_6 : memref<8192x128xf32, #tpu.memory_space<hbm>>) target(%arg6 : memref<128x128xf32, #tpu.memory_space<vmem>>) offsets(%dma_start3A_3 : memref<128xi32, #tpu.memory_space<vmem>>) semaphore(%arg8 : memref<!tpu.dma_semaphore, #tpu.memory_space<semaphore_mem>>)
    %dma_start3A_7 = arith.constant 128 : i32
    %dma_start3A_8 = tpu.memref_slice %arg5[%dma_start3A_7] : memref<4096xi32, #tpu.memory_space<vmem>> -> memref<128xi32, #tpu.memory_space<vmem>>
    %dma_start3A_9 = arith.constant 0 : i32
    %dma_start3A_10 = arith.constant 0 : i32
    %dma_start3A_11 = tpu.memref_slice %arg2[%dma_start3A_9, %dma_start3A_10] : memref<8192x128xf32, #tpu.memory_space<hbm>> -> memref<8192x128xf32, #tpu.memory_space<hbm>>
    tpu.enqueue_indirect_dma source(%dma_start3A_11 : memref<8192x128xf32, #tpu.memory_space<hbm>>) target(%arg7 : memref<128x128xf32, #tpu.memory_space<vmem>>) offsets(%dma_start3A_8 : memref<128xi32, #tpu.memory_space<vmem>>) semaphore(%arg9 : memref<!tpu.dma_semaphore, #tpu.memory_space<semaphore_mem>>)
    %scan3A = arith.constant 0 : i32
    %scan3A_12 = arith.constant 1 : i32
    %scan3A_13 = arith.constant 15 : i32
    %scan3A_14 = arith.addi %scan3A_12, %scan3A_13 : i32
    %scan3A_15 = arith.constant 1 : i32
    scf.for %scan3A_50 = %scan3A_12 to %scan3A_14 step %scan3A_15  : i32 {
      %mul3A_51 = arith.constant 2 : i32
      %mul3A_52 = arith.muli %mul3A_51, %scan3A_50 : i32
      %sub3A = arith.constant 2 : i32
      %sub3A_53 = arith.subi %mul3A_52, %sub3A : i32
      %mul3A_54 = arith.constant 128 : i32
      %mul3A_55 = arith.muli %sub3A_53, %mul3A_54 : i32
      %dma_wait3A_56 = tpu.memref_slice %arg5[%mul3A_55] : memref<4096xi32, #tpu.memory_space<vmem>> -> memref<128xi32, #tpu.memory_space<vmem>>
      %dma_wait3A_57 = arith.constant 0 : i32
      %dma_wait3A_58 = arith.constant 0 : i32
      %dma_wait3A_59 = tpu.memref_slice %arg2[%dma_wait3A_57, %dma_wait3A_58] : memref<8192x128xf32, #tpu.memory_space<hbm>> -> memref<8192x128xf32, #tpu.memory_space<hbm>>
      tpu.wait_indirect_dma semaphore(%arg8 : memref<!tpu.dma_semaphore, #tpu.memory_space<semaphore_mem>>) src(%dma_wait3A_59 : memref<8192x128xf32, #tpu.memory_space<hbm>>) dst(%arg6 : memref<128x128xf32, #tpu.memory_space<vmem>>)
      %mul3A_60 = arith.constant 128 : i32
      %mul3A_61 = arith.muli %sub3A_53, %mul3A_60 : i32
      %add3A_62 = arith.addi %mul3A_2, %mul3A_61 : i32
      %dma_start3A_63 = arith.constant 0 : i32
      %dma_start3A_64 = tpu.memref_slice %arg4[%add3A_62, %dma_start3A_63] : memref<131072x128xf32, #tpu.memory_space<hbm>> -> memref<128x128xf32, #tpu.memory_space<hbm>>
      %dma_start3A_65 = arith.constant 0 : i32
      %dma_start3A_66 = tpu.memref_slice %arg4[%add3A_62, %dma_start3A_65] : memref<131072x128xf32, #tpu.memory_space<hbm>> -> memref<128x128xf32, #tpu.memory_space<hbm>>
      tpu.enqueue_dma source(%arg6 : memref<128x128xf32, #tpu.memory_space<vmem>>) target(%dma_start3A_66 : memref<128x128xf32, #tpu.memory_space<hbm>>) target_semaphore(%arg10 : memref<!tpu.dma_semaphore, #tpu.memory_space<semaphore_mem>>)
      %mul3A_67 = arith.constant 128 : i32
      %mul3A_68 = arith.muli %sub3A_53, %mul3A_67 : i32
      %add3A_69 = arith.addi %mul3A_2, %mul3A_68 : i32
      %dma_wait3A_70 = arith.constant 0 : i32
      %dma_wait3A_71 = tpu.memref_slice %arg4[%add3A_69, %dma_wait3A_70] : memref<131072x128xf32, #tpu.memory_space<hbm>> -> memref<128x128xf32, #tpu.memory_space<hbm>>
      %dma_wait3A_72 = arith.constant 0 : i32
      %dma_wait3A_73 = tpu.memref_slice %arg4[%add3A_69, %dma_wait3A_72] : memref<131072x128xf32, #tpu.memory_space<hbm>> -> memref<128x128xf32, #tpu.memory_space<hbm>>
      tpu.wait_dma2 semaphore(%arg10 : memref<!tpu.dma_semaphore, #tpu.memory_space<semaphore_mem>>) src(%arg6 : memref<128x128xf32, #tpu.memory_space<vmem>>) dst(%dma_wait3A_73 : memref<128x128xf32, #tpu.memory_space<hbm>>)
      %mul3A_74 = arith.constant 2 : i32
      %mul3A_75 = arith.muli %mul3A_74, %scan3A_50 : i32
      %mul3A_76 = arith.constant 128 : i32
      %mul3A_77 = arith.muli %mul3A_75, %mul3A_76 : i32
      %dma_start3A_78 = tpu.memref_slice %arg5[%mul3A_77] : memref<4096xi32, #tpu.memory_space<vmem>> -> memref<128xi32, #tpu.memory_space<vmem>>
      %dma_start3A_79 = arith.constant 0 : i32
      %dma_start3A_80 = arith.constant 0 : i32
      %dma_start3A_81 = tpu.memref_slice %arg2[%dma_start3A_79, %dma_start3A_80] : memref<8192x128xf32, #tpu.memory_space<hbm>> -> memref<8192x128xf32, #tpu.memory_space<hbm>>
      tpu.enqueue_indirect_dma source(%dma_start3A_81 : memref<8192x128xf32, #tpu.memory_space<hbm>>) target(%arg6 : memref<128x128xf32, #tpu.memory_space<vmem>>) offsets(%dma_start3A_78 : memref<128xi32, #tpu.memory_space<vmem>>) semaphore(%arg8 : memref<!tpu.dma_semaphore, #tpu.memory_space<semaphore_mem>>)
      %add3A_82 = arith.constant 1 : i32
      %add3A_83 = arith.addi %sub3A_53, %add3A_82 : i32
      %mul3A_84 = arith.constant 128 : i32
      %mul3A_85 = arith.muli %add3A_83, %mul3A_84 : i32
      %dma_wait3A_86 = tpu.memref_slice %arg5[%mul3A_85] : memref<4096xi32, #tpu.memory_space<vmem>> -> memref<128xi32, #tpu.memory_space<vmem>>
      %dma_wait3A_87 = arith.constant 0 : i32
      %dma_wait3A_88 = arith.constant 0 : i32
      %dma_wait3A_89 = tpu.memref_slice %arg2[%dma_wait3A_87, %dma_wait3A_88] : memref<8192x128xf32, #tpu.memory_space<hbm>> -> memref<8192x128xf32, #tpu.memory_space<hbm>>
      tpu.wait_indirect_dma semaphore(%arg9 : memref<!tpu.dma_semaphore, #tpu.memory_space<semaphore_mem>>) src(%dma_wait3A_89 : memref<8192x128xf32, #tpu.memory_space<hbm>>) dst(%arg7 : memref<128x128xf32, #tpu.memory_space<vmem>>)
      %add3A_90 = arith.constant 1 : i32
      %add3A_91 = arith.addi %sub3A_53, %add3A_90 : i32
      %mul3A_92 = arith.constant 128 : i32
      %mul3A_93 = arith.muli %add3A_91, %mul3A_92 : i32
      %add3A_94 = arith.addi %mul3A_2, %mul3A_93 : i32
      %dma_start3A_95 = arith.constant 0 : i32
      %dma_start3A_96 = tpu.memref_slice %arg4[%add3A_94, %dma_start3A_95] : memref<131072x128xf32, #tpu.memory_space<hbm>> -> memref<128x128xf32, #tpu.memory_space<hbm>>
      %dma_start3A_97 = arith.constant 0 : i32
      %dma_start3A_98 = tpu.memref_slice %arg4[%add3A_94, %dma_start3A_97] : memref<131072x128xf32, #tpu.memory_space<hbm>> -> memref<128x128xf32, #tpu.memory_space<hbm>>
      tpu.enqueue_dma source(%arg7 : memref<128x128xf32, #tpu.memory_space<vmem>>) target(%dma_start3A_98 : memref<128x128xf32, #tpu.memory_space<hbm>>) target_semaphore(%arg11 : memref<!tpu.dma_semaphore, #tpu.memory_space<semaphore_mem>>)
      %add3A_99 = arith.constant 1 : i32
      %add3A_100 = arith.addi %sub3A_53, %add3A_99 : i32
      %mul3A_101 = arith.constant 128 : i32
      %mul3A_102 = arith.muli %add3A_100, %mul3A_101 : i32
      %add3A_103 = arith.addi %mul3A_2, %mul3A_102 : i32
      %dma_wait3A_104 = arith.constant 0 : i32
      %dma_wait3A_105 = tpu.memref_slice %arg4[%add3A_103, %dma_wait3A_104] : memref<131072x128xf32, #tpu.memory_space<hbm>> -> memref<128x128xf32, #tpu.memory_space<hbm>>
      %dma_wait3A_106 = arith.constant 0 : i32
      %dma_wait3A_107 = tpu.memref_slice %arg4[%add3A_103, %dma_wait3A_106] : memref<131072x128xf32, #tpu.memory_space<hbm>> -> memref<128x128xf32, #tpu.memory_space<hbm>>
      tpu.wait_dma2 semaphore(%arg11 : memref<!tpu.dma_semaphore, #tpu.memory_space<semaphore_mem>>) src(%arg7 : memref<128x128xf32, #tpu.memory_space<vmem>>) dst(%dma_wait3A_107 : memref<128x128xf32, #tpu.memory_space<hbm>>)
      %mul3A_108 = arith.constant 2 : i32
      %mul3A_109 = arith.muli %mul3A_108, %scan3A_50 : i32
      %add3A_110 = arith.constant 1 : i32
      %add3A_111 = arith.addi %mul3A_109, %add3A_110 : i32
      %mul3A_112 = arith.constant 128 : i32
      %mul3A_113 = arith.muli %add3A_111, %mul3A_112 : i32
      %dma_start3A_114 = tpu.memref_slice %arg5[%mul3A_113] : memref<4096xi32, #tpu.memory_space<vmem>> -> memref<128xi32, #tpu.memory_space<vmem>>
      %dma_start3A_115 = arith.constant 0 : i32
      %dma_start3A_116 = arith.constant 0 : i32
      %dma_start3A_117 = tpu.memref_slice %arg2[%dma_start3A_115, %dma_start3A_116] : memref<8192x128xf32, #tpu.memory_space<hbm>> -> memref<8192x128xf32, #tpu.memory_space<hbm>>
      tpu.enqueue_indirect_dma source(%dma_start3A_117 : memref<8192x128xf32, #tpu.memory_space<hbm>>) target(%arg7 : memref<128x128xf32, #tpu.memory_space<vmem>>) offsets(%dma_start3A_114 : memref<128xi32, #tpu.memory_space<vmem>>) semaphore(%arg9 : memref<!tpu.dma_semaphore, #tpu.memory_space<semaphore_mem>>)
    }
    %scan3A_16 = arith.constant 15 : i32
    %dma_wait3A = arith.constant 3840 : i32
    %dma_wait3A_17 = tpu.memref_slice %arg5[%dma_wait3A] : memref<4096xi32, #tpu.memory_space<vmem>> -> memref<128xi32, #tpu.memory_space<vmem>>
    %dma_wait3A_18 = arith.constant 0 : i32
    %dma_wait3A_19 = arith.constant 0 : i32
    %dma_wait3A_20 = tpu.memref_slice %arg2[%dma_wait3A_18, %dma_wait3A_19] : memref<8192x128xf32, #tpu.memory_space<hbm>> -> memref<8192x128xf32, #tpu.memory_space<hbm>>
    tpu.wait_indirect_dma semaphore(%arg8 : memref<!tpu.dma_semaphore, #tpu.memory_space<semaphore_mem>>) src(%dma_wait3A_20 : memref<8192x128xf32, #tpu.memory_space<hbm>>) dst(%arg6 : memref<128x128xf32, #tpu.memory_space<vmem>>)
    %add3A_21 = arith.constant 3840 : i32
    %add3A_22 = arith.addi %mul3A_2, %add3A_21 : i32
    %dma_start3A_23 = arith.constant 0 : i32
    %dma_start3A_24 = tpu.memref_slice %arg4[%add3A_22, %dma_start3A_23] : memref<131072x128xf32, #tpu.memory_space<hbm>> -> memref<128x128xf32, #tpu.memory_space<hbm>>
    %dma_start3A_25 = arith.constant 0 : i32
    %dma_start3A_26 = tpu.memref_slice %arg4[%add3A_22, %dma_start3A_25] : memref<131072x128xf32, #tpu.memory_space<hbm>> -> memref<128x128xf32, #tpu.memory_space<hbm>>
    tpu.enqueue_dma source(%arg6 : memref<128x128xf32, #tpu.memory_space<vmem>>) target(%dma_start3A_26 : memref<128x128xf32, #tpu.memory_space<hbm>>) target_semaphore(%arg10 : memref<!tpu.dma_semaphore, #tpu.memory_space<semaphore_mem>>)
    %dma_wait3A_27 = arith.constant 3968 : i32
    %dma_wait3A_28 = tpu.memref_slice %arg5[%dma_wait3A_27] : memref<4096xi32, #tpu.memory_space<vmem>> -> memref<128xi32, #tpu.memory_space<vmem>>
    %dma_wait3A_29 = arith.constant 0 : i32
    %dma_wait3A_30 = arith.constant 0 : i32
    %dma_wait3A_31 = tpu.memref_slice %arg2[%dma_wait3A_29, %dma_wait3A_30] : memref<8192x128xf32, #tpu.memory_space<hbm>> -> memref<8192x128xf32, #tpu.memory_space<hbm>>
    tpu.wait_indirect_dma semaphore(%arg9 : memref<!tpu.dma_semaphore, #tpu.memory_space<semaphore_mem>>) src(%dma_wait3A_31 : memref<8192x128xf32, #tpu.memory_space<hbm>>) dst(%arg7 : memref<128x128xf32, #tpu.memory_space<vmem>>)
    %add3A_32 = arith.constant 3968 : i32
    %add3A_33 = arith.addi %mul3A_2, %add3A_32 : i32
    %dma_start3A_34 = arith.constant 0 : i32
    %dma_start3A_35 = tpu.memref_slice %arg4[%add3A_33, %dma_start3A_34] : memref<131072x128xf32, #tpu.memory_space<hbm>> -> memref<128x128xf32, #tpu.memory_space<hbm>>
    %dma_start3A_36 = arith.constant 0 : i32
    %dma_start3A_37 = tpu.memref_slice %arg4[%add3A_33, %dma_start3A_36] : memref<131072x128xf32, #tpu.memory_space<hbm>> -> memref<128x128xf32, #tpu.memory_space<hbm>>
    tpu.enqueue_dma source(%arg7 : memref<128x128xf32, #tpu.memory_space<vmem>>) target(%dma_start3A_37 : memref<128x128xf32, #tpu.memory_space<hbm>>) target_semaphore(%arg11 : memref<!tpu.dma_semaphore, #tpu.memory_space<semaphore_mem>>)
    %add3A_38 = arith.constant 3840 : i32
    %add3A_39 = arith.addi %mul3A_2, %add3A_38 : i32
    %dma_wait3A_40 = arith.constant 0 : i32
    %dma_wait3A_41 = tpu.memref_slice %arg4[%add3A_39, %dma_wait3A_40] : memref<131072x128xf32, #tpu.memory_space<hbm>> -> memref<128x128xf32, #tpu.memory_space<hbm>>
    %dma_wait3A_42 = arith.constant 0 : i32
    %dma_wait3A_43 = tpu.memref_slice %arg4[%add3A_39, %dma_wait3A_42] : memref<131072x128xf32, #tpu.memory_space<hbm>> -> memref<128x128xf32, #tpu.memory_space<hbm>>
    tpu.wait_dma2 semaphore(%arg10 : memref<!tpu.dma_semaphore, #tpu.memory_space<semaphore_mem>>) src(%arg6 : memref<128x128xf32, #tpu.memory_space<vmem>>) dst(%dma_wait3A_43 : memref<128x128xf32, #tpu.memory_space<hbm>>)
    %add3A_44 = arith.constant 3968 : i32
    %add3A_45 = arith.addi %mul3A_2, %add3A_44 : i32
    %dma_wait3A_46 = arith.constant 0 : i32
    %dma_wait3A_47 = tpu.memref_slice %arg4[%add3A_45, %dma_wait3A_46] : memref<131072x128xf32, #tpu.memory_space<hbm>> -> memref<128x128xf32, #tpu.memory_space<hbm>>
    %dma_wait3A_48 = arith.constant 0 : i32
    %dma_wait3A_49 = tpu.memref_slice %arg4[%add3A_45, %dma_wait3A_48] : memref<131072x128xf32, #tpu.memory_space<hbm>> -> memref<128x128xf32, #tpu.memory_space<hbm>>
    tpu.wait_dma2 semaphore(%arg11 : memref<!tpu.dma_semaphore, #tpu.memory_space<semaphore_mem>>) src(%arg7 : memref<128x128xf32, #tpu.memory_space<vmem>>) dst(%dma_wait3A_49 : memref<128x128xf32, #tpu.memory_space<hbm>>)
    return
  }
}

#map = affine_map<(d0, d1) -> (0, 0)>
#map1 = affine_map<(d0, d1) -> (0)>
module attributes {stable_mosaic.version = 14 : i64} {
  func.func @gk(%arg0: i32, %arg1: i32, %arg2: memref<8192x128xf32, #tpu.memory_space<hbm>>, %arg3: memref<131072xi32, #tpu.memory_space<hbm>>, %arg4: memref<131072x128xf32, #tpu.memory_space<hbm>>, %arg5: memref<4096xi32, #tpu.memory_space<vmem>>, %arg6: memref<128x128xf32, #tpu.memory_space<vmem>>, %arg7: memref<128x128xf32, #tpu.memory_space<vmem>>, %arg8: memref<!tpu.dma_semaphore, #tpu.memory_space<semaphore_mem>>, %arg9: memref<!tpu.dma_semaphore, #tpu.memory_space<semaphore_mem>>, %arg10: memref<!tpu.dma_semaphore, #tpu.memory_space<semaphore_mem>>, %arg11: memref<!tpu.dma_semaphore, #tpu.memory_space<semaphore_mem>>) attributes {dimension_semantics = [#tpu.dimension_semantics<core_parallel>, #tpu.dimension_semantics<subcore_parallel>], iteration_bounds = array<i64: 2, 16>, scalar_prefetch = 0 : i64, scratch_operands = 7 : i64, tpu.core_type = #tpu.core_type<sc_vector_subcore>, window_params = [{transform_indices = #map}, {transform_indices = #map1}, {transform_indices = #map}]} {
    %mul3A = arith.constant 2 : i32
    %mul3A_0 = arith.muli %arg1, %mul3A : i32
    %add3A = arith.addi %mul3A_0, %arg0 : i32
    %mul3A_1 = arith.constant 4096 : i32
    %mul3A_2 = arith.muli %add3A, %mul3A_1 : i32
    "tpu.region"() ({
      %run_scoped3A = tpu.sem_alloc : memref<!tpu.dma_semaphore, #tpu.memory_space<semaphore_mem>>
      %dma_start3A_50 = tpu.memref_slice %arg3[%mul3A_2] : memref<131072xi32, #tpu.memory_space<hbm>> -> memref<4096xi32, #tpu.memory_space<hbm>>
      %dma_start3A_51 = tpu.memref_slice %arg3[%mul3A_2] : memref<131072xi32, #tpu.memory_space<hbm>> -> memref<4096xi32, #tpu.memory_space<hbm>>
      tpu.enqueue_dma source(%dma_start3A_51 : memref<4096xi32, #tpu.memory_space<hbm>>) target(%arg5 : memref<4096xi32, #tpu.memory_space<vmem>>) target_semaphore(%run_scoped3A : memref<!tpu.dma_semaphore, #tpu.memory_space<semaphore_mem>>)
      %dma_wait3A_52 = tpu.memref_slice %arg3[%mul3A_2] : memref<131072xi32, #tpu.memory_space<hbm>> -> memref<4096xi32, #tpu.memory_space<hbm>>
      %dma_wait3A_53 = tpu.memref_slice %arg3[%mul3A_2] : memref<131072xi32, #tpu.memory_space<hbm>> -> memref<4096xi32, #tpu.memory_space<hbm>>
      tpu.wait_dma2 semaphore(%run_scoped3A : memref<!tpu.dma_semaphore, #tpu.memory_space<semaphore_mem>>) src(%dma_wait3A_53 : memref<4096xi32, #tpu.memory_space<hbm>>) dst(%arg5 : memref<4096xi32, #tpu.memory_space<vmem>>)
      tpu.yield
    }) : () -> ()
    %dma_start3A = arith.constant 0 : i32
    %dma_start3A_3 = tpu.memref_slice %arg5[%dma_start3A] : memref<4096xi32, #tpu.memory_space<vmem>> -> memref<128xi32, #tpu.memory_space<vmem>>
    %dma_start3A_4 = arith.constant 0 : i32
    %dma_start3A_5 = arith.constant 0 : i32
    %dma_start3A_6 = tpu.memref_slice %arg2[%dma_start3A_4, %dma_start3A_5] : memref<8192x128xf32, #tpu.memory_space<hbm>> -> memref<8192x128xf32, #tpu.memory_space<hbm>>
    tpu.enqueue_indirect_dma source(%dma_start3A_6 : memref<8192x128xf32, #tpu.memory_space<hbm>>) target(%arg6 : memref<128x128xf32, #tpu.memory_space<vmem>>) offsets(%dma_start3A_3 : memref<128xi32, #tpu.memory_space<vmem>>) semaphore(%arg8 : memref<!tpu.dma_semaphore, #tpu.memory_space<semaphore_mem>>)
    %dma_start3A_7 = arith.constant 128 : i32
    %dma_start3A_8 = tpu.memref_slice %arg5[%dma_start3A_7] : memref<4096xi32, #tpu.memory_space<vmem>> -> memref<128xi32, #tpu.memory_space<vmem>>
    %dma_start3A_9 = arith.constant 0 : i32
    %dma_start3A_10 = arith.constant 0 : i32
    %dma_start3A_11 = tpu.memref_slice %arg2[%dma_start3A_9, %dma_start3A_10] : memref<8192x128xf32, #tpu.memory_space<hbm>> -> memref<8192x128xf32, #tpu.memory_space<hbm>>
    tpu.enqueue_indirect_dma source(%dma_start3A_11 : memref<8192x128xf32, #tpu.memory_space<hbm>>) target(%arg7 : memref<128x128xf32, #tpu.memory_space<vmem>>) offsets(%dma_start3A_8 : memref<128xi32, #tpu.memory_space<vmem>>) semaphore(%arg9 : memref<!tpu.dma_semaphore, #tpu.memory_space<semaphore_mem>>)
    %scan3A = arith.constant 0 : i32
    %scan3A_12 = arith.constant 1 : i32
    %scan3A_13 = arith.constant 15 : i32
    %scan3A_14 = arith.addi %scan3A_12, %scan3A_13 : i32
    %scan3A_15 = arith.constant 1 : i32
    scf.for %scan3A_50 = %scan3A_12 to %scan3A_14 step %scan3A_15  : i32 {
      %mul3A_51 = arith.constant 2 : i32
      %mul3A_52 = arith.muli %mul3A_51, %scan3A_50 : i32
      %sub3A = arith.constant 2 : i32
      %sub3A_53 = arith.subi %mul3A_52, %sub3A : i32
      %mul3A_54 = arith.constant 128 : i32
      %mul3A_55 = arith.muli %sub3A_53, %mul3A_54 : i32
      %dma_wait3A_56 = tpu.memref_slice %arg5[%mul3A_55] : memref<4096xi32, #tpu.memory_space<vmem>> -> memref<128xi32, #tpu.memory_space<vmem>>
      %dma_wait3A_57 = arith.constant 0 : i32
      %dma_wait3A_58 = arith.constant 0 : i32
      %dma_wait3A_59 = tpu.memref_slice %arg2[%dma_wait3A_57, %dma_wait3A_58] : memref<8192x128xf32, #tpu.memory_space<hbm>> -> memref<8192x128xf32, #tpu.memory_space<hbm>>
      tpu.wait_indirect_dma semaphore(%arg8 : memref<!tpu.dma_semaphore, #tpu.memory_space<semaphore_mem>>) src(%dma_wait3A_59 : memref<8192x128xf32, #tpu.memory_space<hbm>>) dst(%arg6 : memref<128x128xf32, #tpu.memory_space<vmem>>)
      %mul3A_60 = arith.constant 128 : i32
      %mul3A_61 = arith.muli %sub3A_53, %mul3A_60 : i32
      %add3A_62 = arith.addi %mul3A_2, %mul3A_61 : i32
      %dma_start3A_63 = arith.constant 0 : i32
      %dma_start3A_64 = tpu.memref_slice %arg4[%add3A_62, %dma_start3A_63] : memref<131072x128xf32, #tpu.memory_space<hbm>> -> memref<128x128xf32, #tpu.memory_space<hbm>>
      %dma_start3A_65 = arith.constant 0 : i32
      %dma_start3A_66 = tpu.memref_slice %arg4[%add3A_62, %dma_start3A_65] : memref<131072x128xf32, #tpu.memory_space<hbm>> -> memref<128x128xf32, #tpu.memory_space<hbm>>
      tpu.enqueue_dma source(%arg6 : memref<128x128xf32, #tpu.memory_space<vmem>>) target(%dma_start3A_66 : memref<128x128xf32, #tpu.memory_space<hbm>>) target_semaphore(%arg10 : memref<!tpu.dma_semaphore, #tpu.memory_space<semaphore_mem>>)
      %mul3A_67 = arith.constant 128 : i32
      %mul3A_68 = arith.muli %sub3A_53, %mul3A_67 : i32
      %add3A_69 = arith.addi %mul3A_2, %mul3A_68 : i32
      %dma_wait3A_70 = arith.constant 0 : i32
      %dma_wait3A_71 = tpu.memref_slice %arg4[%add3A_69, %dma_wait3A_70] : memref<131072x128xf32, #tpu.memory_space<hbm>> -> memref<128x128xf32, #tpu.memory_space<hbm>>
      %dma_wait3A_72 = arith.constant 0 : i32
      %dma_wait3A_73 = tpu.memref_slice %arg4[%add3A_69, %dma_wait3A_72] : memref<131072x128xf32, #tpu.memory_space<hbm>> -> memref<128x128xf32, #tpu.memory_space<hbm>>
      tpu.wait_dma2 semaphore(%arg10 : memref<!tpu.dma_semaphore, #tpu.memory_space<semaphore_mem>>) src(%arg6 : memref<128x128xf32, #tpu.memory_space<vmem>>) dst(%dma_wait3A_73 : memref<128x128xf32, #tpu.memory_space<hbm>>)
      %mul3A_74 = arith.constant 2 : i32
      %mul3A_75 = arith.muli %mul3A_74, %scan3A_50 : i32
      %mul3A_76 = arith.constant 128 : i32
      %mul3A_77 = arith.muli %mul3A_75, %mul3A_76 : i32
      %dma_start3A_78 = tpu.memref_slice %arg5[%mul3A_77] : memref<4096xi32, #tpu.memory_space<vmem>> -> memref<128xi32, #tpu.memory_space<vmem>>
      %dma_start3A_79 = arith.constant 0 : i32
      %dma_start3A_80 = arith.constant 0 : i32
      %dma_start3A_81 = tpu.memref_slice %arg2[%dma_start3A_79, %dma_start3A_80] : memref<8192x128xf32, #tpu.memory_space<hbm>> -> memref<8192x128xf32, #tpu.memory_space<hbm>>
      tpu.enqueue_indirect_dma source(%dma_start3A_81 : memref<8192x128xf32, #tpu.memory_space<hbm>>) target(%arg6 : memref<128x128xf32, #tpu.memory_space<vmem>>) offsets(%dma_start3A_78 : memref<128xi32, #tpu.memory_space<vmem>>) semaphore(%arg8 : memref<!tpu.dma_semaphore, #tpu.memory_space<semaphore_mem>>)
      %add3A_82 = arith.constant 1 : i32
      %add3A_83 = arith.addi %sub3A_53, %add3A_82 : i32
      %mul3A_84 = arith.constant 128 : i32
      %mul3A_85 = arith.muli %add3A_83, %mul3A_84 : i32
      %dma_wait3A_86 = tpu.memref_slice %arg5[%mul3A_85] : memref<4096xi32, #tpu.memory_space<vmem>> -> memref<128xi32, #tpu.memory_space<vmem>>
      %dma_wait3A_87 = arith.constant 0 : i32
      %dma_wait3A_88 = arith.constant 0 : i32
      %dma_wait3A_89 = tpu.memref_slice %arg2[%dma_wait3A_87, %dma_wait3A_88] : memref<8192x128xf32, #tpu.memory_space<hbm>> -> memref<8192x128xf32, #tpu.memory_space<hbm>>
      tpu.wait_indirect_dma semaphore(%arg9 : memref<!tpu.dma_semaphore, #tpu.memory_space<semaphore_mem>>) src(%dma_wait3A_89 : memref<8192x128xf32, #tpu.memory_space<hbm>>) dst(%arg7 : memref<128x128xf32, #tpu.memory_space<vmem>>)
      %add3A_90 = arith.constant 1 : i32
      %add3A_91 = arith.addi %sub3A_53, %add3A_90 : i32
      %mul3A_92 = arith.constant 128 : i32
      %mul3A_93 = arith.muli %add3A_91, %mul3A_92 : i32
      %add3A_94 = arith.addi %mul3A_2, %mul3A_93 : i32
      %dma_start3A_95 = arith.constant 0 : i32
      %dma_start3A_96 = tpu.memref_slice %arg4[%add3A_94, %dma_start3A_95] : memref<131072x128xf32, #tpu.memory_space<hbm>> -> memref<128x128xf32, #tpu.memory_space<hbm>>
      %dma_start3A_97 = arith.constant 0 : i32
      %dma_start3A_98 = tpu.memref_slice %arg4[%add3A_94, %dma_start3A_97] : memref<131072x128xf32, #tpu.memory_space<hbm>> -> memref<128x128xf32, #tpu.memory_space<hbm>>
      tpu.enqueue_dma source(%arg7 : memref<128x128xf32, #tpu.memory_space<vmem>>) target(%dma_start3A_98 : memref<128x128xf32, #tpu.memory_space<hbm>>) target_semaphore(%arg11 : memref<!tpu.dma_semaphore, #tpu.memory_space<semaphore_mem>>)
      %add3A_99 = arith.constant 1 : i32
      %add3A_100 = arith.addi %sub3A_53, %add3A_99 : i32
      %mul3A_101 = arith.constant 128 : i32
      %mul3A_102 = arith.muli %add3A_100, %mul3A_101 : i32
      %add3A_103 = arith.addi %mul3A_2, %mul3A_102 : i32
      %dma_wait3A_104 = arith.constant 0 : i32
      %dma_wait3A_105 = tpu.memref_slice %arg4[%add3A_103, %dma_wait3A_104] : memref<131072x128xf32, #tpu.memory_space<hbm>> -> memref<128x128xf32, #tpu.memory_space<hbm>>
      %dma_wait3A_106 = arith.constant 0 : i32
      %dma_wait3A_107 = tpu.memref_slice %arg4[%add3A_103, %dma_wait3A_106] : memref<131072x128xf32, #tpu.memory_space<hbm>> -> memref<128x128xf32, #tpu.memory_space<hbm>>
      tpu.wait_dma2 semaphore(%arg11 : memref<!tpu.dma_semaphore, #tpu.memory_space<semaphore_mem>>) src(%arg7 : memref<128x128xf32, #tpu.memory_space<vmem>>) dst(%dma_wait3A_107 : memref<128x128xf32, #tpu.memory_space<hbm>>)
      %mul3A_108 = arith.constant 2 : i32
      %mul3A_109 = arith.muli %mul3A_108, %scan3A_50 : i32
      %add3A_110 = arith.constant 1 : i32
      %add3A_111 = arith.addi %mul3A_109, %add3A_110 : i32
      %mul3A_112 = arith.constant 128 : i32
      %mul3A_113 = arith.muli %add3A_111, %mul3A_112 : i32
      %dma_start3A_114 = tpu.memref_slice %arg5[%mul3A_113] : memref<4096xi32, #tpu.memory_space<vmem>> -> memref<128xi32, #tpu.memory_space<vmem>>
      %dma_start3A_115 = arith.constant 0 : i32
      %dma_start3A_116 = arith.constant 0 : i32
      %dma_start3A_117 = tpu.memref_slice %arg2[%dma_start3A_115, %dma_start3A_116] : memref<8192x128xf32, #tpu.memory_space<hbm>> -> memref<8192x128xf32, #tpu.memory_space<hbm>>
      tpu.enqueue_indirect_dma source(%dma_start3A_117 : memref<8192x128xf32, #tpu.memory_space<hbm>>) target(%arg7 : memref<128x128xf32, #tpu.memory_space<vmem>>) offsets(%dma_start3A_114 : memref<128xi32, #tpu.memory_space<vmem>>) semaphore(%arg9 : memref<!tpu.dma_semaphore, #tpu.memory_space<semaphore_mem>>)
    }
    %scan3A_16 = arith.constant 15 : i32
    %dma_wait3A = arith.constant 3840 : i32
    %dma_wait3A_17 = tpu.memref_slice %arg5[%dma_wait3A] : memref<4096xi32, #tpu.memory_space<vmem>> -> memref<128xi32, #tpu.memory_space<vmem>>
    %dma_wait3A_18 = arith.constant 0 : i32
    %dma_wait3A_19 = arith.constant 0 : i32
    %dma_wait3A_20 = tpu.memref_slice %arg2[%dma_wait3A_18, %dma_wait3A_19] : memref<8192x128xf32, #tpu.memory_space<hbm>> -> memref<8192x128xf32, #tpu.memory_space<hbm>>
    tpu.wait_indirect_dma semaphore(%arg8 : memref<!tpu.dma_semaphore, #tpu.memory_space<semaphore_mem>>) src(%dma_wait3A_20 : memref<8192x128xf32, #tpu.memory_space<hbm>>) dst(%arg6 : memref<128x128xf32, #tpu.memory_space<vmem>>)
    %add3A_21 = arith.constant 3840 : i32
    %add3A_22 = arith.addi %mul3A_2, %add3A_21 : i32
    %dma_start3A_23 = arith.constant 0 : i32
    %dma_start3A_24 = tpu.memref_slice %arg4[%add3A_22, %dma_start3A_23] : memref<131072x128xf32, #tpu.memory_space<hbm>> -> memref<128x128xf32, #tpu.memory_space<hbm>>
    %dma_start3A_25 = arith.constant 0 : i32
    %dma_start3A_26 = tpu.memref_slice %arg4[%add3A_22, %dma_start3A_25] : memref<131072x128xf32, #tpu.memory_space<hbm>> -> memref<128x128xf32, #tpu.memory_space<hbm>>
    tpu.enqueue_dma source(%arg6 : memref<128x128xf32, #tpu.memory_space<vmem>>) target(%dma_start3A_26 : memref<128x128xf32, #tpu.memory_space<hbm>>) target_semaphore(%arg10 : memref<!tpu.dma_semaphore, #tpu.memory_space<semaphore_mem>>)
    %dma_wait3A_27 = arith.constant 3968 : i32
    %dma_wait3A_28 = tpu.memref_slice %arg5[%dma_wait3A_27] : memref<4096xi32, #tpu.memory_space<vmem>> -> memref<128xi32, #tpu.memory_space<vmem>>
    %dma_wait3A_29 = arith.constant 0 : i32
    %dma_wait3A_30 = arith.constant 0 : i32
    %dma_wait3A_31 = tpu.memref_slice %arg2[%dma_wait3A_29, %dma_wait3A_30] : memref<8192x128xf32, #tpu.memory_space<hbm>> -> memref<8192x128xf32, #tpu.memory_space<hbm>>
    tpu.wait_indirect_dma semaphore(%arg9 : memref<!tpu.dma_semaphore, #tpu.memory_space<semaphore_mem>>) src(%dma_wait3A_31 : memref<8192x128xf32, #tpu.memory_space<hbm>>) dst(%arg7 : memref<128x128xf32, #tpu.memory_space<vmem>>)
    %add3A_32 = arith.constant 3968 : i32
    %add3A_33 = arith.addi %mul3A_2, %add3A_32 : i32
    %dma_start3A_34 = arith.constant 0 : i32
    %dma_start3A_35 = tpu.memref_slice %arg4[%add3A_33, %dma_start3A_34] : memref<131072x128xf32, #tpu.memory_space<hbm>> -> memref<128x128xf32, #tpu.memory_space<hbm>>
    %dma_start3A_36 = arith.constant 0 : i32
    %dma_start3A_37 = tpu.memref_slice %arg4[%add3A_33, %dma_start3A_36] : memref<131072x128xf32, #tpu.memory_space<hbm>> -> memref<128x128xf32, #tpu.memory_space<hbm>>
    tpu.enqueue_dma source(%arg7 : memref<128x128xf32, #tpu.memory_space<vmem>>) target(%dma_start3A_37 : memref<128x128xf32, #tpu.memory_space<hbm>>) target_semaphore(%arg11 : memref<!tpu.dma_semaphore, #tpu.memory_space<semaphore_mem>>)
    %add3A_38 = arith.constant 3840 : i32
    %add3A_39 = arith.addi %mul3A_2, %add3A_38 : i32
    %dma_wait3A_40 = arith.constant 0 : i32
    %dma_wait3A_41 = tpu.memref_slice %arg4[%add3A_39, %dma_wait3A_40] : memref<131072x128xf32, #tpu.memory_space<hbm>> -> memref<128x128xf32, #tpu.memory_space<hbm>>
    %dma_wait3A_42 = arith.constant 0 : i32
    %dma_wait3A_43 = tpu.memref_slice %arg4[%add3A_39, %dma_wait3A_42] : memref<131072x128xf32, #tpu.memory_space<hbm>> -> memref<128x128xf32, #tpu.memory_space<hbm>>
    tpu.wait_dma2 semaphore(%arg10 : memref<!tpu.dma_semaphore, #tpu.memory_space<semaphore_mem>>) src(%arg6 : memref<128x128xf32, #tpu.memory_space<vmem>>) dst(%dma_wait3A_43 : memref<128x128xf32, #tpu.memory_space<hbm>>)
    %add3A_44 = arith.constant 3968 : i32
    %add3A_45 = arith.addi %mul3A_2, %add3A_44 : i32
    %dma_wait3A_46 = arith.constant 0 : i32
    %dma_wait3A_47 = tpu.memref_slice %arg4[%add3A_45, %dma_wait3A_46] : memref<131072x128xf32, #tpu.memory_space<hbm>> -> memref<128x128xf32, #tpu.memory_space<hbm>>
    %dma_wait3A_48 = arith.constant 0 : i32
    %dma_wait3A_49 = tpu.memref_slice %arg4[%add3A_45, %dma_wait3A_48] : memref<131072x128xf32, #tpu.memory_space<hbm>> -> memref<128x128xf32, #tpu.memory_space<hbm>>
    tpu.wait_dma2 semaphore(%arg11 : memref<!tpu.dma_semaphore, #tpu.memory_space<semaphore_mem>>) src(%arg7 : memref<128x128xf32, #tpu.memory_space<vmem>>) dst(%dma_wait3A_49 : memref<128x128xf32, #tpu.memory_space<hbm>>)
    return
  }
}

#map = affine_map<(d0, d1) -> (0, 0)>
#map1 = affine_map<(d0, d1) -> (0)>
module attributes {stable_mosaic.version = 14 : i64} {
  func.func @gk(%arg0: i32, %arg1: i32, %arg2: memref<8192x128xf32, #tpu.memory_space<hbm>>, %arg3: memref<131072xi32, #tpu.memory_space<hbm>>, %arg4: memref<131072x128xf32, #tpu.memory_space<hbm>>, %arg5: memref<4096xi32, #tpu.memory_space<vmem>>, %arg6: memref<128x128xf32, #tpu.memory_space<vmem>>, %arg7: memref<128x128xf32, #tpu.memory_space<vmem>>, %arg8: memref<!tpu.dma_semaphore, #tpu.memory_space<semaphore_mem>>, %arg9: memref<!tpu.dma_semaphore, #tpu.memory_space<semaphore_mem>>, %arg10: memref<!tpu.dma_semaphore, #tpu.memory_space<semaphore_mem>>, %arg11: memref<!tpu.dma_semaphore, #tpu.memory_space<semaphore_mem>>) attributes {dimension_semantics = [#tpu.dimension_semantics<core_parallel>, #tpu.dimension_semantics<subcore_parallel>], iteration_bounds = array<i64: 2, 16>, scalar_prefetch = 0 : i64, scratch_operands = 7 : i64, tpu.core_type = #tpu.core_type<sc_vector_subcore>, window_params = [{transform_indices = #map}, {transform_indices = #map1}, {transform_indices = #map}]} {
    %mul3A = arith.constant 2 : i32
    %mul3A_0 = arith.muli %arg1, %mul3A : i32
    %add3A = arith.addi %mul3A_0, %arg0 : i32
    %mul3A_1 = arith.constant 4096 : i32
    %mul3A_2 = arith.muli %add3A, %mul3A_1 : i32
    "tpu.region"() ({
      %run_scoped3A = tpu.sem_alloc : memref<!tpu.dma_semaphore, #tpu.memory_space<semaphore_mem>>
      %dma_start3A_50 = tpu.memref_slice %arg3[%mul3A_2] : memref<131072xi32, #tpu.memory_space<hbm>> -> memref<4096xi32, #tpu.memory_space<hbm>>
      %dma_start3A_51 = tpu.memref_slice %arg3[%mul3A_2] : memref<131072xi32, #tpu.memory_space<hbm>> -> memref<4096xi32, #tpu.memory_space<hbm>>
      tpu.enqueue_dma source(%dma_start3A_51 : memref<4096xi32, #tpu.memory_space<hbm>>) target(%arg5 : memref<4096xi32, #tpu.memory_space<vmem>>) target_semaphore(%run_scoped3A : memref<!tpu.dma_semaphore, #tpu.memory_space<semaphore_mem>>)
      %dma_wait3A_52 = tpu.memref_slice %arg3[%mul3A_2] : memref<131072xi32, #tpu.memory_space<hbm>> -> memref<4096xi32, #tpu.memory_space<hbm>>
      %dma_wait3A_53 = tpu.memref_slice %arg3[%mul3A_2] : memref<131072xi32, #tpu.memory_space<hbm>> -> memref<4096xi32, #tpu.memory_space<hbm>>
      tpu.wait_dma2 semaphore(%run_scoped3A : memref<!tpu.dma_semaphore, #tpu.memory_space<semaphore_mem>>) src(%dma_wait3A_53 : memref<4096xi32, #tpu.memory_space<hbm>>) dst(%arg5 : memref<4096xi32, #tpu.memory_space<vmem>>)
      tpu.yield
    }) : () -> ()
    %dma_start3A = arith.constant 0 : i32
    %dma_start3A_3 = tpu.memref_slice %arg5[%dma_start3A] : memref<4096xi32, #tpu.memory_space<vmem>> -> memref<128xi32, #tpu.memory_space<vmem>>
    %dma_start3A_4 = arith.constant 0 : i32
    %dma_start3A_5 = arith.constant 0 : i32
    %dma_start3A_6 = tpu.memref_slice %arg2[%dma_start3A_4, %dma_start3A_5] : memref<8192x128xf32, #tpu.memory_space<hbm>> -> memref<8192x128xf32, #tpu.memory_space<hbm>>
    tpu.enqueue_indirect_dma source(%dma_start3A_6 : memref<8192x128xf32, #tpu.memory_space<hbm>>) target(%arg6 : memref<128x128xf32, #tpu.memory_space<vmem>>) offsets(%dma_start3A_3 : memref<128xi32, #tpu.memory_space<vmem>>) semaphore(%arg8 : memref<!tpu.dma_semaphore, #tpu.memory_space<semaphore_mem>>)
    %dma_start3A_7 = arith.constant 128 : i32
    %dma_start3A_8 = tpu.memref_slice %arg5[%dma_start3A_7] : memref<4096xi32, #tpu.memory_space<vmem>> -> memref<128xi32, #tpu.memory_space<vmem>>
    %dma_start3A_9 = arith.constant 0 : i32
    %dma_start3A_10 = arith.constant 0 : i32
    %dma_start3A_11 = tpu.memref_slice %arg2[%dma_start3A_9, %dma_start3A_10] : memref<8192x128xf32, #tpu.memory_space<hbm>> -> memref<8192x128xf32, #tpu.memory_space<hbm>>
    tpu.enqueue_indirect_dma source(%dma_start3A_11 : memref<8192x128xf32, #tpu.memory_space<hbm>>) target(%arg7 : memref<128x128xf32, #tpu.memory_space<vmem>>) offsets(%dma_start3A_8 : memref<128xi32, #tpu.memory_space<vmem>>) semaphore(%arg9 : memref<!tpu.dma_semaphore, #tpu.memory_space<semaphore_mem>>)
    %scan3A = arith.constant 0 : i32
    %scan3A_12 = arith.constant 1 : i32
    %scan3A_13 = arith.constant 15 : i32
    %scan3A_14 = arith.addi %scan3A_12, %scan3A_13 : i32
    %scan3A_15 = arith.constant 1 : i32
    scf.for %scan3A_50 = %scan3A_12 to %scan3A_14 step %scan3A_15  : i32 {
      %mul3A_51 = arith.constant 2 : i32
      %mul3A_52 = arith.muli %mul3A_51, %scan3A_50 : i32
      %sub3A = arith.constant 2 : i32
      %sub3A_53 = arith.subi %mul3A_52, %sub3A : i32
      %mul3A_54 = arith.constant 128 : i32
      %mul3A_55 = arith.muli %sub3A_53, %mul3A_54 : i32
      %dma_wait3A_56 = tpu.memref_slice %arg5[%mul3A_55] : memref<4096xi32, #tpu.memory_space<vmem>> -> memref<128xi32, #tpu.memory_space<vmem>>
      %dma_wait3A_57 = arith.constant 0 : i32
      %dma_wait3A_58 = arith.constant 0 : i32
      %dma_wait3A_59 = tpu.memref_slice %arg2[%dma_wait3A_57, %dma_wait3A_58] : memref<8192x128xf32, #tpu.memory_space<hbm>> -> memref<8192x128xf32, #tpu.memory_space<hbm>>
      tpu.wait_indirect_dma semaphore(%arg8 : memref<!tpu.dma_semaphore, #tpu.memory_space<semaphore_mem>>) src(%dma_wait3A_59 : memref<8192x128xf32, #tpu.memory_space<hbm>>) dst(%arg6 : memref<128x128xf32, #tpu.memory_space<vmem>>)
      %mul3A_60 = arith.constant 128 : i32
      %mul3A_61 = arith.muli %sub3A_53, %mul3A_60 : i32
      %add3A_62 = arith.addi %mul3A_2, %mul3A_61 : i32
      %dma_start3A_63 = arith.constant 0 : i32
      %dma_start3A_64 = tpu.memref_slice %arg4[%add3A_62, %dma_start3A_63] : memref<131072x128xf32, #tpu.memory_space<hbm>> -> memref<128x128xf32, #tpu.memory_space<hbm>>
      %dma_start3A_65 = arith.constant 0 : i32
      %dma_start3A_66 = tpu.memref_slice %arg4[%add3A_62, %dma_start3A_65] : memref<131072x128xf32, #tpu.memory_space<hbm>> -> memref<128x128xf32, #tpu.memory_space<hbm>>
      tpu.enqueue_dma source(%arg6 : memref<128x128xf32, #tpu.memory_space<vmem>>) target(%dma_start3A_66 : memref<128x128xf32, #tpu.memory_space<hbm>>) target_semaphore(%arg10 : memref<!tpu.dma_semaphore, #tpu.memory_space<semaphore_mem>>)
      %mul3A_67 = arith.constant 128 : i32
      %mul3A_68 = arith.muli %sub3A_53, %mul3A_67 : i32
      %add3A_69 = arith.addi %mul3A_2, %mul3A_68 : i32
      %dma_wait3A_70 = arith.constant 0 : i32
      %dma_wait3A_71 = tpu.memref_slice %arg4[%add3A_69, %dma_wait3A_70] : memref<131072x128xf32, #tpu.memory_space<hbm>> -> memref<128x128xf32, #tpu.memory_space<hbm>>
      %dma_wait3A_72 = arith.constant 0 : i32
      %dma_wait3A_73 = tpu.memref_slice %arg4[%add3A_69, %dma_wait3A_72] : memref<131072x128xf32, #tpu.memory_space<hbm>> -> memref<128x128xf32, #tpu.memory_space<hbm>>
      tpu.wait_dma2 semaphore(%arg10 : memref<!tpu.dma_semaphore, #tpu.memory_space<semaphore_mem>>) src(%arg6 : memref<128x128xf32, #tpu.memory_space<vmem>>) dst(%dma_wait3A_73 : memref<128x128xf32, #tpu.memory_space<hbm>>)
      %mul3A_74 = arith.constant 2 : i32
      %mul3A_75 = arith.muli %mul3A_74, %scan3A_50 : i32
      %mul3A_76 = arith.constant 128 : i32
      %mul3A_77 = arith.muli %mul3A_75, %mul3A_76 : i32
      %dma_start3A_78 = tpu.memref_slice %arg5[%mul3A_77] : memref<4096xi32, #tpu.memory_space<vmem>> -> memref<128xi32, #tpu.memory_space<vmem>>
      %dma_start3A_79 = arith.constant 0 : i32
      %dma_start3A_80 = arith.constant 0 : i32
      %dma_start3A_81 = tpu.memref_slice %arg2[%dma_start3A_79, %dma_start3A_80] : memref<8192x128xf32, #tpu.memory_space<hbm>> -> memref<8192x128xf32, #tpu.memory_space<hbm>>
      tpu.enqueue_indirect_dma source(%dma_start3A_81 : memref<8192x128xf32, #tpu.memory_space<hbm>>) target(%arg6 : memref<128x128xf32, #tpu.memory_space<vmem>>) offsets(%dma_start3A_78 : memref<128xi32, #tpu.memory_space<vmem>>) semaphore(%arg8 : memref<!tpu.dma_semaphore, #tpu.memory_space<semaphore_mem>>)
      %add3A_82 = arith.constant 1 : i32
      %add3A_83 = arith.addi %sub3A_53, %add3A_82 : i32
      %mul3A_84 = arith.constant 128 : i32
      %mul3A_85 = arith.muli %add3A_83, %mul3A_84 : i32
      %dma_wait3A_86 = tpu.memref_slice %arg5[%mul3A_85] : memref<4096xi32, #tpu.memory_space<vmem>> -> memref<128xi32, #tpu.memory_space<vmem>>
      %dma_wait3A_87 = arith.constant 0 : i32
      %dma_wait3A_88 = arith.constant 0 : i32
      %dma_wait3A_89 = tpu.memref_slice %arg2[%dma_wait3A_87, %dma_wait3A_88] : memref<8192x128xf32, #tpu.memory_space<hbm>> -> memref<8192x128xf32, #tpu.memory_space<hbm>>
      tpu.wait_indirect_dma semaphore(%arg9 : memref<!tpu.dma_semaphore, #tpu.memory_space<semaphore_mem>>) src(%dma_wait3A_89 : memref<8192x128xf32, #tpu.memory_space<hbm>>) dst(%arg7 : memref<128x128xf32, #tpu.memory_space<vmem>>)
      %add3A_90 = arith.constant 1 : i32
      %add3A_91 = arith.addi %sub3A_53, %add3A_90 : i32
      %mul3A_92 = arith.constant 128 : i32
      %mul3A_93 = arith.muli %add3A_91, %mul3A_92 : i32
      %add3A_94 = arith.addi %mul3A_2, %mul3A_93 : i32
      %dma_start3A_95 = arith.constant 0 : i32
      %dma_start3A_96 = tpu.memref_slice %arg4[%add3A_94, %dma_start3A_95] : memref<131072x128xf32, #tpu.memory_space<hbm>> -> memref<128x128xf32, #tpu.memory_space<hbm>>
      %dma_start3A_97 = arith.constant 0 : i32
      %dma_start3A_98 = tpu.memref_slice %arg4[%add3A_94, %dma_start3A_97] : memref<131072x128xf32, #tpu.memory_space<hbm>> -> memref<128x128xf32, #tpu.memory_space<hbm>>
      tpu.enqueue_dma source(%arg7 : memref<128x128xf32, #tpu.memory_space<vmem>>) target(%dma_start3A_98 : memref<128x128xf32, #tpu.memory_space<hbm>>) target_semaphore(%arg11 : memref<!tpu.dma_semaphore, #tpu.memory_space<semaphore_mem>>)
      %add3A_99 = arith.constant 1 : i32
      %add3A_100 = arith.addi %sub3A_53, %add3A_99 : i32
      %mul3A_101 = arith.constant 128 : i32
      %mul3A_102 = arith.muli %add3A_100, %mul3A_101 : i32
      %add3A_103 = arith.addi %mul3A_2, %mul3A_102 : i32
      %dma_wait3A_104 = arith.constant 0 : i32
      %dma_wait3A_105 = tpu.memref_slice %arg4[%add3A_103, %dma_wait3A_104] : memref<131072x128xf32, #tpu.memory_space<hbm>> -> memref<128x128xf32, #tpu.memory_space<hbm>>
      %dma_wait3A_106 = arith.constant 0 : i32
      %dma_wait3A_107 = tpu.memref_slice %arg4[%add3A_103, %dma_wait3A_106] : memref<131072x128xf32, #tpu.memory_space<hbm>> -> memref<128x128xf32, #tpu.memory_space<hbm>>
      tpu.wait_dma2 semaphore(%arg11 : memref<!tpu.dma_semaphore, #tpu.memory_space<semaphore_mem>>) src(%arg7 : memref<128x128xf32, #tpu.memory_space<vmem>>) dst(%dma_wait3A_107 : memref<128x128xf32, #tpu.memory_space<hbm>>)
      %mul3A_108 = arith.constant 2 : i32
      %mul3A_109 = arith.muli %mul3A_108, %scan3A_50 : i32
      %add3A_110 = arith.constant 1 : i32
      %add3A_111 = arith.addi %mul3A_109, %add3A_110 : i32
      %mul3A_112 = arith.constant 128 : i32
      %mul3A_113 = arith.muli %add3A_111, %mul3A_112 : i32
      %dma_start3A_114 = tpu.memref_slice %arg5[%mul3A_113] : memref<4096xi32, #tpu.memory_space<vmem>> -> memref<128xi32, #tpu.memory_space<vmem>>
      %dma_start3A_115 = arith.constant 0 : i32
      %dma_start3A_116 = arith.constant 0 : i32
      %dma_start3A_117 = tpu.memref_slice %arg2[%dma_start3A_115, %dma_start3A_116] : memref<8192x128xf32, #tpu.memory_space<hbm>> -> memref<8192x128xf32, #tpu.memory_space<hbm>>
      tpu.enqueue_indirect_dma source(%dma_start3A_117 : memref<8192x128xf32, #tpu.memory_space<hbm>>) target(%arg7 : memref<128x128xf32, #tpu.memory_space<vmem>>) offsets(%dma_start3A_114 : memref<128xi32, #tpu.memory_space<vmem>>) semaphore(%arg9 : memref<!tpu.dma_semaphore, #tpu.memory_space<semaphore_mem>>)
    }
    %scan3A_16 = arith.constant 15 : i32
    %dma_wait3A = arith.constant 3840 : i32
    %dma_wait3A_17 = tpu.memref_slice %arg5[%dma_wait3A] : memref<4096xi32, #tpu.memory_space<vmem>> -> memref<128xi32, #tpu.memory_space<vmem>>
    %dma_wait3A_18 = arith.constant 0 : i32
    %dma_wait3A_19 = arith.constant 0 : i32
    %dma_wait3A_20 = tpu.memref_slice %arg2[%dma_wait3A_18, %dma_wait3A_19] : memref<8192x128xf32, #tpu.memory_space<hbm>> -> memref<8192x128xf32, #tpu.memory_space<hbm>>
    tpu.wait_indirect_dma semaphore(%arg8 : memref<!tpu.dma_semaphore, #tpu.memory_space<semaphore_mem>>) src(%dma_wait3A_20 : memref<8192x128xf32, #tpu.memory_space<hbm>>) dst(%arg6 : memref<128x128xf32, #tpu.memory_space<vmem>>)
    %add3A_21 = arith.constant 3840 : i32
    %add3A_22 = arith.addi %mul3A_2, %add3A_21 : i32
    %dma_start3A_23 = arith.constant 0 : i32
    %dma_start3A_24 = tpu.memref_slice %arg4[%add3A_22, %dma_start3A_23] : memref<131072x128xf32, #tpu.memory_space<hbm>> -> memref<128x128xf32, #tpu.memory_space<hbm>>
    %dma_start3A_25 = arith.constant 0 : i32
    %dma_start3A_26 = tpu.memref_slice %arg4[%add3A_22, %dma_start3A_25] : memref<131072x128xf32, #tpu.memory_space<hbm>> -> memref<128x128xf32, #tpu.memory_space<hbm>>
    tpu.enqueue_dma source(%arg6 : memref<128x128xf32, #tpu.memory_space<vmem>>) target(%dma_start3A_26 : memref<128x128xf32, #tpu.memory_space<hbm>>) target_semaphore(%arg10 : memref<!tpu.dma_semaphore, #tpu.memory_space<semaphore_mem>>)
    %dma_wait3A_27 = arith.constant 3968 : i32
    %dma_wait3A_28 = tpu.memref_slice %arg5[%dma_wait3A_27] : memref<4096xi32, #tpu.memory_space<vmem>> -> memref<128xi32, #tpu.memory_space<vmem>>
    %dma_wait3A_29 = arith.constant 0 : i32
    %dma_wait3A_30 = arith.constant 0 : i32
    %dma_wait3A_31 = tpu.memref_slice %arg2[%dma_wait3A_29, %dma_wait3A_30] : memref<8192x128xf32, #tpu.memory_space<hbm>> -> memref<8192x128xf32, #tpu.memory_space<hbm>>
    tpu.wait_indirect_dma semaphore(%arg9 : memref<!tpu.dma_semaphore, #tpu.memory_space<semaphore_mem>>) src(%dma_wait3A_31 : memref<8192x128xf32, #tpu.memory_space<hbm>>) dst(%arg7 : memref<128x128xf32, #tpu.memory_space<vmem>>)
    %add3A_32 = arith.constant 3968 : i32
    %add3A_33 = arith.addi %mul3A_2, %add3A_32 : i32
    %dma_start3A_34 = arith.constant 0 : i32
    %dma_start3A_35 = tpu.memref_slice %arg4[%add3A_33, %dma_start3A_34] : memref<131072x128xf32, #tpu.memory_space<hbm>> -> memref<128x128xf32, #tpu.memory_space<hbm>>
    %dma_start3A_36 = arith.constant 0 : i32
    %dma_start3A_37 = tpu.memref_slice %arg4[%add3A_33, %dma_start3A_36] : memref<131072x128xf32, #tpu.memory_space<hbm>> -> memref<128x128xf32, #tpu.memory_space<hbm>>
    tpu.enqueue_dma source(%arg7 : memref<128x128xf32, #tpu.memory_space<vmem>>) target(%dma_start3A_37 : memref<128x128xf32, #tpu.memory_space<hbm>>) target_semaphore(%arg11 : memref<!tpu.dma_semaphore, #tpu.memory_space<semaphore_mem>>)
    %add3A_38 = arith.constant 3840 : i32
    %add3A_39 = arith.addi %mul3A_2, %add3A_38 : i32
    %dma_wait3A_40 = arith.constant 0 : i32
    %dma_wait3A_41 = tpu.memref_slice %arg4[%add3A_39, %dma_wait3A_40] : memref<131072x128xf32, #tpu.memory_space<hbm>> -> memref<128x128xf32, #tpu.memory_space<hbm>>
    %dma_wait3A_42 = arith.constant 0 : i32
    %dma_wait3A_43 = tpu.memref_slice %arg4[%add3A_39, %dma_wait3A_42] : memref<131072x128xf32, #tpu.memory_space<hbm>> -> memref<128x128xf32, #tpu.memory_space<hbm>>
    tpu.wait_dma2 semaphore(%arg10 : memref<!tpu.dma_semaphore, #tpu.memory_space<semaphore_mem>>) src(%arg6 : memref<128x128xf32, #tpu.memory_space<vmem>>) dst(%dma_wait3A_43 : memref<128x128xf32, #tpu.memory_space<hbm>>)
    %add3A_44 = arith.constant 3968 : i32
    %add3A_45 = arith.addi %mul3A_2, %add3A_44 : i32
    %dma_wait3A_46 = arith.constant 0 : i32
    %dma_wait3A_47 = tpu.memref_slice %arg4[%add3A_45, %dma_wait3A_46] : memref<131072x128xf32, #tpu.memory_space<hbm>> -> memref<128x128xf32, #tpu.memory_space<hbm>>
    %dma_wait3A_48 = arith.constant 0 : i32
    %dma_wait3A_49 = tpu.memref_slice %arg4[%add3A_45, %dma_wait3A_48] : memref<131072x128xf32, #tpu.memory_space<hbm>> -> memref<128x128xf32, #tpu.memory_space<hbm>>
    tpu.wait_dma2 semaphore(%arg11 : memref<!tpu.dma_semaphore, #tpu.memory_space<semaphore_mem>>) src(%arg7 : memref<128x128xf32, #tpu.memory_space<vmem>>) dst(%dma_wait3A_49 : memref<128x128xf32, #tpu.memory_space<hbm>>)
    return
  }
}

module attributes {stable_mosaic.version = 14 : i64} {
  func.func @_edge_body(%arg0: i32, %arg1: memref<512x128xf32, #tpu.memory_space<vmem>>, %arg2: memref<16x512x128xf32, #tpu.memory_space<vmem>>, %arg3: memref<128x128xf32, #tpu.memory_space<vmem>>, %arg4: memref<128x128xf32, #tpu.memory_space<vmem>>, %arg5: memref<1x128xf32, #tpu.memory_space<vmem>>, %arg6: memref<512x128xf32, #tpu.memory_space<vmem>>) attributes {dimension_semantics = [#tpu.dimension_semantics<arbitrary>], iteration_bounds = array<i64: 16>, scalar_prefetch = 0 : i64, scratch_operands = 0 : i64, tpu.core_type = #tpu.core_type<tc>, window_params = [{transform_indices = @transform_0, window_bounds = array<i64: 512, 128>}, {transform_indices = @transform_1, window_bounds = array<i64: 16, 512, 128>}, {pipeline_mode = #tpu.pipeline_mode<synchronous>, transform_indices = @transform_2, window_bounds = array<i64: 128, 128>}, {pipeline_mode = #tpu.pipeline_mode<synchronous>, transform_indices = @transform_3, window_bounds = array<i64: 128, 128>}, {pipeline_mode = #tpu.pipeline_mode<synchronous>, transform_indices = @transform_4, window_bounds = array<i64: 1, 128>}, {transform_indices = @transform_5, window_bounds = array<i64: 512, 128>}]} {
    %get3A = arith.constant 0 : index
    %get3A_0 = arith.constant 0 : index
    %get3A_1 = vector.load %arg1[%get3A, %get3A_0] : memref<512x128xf32, #tpu.memory_space<vmem>>, vector<512x128xf32>
    %get3A_2 = arith.constant 0 : index
    %get3A_3 = arith.constant 0 : index
    %get3A_4 = vector.load %arg4[%get3A_2, %get3A_3] : memref<128x128xf32, #tpu.memory_space<vmem>>, vector<128x128xf32>
    %dot_general3A = arith.constant dense<0.000000e+00> : vector<512x128xf32>
    %dot_general3A_5 = tpu.matmul %get3A_1, %get3A_4, %dot_general3A {dimension_numbers = #tpu.dot_dimension_numbers<[1], [0], [0], [1], [0, 0, 1, 1], [], []>, transpose_lhs_hint = false} : vector<512x128xf32>, vector<128x128xf32>, vector<512x128xf32> -> vector<512x128xf32>
    %get3A_6 = arith.constant 0 : index
    %get3A_7 = arith.constant 0 : index
    %get3A_8 = vector.load %arg5[%get3A_6, %get3A_7] : memref<1x128xf32, #tpu.memory_space<vmem>>, vector<1x128xf32>
    %add3A = vector.broadcast %get3A_8 : vector<1x128xf32> to vector<512x128xf32>
    %add3A_9 = arith.addf %dot_general3A_5, %add3A : vector<512x128xf32>
    %get3A_10 = arith.constant 0 : index
    %get3A_11 = arith.constant 0 : index
    %get3A_12 = arith.constant 0 : index
    %get3A_13 = vector.load %arg2[%get3A_10, %get3A_11, %get3A_12] : memref<16x512x128xf32, #tpu.memory_space<vmem>>, vector<1x512x128xf32>
    %get3A_14 = vector.shape_cast %get3A_13 : vector<1x512x128xf32> to vector<512x128xf32>
    %sub3A = arith.subf %get3A_14, %get3A_1 : vector<512x128xf32>
    %get3A_15 = arith.constant 0 : index
    %get3A_16 = arith.constant 0 : index
    %get3A_17 = vector.load %arg3[%get3A_15, %get3A_16] : memref<128x128xf32, #tpu.memory_space<vmem>>, vector<128x128xf32>
    %dot_general3A_18 = arith.constant dense<0.000000e+00> : vector<512x128xf32>
    %dot_general3A_19 = tpu.matmul %sub3A, %get3A_17, %dot_general3A_18 {dimension_numbers = #tpu.dot_dimension_numbers<[1], [0], [0], [1], [0, 0, 1, 1], [], []>, transpose_lhs_hint = false} : vector<512x128xf32>, vector<128x128xf32>, vector<512x128xf32> -> vector<512x128xf32>
    %add3A_20 = arith.addf %dot_general3A_19, %add3A_9 : vector<512x128xf32>
    %get3A_21 = arith.constant 1 : index
    %get3A_22 = arith.constant 0 : index
    %get3A_23 = arith.constant 0 : index
    %get3A_24 = vector.load %arg2[%get3A_21, %get3A_22, %get3A_23] : memref<16x512x128xf32, #tpu.memory_space<vmem>>, vector<1x512x128xf32>
    %get3A_25 = vector.shape_cast %get3A_24 : vector<1x512x128xf32> to vector<512x128xf32>
    %sub3A_26 = arith.subf %get3A_25, %get3A_1 : vector<512x128xf32>
    %get3A_27 = arith.constant 0 : index
    %get3A_28 = arith.constant 0 : index
    %get3A_29 = vector.load %arg3[%get3A_27, %get3A_28] : memref<128x128xf32, #tpu.memory_space<vmem>>, vector<128x128xf32>
    %dot_general3A_30 = arith.constant dense<0.000000e+00> : vector<512x128xf32>
    %dot_general3A_31 = tpu.matmul %sub3A_26, %get3A_29, %dot_general3A_30 {dimension_numbers = #tpu.dot_dimension_numbers<[1], [0], [0], [1], [0, 0, 1, 1], [], []>, transpose_lhs_hint = false} : vector<512x128xf32>, vector<128x128xf32>, vector<512x128xf32> -> vector<512x128xf32>
    %add3A_32 = arith.addf %dot_general3A_31, %add3A_9 : vector<512x128xf32>
    %max3A = arith.maximumf %add3A_20, %add3A_32 : vector<512x128xf32>
    %get3A_33 = arith.constant 2 : index
    %get3A_34 = arith.constant 0 : index
    %get3A_35 = arith.constant 0 : index
    %get3A_36 = vector.load %arg2[%get3A_33, %get3A_34, %get3A_35] : memref<16x512x128xf32, #tpu.memory_space<vmem>>, vector<1x512x128xf32>
    %get3A_37 = vector.shape_cast %get3A_36 : vector<1x512x128xf32> to vector<512x128xf32>
    %sub3A_38 = arith.subf %get3A_37, %get3A_1 : vector<512x128xf32>
    %get3A_39 = arith.constant 0 : index
    %get3A_40 = arith.constant 0 : index
    %get3A_41 = vector.load %arg3[%get3A_39, %get3A_40] : memref<128x128xf32, #tpu.memory_space<vmem>>, vector<128x128xf32>
    %dot_general3A_42 = arith.constant dense<0.000000e+00> : vector<512x128xf32>
    %dot_general3A_43 = tpu.matmul %sub3A_38, %get3A_41, %dot_general3A_42 {dimension_numbers = #tpu.dot_dimension_numbers<[1], [0], [0], [1], [0, 0, 1, 1], [], []>, transpose_lhs_hint = false} : vector<512x128xf32>, vector<128x128xf32>, vector<512x128xf32> -> vector<512x128xf32>
    %add3A_44 = arith.addf %dot_general3A_43, %add3A_9 : vector<512x128xf32>
    %max3A_45 = arith.maximumf %max3A, %add3A_44 : vector<512x128xf32>
    %get3A_46 = arith.constant 3 : index
    %get3A_47 = arith.constant 0 : index
    %get3A_48 = arith.constant 0 : index
    %get3A_49 = vector.load %arg2[%get3A_46, %get3A_47, %get3A_48] : memref<16x512x128xf32, #tpu.memory_space<vmem>>, vector<1x512x128xf32>
    %get3A_50 = vector.shape_cast %get3A_49 : vector<1x512x128xf32> to vector<512x128xf32>
    %sub3A_51 = arith.subf %get3A_50, %get3A_1 : vector<512x128xf32>
    %get3A_52 = arith.constant 0 : index
    %get3A_53 = arith.constant 0 : index
    %get3A_54 = vector.load %arg3[%get3A_52, %get3A_53] : memref<128x128xf32, #tpu.memory_space<vmem>>, vector<128x128xf32>
    %dot_general3A_55 = arith.constant dense<0.000000e+00> : vector<512x128xf32>
    %dot_general3A_56 = tpu.matmul %sub3A_51, %get3A_54, %dot_general3A_55 {dimension_numbers = #tpu.dot_dimension_numbers<[1], [0], [0], [1], [0, 0, 1, 1], [], []>, transpose_lhs_hint = false} : vector<512x128xf32>, vector<128x128xf32>, vector<512x128xf32> -> vector<512x128xf32>
    %add3A_57 = arith.addf %dot_general3A_56, %add3A_9 : vector<512x128xf32>
    %max3A_58 = arith.maximumf %max3A_45, %add3A_57 : vector<512x128xf32>
    %get3A_59 = arith.constant 4 : index
    %get3A_60 = arith.constant 0 : index
    %get3A_61 = arith.constant 0 : index
    %get3A_62 = vector.load %arg2[%get3A_59, %get3A_60, %get3A_61] : memref<16x512x128xf32, #tpu.memory_space<vmem>>, vector<1x512x128xf32>
    %get3A_63 = vector.shape_cast %get3A_62 : vector<1x512x128xf32> to vector<512x128xf32>
    %sub3A_64 = arith.subf %get3A_63, %get3A_1 : vector<512x128xf32>
    %get3A_65 = arith.constant 0 : index
    %get3A_66 = arith.constant 0 : index
    %get3A_67 = vector.load %arg3[%get3A_65, %get3A_66] : memref<128x128xf32, #tpu.memory_space<vmem>>, vector<128x128xf32>
    %dot_general3A_68 = arith.constant dense<0.000000e+00> : vector<512x128xf32>
    %dot_general3A_69 = tpu.matmul %sub3A_64, %get3A_67, %dot_general3A_68 {dimension_numbers = #tpu.dot_dimension_numbers<[1], [0], [0], [1], [0, 0, 1, 1], [], []>, transpose_lhs_hint = false} : vector<512x128xf32>, vector<128x128xf32>, vector<512x128xf32> -> vector<512x128xf32>
    %add3A_70 = arith.addf %dot_general3A_69, %add3A_9 : vector<512x128xf32>
    %max3A_71 = arith.maximumf %max3A_58, %add3A_70 : vector<512x128xf32>
    %get3A_72 = arith.constant 5 : index
    %get3A_73 = arith.constant 0 : index
    %get3A_74 = arith.constant 0 : index
    %get3A_75 = vector.load %arg2[%get3A_72, %get3A_73, %get3A_74] : memref<16x512x128xf32, #tpu.memory_space<vmem>>, vector<1x512x128xf32>
    %get3A_76 = vector.shape_cast %get3A_75 : vector<1x512x128xf32> to vector<512x128xf32>
    %sub3A_77 = arith.subf %get3A_76, %get3A_1 : vector<512x128xf32>
    %get3A_78 = arith.constant 0 : index
    %get3A_79 = arith.constant 0 : index
    %get3A_80 = vector.load %arg3[%get3A_78, %get3A_79] : memref<128x128xf32, #tpu.memory_space<vmem>>, vector<128x128xf32>
    %dot_general3A_81 = arith.constant dense<0.000000e+00> : vector<512x128xf32>
    %dot_general3A_82 = tpu.matmul %sub3A_77, %get3A_80, %dot_general3A_81 {dimension_numbers = #tpu.dot_dimension_numbers<[1], [0], [0], [1], [0, 0, 1, 1], [], []>, transpose_lhs_hint = false} : vector<512x128xf32>, vector<128x128xf32>, vector<512x128xf32> -> vector<512x128xf32>
    %add3A_83 = arith.addf %dot_general3A_82, %add3A_9 : vector<512x128xf32>
    %max3A_84 = arith.maximumf %max3A_71, %add3A_83 : vector<512x128xf32>
    %get3A_85 = arith.constant 6 : index
    %get3A_86 = arith.constant 0 : index
    %get3A_87 = arith.constant 0 : index
    %get3A_88 = vector.load %arg2[%get3A_85, %get3A_86, %get3A_87] : memref<16x512x128xf32, #tpu.memory_space<vmem>>, vector<1x512x128xf32>
    %get3A_89 = vector.shape_cast %get3A_88 : vector<1x512x128xf32> to vector<512x128xf32>
    %sub3A_90 = arith.subf %get3A_89, %get3A_1 : vector<512x128xf32>
    %get3A_91 = arith.constant 0 : index
    %get3A_92 = arith.constant 0 : index
    %get3A_93 = vector.load %arg3[%get3A_91, %get3A_92] : memref<128x128xf32, #tpu.memory_space<vmem>>, vector<128x128xf32>
    %dot_general3A_94 = arith.constant dense<0.000000e+00> : vector<512x128xf32>
    %dot_general3A_95 = tpu.matmul %sub3A_90, %get3A_93, %dot_general3A_94 {dimension_numbers = #tpu.dot_dimension_numbers<[1], [0], [0], [1], [0, 0, 1, 1], [], []>, transpose_lhs_hint = false} : vector<512x128xf32>, vector<128x128xf32>, vector<512x128xf32> -> vector<512x128xf32>
    %add3A_96 = arith.addf %dot_general3A_95, %add3A_9 : vector<512x128xf32>
    %max3A_97 = arith.maximumf %max3A_84, %add3A_96 : vector<512x128xf32>
    %get3A_98 = arith.constant 7 : index
    %get3A_99 = arith.constant 0 : index
    %get3A_100 = arith.constant 0 : index
    %get3A_101 = vector.load %arg2[%get3A_98, %get3A_99, %get3A_100] : memref<16x512x128xf32, #tpu.memory_space<vmem>>, vector<1x512x128xf32>
    %get3A_102 = vector.shape_cast %get3A_101 : vector<1x512x128xf32> to vector<512x128xf32>
    %sub3A_103 = arith.subf %get3A_102, %get3A_1 : vector<512x128xf32>
    %get3A_104 = arith.constant 0 : index
    %get3A_105 = arith.constant 0 : index
    %get3A_106 = vector.load %arg3[%get3A_104, %get3A_105] : memref<128x128xf32, #tpu.memory_space<vmem>>, vector<128x128xf32>
    %dot_general3A_107 = arith.constant dense<0.000000e+00> : vector<512x128xf32>
    %dot_general3A_108 = tpu.matmul %sub3A_103, %get3A_106, %dot_general3A_107 {dimension_numbers = #tpu.dot_dimension_numbers<[1], [0], [0], [1], [0, 0, 1, 1], [], []>, transpose_lhs_hint = false} : vector<512x128xf32>, vector<128x128xf32>, vector<512x128xf32> -> vector<512x128xf32>
    %add3A_109 = arith.addf %dot_general3A_108, %add3A_9 : vector<512x128xf32>
    %max3A_110 = arith.maximumf %max3A_97, %add3A_109 : vector<512x128xf32>
    %get3A_111 = arith.constant 8 : index
    %get3A_112 = arith.constant 0 : index
    %get3A_113 = arith.constant 0 : index
    %get3A_114 = vector.load %arg2[%get3A_111, %get3A_112, %get3A_113] : memref<16x512x128xf32, #tpu.memory_space<vmem>>, vector<1x512x128xf32>
    %get3A_115 = vector.shape_cast %get3A_114 : vector<1x512x128xf32> to vector<512x128xf32>
    %sub3A_116 = arith.subf %get3A_115, %get3A_1 : vector<512x128xf32>
    %get3A_117 = arith.constant 0 : index
    %get3A_118 = arith.constant 0 : index
    %get3A_119 = vector.load %arg3[%get3A_117, %get3A_118] : memref<128x128xf32, #tpu.memory_space<vmem>>, vector<128x128xf32>
    %dot_general3A_120 = arith.constant dense<0.000000e+00> : vector<512x128xf32>
    %dot_general3A_121 = tpu.matmul %sub3A_116, %get3A_119, %dot_general3A_120 {dimension_numbers = #tpu.dot_dimension_numbers<[1], [0], [0], [1], [0, 0, 1, 1], [], []>, transpose_lhs_hint = false} : vector<512x128xf32>, vector<128x128xf32>, vector<512x128xf32> -> vector<512x128xf32>
    %add3A_122 = arith.addf %dot_general3A_121, %add3A_9 : vector<512x128xf32>
    %max3A_123 = arith.maximumf %max3A_110, %add3A_122 : vector<512x128xf32>
    %get3A_124 = arith.constant 9 : index
    %get3A_125 = arith.constant 0 : index
    %get3A_126 = arith.constant 0 : index
    %get3A_127 = vector.load %arg2[%get3A_124, %get3A_125, %get3A_126] : memref<16x512x128xf32, #tpu.memory_space<vmem>>, vector<1x512x128xf32>
    %get3A_128 = vector.shape_cast %get3A_127 : vector<1x512x128xf32> to vector<512x128xf32>
    %sub3A_129 = arith.subf %get3A_128, %get3A_1 : vector<512x128xf32>
    %get3A_130 = arith.constant 0 : index
    %get3A_131 = arith.constant 0 : index
    %get3A_132 = vector.load %arg3[%get3A_130, %get3A_131] : memref<128x128xf32, #tpu.memory_space<vmem>>, vector<128x128xf32>
    %dot_general3A_133 = arith.constant dense<0.000000e+00> : vector<512x128xf32>
    %dot_general3A_134 = tpu.matmul %sub3A_129, %get3A_132, %dot_general3A_133 {dimension_numbers = #tpu.dot_dimension_numbers<[1], [0], [0], [1], [0, 0, 1, 1], [], []>, transpose_lhs_hint = false} : vector<512x128xf32>, vector<128x128xf32>, vector<512x128xf32> -> vector<512x128xf32>
    %add3A_135 = arith.addf %dot_general3A_134, %add3A_9 : vector<512x128xf32>
    %max3A_136 = arith.maximumf %max3A_123, %add3A_135 : vector<512x128xf32>
    %get3A_137 = arith.constant 10 : index
    %get3A_138 = arith.constant 0 : index
    %get3A_139 = arith.constant 0 : index
    %get3A_140 = vector.load %arg2[%get3A_137, %get3A_138, %get3A_139] : memref<16x512x128xf32, #tpu.memory_space<vmem>>, vector<1x512x128xf32>
    %get3A_141 = vector.shape_cast %get3A_140 : vector<1x512x128xf32> to vector<512x128xf32>
    %sub3A_142 = arith.subf %get3A_141, %get3A_1 : vector<512x128xf32>
    %get3A_143 = arith.constant 0 : index
    %get3A_144 = arith.constant 0 : index
    %get3A_145 = vector.load %arg3[%get3A_143, %get3A_144] : memref<128x128xf32, #tpu.memory_space<vmem>>, vector<128x128xf32>
    %dot_general3A_146 = arith.constant dense<0.000000e+00> : vector<512x128xf32>
    %dot_general3A_147 = tpu.matmul %sub3A_142, %get3A_145, %dot_general3A_146 {dimension_numbers = #tpu.dot_dimension_numbers<[1], [0], [0], [1], [0, 0, 1, 1], [], []>, transpose_lhs_hint = false} : vector<512x128xf32>, vector<128x128xf32>, vector<512x128xf32> -> vector<512x128xf32>
    %add3A_148 = arith.addf %dot_general3A_147, %add3A_9 : vector<512x128xf32>
    %max3A_149 = arith.maximumf %max3A_136, %add3A_148 : vector<512x128xf32>
    %get3A_150 = arith.constant 11 : index
    %get3A_151 = arith.constant 0 : index
    %get3A_152 = arith.constant 0 : index
    %get3A_153 = vector.load %arg2[%get3A_150, %get3A_151, %get3A_152] : memref<16x512x128xf32, #tpu.memory_space<vmem>>, vector<1x512x128xf32>
    %get3A_154 = vector.shape_cast %get3A_153 : vector<1x512x128xf32> to vector<512x128xf32>
    %sub3A_155 = arith.subf %get3A_154, %get3A_1 : vector<512x128xf32>
    %get3A_156 = arith.constant 0 : index
    %get3A_157 = arith.constant 0 : index
    %get3A_158 = vector.load %arg3[%get3A_156, %get3A_157] : memref<128x128xf32, #tpu.memory_space<vmem>>, vector<128x128xf32>
    %dot_general3A_159 = arith.constant dense<0.000000e+00> : vector<512x128xf32>
    %dot_general3A_160 = tpu.matmul %sub3A_155, %get3A_158, %dot_general3A_159 {dimension_numbers = #tpu.dot_dimension_numbers<[1], [0], [0], [1], [0, 0, 1, 1], [], []>, transpose_lhs_hint = false} : vector<512x128xf32>, vector<128x128xf32>, vector<512x128xf32> -> vector<512x128xf32>
    %add3A_161 = arith.addf %dot_general3A_160, %add3A_9 : vector<512x128xf32>
    %max3A_162 = arith.maximumf %max3A_149, %add3A_161 : vector<512x128xf32>
    %get3A_163 = arith.constant 12 : index
    %get3A_164 = arith.constant 0 : index
    %get3A_165 = arith.constant 0 : index
    %get3A_166 = vector.load %arg2[%get3A_163, %get3A_164, %get3A_165] : memref<16x512x128xf32, #tpu.memory_space<vmem>>, vector<1x512x128xf32>
    %get3A_167 = vector.shape_cast %get3A_166 : vector<1x512x128xf32> to vector<512x128xf32>
    %sub3A_168 = arith.subf %get3A_167, %get3A_1 : vector<512x128xf32>
    %get3A_169 = arith.constant 0 : index
    %get3A_170 = arith.constant 0 : index
    %get3A_171 = vector.load %arg3[%get3A_169, %get3A_170] : memref<128x128xf32, #tpu.memory_space<vmem>>, vector<128x128xf32>
    %dot_general3A_172 = arith.constant dense<0.000000e+00> : vector<512x128xf32>
    %dot_general3A_173 = tpu.matmul %sub3A_168, %get3A_171, %dot_general3A_172 {dimension_numbers = #tpu.dot_dimension_numbers<[1], [0], [0], [1], [0, 0, 1, 1], [], []>, transpose_lhs_hint = false} : vector<512x128xf32>, vector<128x128xf32>, vector<512x128xf32> -> vector<512x128xf32>
    %add3A_174 = arith.addf %dot_general3A_173, %add3A_9 : vector<512x128xf32>
    %max3A_175 = arith.maximumf %max3A_162, %add3A_174 : vector<512x128xf32>
    %get3A_176 = arith.constant 13 : index
    %get3A_177 = arith.constant 0 : index
    %get3A_178 = arith.constant 0 : index
    %get3A_179 = vector.load %arg2[%get3A_176, %get3A_177, %get3A_178] : memref<16x512x128xf32, #tpu.memory_space<vmem>>, vector<1x512x128xf32>
    %get3A_180 = vector.shape_cast %get3A_179 : vector<1x512x128xf32> to vector<512x128xf32>
    %sub3A_181 = arith.subf %get3A_180, %get3A_1 : vector<512x128xf32>
    %get3A_182 = arith.constant 0 : index
    %get3A_183 = arith.constant 0 : index
    %get3A_184 = vector.load %arg3[%get3A_182, %get3A_183] : memref<128x128xf32, #tpu.memory_space<vmem>>, vector<128x128xf32>
    %dot_general3A_185 = arith.constant dense<0.000000e+00> : vector<512x128xf32>
    %dot_general3A_186 = tpu.matmul %sub3A_181, %get3A_184, %dot_general3A_185 {dimension_numbers = #tpu.dot_dimension_numbers<[1], [0], [0], [1], [0, 0, 1, 1], [], []>, transpose_lhs_hint = false} : vector<512x128xf32>, vector<128x128xf32>, vector<512x128xf32> -> vector<512x128xf32>
    %add3A_187 = arith.addf %dot_general3A_186, %add3A_9 : vector<512x128xf32>
    %max3A_188 = arith.maximumf %max3A_175, %add3A_187 : vector<512x128xf32>
    %get3A_189 = arith.constant 14 : index
    %get3A_190 = arith.constant 0 : index
    %get3A_191 = arith.constant 0 : index
    %get3A_192 = vector.load %arg2[%get3A_189, %get3A_190, %get3A_191] : memref<16x512x128xf32, #tpu.memory_space<vmem>>, vector<1x512x128xf32>
    %get3A_193 = vector.shape_cast %get3A_192 : vector<1x512x128xf32> to vector<512x128xf32>
    %sub3A_194 = arith.subf %get3A_193, %get3A_1 : vector<512x128xf32>
    %get3A_195 = arith.constant 0 : index
    %get3A_196 = arith.constant 0 : index
    %get3A_197 = vector.load %arg3[%get3A_195, %get3A_196] : memref<128x128xf32, #tpu.memory_space<vmem>>, vector<128x128xf32>
    %dot_general3A_198 = arith.constant dense<0.000000e+00> : vector<512x128xf32>
    %dot_general3A_199 = tpu.matmul %sub3A_194, %get3A_197, %dot_general3A_198 {dimension_numbers = #tpu.dot_dimension_numbers<[1], [0], [0], [1], [0, 0, 1, 1], [], []>, transpose_lhs_hint = false} : vector<512x128xf32>, vector<128x128xf32>, vector<512x128xf32> -> vector<512x128xf32>
    %add3A_200 = arith.addf %dot_general3A_199, %add3A_9 : vector<512x128xf32>
    %max3A_201 = arith.maximumf %max3A_188, %add3A_200 : vector<512x128xf32>
    %get3A_202 = arith.constant 15 : index
    %get3A_203 = arith.constant 0 : index
    %get3A_204 = arith.constant 0 : index
    %get3A_205 = vector.load %arg2[%get3A_202, %get3A_203, %get3A_204] : memref<16x512x128xf32, #tpu.memory_space<vmem>>, vector<1x512x128xf32>
    %get3A_206 = vector.shape_cast %get3A_205 : vector<1x512x128xf32> to vector<512x128xf32>
    %sub3A_207 = arith.subf %get3A_206, %get3A_1 : vector<512x128xf32>
    %get3A_208 = arith.constant 0 : index
    %get3A_209 = arith.constant 0 : index
    %get3A_210 = vector.load %arg3[%get3A_208, %get3A_209] : memref<128x128xf32, #tpu.memory_space<vmem>>, vector<128x128xf32>
    %dot_general3A_211 = arith.constant dense<0.000000e+00> : vector<512x128xf32>
    %dot_general3A_212 = tpu.matmul %sub3A_207, %get3A_210, %dot_general3A_211 {dimension_numbers = #tpu.dot_dimension_numbers<[1], [0], [0], [1], [0, 0, 1, 1], [], []>, transpose_lhs_hint = false} : vector<512x128xf32>, vector<128x128xf32>, vector<512x128xf32> -> vector<512x128xf32>
    %add3A_213 = arith.addf %dot_general3A_212, %add3A_9 : vector<512x128xf32>
    %max3A_214 = arith.maximumf %max3A_201, %add3A_213 : vector<512x128xf32>
    %jit3A = arith.constant 2.000000e-01 : f32
    %ge3A = arith.constant 0.000000e+00 : f32
    %ge3A_215 = vector.broadcast %ge3A : f32 to vector<512x128xf32>
    %ge3A_216 = arith.cmpf oge, %max3A_214, %ge3A_215 : vector<512x128xf32>
    %mul3A = vector.broadcast %jit3A : f32 to vector<512x128xf32>
    %mul3A_217 = arith.mulf %mul3A, %max3A_214 : vector<512x128xf32>
    %select_n3A = arith.select %ge3A_216, %max3A_214, %mul3A_217 : vector<512x128xi1>, vector<512x128xf32>
    %swap3A = arith.constant 0 : index
    %swap3A_218 = arith.constant 0 : index
    %swap3A_219 = vector.load %arg6[%swap3A, %swap3A_218] : memref<512x128xf32, #tpu.memory_space<vmem>>, vector<512x128xf32>
    tpu.vector_store %arg6[%swap3A, %swap3A_218], %select_n3A {strides = array<i32>} : memref<512x128xf32, #tpu.memory_space<vmem>>, vector<512x128xf32>,
    return
  }
  func.func @transform_0(%arg0: i32) -> (i32, i32) {
    %c0_i32 = arith.constant 0 : i32
    %c0_i32_0 = arith.constant 0 : i32
    return %arg0, %c0_i32 : i32, i32
  }
  func.func @transform_1(%arg0: i32) -> (i32, i32, i32) {
    %c0_i32 = arith.constant 0 : i32
    %c0_i32_0 = arith.constant 0 : i32
    %c0_i32_1 = arith.constant 0 : i32
    return %c0_i32, %arg0, %c0_i32_0 : i32, i32, i32
  }
  func.func @transform_2(%arg0: i32) -> (i32, i32) {
    %c0_i32 = arith.constant 0 : i32
    %c0_i32_0 = arith.constant 0 : i32
    %c0_i32_1 = arith.constant 0 : i32
    return %c0_i32, %c0_i32_0 : i32, i32
  }
  func.func @transform_3(%arg0: i32) -> (i32, i32) {
    %c0_i32 = arith.constant 0 : i32
    %c0_i32_0 = arith.constant 0 : i32
    %c0_i32_1 = arith.constant 0 : i32
    return %c0_i32, %c0_i32_0 : i32, i32
  }
  func.func @transform_4(%arg0: i32) -> (i32, i32) {
    %c0_i32 = arith.constant 0 : i32
    %c0_i32_0 = arith.constant 0 : i32
    %c0_i32_1 = arith.constant 0 : i32
    return %c0_i32, %c0_i32_0 : i32, i32
  }
  func.func @transform_5(%arg0: i32) -> (i32, i32) {
    %c0_i32 = arith.constant 0 : i32
    %c0_i32_0 = arith.constant 0 : i32
    return %arg0, %c0_i32 : i32, i32
  }
}

module attributes {stable_mosaic.version = 14 : i64} {
  func.func @_edge_body(%arg0: i32, %arg1: memref<512x128xf32, #tpu.memory_space<vmem>>, %arg2: memref<16x512x128xf32, #tpu.memory_space<vmem>>, %arg3: memref<128x256xf32, #tpu.memory_space<vmem>>, %arg4: memref<128x256xf32, #tpu.memory_space<vmem>>, %arg5: memref<1x256xf32, #tpu.memory_space<vmem>>, %arg6: memref<512x256xf32, #tpu.memory_space<vmem>>) attributes {dimension_semantics = [#tpu.dimension_semantics<arbitrary>], iteration_bounds = array<i64: 16>, scalar_prefetch = 0 : i64, scratch_operands = 0 : i64, tpu.core_type = #tpu.core_type<tc>, window_params = [{transform_indices = @transform_0, window_bounds = array<i64: 512, 128>}, {transform_indices = @transform_1, window_bounds = array<i64: 16, 512, 128>}, {pipeline_mode = #tpu.pipeline_mode<synchronous>, transform_indices = @transform_2, window_bounds = array<i64: 128, 256>}, {pipeline_mode = #tpu.pipeline_mode<synchronous>, transform_indices = @transform_3, window_bounds = array<i64: 128, 256>}, {pipeline_mode = #tpu.pipeline_mode<synchronous>, transform_indices = @transform_4, window_bounds = array<i64: 1, 256>}, {transform_indices = @transform_5, window_bounds = array<i64: 512, 256>}]} {
    %get3A = arith.constant 0 : index
    %get3A_0 = arith.constant 0 : index
    %get3A_1 = vector.load %arg1[%get3A, %get3A_0] : memref<512x128xf32, #tpu.memory_space<vmem>>, vector<512x128xf32>
    %get3A_2 = arith.constant 0 : index
    %get3A_3 = arith.constant 0 : index
    %get3A_4 = vector.load %arg4[%get3A_2, %get3A_3] : memref<128x256xf32, #tpu.memory_space<vmem>>, vector<128x256xf32>
    %dot_general3A = arith.constant dense<0.000000e+00> : vector<512x256xf32>
    %dot_general3A_5 = tpu.matmul %get3A_1, %get3A_4, %dot_general3A {dimension_numbers = #tpu.dot_dimension_numbers<[1], [0], [0], [1], [0, 0, 1, 1], [], []>, transpose_lhs_hint = false} : vector<512x128xf32>, vector<128x256xf32>, vector<512x256xf32> -> vector<512x256xf32>
    %get3A_6 = arith.constant 0 : index
    %get3A_7 = arith.constant 0 : index
    %get3A_8 = vector.load %arg5[%get3A_6, %get3A_7] : memref<1x256xf32, #tpu.memory_space<vmem>>, vector<1x256xf32>
    %add3A = vector.broadcast %get3A_8 : vector<1x256xf32> to vector<512x256xf32>
    %add3A_9 = arith.addf %dot_general3A_5, %add3A : vector<512x256xf32>
    %get3A_10 = arith.constant 0 : index
    %get3A_11 = arith.constant 0 : index
    %get3A_12 = arith.constant 0 : index
    %get3A_13 = vector.load %arg2[%get3A_10, %get3A_11, %get3A_12] : memref<16x512x128xf32, #tpu.memory_space<vmem>>, vector<1x512x128xf32>
    %get3A_14 = vector.shape_cast %get3A_13 : vector<1x512x128xf32> to vector<512x128xf32>
    %sub3A = arith.subf %get3A_14, %get3A_1 : vector<512x128xf32>
    %get3A_15 = arith.constant 0 : index
    %get3A_16 = arith.constant 0 : index
    %get3A_17 = vector.load %arg3[%get3A_15, %get3A_16] : memref<128x256xf32, #tpu.memory_space<vmem>>, vector<128x256xf32>
    %dot_general3A_18 = arith.constant dense<0.000000e+00> : vector<512x256xf32>
    %dot_general3A_19 = tpu.matmul %sub3A, %get3A_17, %dot_general3A_18 {dimension_numbers = #tpu.dot_dimension_numbers<[1], [0], [0], [1], [0, 0, 1, 1], [], []>, transpose_lhs_hint = false} : vector<512x128xf32>, vector<128x256xf32>, vector<512x256xf32> -> vector<512x256xf32>
    %add3A_20 = arith.addf %dot_general3A_19, %add3A_9 : vector<512x256xf32>
    %get3A_21 = arith.constant 1 : index
    %get3A_22 = arith.constant 0 : index
    %get3A_23 = arith.constant 0 : index
    %get3A_24 = vector.load %arg2[%get3A_21, %get3A_22, %get3A_23] : memref<16x512x128xf32, #tpu.memory_space<vmem>>, vector<1x512x128xf32>
    %get3A_25 = vector.shape_cast %get3A_24 : vector<1x512x128xf32> to vector<512x128xf32>
    %sub3A_26 = arith.subf %get3A_25, %get3A_1 : vector<512x128xf32>
    %get3A_27 = arith.constant 0 : index
    %get3A_28 = arith.constant 0 : index
    %get3A_29 = vector.load %arg3[%get3A_27, %get3A_28] : memref<128x256xf32, #tpu.memory_space<vmem>>, vector<128x256xf32>
    %dot_general3A_30 = arith.constant dense<0.000000e+00> : vector<512x256xf32>
    %dot_general3A_31 = tpu.matmul %sub3A_26, %get3A_29, %dot_general3A_30 {dimension_numbers = #tpu.dot_dimension_numbers<[1], [0], [0], [1], [0, 0, 1, 1], [], []>, transpose_lhs_hint = false} : vector<512x128xf32>, vector<128x256xf32>, vector<512x256xf32> -> vector<512x256xf32>
    %add3A_32 = arith.addf %dot_general3A_31, %add3A_9 : vector<512x256xf32>
    %max3A = arith.maximumf %add3A_20, %add3A_32 : vector<512x256xf32>
    %get3A_33 = arith.constant 2 : index
    %get3A_34 = arith.constant 0 : index
    %get3A_35 = arith.constant 0 : index
    %get3A_36 = vector.load %arg2[%get3A_33, %get3A_34, %get3A_35] : memref<16x512x128xf32, #tpu.memory_space<vmem>>, vector<1x512x128xf32>
    %get3A_37 = vector.shape_cast %get3A_36 : vector<1x512x128xf32> to vector<512x128xf32>
    %sub3A_38 = arith.subf %get3A_37, %get3A_1 : vector<512x128xf32>
    %get3A_39 = arith.constant 0 : index
    %get3A_40 = arith.constant 0 : index
    %get3A_41 = vector.load %arg3[%get3A_39, %get3A_40] : memref<128x256xf32, #tpu.memory_space<vmem>>, vector<128x256xf32>
    %dot_general3A_42 = arith.constant dense<0.000000e+00> : vector<512x256xf32>
    %dot_general3A_43 = tpu.matmul %sub3A_38, %get3A_41, %dot_general3A_42 {dimension_numbers = #tpu.dot_dimension_numbers<[1], [0], [0], [1], [0, 0, 1, 1], [], []>, transpose_lhs_hint = false} : vector<512x128xf32>, vector<128x256xf32>, vector<512x256xf32> -> vector<512x256xf32>
    %add3A_44 = arith.addf %dot_general3A_43, %add3A_9 : vector<512x256xf32>
    %max3A_45 = arith.maximumf %max3A, %add3A_44 : vector<512x256xf32>
    %get3A_46 = arith.constant 3 : index
    %get3A_47 = arith.constant 0 : index
    %get3A_48 = arith.constant 0 : index
    %get3A_49 = vector.load %arg2[%get3A_46, %get3A_47, %get3A_48] : memref<16x512x128xf32, #tpu.memory_space<vmem>>, vector<1x512x128xf32>
    %get3A_50 = vector.shape_cast %get3A_49 : vector<1x512x128xf32> to vector<512x128xf32>
    %sub3A_51 = arith.subf %get3A_50, %get3A_1 : vector<512x128xf32>
    %get3A_52 = arith.constant 0 : index
    %get3A_53 = arith.constant 0 : index
    %get3A_54 = vector.load %arg3[%get3A_52, %get3A_53] : memref<128x256xf32, #tpu.memory_space<vmem>>, vector<128x256xf32>
    %dot_general3A_55 = arith.constant dense<0.000000e+00> : vector<512x256xf32>
    %dot_general3A_56 = tpu.matmul %sub3A_51, %get3A_54, %dot_general3A_55 {dimension_numbers = #tpu.dot_dimension_numbers<[1], [0], [0], [1], [0, 0, 1, 1], [], []>, transpose_lhs_hint = false} : vector<512x128xf32>, vector<128x256xf32>, vector<512x256xf32> -> vector<512x256xf32>
    %add3A_57 = arith.addf %dot_general3A_56, %add3A_9 : vector<512x256xf32>
    %max3A_58 = arith.maximumf %max3A_45, %add3A_57 : vector<512x256xf32>
    %get3A_59 = arith.constant 4 : index
    %get3A_60 = arith.constant 0 : index
    %get3A_61 = arith.constant 0 : index
    %get3A_62 = vector.load %arg2[%get3A_59, %get3A_60, %get3A_61] : memref<16x512x128xf32, #tpu.memory_space<vmem>>, vector<1x512x128xf32>
    %get3A_63 = vector.shape_cast %get3A_62 : vector<1x512x128xf32> to vector<512x128xf32>
    %sub3A_64 = arith.subf %get3A_63, %get3A_1 : vector<512x128xf32>
    %get3A_65 = arith.constant 0 : index
    %get3A_66 = arith.constant 0 : index
    %get3A_67 = vector.load %arg3[%get3A_65, %get3A_66] : memref<128x256xf32, #tpu.memory_space<vmem>>, vector<128x256xf32>
    %dot_general3A_68 = arith.constant dense<0.000000e+00> : vector<512x256xf32>
    %dot_general3A_69 = tpu.matmul %sub3A_64, %get3A_67, %dot_general3A_68 {dimension_numbers = #tpu.dot_dimension_numbers<[1], [0], [0], [1], [0, 0, 1, 1], [], []>, transpose_lhs_hint = false} : vector<512x128xf32>, vector<128x256xf32>, vector<512x256xf32> -> vector<512x256xf32>
    %add3A_70 = arith.addf %dot_general3A_69, %add3A_9 : vector<512x256xf32>
    %max3A_71 = arith.maximumf %max3A_58, %add3A_70 : vector<512x256xf32>
    %get3A_72 = arith.constant 5 : index
    %get3A_73 = arith.constant 0 : index
    %get3A_74 = arith.constant 0 : index
    %get3A_75 = vector.load %arg2[%get3A_72, %get3A_73, %get3A_74] : memref<16x512x128xf32, #tpu.memory_space<vmem>>, vector<1x512x128xf32>
    %get3A_76 = vector.shape_cast %get3A_75 : vector<1x512x128xf32> to vector<512x128xf32>
    %sub3A_77 = arith.subf %get3A_76, %get3A_1 : vector<512x128xf32>
    %get3A_78 = arith.constant 0 : index
    %get3A_79 = arith.constant 0 : index
    %get3A_80 = vector.load %arg3[%get3A_78, %get3A_79] : memref<128x256xf32, #tpu.memory_space<vmem>>, vector<128x256xf32>
    %dot_general3A_81 = arith.constant dense<0.000000e+00> : vector<512x256xf32>
    %dot_general3A_82 = tpu.matmul %sub3A_77, %get3A_80, %dot_general3A_81 {dimension_numbers = #tpu.dot_dimension_numbers<[1], [0], [0], [1], [0, 0, 1, 1], [], []>, transpose_lhs_hint = false} : vector<512x128xf32>, vector<128x256xf32>, vector<512x256xf32> -> vector<512x256xf32>
    %add3A_83 = arith.addf %dot_general3A_82, %add3A_9 : vector<512x256xf32>
    %max3A_84 = arith.maximumf %max3A_71, %add3A_83 : vector<512x256xf32>
    %get3A_85 = arith.constant 6 : index
    %get3A_86 = arith.constant 0 : index
    %get3A_87 = arith.constant 0 : index
    %get3A_88 = vector.load %arg2[%get3A_85, %get3A_86, %get3A_87] : memref<16x512x128xf32, #tpu.memory_space<vmem>>, vector<1x512x128xf32>
    %get3A_89 = vector.shape_cast %get3A_88 : vector<1x512x128xf32> to vector<512x128xf32>
    %sub3A_90 = arith.subf %get3A_89, %get3A_1 : vector<512x128xf32>
    %get3A_91 = arith.constant 0 : index
    %get3A_92 = arith.constant 0 : index
    %get3A_93 = vector.load %arg3[%get3A_91, %get3A_92] : memref<128x256xf32, #tpu.memory_space<vmem>>, vector<128x256xf32>
    %dot_general3A_94 = arith.constant dense<0.000000e+00> : vector<512x256xf32>
    %dot_general3A_95 = tpu.matmul %sub3A_90, %get3A_93, %dot_general3A_94 {dimension_numbers = #tpu.dot_dimension_numbers<[1], [0], [0], [1], [0, 0, 1, 1], [], []>, transpose_lhs_hint = false} : vector<512x128xf32>, vector<128x256xf32>, vector<512x256xf32> -> vector<512x256xf32>
    %add3A_96 = arith.addf %dot_general3A_95, %add3A_9 : vector<512x256xf32>
    %max3A_97 = arith.maximumf %max3A_84, %add3A_96 : vector<512x256xf32>
    %get3A_98 = arith.constant 7 : index
    %get3A_99 = arith.constant 0 : index
    %get3A_100 = arith.constant 0 : index
    %get3A_101 = vector.load %arg2[%get3A_98, %get3A_99, %get3A_100] : memref<16x512x128xf32, #tpu.memory_space<vmem>>, vector<1x512x128xf32>
    %get3A_102 = vector.shape_cast %get3A_101 : vector<1x512x128xf32> to vector<512x128xf32>
    %sub3A_103 = arith.subf %get3A_102, %get3A_1 : vector<512x128xf32>
    %get3A_104 = arith.constant 0 : index
    %get3A_105 = arith.constant 0 : index
    %get3A_106 = vector.load %arg3[%get3A_104, %get3A_105] : memref<128x256xf32, #tpu.memory_space<vmem>>, vector<128x256xf32>
    %dot_general3A_107 = arith.constant dense<0.000000e+00> : vector<512x256xf32>
    %dot_general3A_108 = tpu.matmul %sub3A_103, %get3A_106, %dot_general3A_107 {dimension_numbers = #tpu.dot_dimension_numbers<[1], [0], [0], [1], [0, 0, 1, 1], [], []>, transpose_lhs_hint = false} : vector<512x128xf32>, vector<128x256xf32>, vector<512x256xf32> -> vector<512x256xf32>
    %add3A_109 = arith.addf %dot_general3A_108, %add3A_9 : vector<512x256xf32>
    %max3A_110 = arith.maximumf %max3A_97, %add3A_109 : vector<512x256xf32>
    %get3A_111 = arith.constant 8 : index
    %get3A_112 = arith.constant 0 : index
    %get3A_113 = arith.constant 0 : index
    %get3A_114 = vector.load %arg2[%get3A_111, %get3A_112, %get3A_113] : memref<16x512x128xf32, #tpu.memory_space<vmem>>, vector<1x512x128xf32>
    %get3A_115 = vector.shape_cast %get3A_114 : vector<1x512x128xf32> to vector<512x128xf32>
    %sub3A_116 = arith.subf %get3A_115, %get3A_1 : vector<512x128xf32>
    %get3A_117 = arith.constant 0 : index
    %get3A_118 = arith.constant 0 : index
    %get3A_119 = vector.load %arg3[%get3A_117, %get3A_118] : memref<128x256xf32, #tpu.memory_space<vmem>>, vector<128x256xf32>
    %dot_general3A_120 = arith.constant dense<0.000000e+00> : vector<512x256xf32>
    %dot_general3A_121 = tpu.matmul %sub3A_116, %get3A_119, %dot_general3A_120 {dimension_numbers = #tpu.dot_dimension_numbers<[1], [0], [0], [1], [0, 0, 1, 1], [], []>, transpose_lhs_hint = false} : vector<512x128xf32>, vector<128x256xf32>, vector<512x256xf32> -> vector<512x256xf32>
    %add3A_122 = arith.addf %dot_general3A_121, %add3A_9 : vector<512x256xf32>
    %max3A_123 = arith.maximumf %max3A_110, %add3A_122 : vector<512x256xf32>
    %get3A_124 = arith.constant 9 : index
    %get3A_125 = arith.constant 0 : index
    %get3A_126 = arith.constant 0 : index
    %get3A_127 = vector.load %arg2[%get3A_124, %get3A_125, %get3A_126] : memref<16x512x128xf32, #tpu.memory_space<vmem>>, vector<1x512x128xf32>
    %get3A_128 = vector.shape_cast %get3A_127 : vector<1x512x128xf32> to vector<512x128xf32>
    %sub3A_129 = arith.subf %get3A_128, %get3A_1 : vector<512x128xf32>
    %get3A_130 = arith.constant 0 : index
    %get3A_131 = arith.constant 0 : index
    %get3A_132 = vector.load %arg3[%get3A_130, %get3A_131] : memref<128x256xf32, #tpu.memory_space<vmem>>, vector<128x256xf32>
    %dot_general3A_133 = arith.constant dense<0.000000e+00> : vector<512x256xf32>
    %dot_general3A_134 = tpu.matmul %sub3A_129, %get3A_132, %dot_general3A_133 {dimension_numbers = #tpu.dot_dimension_numbers<[1], [0], [0], [1], [0, 0, 1, 1], [], []>, transpose_lhs_hint = false} : vector<512x128xf32>, vector<128x256xf32>, vector<512x256xf32> -> vector<512x256xf32>
    %add3A_135 = arith.addf %dot_general3A_134, %add3A_9 : vector<512x256xf32>
    %max3A_136 = arith.maximumf %max3A_123, %add3A_135 : vector<512x256xf32>
    %get3A_137 = arith.constant 10 : index
    %get3A_138 = arith.constant 0 : index
    %get3A_139 = arith.constant 0 : index
    %get3A_140 = vector.load %arg2[%get3A_137, %get3A_138, %get3A_139] : memref<16x512x128xf32, #tpu.memory_space<vmem>>, vector<1x512x128xf32>
    %get3A_141 = vector.shape_cast %get3A_140 : vector<1x512x128xf32> to vector<512x128xf32>
    %sub3A_142 = arith.subf %get3A_141, %get3A_1 : vector<512x128xf32>
    %get3A_143 = arith.constant 0 : index
    %get3A_144 = arith.constant 0 : index
    %get3A_145 = vector.load %arg3[%get3A_143, %get3A_144] : memref<128x256xf32, #tpu.memory_space<vmem>>, vector<128x256xf32>
    %dot_general3A_146 = arith.constant dense<0.000000e+00> : vector<512x256xf32>
    %dot_general3A_147 = tpu.matmul %sub3A_142, %get3A_145, %dot_general3A_146 {dimension_numbers = #tpu.dot_dimension_numbers<[1], [0], [0], [1], [0, 0, 1, 1], [], []>, transpose_lhs_hint = false} : vector<512x128xf32>, vector<128x256xf32>, vector<512x256xf32> -> vector<512x256xf32>
    %add3A_148 = arith.addf %dot_general3A_147, %add3A_9 : vector<512x256xf32>
    %max3A_149 = arith.maximumf %max3A_136, %add3A_148 : vector<512x256xf32>
    %get3A_150 = arith.constant 11 : index
    %get3A_151 = arith.constant 0 : index
    %get3A_152 = arith.constant 0 : index
    %get3A_153 = vector.load %arg2[%get3A_150, %get3A_151, %get3A_152] : memref<16x512x128xf32, #tpu.memory_space<vmem>>, vector<1x512x128xf32>
    %get3A_154 = vector.shape_cast %get3A_153 : vector<1x512x128xf32> to vector<512x128xf32>
    %sub3A_155 = arith.subf %get3A_154, %get3A_1 : vector<512x128xf32>
    %get3A_156 = arith.constant 0 : index
    %get3A_157 = arith.constant 0 : index
    %get3A_158 = vector.load %arg3[%get3A_156, %get3A_157] : memref<128x256xf32, #tpu.memory_space<vmem>>, vector<128x256xf32>
    %dot_general3A_159 = arith.constant dense<0.000000e+00> : vector<512x256xf32>
    %dot_general3A_160 = tpu.matmul %sub3A_155, %get3A_158, %dot_general3A_159 {dimension_numbers = #tpu.dot_dimension_numbers<[1], [0], [0], [1], [0, 0, 1, 1], [], []>, transpose_lhs_hint = false} : vector<512x128xf32>, vector<128x256xf32>, vector<512x256xf32> -> vector<512x256xf32>
    %add3A_161 = arith.addf %dot_general3A_160, %add3A_9 : vector<512x256xf32>
    %max3A_162 = arith.maximumf %max3A_149, %add3A_161 : vector<512x256xf32>
    %get3A_163 = arith.constant 12 : index
    %get3A_164 = arith.constant 0 : index
    %get3A_165 = arith.constant 0 : index
    %get3A_166 = vector.load %arg2[%get3A_163, %get3A_164, %get3A_165] : memref<16x512x128xf32, #tpu.memory_space<vmem>>, vector<1x512x128xf32>
    %get3A_167 = vector.shape_cast %get3A_166 : vector<1x512x128xf32> to vector<512x128xf32>
    %sub3A_168 = arith.subf %get3A_167, %get3A_1 : vector<512x128xf32>
    %get3A_169 = arith.constant 0 : index
    %get3A_170 = arith.constant 0 : index
    %get3A_171 = vector.load %arg3[%get3A_169, %get3A_170] : memref<128x256xf32, #tpu.memory_space<vmem>>, vector<128x256xf32>
    %dot_general3A_172 = arith.constant dense<0.000000e+00> : vector<512x256xf32>
    %dot_general3A_173 = tpu.matmul %sub3A_168, %get3A_171, %dot_general3A_172 {dimension_numbers = #tpu.dot_dimension_numbers<[1], [0], [0], [1], [0, 0, 1, 1], [], []>, transpose_lhs_hint = false} : vector<512x128xf32>, vector<128x256xf32>, vector<512x256xf32> -> vector<512x256xf32>
    %add3A_174 = arith.addf %dot_general3A_173, %add3A_9 : vector<512x256xf32>
    %max3A_175 = arith.maximumf %max3A_162, %add3A_174 : vector<512x256xf32>
    %get3A_176 = arith.constant 13 : index
    %get3A_177 = arith.constant 0 : index
    %get3A_178 = arith.constant 0 : index
    %get3A_179 = vector.load %arg2[%get3A_176, %get3A_177, %get3A_178] : memref<16x512x128xf32, #tpu.memory_space<vmem>>, vector<1x512x128xf32>
    %get3A_180 = vector.shape_cast %get3A_179 : vector<1x512x128xf32> to vector<512x128xf32>
    %sub3A_181 = arith.subf %get3A_180, %get3A_1 : vector<512x128xf32>
    %get3A_182 = arith.constant 0 : index
    %get3A_183 = arith.constant 0 : index
    %get3A_184 = vector.load %arg3[%get3A_182, %get3A_183] : memref<128x256xf32, #tpu.memory_space<vmem>>, vector<128x256xf32>
    %dot_general3A_185 = arith.constant dense<0.000000e+00> : vector<512x256xf32>
    %dot_general3A_186 = tpu.matmul %sub3A_181, %get3A_184, %dot_general3A_185 {dimension_numbers = #tpu.dot_dimension_numbers<[1], [0], [0], [1], [0, 0, 1, 1], [], []>, transpose_lhs_hint = false} : vector<512x128xf32>, vector<128x256xf32>, vector<512x256xf32> -> vector<512x256xf32>
    %add3A_187 = arith.addf %dot_general3A_186, %add3A_9 : vector<512x256xf32>
    %max3A_188 = arith.maximumf %max3A_175, %add3A_187 : vector<512x256xf32>
    %get3A_189 = arith.constant 14 : index
    %get3A_190 = arith.constant 0 : index
    %get3A_191 = arith.constant 0 : index
    %get3A_192 = vector.load %arg2[%get3A_189, %get3A_190, %get3A_191] : memref<16x512x128xf32, #tpu.memory_space<vmem>>, vector<1x512x128xf32>
    %get3A_193 = vector.shape_cast %get3A_192 : vector<1x512x128xf32> to vector<512x128xf32>
    %sub3A_194 = arith.subf %get3A_193, %get3A_1 : vector<512x128xf32>
    %get3A_195 = arith.constant 0 : index
    %get3A_196 = arith.constant 0 : index
    %get3A_197 = vector.load %arg3[%get3A_195, %get3A_196] : memref<128x256xf32, #tpu.memory_space<vmem>>, vector<128x256xf32>
    %dot_general3A_198 = arith.constant dense<0.000000e+00> : vector<512x256xf32>
    %dot_general3A_199 = tpu.matmul %sub3A_194, %get3A_197, %dot_general3A_198 {dimension_numbers = #tpu.dot_dimension_numbers<[1], [0], [0], [1], [0, 0, 1, 1], [], []>, transpose_lhs_hint = false} : vector<512x128xf32>, vector<128x256xf32>, vector<512x256xf32> -> vector<512x256xf32>
    %add3A_200 = arith.addf %dot_general3A_199, %add3A_9 : vector<512x256xf32>
    %max3A_201 = arith.maximumf %max3A_188, %add3A_200 : vector<512x256xf32>
    %get3A_202 = arith.constant 15 : index
    %get3A_203 = arith.constant 0 : index
    %get3A_204 = arith.constant 0 : index
    %get3A_205 = vector.load %arg2[%get3A_202, %get3A_203, %get3A_204] : memref<16x512x128xf32, #tpu.memory_space<vmem>>, vector<1x512x128xf32>
    %get3A_206 = vector.shape_cast %get3A_205 : vector<1x512x128xf32> to vector<512x128xf32>
    %sub3A_207 = arith.subf %get3A_206, %get3A_1 : vector<512x128xf32>
    %get3A_208 = arith.constant 0 : index
    %get3A_209 = arith.constant 0 : index
    %get3A_210 = vector.load %arg3[%get3A_208, %get3A_209] : memref<128x256xf32, #tpu.memory_space<vmem>>, vector<128x256xf32>
    %dot_general3A_211 = arith.constant dense<0.000000e+00> : vector<512x256xf32>
    %dot_general3A_212 = tpu.matmul %sub3A_207, %get3A_210, %dot_general3A_211 {dimension_numbers = #tpu.dot_dimension_numbers<[1], [0], [0], [1], [0, 0, 1, 1], [], []>, transpose_lhs_hint = false} : vector<512x128xf32>, vector<128x256xf32>, vector<512x256xf32> -> vector<512x256xf32>
    %add3A_213 = arith.addf %dot_general3A_212, %add3A_9 : vector<512x256xf32>
    %max3A_214 = arith.maximumf %max3A_201, %add3A_213 : vector<512x256xf32>
    %jit3A = arith.constant 2.000000e-01 : f32
    %ge3A = arith.constant 0.000000e+00 : f32
    %ge3A_215 = vector.broadcast %ge3A : f32 to vector<512x256xf32>
    %ge3A_216 = arith.cmpf oge, %max3A_214, %ge3A_215 : vector<512x256xf32>
    %mul3A = vector.broadcast %jit3A : f32 to vector<512x256xf32>
    %mul3A_217 = arith.mulf %mul3A, %max3A_214 : vector<512x256xf32>
    %select_n3A = arith.select %ge3A_216, %max3A_214, %mul3A_217 : vector<512x256xi1>, vector<512x256xf32>
    %swap3A = arith.constant 0 : index
    %swap3A_218 = arith.constant 0 : index
    %swap3A_219 = vector.load %arg6[%swap3A, %swap3A_218] : memref<512x256xf32, #tpu.memory_space<vmem>>, vector<512x256xf32>
    tpu.vector_store %arg6[%swap3A, %swap3A_218], %select_n3A {strides = array<i32>} : memref<512x256xf32, #tpu.memory_space<vmem>>, vector<512x256xf32>,
    return
  }
  func.func @transform_0(%arg0: i32) -> (i32, i32) {
    %c0_i32 = arith.constant 0 : i32
    %c0_i32_0 = arith.constant 0 : i32
    return %arg0, %c0_i32 : i32, i32
  }
  func.func @transform_1(%arg0: i32) -> (i32, i32, i32) {
    %c0_i32 = arith.constant 0 : i32
    %c0_i32_0 = arith.constant 0 : i32
    %c0_i32_1 = arith.constant 0 : i32
    return %c0_i32, %arg0, %c0_i32_0 : i32, i32, i32
  }
  func.func @transform_2(%arg0: i32) -> (i32, i32) {
    %c0_i32 = arith.constant 0 : i32
    %c0_i32_0 = arith.constant 0 : i32
    %c0_i32_1 = arith.constant 0 : i32
    return %c0_i32, %c0_i32_0 : i32, i32
  }
  func.func @transform_3(%arg0: i32) -> (i32, i32) {
    %c0_i32 = arith.constant 0 : i32
    %c0_i32_0 = arith.constant 0 : i32
    %c0_i32_1 = arith.constant 0 : i32
    return %c0_i32, %c0_i32_0 : i32, i32
  }
  func.func @transform_4(%arg0: i32) -> (i32, i32) {
    %c0_i32 = arith.constant 0 : i32
    %c0_i32_0 = arith.constant 0 : i32
    %c0_i32_1 = arith.constant 0 : i32
    return %c0_i32, %c0_i32_0 : i32, i32
  }
  func.func @transform_5(%arg0: i32) -> (i32, i32) {
    %c0_i32 = arith.constant 0 : i32
    %c0_i32_0 = arith.constant 0 : i32
    return %arg0, %c0_i32 : i32, i32
  }
}

module attributes {stable_mosaic.version = 14 : i64} {
  func.func @_a_body(%arg0: i32, %arg1: memref<1x24x2048xf32, #tpu.memory_space<vmem>>, %arg2: memref<2048x128xf32, #tpu.memory_space<vmem>>, %arg3: memref<2048x128xf32, #tpu.memory_space<vmem>>, %arg4: memref<2048x256xf32, #tpu.memory_space<vmem>>, %arg5: memref<1x24x448xf32, #tpu.memory_space<vmem>>) attributes {dimension_semantics = [#tpu.dimension_semantics<arbitrary>], iteration_bounds = array<i64: 4>, scalar_prefetch = 0 : i64, scratch_operands = 0 : i64, tpu.core_type = #tpu.core_type<tc>, window_params = [{transform_indices = @transform_0, window_bounds = array<i64: 1, 24, 2048>}, {transform_indices = @transform_1, window_bounds = array<i64: 2048, 128>}, {transform_indices = @transform_2, window_bounds = array<i64: 2048, 128>}, {transform_indices = @transform_3, window_bounds = array<i64: 2048, 256>}, {transform_indices = @transform_4, window_bounds = array<i64: 1, 24, 448>}]} {
    %get3A = arith.constant 0 : index
    %get3A_0 = arith.constant 0 : index
    %get3A_1 = arith.constant 0 : index
    %get3A_2 = vector.load %arg1[%get3A, %get3A_0, %get3A_1] : memref<1x24x2048xf32, #tpu.memory_space<vmem>>, vector<1x24x2048xf32>
    %get3A_3 = vector.shape_cast %get3A_2 : vector<1x24x2048xf32> to vector<24x2048xf32>
    %reduce_sum3A = arith.constant dense<0.000000e+00> : vector<24xf32>
    %reduce_sum3A_4 = vector.multi_reduction <add>, %get3A_3, %reduce_sum3A [1] : vector<24x2048xf32> to vector<24xf32>
    %broadcast_in_dim3A = vector.shape_cast %reduce_sum3A_4 : vector<24xf32> to vector<24x1xf32>
    %add3A = arith.constant 9.99999974E-6 : f32
    %add3A_5 = vector.broadcast %add3A : f32 to vector<24x1xf32>
    %add3A_6 = arith.addf %broadcast_in_dim3A, %add3A_5 : vector<24x1xf32>
    %get3A_7 = arith.constant 0 : index
    %get3A_8 = arith.constant 0 : index
    %get3A_9 = vector.load %arg2[%get3A_7, %get3A_8] : memref<2048x128xf32, #tpu.memory_space<vmem>>, vector<2048x128xf32>
    %slice3A = vector.extract_strided_slice %get3A_9 {offsets = [0, 0], sizes = [2048, 64], strides = [1, 1]} : vector<2048x128xf32> to vector<2048x64xf32>
    %dot_general3A = arith.constant dense<0.000000e+00> : vector<24x64xf32>
    %dot_general3A_10 = tpu.matmul %get3A_3, %slice3A, %dot_general3A {dimension_numbers = #tpu.dot_dimension_numbers<[1], [0], [0], [1], [0, 0, 1, 1], [], []>, transpose_lhs_hint = false} : vector<24x2048xf32>, vector<2048x64xf32>, vector<24x64xf32> -> vector<24x64xf32>
    %div3A = vector.broadcast %add3A_6 : vector<24x1xf32> to vector<24x64xf32>
    %div3A_11 = arith.divf %dot_general3A_10, %div3A : vector<24x64xf32>
    %swap3A = arith.constant 0 : index
    %swap3A_12 = arith.constant 0 : index
    %swap3A_13 = arith.constant 0 : index
    %swap3A_14 = vector.load %arg5[%swap3A, %swap3A_12, %swap3A_13] : memref<1x24x448xf32, #tpu.memory_space<vmem>>, vector<1x24x64xf32>
    %swap3A_15 = vector.shape_cast %swap3A_14 : vector<1x24x64xf32> to vector<24x64xf32>
    %swap3A_16 = vector.shape_cast %div3A_11 : vector<24x64xf32> to vector<1x24x64xf32>
    tpu.vector_store %arg5[%swap3A, %swap3A_12, %swap3A_13], %swap3A_16 {strides = array<i32>} : memref<1x24x448xf32, #tpu.memory_space<vmem>>, vector<1x24x64xf32>,
    %get3A_17 = arith.constant 0 : index
    %get3A_18 = arith.constant 0 : index
    %get3A_19 = vector.load %arg3[%get3A_17, %get3A_18] : memref<2048x128xf32, #tpu.memory_space<vmem>>, vector<2048x128xf32>
    %dot_general3A_20 = arith.constant dense<0.000000e+00> : vector<24x128xf32>
    %dot_general3A_21 = tpu.matmul %get3A_3, %get3A_19, %dot_general3A_20 {dimension_numbers = #tpu.dot_dimension_numbers<[1], [0], [0], [1], [0, 0, 1, 1], [], []>, transpose_lhs_hint = false} : vector<24x2048xf32>, vector<2048x128xf32>, vector<24x128xf32> -> vector<24x128xf32>
    %div3A_22 = vector.broadcast %add3A_6 : vector<24x1xf32> to vector<24x128xf32>
    %div3A_23 = arith.divf %dot_general3A_21, %div3A_22 : vector<24x128xf32>
    %swap3A_24 = arith.constant 0 : index
    %swap3A_25 = arith.constant 0 : index
    %swap3A_26 = arith.constant 64 : index
    %swap3A_27 = vector.load %arg5[%swap3A_24, %swap3A_25, %swap3A_26] : memref<1x24x448xf32, #tpu.memory_space<vmem>>, vector<1x24x128xf32>
    %swap3A_28 = vector.shape_cast %swap3A_27 : vector<1x24x128xf32> to vector<24x128xf32>
    %swap3A_29 = vector.shape_cast %div3A_23 : vector<24x128xf32> to vector<1x24x128xf32>
    tpu.vector_store %arg5[%swap3A_24, %swap3A_25, %swap3A_26], %swap3A_29 {strides = array<i32>} : memref<1x24x448xf32, #tpu.memory_space<vmem>>, vector<1x24x128xf32>,
    %get3A_30 = arith.constant 0 : index
    %get3A_31 = arith.constant 0 : index
    %get3A_32 = vector.load %arg4[%get3A_30, %get3A_31] : memref<2048x256xf32, #tpu.memory_space<vmem>>, vector<2048x256xf32>
    %dot_general3A_33 = arith.constant dense<0.000000e+00> : vector<24x256xf32>
    %dot_general3A_34 = tpu.matmul %get3A_3, %get3A_32, %dot_general3A_33 {dimension_numbers = #tpu.dot_dimension_numbers<[1], [0], [0], [1], [0, 0, 1, 1], [], []>, transpose_lhs_hint = false} : vector<24x2048xf32>, vector<2048x256xf32>, vector<24x256xf32> -> vector<24x256xf32>
    %div3A_35 = vector.broadcast %add3A_6 : vector<24x1xf32> to vector<24x256xf32>
    %div3A_36 = arith.divf %dot_general3A_34, %div3A_35 : vector<24x256xf32>
    %swap3A_37 = arith.constant 0 : index
    %swap3A_38 = arith.constant 0 : index
    %swap3A_39 = arith.constant 192 : index
    %swap3A_40 = vector.load %arg5[%swap3A_37, %swap3A_38, %swap3A_39] : memref<1x24x448xf32, #tpu.memory_space<vmem>>, vector<1x24x256xf32>
    %swap3A_41 = vector.shape_cast %swap3A_40 : vector<1x24x256xf32> to vector<24x256xf32>
    %swap3A_42 = vector.shape_cast %div3A_36 : vector<24x256xf32> to vector<1x24x256xf32>
    tpu.vector_store %arg5[%swap3A_37, %swap3A_38, %swap3A_39], %swap3A_42 {strides = array<i32>} : memref<1x24x448xf32, #tpu.memory_space<vmem>>, vector<1x24x256xf32>,
    return
  }
  func.func @transform_0(%arg0: i32) -> (i32, i32, i32) {
    %c0_i32 = arith.constant 0 : i32
    %c0_i32_0 = arith.constant 0 : i32
    %c0_i32_1 = arith.constant 0 : i32
    return %arg0, %c0_i32, %c0_i32_0 : i32, i32, i32
  }
  func.func @transform_1(%arg0: i32) -> (i32, i32) {
    %c0_i32 = arith.constant 0 : i32
    %c0_i32_0 = arith.constant 0 : i32
    return %arg0, %c0_i32 : i32, i32
  }
  func.func @transform_2(%arg0: i32) -> (i32, i32) {
    %c0_i32 = arith.constant 0 : i32
    %c0_i32_0 = arith.constant 0 : i32
    return %arg0, %c0_i32 : i32, i32
  }
  func.func @transform_3(%arg0: i32) -> (i32, i32) {
    %c0_i32 = arith.constant 0 : i32
    %c0_i32_0 = arith.constant 0 : i32
    return %arg0, %c0_i32 : i32, i32
  }
  func.func @transform_4(%arg0: i32) -> (i32, i32, i32) {
    %c0_i32 = arith.constant 0 : i32
    %c0_i32_0 = arith.constant 0 : i32
    %c0_i32_1 = arith.constant 0 : i32
    return %arg0, %c0_i32, %c0_i32_0 : i32, i32, i32
  }
}

module attributes {stable_mosaic.version = 14 : i64} {
  func.func @_mega_body(%arg0: memref<192x457xf32, #tpu.memory_space<vmem>>, %arg1: memref<4x192x192xf32, #tpu.memory_space<vmem>>, %arg2: memref<4x96x96xf32, #tpu.memory_space<vmem>>, %arg3: memref<914x256xf32, #tpu.memory_space<vmem>>, %arg4: memref<1x256xf32, #tpu.memory_space<vmem>>, %arg5: memref<512x128xf32, #tpu.memory_space<vmem>>, %arg6: memref<1x128xf32, #tpu.memory_space<vmem>>, %arg7: memref<256x64xf32, #tpu.memory_space<vmem>>, %arg8: memref<1x64xf32, #tpu.memory_space<vmem>>, %arg9: memref<896x1024xf32, #tpu.memory_space<vmem>>, %arg10: memref<1x1024xf32, #tpu.memory_space<vmem>>, %arg11: memref<1024x512xf32, #tpu.memory_space<vmem>>, %arg12: memref<1x512xf32, #tpu.memory_space<vmem>>, %arg13: memref<512x512xf32, #tpu.memory_space<vmem>>, %arg14: memref<1x512xf32, #tpu.memory_space<vmem>>, %arg15: memref<1024x256xf32, #tpu.memory_space<vmem>>, %arg16: memref<1x256xf32, #tpu.memory_space<vmem>>, %arg17: memref<512x128xf32, #tpu.memory_space<vmem>>, %arg18: memref<1x128xf32, #tpu.memory_space<vmem>>, %arg19: memref<256x64xf32, #tpu.memory_space<vmem>>, %arg20: memref<1x64xf32, #tpu.memory_space<vmem>>, %arg21: memref<448x1024xf32, #tpu.memory_space<vmem>>, %arg22: memref<1x1024xf32, #tpu.memory_space<vmem>>, %arg23: memref<1024x512xf32, #tpu.memory_space<vmem>>, %arg24: memref<1x512xf32, #tpu.memory_space<vmem>>, %arg25: memref<512x512xf32, #tpu.memory_space<vmem>>, %arg26: memref<1x512xf32, #tpu.memory_space<vmem>>, %arg27: memref<1024x256xf32, #tpu.memory_space<vmem>>, %arg28: memref<1x256xf32, #tpu.memory_space<vmem>>, %arg29: memref<512x128xf32, #tpu.memory_space<vmem>>, %arg30: memref<1x128xf32, #tpu.memory_space<vmem>>, %arg31: memref<256x64xf32, #tpu.memory_space<vmem>>, %arg32: memref<1x64xf32, #tpu.memory_space<vmem>>, %arg33: memref<448x1024xf32, #tpu.memory_space<vmem>>, %arg34: memref<1x1024xf32, #tpu.memory_space<vmem>>, %arg35: memref<1024x512xf32, #tpu.memory_space<vmem>>, %arg36: memref<1x512xf32, #tpu.memory_space<vmem>>, %arg37: memref<512x512xf32, #tpu.memory_space<vmem>>, %arg38: memref<1x512xf32, #tpu.memory_space<vmem>>, %arg39: memref<1024x256xf32, #tpu.memory_space<vmem>>, %arg40: memref<1x256xf32, #tpu.memory_space<vmem>>, %arg41: memref<512x128xf32, #tpu.memory_space<vmem>>, %arg42: memref<1x128xf32, #tpu.memory_space<vmem>>, %arg43: memref<256x64xf32, #tpu.memory_space<vmem>>, %arg44: memref<1x64xf32, #tpu.memory_space<vmem>>, %arg45: memref<448x1024xf32, #tpu.memory_space<vmem>>, %arg46: memref<1x1024xf32, #tpu.memory_space<vmem>>, %arg47: memref<1024x512xf32, #tpu.memory_space<vmem>>, %arg48: memref<1x512xf32, #tpu.memory_space<vmem>>, %arg49: memref<512x512xf32, #tpu.memory_space<vmem>>, %arg50: memref<1x512xf32, #tpu.memory_space<vmem>>, %arg51: memref<1024x256xf32, #tpu.memory_space<vmem>>, %arg52: memref<1x256xf32, #tpu.memory_space<vmem>>, %arg53: memref<512x128xf32, #tpu.memory_space<vmem>>, %arg54: memref<1x128xf32, #tpu.memory_space<vmem>>, %arg55: memref<256x64xf32, #tpu.memory_space<vmem>>, %arg56: memref<1x64xf32, #tpu.memory_space<vmem>>, %arg57: memref<448x1024xf32, #tpu.memory_space<vmem>>, %arg58: memref<1x1024xf32, #tpu.memory_space<vmem>>, %arg59: memref<1024x512xf32, #tpu.memory_space<vmem>>, %arg60: memref<1x512xf32, #tpu.memory_space<vmem>>, %arg61: memref<512x512xf32, #tpu.memory_space<vmem>>, %arg62: memref<1x512xf32, #tpu.memory_space<vmem>>, %arg63: memref<1024x256xf32, #tpu.memory_space<vmem>>, %arg64: memref<1x256xf32, #tpu.memory_space<vmem>>, %arg65: memref<512x128xf32, #tpu.memory_space<vmem>>, %arg66: memref<1x128xf32, #tpu.memory_space<vmem>>, %arg67: memref<256x64xf32, #tpu.memory_space<vmem>>, %arg68: memref<1x64xf32, #tpu.memory_space<vmem>>, %arg69: memref<448x512xf32, #tpu.memory_space<vmem>>, %arg70: memref<1x512xf32, #tpu.memory_space<vmem>>, %arg71: memref<512x256xf32, #tpu.memory_space<vmem>>, %arg72: memref<1x256xf32, #tpu.memory_space<vmem>>, %arg73: memref<256x3xf32, #tpu.memory_space<vmem>>, %arg74: memref<1x3xf32, #tpu.memory_space<vmem>>, %arg75: memref<96x3xf32, #tpu.memory_space<vmem>>) attributes {dimension_semantics = [], scalar_prefetch = 0 : i64, scratch_operands = 0 : i64, tpu.core_type = #tpu.core_type<tc>} {
    %get3A = arith.constant 0 : index
    %get3A_0 = arith.constant 0 : index
    %get3A_1 = vector.load %arg0[%get3A, %get3A_0] : memref<192x457xf32, #tpu.memory_space<vmem>>, vector<192x457xf32>
    %get3A_2 = arith.constant 0 : index
    %get3A_3 = arith.constant 0 : index
    %get3A_4 = vector.load %arg3[%get3A_2, %get3A_3] : memref<914x256xf32, #tpu.memory_space<vmem>>, vector<914x256xf32>
    %get3A_5 = arith.constant 0 : index
    %get3A_6 = arith.constant 0 : index
    %get3A_7 = vector.load %arg4[%get3A_5, %get3A_6] : memref<1x256xf32, #tpu.memory_space<vmem>>, vector<1x256xf32>
    %slice3A = vector.extract_strided_slice %get3A_4 {offsets = [0, 0], sizes = [457, 256], strides = [1, 1]} : vector<914x256xf32> to vector<457x256xf32>
    %slice3A_8 = vector.extract_strided_slice %get3A_4 {offsets = [457, 0], sizes = [457, 256], strides = [1, 1]} : vector<914x256xf32> to vector<457x256xf32>
    %dot_general3A = arith.constant dense<0.000000e+00> : vector<192x256xf32>
    %dot_general3A_9 = tpu.matmul %get3A_1, %slice3A_8, %dot_general3A {dimension_numbers = #tpu.dot_dimension_numbers<[1], [0], [0], [1], [0, 0, 1, 1], [], []>, transpose_lhs_hint = false} : vector<192x457xf32>, vector<457x256xf32>, vector<192x256xf32> -> vector<192x256xf32>
    %add3A = vector.broadcast %get3A_7 : vector<1x256xf32> to vector<192x256xf32>
    %add3A_10 = arith.addf %dot_general3A_9, %add3A : vector<192x256xf32>
    %get3A_11 = arith.constant 0 : index
    %get3A_12 = arith.constant 0 : index
    %get3A_13 = arith.constant 0 : index
    %get3A_14 = vector.load %arg1[%get3A_11, %get3A_12, %get3A_13] : memref<4x192x192xf32, #tpu.memory_space<vmem>>, vector<1x192x192xf32>
    %get3A_15 = vector.shape_cast %get3A_14 : vector<1x192x192xf32> to vector<192x192xf32>
    %dot_general3A_16 = arith.constant dense<0.000000e+00> : vector<192x457xf32>
    %dot_general3A_17 = tpu.matmul %get3A_15, %get3A_1, %dot_general3A_16 {dimension_numbers = #tpu.dot_dimension_numbers<[1], [0], [0], [1], [0, 0, 1, 1], [], []>, precision = #tpu.contract_precision<fp32>, transpose_lhs_hint = false} : vector<192x192xf32>, vector<192x457xf32>, vector<192x457xf32> -> vector<192x457xf32>
    %sub3A = arith.subf %dot_general3A_17, %get3A_1 : vector<192x457xf32>
    %dot_general3A_18 = arith.constant dense<0.000000e+00> : vector<192x256xf32>
    %dot_general3A_19 = tpu.matmul %sub3A, %slice3A, %dot_general3A_18 {dimension_numbers = #tpu.dot_dimension_numbers<[1], [0], [0], [1], [0, 0, 1, 1], [], []>, transpose_lhs_hint = false} : vector<192x457xf32>, vector<457x256xf32>, vector<192x256xf32> -> vector<192x256xf32>
    %add3A_20 = arith.addf %dot_general3A_19, %add3A_10 : vector<192x256xf32>
    %get3A_21 = arith.constant 1 : index
    %get3A_22 = arith.constant 0 : index
    %get3A_23 = arith.constant 0 : index
    %get3A_24 = vector.load %arg1[%get3A_21, %get3A_22, %get3A_23] : memref<4x192x192xf32, #tpu.memory_space<vmem>>, vector<1x192x192xf32>
    %get3A_25 = vector.shape_cast %get3A_24 : vector<1x192x192xf32> to vector<192x192xf32>
    %dot_general3A_26 = arith.constant dense<0.000000e+00> : vector<192x457xf32>
    %dot_general3A_27 = tpu.matmul %get3A_25, %get3A_1, %dot_general3A_26 {dimension_numbers = #tpu.dot_dimension_numbers<[1], [0], [0], [1], [0, 0, 1, 1], [], []>, precision = #tpu.contract_precision<fp32>, transpose_lhs_hint = false} : vector<192x192xf32>, vector<192x457xf32>, vector<192x457xf32> -> vector<192x457xf32>
    %sub3A_28 = arith.subf %dot_general3A_27, %get3A_1 : vector<192x457xf32>
    %dot_general3A_29 = arith.constant dense<0.000000e+00> : vector<192x256xf32>
    %dot_general3A_30 = tpu.matmul %sub3A_28, %slice3A, %dot_general3A_29 {dimension_numbers = #tpu.dot_dimension_numbers<[1], [0], [0], [1], [0, 0, 1, 1], [], []>, transpose_lhs_hint = false} : vector<192x457xf32>, vector<457x256xf32>, vector<192x256xf32> -> vector<192x256xf32>
    %add3A_31 = arith.addf %dot_general3A_30, %add3A_10 : vector<192x256xf32>
    %max3A = arith.maximumf %add3A_20, %add3A_31 : vector<192x256xf32>
    %get3A_32 = arith.constant 2 : index
    %get3A_33 = arith.constant 0 : index
    %get3A_34 = arith.constant 0 : index
    %get3A_35 = vector.load %arg1[%get3A_32, %get3A_33, %get3A_34] : memref<4x192x192xf32, #tpu.memory_space<vmem>>, vector<1x192x192xf32>
    %get3A_36 = vector.shape_cast %get3A_35 : vector<1x192x192xf32> to vector<192x192xf32>
    %dot_general3A_37 = arith.constant dense<0.000000e+00> : vector<192x457xf32>
    %dot_general3A_38 = tpu.matmul %get3A_36, %get3A_1, %dot_general3A_37 {dimension_numbers = #tpu.dot_dimension_numbers<[1], [0], [0], [1], [0, 0, 1, 1], [], []>, precision = #tpu.contract_precision<fp32>, transpose_lhs_hint = false} : vector<192x192xf32>, vector<192x457xf32>, vector<192x457xf32> -> vector<192x457xf32>
    %sub3A_39 = arith.subf %dot_general3A_38, %get3A_1 : vector<192x457xf32>
    %dot_general3A_40 = arith.constant dense<0.000000e+00> : vector<192x256xf32>
    %dot_general3A_41 = tpu.matmul %sub3A_39, %slice3A, %dot_general3A_40 {dimension_numbers = #tpu.dot_dimension_numbers<[1], [0], [0], [1], [0, 0, 1, 1], [], []>, transpose_lhs_hint = false} : vector<192x457xf32>, vector<457x256xf32>, vector<192x256xf32> -> vector<192x256xf32>
    %add3A_42 = arith.addf %dot_general3A_41, %add3A_10 : vector<192x256xf32>
    %max3A_43 = arith.maximumf %max3A, %add3A_42 : vector<192x256xf32>
    %get3A_44 = arith.constant 3 : index
    %get3A_45 = arith.constant 0 : index
    %get3A_46 = arith.constant 0 : index
    %get3A_47 = vector.load %arg1[%get3A_44, %get3A_45, %get3A_46] : memref<4x192x192xf32, #tpu.memory_space<vmem>>, vector<1x192x192xf32>
    %get3A_48 = vector.shape_cast %get3A_47 : vector<1x192x192xf32> to vector<192x192xf32>
    %dot_general3A_49 = arith.constant dense<0.000000e+00> : vector<192x457xf32>
    %dot_general3A_50 = tpu.matmul %get3A_48, %get3A_1, %dot_general3A_49 {dimension_numbers = #tpu.dot_dimension_numbers<[1], [0], [0], [1], [0, 0, 1, 1], [], []>, precision = #tpu.contract_precision<fp32>, transpose_lhs_hint = false} : vector<192x192xf32>, vector<192x457xf32>, vector<192x457xf32> -> vector<192x457xf32>
    %sub3A_51 = arith.subf %dot_general3A_50, %get3A_1 : vector<192x457xf32>
    %dot_general3A_52 = arith.constant dense<0.000000e+00> : vector<192x256xf32>
    %dot_general3A_53 = tpu.matmul %sub3A_51, %slice3A, %dot_general3A_52 {dimension_numbers = #tpu.dot_dimension_numbers<[1], [0], [0], [1], [0, 0, 1, 1], [], []>, transpose_lhs_hint = false} : vector<192x457xf32>, vector<457x256xf32>, vector<192x256xf32> -> vector<192x256xf32>
    %add3A_54 = arith.addf %dot_general3A_53, %add3A_10 : vector<192x256xf32>
    %max3A_55 = arith.maximumf %max3A_43, %add3A_54 : vector<192x256xf32>
    %jit3A = arith.constant 2.000000e-01 : f32
    %ge3A = arith.constant 0.000000e+00 : f32
    %ge3A_56 = vector.broadcast %ge3A : f32 to vector<192x256xf32>
    %ge3A_57 = arith.cmpf oge, %max3A_55, %ge3A_56 : vector<192x256xf32>
    %mul3A = vector.broadcast %jit3A : f32 to vector<192x256xf32>
    %mul3A_58 = arith.mulf %mul3A, %max3A_55 : vector<192x256xf32>
    %select_n3A = arith.select %ge3A_57, %max3A_55, %mul3A_58 : vector<192x256xi1>, vector<192x256xf32>
    %get3A_59 = arith.constant 0 : index
    %get3A_60 = arith.constant 0 : index
    %get3A_61 = vector.load %arg5[%get3A_59, %get3A_60] : memref<512x128xf32, #tpu.memory_space<vmem>>, vector<512x128xf32>
    %get3A_62 = arith.constant 0 : index
    %get3A_63 = arith.constant 0 : index
    %get3A_64 = vector.load %arg6[%get3A_62, %get3A_63] : memref<1x128xf32, #tpu.memory_space<vmem>>, vector<1x128xf32>
    %slice3A_65 = vector.extract_strided_slice %get3A_61 {offsets = [0, 0], sizes = [256, 128], strides = [1, 1]} : vector<512x128xf32> to vector<256x128xf32>
    %slice3A_66 = vector.extract_strided_slice %get3A_61 {offsets = [256, 0], sizes = [256, 128], strides = [1, 1]} : vector<512x128xf32> to vector<256x128xf32>
    %dot_general3A_67 = arith.constant dense<0.000000e+00> : vector<192x128xf32>
    %dot_general3A_68 = tpu.matmul %select_n3A, %slice3A_66, %dot_general3A_67 {dimension_numbers = #tpu.dot_dimension_numbers<[1], [0], [0], [1], [0, 0, 1, 1], [], []>, transpose_lhs_hint = false} : vector<192x256xf32>, vector<256x128xf32>, vector<192x128xf32> -> vector<192x128xf32>
    %add3A_69 = vector.broadcast %get3A_64 : vector<1x128xf32> to vector<192x128xf32>
    %add3A_70 = arith.addf %dot_general3A_68, %add3A_69 : vector<192x128xf32>
    %get3A_71 = arith.constant 0 : index
    %get3A_72 = arith.constant 0 : index
    %get3A_73 = arith.constant 0 : index
    %get3A_74 = vector.load %arg1[%get3A_71, %get3A_72, %get3A_73] : memref<4x192x192xf32, #tpu.memory_space<vmem>>, vector<1x192x192xf32>
    %get3A_75 = vector.shape_cast %get3A_74 : vector<1x192x192xf32> to vector<192x192xf32>
    %dot_general3A_76 = arith.constant dense<0.000000e+00> : vector<192x256xf32>
    %dot_general3A_77 = tpu.matmul %get3A_75, %select_n3A, %dot_general3A_76 {dimension_numbers = #tpu.dot_dimension_numbers<[1], [0], [0], [1], [0, 0, 1, 1], [], []>, precision = #tpu.contract_precision<fp32>, transpose_lhs_hint = false} : vector<192x192xf32>, vector<192x256xf32>, vector<192x256xf32> -> vector<192x256xf32>
    %sub3A_78 = arith.subf %dot_general3A_77, %select_n3A : vector<192x256xf32>
    %dot_general3A_79 = arith.constant dense<0.000000e+00> : vector<192x128xf32>
    %dot_general3A_80 = tpu.matmul %sub3A_78, %slice3A_65, %dot_general3A_79 {dimension_numbers = #tpu.dot_dimension_numbers<[1], [0], [0], [1], [0, 0, 1, 1], [], []>, transpose_lhs_hint = false} : vector<192x256xf32>, vector<256x128xf32>, vector<192x128xf32> -> vector<192x128xf32>
    %add3A_81 = arith.addf %dot_general3A_80, %add3A_70 : vector<192x128xf32>
    %get3A_82 = arith.constant 1 : index
    %get3A_83 = arith.constant 0 : index
    %get3A_84 = arith.constant 0 : index
    %get3A_85 = vector.load %arg1[%get3A_82, %get3A_83, %get3A_84] : memref<4x192x192xf32, #tpu.memory_space<vmem>>, vector<1x192x192xf32>
    %get3A_86 = vector.shape_cast %get3A_85 : vector<1x192x192xf32> to vector<192x192xf32>
    %dot_general3A_87 = arith.constant dense<0.000000e+00> : vector<192x256xf32>
    %dot_general3A_88 = tpu.matmul %get3A_86, %select_n3A, %dot_general3A_87 {dimension_numbers = #tpu.dot_dimension_numbers<[1], [0], [0], [1], [0, 0, 1, 1], [], []>, precision = #tpu.contract_precision<fp32>, transpose_lhs_hint = false} : vector<192x192xf32>, vector<192x256xf32>, vector<192x256xf32> -> vector<192x256xf32>
    %sub3A_89 = arith.subf %dot_general3A_88, %select_n3A : vector<192x256xf32>
    %dot_general3A_90 = arith.constant dense<0.000000e+00> : vector<192x128xf32>
    %dot_general3A_91 = tpu.matmul %sub3A_89, %slice3A_65, %dot_general3A_90 {dimension_numbers = #tpu.dot_dimension_numbers<[1], [0], [0], [1], [0, 0, 1, 1], [], []>, transpose_lhs_hint = false} : vector<192x256xf32>, vector<256x128xf32>, vector<192x128xf32> -> vector<192x128xf32>
    %add3A_92 = arith.addf %dot_general3A_91, %add3A_70 : vector<192x128xf32>
    %max3A_93 = arith.maximumf %add3A_81, %add3A_92 : vector<192x128xf32>
    %get3A_94 = arith.constant 2 : index
    %get3A_95 = arith.constant 0 : index
    %get3A_96 = arith.constant 0 : index
    %get3A_97 = vector.load %arg1[%get3A_94, %get3A_95, %get3A_96] : memref<4x192x192xf32, #tpu.memory_space<vmem>>, vector<1x192x192xf32>
    %get3A_98 = vector.shape_cast %get3A_97 : vector<1x192x192xf32> to vector<192x192xf32>
    %dot_general3A_99 = arith.constant dense<0.000000e+00> : vector<192x256xf32>
    %dot_general3A_100 = tpu.matmul %get3A_98, %select_n3A, %dot_general3A_99 {dimension_numbers = #tpu.dot_dimension_numbers<[1], [0], [0], [1], [0, 0, 1, 1], [], []>, precision = #tpu.contract_precision<fp32>, transpose_lhs_hint = false} : vector<192x192xf32>, vector<192x256xf32>, vector<192x256xf32> -> vector<192x256xf32>
    %sub3A_101 = arith.subf %dot_general3A_100, %select_n3A : vector<192x256xf32>
    %dot_general3A_102 = arith.constant dense<0.000000e+00> : vector<192x128xf32>
    %dot_general3A_103 = tpu.matmul %sub3A_101, %slice3A_65, %dot_general3A_102 {dimension_numbers = #tpu.dot_dimension_numbers<[1], [0], [0], [1], [0, 0, 1, 1], [], []>, transpose_lhs_hint = false} : vector<192x256xf32>, vector<256x128xf32>, vector<192x128xf32> -> vector<192x128xf32>
    %add3A_104 = arith.addf %dot_general3A_103, %add3A_70 : vector<192x128xf32>
    %max3A_105 = arith.maximumf %max3A_93, %add3A_104 : vector<192x128xf32>
    %get3A_106 = arith.constant 3 : index
    %get3A_107 = arith.constant 0 : index
    %get3A_108 = arith.constant 0 : index
    %get3A_109 = vector.load %arg1[%get3A_106, %get3A_107, %get3A_108] : memref<4x192x192xf32, #tpu.memory_space<vmem>>, vector<1x192x192xf32>
    %get3A_110 = vector.shape_cast %get3A_109 : vector<1x192x192xf32> to vector<192x192xf32>
    %dot_general3A_111 = arith.constant dense<0.000000e+00> : vector<192x256xf32>
    %dot_general3A_112 = tpu.matmul %get3A_110, %select_n3A, %dot_general3A_111 {dimension_numbers = #tpu.dot_dimension_numbers<[1], [0], [0], [1], [0, 0, 1, 1], [], []>, precision = #tpu.contract_precision<fp32>, transpose_lhs_hint = false} : vector<192x192xf32>, vector<192x256xf32>, vector<192x256xf32> -> vector<192x256xf32>
    %sub3A_113 = arith.subf %dot_general3A_112, %select_n3A : vector<192x256xf32>
    %dot_general3A_114 = arith.constant dense<0.000000e+00> : vector<192x128xf32>
    %dot_general3A_115 = tpu.matmul %sub3A_113, %slice3A_65, %dot_general3A_114 {dimension_numbers = #tpu.dot_dimension_numbers<[1], [0], [0], [1], [0, 0, 1, 1], [], []>, transpose_lhs_hint = false} : vector<192x256xf32>, vector<256x128xf32>, vector<192x128xf32> -> vector<192x128xf32>
    %add3A_116 = arith.addf %dot_general3A_115, %add3A_70 : vector<192x128xf32>
    %max3A_117 = arith.maximumf %max3A_105, %add3A_116 : vector<192x128xf32>
    %jit3A_118 = arith.constant 2.000000e-01 : f32
    %ge3A_119 = arith.constant 0.000000e+00 : f32
    %ge3A_120 = vector.broadcast %ge3A_119 : f32 to vector<192x128xf32>
    %ge3A_121 = arith.cmpf oge, %max3A_117, %ge3A_120 : vector<192x128xf32>
    %mul3A_122 = vector.broadcast %jit3A_118 : f32 to vector<192x128xf32>
    %mul3A_123 = arith.mulf %mul3A_122, %max3A_117 : vector<192x128xf32>
    %select_n3A_124 = arith.select %ge3A_121, %max3A_117, %mul3A_123 : vector<192x128xi1>, vector<192x128xf32>
    %get3A_125 = arith.constant 0 : index
    %get3A_126 = arith.constant 0 : index
    %get3A_127 = vector.load %arg7[%get3A_125, %get3A_126] : memref<256x64xf32, #tpu.memory_space<vmem>>, vector<256x64xf32>
    %get3A_128 = arith.constant 0 : index
    %get3A_129 = arith.constant 0 : index
    %get3A_130 = vector.load %arg8[%get3A_128, %get3A_129] : memref<1x64xf32, #tpu.memory_space<vmem>>, vector<1x64xf32>
    %slice3A_131 = vector.extract_strided_slice %get3A_127 {offsets = [0, 0], sizes = [128, 64], strides = [1, 1]} : vector<256x64xf32> to vector<128x64xf32>
    %slice3A_132 = vector.extract_strided_slice %get3A_127 {offsets = [128, 0], sizes = [128, 64], strides = [1, 1]} : vector<256x64xf32> to vector<128x64xf32>
    %dot_general3A_133 = arith.constant dense<0.000000e+00> : vector<192x64xf32>
    %dot_general3A_134 = tpu.matmul %select_n3A_124, %slice3A_132, %dot_general3A_133 {dimension_numbers = #tpu.dot_dimension_numbers<[1], [0], [0], [1], [0, 0, 1, 1], [], []>, transpose_lhs_hint = false} : vector<192x128xf32>, vector<128x64xf32>, vector<192x64xf32> -> vector<192x64xf32>
    %add3A_135 = vector.broadcast %get3A_130 : vector<1x64xf32> to vector<192x64xf32>
    %add3A_136 = arith.addf %dot_general3A_134, %add3A_135 : vector<192x64xf32>
    %get3A_137 = arith.constant 0 : index
    %get3A_138 = arith.constant 0 : index
    %get3A_139 = arith.constant 0 : index
    %get3A_140 = vector.load %arg1[%get3A_137, %get3A_138, %get3A_139] : memref<4x192x192xf32, #tpu.memory_space<vmem>>, vector<1x192x192xf32>
    %get3A_141 = vector.shape_cast %get3A_140 : vector<1x192x192xf32> to vector<192x192xf32>
    %dot_general3A_142 = arith.constant dense<0.000000e+00> : vector<192x128xf32>
    %dot_general3A_143 = tpu.matmul %get3A_141, %select_n3A_124, %dot_general3A_142 {dimension_numbers = #tpu.dot_dimension_numbers<[1], [0], [0], [1], [0, 0, 1, 1], [], []>, precision = #tpu.contract_precision<fp32>, transpose_lhs_hint = false} : vector<192x192xf32>, vector<192x128xf32>, vector<192x128xf32> -> vector<192x128xf32>
    %sub3A_144 = arith.subf %dot_general3A_143, %select_n3A_124 : vector<192x128xf32>
    %dot_general3A_145 = arith.constant dense<0.000000e+00> : vector<192x64xf32>
    %dot_general3A_146 = tpu.matmul %sub3A_144, %slice3A_131, %dot_general3A_145 {dimension_numbers = #tpu.dot_dimension_numbers<[1], [0], [0], [1], [0, 0, 1, 1], [], []>, transpose_lhs_hint = false} : vector<192x128xf32>, vector<128x64xf32>, vector<192x64xf32> -> vector<192x64xf32>
    %add3A_147 = arith.addf %dot_general3A_146, %add3A_136 : vector<192x64xf32>
    %get3A_148 = arith.constant 1 : index
    %get3A_149 = arith.constant 0 : index
    %get3A_150 = arith.constant 0 : index
    %get3A_151 = vector.load %arg1[%get3A_148, %get3A_149, %get3A_150] : memref<4x192x192xf32, #tpu.memory_space<vmem>>, vector<1x192x192xf32>
    %get3A_152 = vector.shape_cast %get3A_151 : vector<1x192x192xf32> to vector<192x192xf32>
    %dot_general3A_153 = arith.constant dense<0.000000e+00> : vector<192x128xf32>
    %dot_general3A_154 = tpu.matmul %get3A_152, %select_n3A_124, %dot_general3A_153 {dimension_numbers = #tpu.dot_dimension_numbers<[1], [0], [0], [1], [0, 0, 1, 1], [], []>, precision = #tpu.contract_precision<fp32>, transpose_lhs_hint = false} : vector<192x192xf32>, vector<192x128xf32>, vector<192x128xf32> -> vector<192x128xf32>
    %sub3A_155 = arith.subf %dot_general3A_154, %select_n3A_124 : vector<192x128xf32>
    %dot_general3A_156 = arith.constant dense<0.000000e+00> : vector<192x64xf32>
    %dot_general3A_157 = tpu.matmul %sub3A_155, %slice3A_131, %dot_general3A_156 {dimension_numbers = #tpu.dot_dimension_numbers<[1], [0], [0], [1], [0, 0, 1, 1], [], []>, transpose_lhs_hint = false} : vector<192x128xf32>, vector<128x64xf32>, vector<192x64xf32> -> vector<192x64xf32>
    %add3A_158 = arith.addf %dot_general3A_157, %add3A_136 : vector<192x64xf32>
    %max3A_159 = arith.maximumf %add3A_147, %add3A_158 : vector<192x64xf32>
    %get3A_160 = arith.constant 2 : index
    %get3A_161 = arith.constant 0 : index
    %get3A_162 = arith.constant 0 : index
    %get3A_163 = vector.load %arg1[%get3A_160, %get3A_161, %get3A_162] : memref<4x192x192xf32, #tpu.memory_space<vmem>>, vector<1x192x192xf32>
    %get3A_164 = vector.shape_cast %get3A_163 : vector<1x192x192xf32> to vector<192x192xf32>
    %dot_general3A_165 = arith.constant dense<0.000000e+00> : vector<192x128xf32>
    %dot_general3A_166 = tpu.matmul %get3A_164, %select_n3A_124, %dot_general3A_165 {dimension_numbers = #tpu.dot_dimension_numbers<[1], [0], [0], [1], [0, 0, 1, 1], [], []>, precision = #tpu.contract_precision<fp32>, transpose_lhs_hint = false} : vector<192x192xf32>, vector<192x128xf32>, vector<192x128xf32> -> vector<192x128xf32>
    %sub3A_167 = arith.subf %dot_general3A_166, %select_n3A_124 : vector<192x128xf32>
    %dot_general3A_168 = arith.constant dense<0.000000e+00> : vector<192x64xf32>
    %dot_general3A_169 = tpu.matmul %sub3A_167, %slice3A_131, %dot_general3A_168 {dimension_numbers = #tpu.dot_dimension_numbers<[1], [0], [0], [1], [0, 0, 1, 1], [], []>, transpose_lhs_hint = false} : vector<192x128xf32>, vector<128x64xf32>, vector<192x64xf32> -> vector<192x64xf32>
    %add3A_170 = arith.addf %dot_general3A_169, %add3A_136 : vector<192x64xf32>
    %max3A_171 = arith.maximumf %max3A_159, %add3A_170 : vector<192x64xf32>
    %get3A_172 = arith.constant 3 : index
    %get3A_173 = arith.constant 0 : index
    %get3A_174 = arith.constant 0 : index
    %get3A_175 = vector.load %arg1[%get3A_172, %get3A_173, %get3A_174] : memref<4x192x192xf32, #tpu.memory_space<vmem>>, vector<1x192x192xf32>
    %get3A_176 = vector.shape_cast %get3A_175 : vector<1x192x192xf32> to vector<192x192xf32>
    %dot_general3A_177 = arith.constant dense<0.000000e+00> : vector<192x128xf32>
    %dot_general3A_178 = tpu.matmul %get3A_176, %select_n3A_124, %dot_general3A_177 {dimension_numbers = #tpu.dot_dimension_numbers<[1], [0], [0], [1], [0, 0, 1, 1], [], []>, precision = #tpu.contract_precision<fp32>, transpose_lhs_hint = false} : vector<192x192xf32>, vector<192x128xf32>, vector<192x128xf32> -> vector<192x128xf32>
    %sub3A_179 = arith.subf %dot_general3A_178, %select_n3A_124 : vector<192x128xf32>
    %dot_general3A_180 = arith.constant dense<0.000000e+00> : vector<192x64xf32>
    %dot_general3A_181 = tpu.matmul %sub3A_179, %slice3A_131, %dot_general3A_180 {dimension_numbers = #tpu.dot_dimension_numbers<[1], [0], [0], [1], [0, 0, 1, 1], [], []>, transpose_lhs_hint = false} : vector<192x128xf32>, vector<128x64xf32>, vector<192x64xf32> -> vector<192x64xf32>
    %add3A_182 = arith.addf %dot_general3A_181, %add3A_136 : vector<192x64xf32>
    %max3A_183 = arith.maximumf %max3A_171, %add3A_182 : vector<192x64xf32>
    %jit3A_184 = arith.constant 2.000000e-01 : f32
    %ge3A_185 = arith.constant 0.000000e+00 : f32
    %ge3A_186 = vector.broadcast %ge3A_185 : f32 to vector<192x64xf32>
    %ge3A_187 = arith.cmpf oge, %max3A_183, %ge3A_186 : vector<192x64xf32>
    %mul3A_188 = vector.broadcast %jit3A_184 : f32 to vector<192x64xf32>
    %mul3A_189 = arith.mulf %mul3A_188, %max3A_183 : vector<192x64xf32>
    %select_n3A_190 = arith.select %ge3A_187, %max3A_183, %mul3A_189 : vector<192x64xi1>, vector<192x64xf32>
    %concatenate3A = tpu.concatenate %select_n3A, %select_n3A_124, %select_n3A_190 in 1 : vector<192x256xf32>, vector<192x128xf32>, vector<192x64xf32> -> vector<192x448xf32>
    %slice3A_191 = vector.extract_strided_slice %concatenate3A {offsets = [0, 0], sizes = [96, 448], strides = [1, 1]} : vector<192x448xf32> to vector<96x448xf32>
    %slice3A_192 = vector.extract_strided_slice %concatenate3A {offsets = [96, 0], sizes = [96, 448], strides = [1, 1]} : vector<192x448xf32> to vector<96x448xf32>
    %concatenate3A_193 = tpu.concatenate %slice3A_191, %slice3A_192 in 1 : vector<96x448xf32>, vector<96x448xf32> -> vector<96x896xf32>
    %get3A_194 = arith.constant 0 : index
    %get3A_195 = arith.constant 0 : index
    %get3A_196 = vector.load %arg9[%get3A_194, %get3A_195] : memref<896x1024xf32, #tpu.memory_space<vmem>>, vector<896x1024xf32>
    %get3A_197 = arith.constant 0 : index
    %get3A_198 = arith.constant 0 : index
    %get3A_199 = vector.load %arg10[%get3A_197, %get3A_198] : memref<1x1024xf32, #tpu.memory_space<vmem>>, vector<1x1024xf32>
    %dot_general3A_200 = arith.constant dense<0.000000e+00> : vector<96x1024xf32>
    %dot_general3A_201 = tpu.matmul %concatenate3A_193, %get3A_196, %dot_general3A_200 {dimension_numbers = #tpu.dot_dimension_numbers<[1], [0], [0], [1], [0, 0, 1, 1], [], []>, transpose_lhs_hint = false} : vector<96x896xf32>, vector<896x1024xf32>, vector<96x1024xf32> -> vector<96x1024xf32>
    %add3A_202 = vector.broadcast %get3A_199 : vector<1x1024xf32> to vector<96x1024xf32>
    %add3A_203 = arith.addf %dot_general3A_201, %add3A_202 : vector<96x1024xf32>
    %jit3A_204 = arith.constant 2.000000e-01 : f32
    %ge3A_205 = arith.constant 0.000000e+00 : f32
    %ge3A_206 = vector.broadcast %ge3A_205 : f32 to vector<96x1024xf32>
    %ge3A_207 = arith.cmpf oge, %add3A_203, %ge3A_206 : vector<96x1024xf32>
    %mul3A_208 = vector.broadcast %jit3A_204 : f32 to vector<96x1024xf32>
    %mul3A_209 = arith.mulf %mul3A_208, %add3A_203 : vector<96x1024xf32>
    %select_n3A_210 = arith.select %ge3A_207, %add3A_203, %mul3A_209 : vector<96x1024xi1>, vector<96x1024xf32>
    %get3A_211 = arith.constant 0 : index
    %get3A_212 = arith.constant 0 : index
    %get3A_213 = vector.load %arg11[%get3A_211, %get3A_212] : memref<1024x512xf32, #tpu.memory_space<vmem>>, vector<1024x512xf32>
    %get3A_214 = arith.constant 0 : index
    %get3A_215 = arith.constant 0 : index
    %get3A_216 = vector.load %arg12[%get3A_214, %get3A_215] : memref<1x512xf32, #tpu.memory_space<vmem>>, vector<1x512xf32>
    %dot_general3A_217 = arith.constant dense<0.000000e+00> : vector<96x512xf32>
    %dot_general3A_218 = tpu.matmul %select_n3A_210, %get3A_213, %dot_general3A_217 {dimension_numbers = #tpu.dot_dimension_numbers<[1], [0], [0], [1], [0, 0, 1, 1], [], []>, transpose_lhs_hint = false} : vector<96x1024xf32>, vector<1024x512xf32>, vector<96x512xf32> -> vector<96x512xf32>
    %add3A_219 = vector.broadcast %get3A_216 : vector<1x512xf32> to vector<96x512xf32>
    %add3A_220 = arith.addf %dot_general3A_218, %add3A_219 : vector<96x512xf32>
    %jit3A_221 = arith.constant 2.000000e-01 : f32
    %ge3A_222 = arith.constant 0.000000e+00 : f32
    %ge3A_223 = vector.broadcast %ge3A_222 : f32 to vector<96x512xf32>
    %ge3A_224 = arith.cmpf oge, %add3A_220, %ge3A_223 : vector<96x512xf32>
    %mul3A_225 = vector.broadcast %jit3A_221 : f32 to vector<96x512xf32>
    %mul3A_226 = arith.mulf %mul3A_225, %add3A_220 : vector<96x512xf32>
    %select_n3A_227 = arith.select %ge3A_224, %add3A_220, %mul3A_226 : vector<96x512xi1>, vector<96x512xf32>
    %get3A_228 = arith.constant 0 : index
    %get3A_229 = arith.constant 0 : index
    %get3A_230 = vector.load %arg13[%get3A_228, %get3A_229] : memref<512x512xf32, #tpu.memory_space<vmem>>, vector<512x512xf32>
    %get3A_231 = arith.constant 0 : index
    %get3A_232 = arith.constant 0 : index
    %get3A_233 = vector.load %arg14[%get3A_231, %get3A_232] : memref<1x512xf32, #tpu.memory_space<vmem>>, vector<1x512xf32>
    %dot_general3A_234 = arith.constant dense<0.000000e+00> : vector<96x512xf32>
    %dot_general3A_235 = tpu.matmul %select_n3A_227, %get3A_230, %dot_general3A_234 {dimension_numbers = #tpu.dot_dimension_numbers<[1], [0], [0], [1], [0, 0, 1, 1], [], []>, transpose_lhs_hint = false} : vector<96x512xf32>, vector<512x512xf32>, vector<96x512xf32> -> vector<96x512xf32>
    %add3A_236 = vector.broadcast %get3A_233 : vector<1x512xf32> to vector<96x512xf32>
    %add3A_237 = arith.addf %dot_general3A_235, %add3A_236 : vector<96x512xf32>
    %get3A_238 = arith.constant 0 : index
    %get3A_239 = arith.constant 0 : index
    %get3A_240 = vector.load %arg15[%get3A_238, %get3A_239] : memref<1024x256xf32, #tpu.memory_space<vmem>>, vector<1024x256xf32>
    %get3A_241 = arith.constant 0 : index
    %get3A_242 = arith.constant 0 : index
    %get3A_243 = vector.load %arg16[%get3A_241, %get3A_242] : memref<1x256xf32, #tpu.memory_space<vmem>>, vector<1x256xf32>
    %slice3A_244 = vector.extract_strided_slice %get3A_240 {offsets = [0, 0], sizes = [512, 256], strides = [1, 1]} : vector<1024x256xf32> to vector<512x256xf32>
    %slice3A_245 = vector.extract_strided_slice %get3A_240 {offsets = [512, 0], sizes = [512, 256], strides = [1, 1]} : vector<1024x256xf32> to vector<512x256xf32>
    %dot_general3A_246 = arith.constant dense<0.000000e+00> : vector<96x256xf32>
    %dot_general3A_247 = tpu.matmul %add3A_237, %slice3A_245, %dot_general3A_246 {dimension_numbers = #tpu.dot_dimension_numbers<[1], [0], [0], [1], [0, 0, 1, 1], [], []>, transpose_lhs_hint = false} : vector<96x512xf32>, vector<512x256xf32>, vector<96x256xf32> -> vector<96x256xf32>
    %add3A_248 = vector.broadcast %get3A_243 : vector<1x256xf32> to vector<96x256xf32>
    %add3A_249 = arith.addf %dot_general3A_247, %add3A_248 : vector<96x256xf32>
    %get3A_250 = arith.constant 0 : index
    %get3A_251 = arith.constant 0 : index
    %get3A_252 = arith.constant 0 : index
    %get3A_253 = vector.load %arg2[%get3A_250, %get3A_251, %get3A_252] : memref<4x96x96xf32, #tpu.memory_space<vmem>>, vector<1x96x96xf32>
    %get3A_254 = vector.shape_cast %get3A_253 : vector<1x96x96xf32> to vector<96x96xf32>
    %dot_general3A_255 = arith.constant dense<0.000000e+00> : vector<96x512xf32>
    %dot_general3A_256 = tpu.matmul %get3A_254, %add3A_237, %dot_general3A_255 {dimension_numbers = #tpu.dot_dimension_numbers<[1], [0], [0], [1], [0, 0, 1, 1], [], []>, precision = #tpu.contract_precision<fp32>, transpose_lhs_hint = false} : vector<96x96xf32>, vector<96x512xf32>, vector<96x512xf32> -> vector<96x512xf32>
    %sub3A_257 = arith.subf %dot_general3A_256, %add3A_237 : vector<96x512xf32>
    %dot_general3A_258 = arith.constant dense<0.000000e+00> : vector<96x256xf32>
    %dot_general3A_259 = tpu.matmul %sub3A_257, %slice3A_244, %dot_general3A_258 {dimension_numbers = #tpu.dot_dimension_numbers<[1], [0], [0], [1], [0, 0, 1, 1], [], []>, transpose_lhs_hint = false} : vector<96x512xf32>, vector<512x256xf32>, vector<96x256xf32> -> vector<96x256xf32>
    %add3A_260 = arith.addf %dot_general3A_259, %add3A_249 : vector<96x256xf32>
    %get3A_261 = arith.constant 1 : index
    %get3A_262 = arith.constant 0 : index
    %get3A_263 = arith.constant 0 : index
    %get3A_264 = vector.load %arg2[%get3A_261, %get3A_262, %get3A_263] : memref<4x96x96xf32, #tpu.memory_space<vmem>>, vector<1x96x96xf32>
    %get3A_265 = vector.shape_cast %get3A_264 : vector<1x96x96xf32> to vector<96x96xf32>
    %dot_general3A_266 = arith.constant dense<0.000000e+00> : vector<96x512xf32>
    %dot_general3A_267 = tpu.matmul %get3A_265, %add3A_237, %dot_general3A_266 {dimension_numbers = #tpu.dot_dimension_numbers<[1], [0], [0], [1], [0, 0, 1, 1], [], []>, precision = #tpu.contract_precision<fp32>, transpose_lhs_hint = false} : vector<96x96xf32>, vector<96x512xf32>, vector<96x512xf32> -> vector<96x512xf32>
    %sub3A_268 = arith.subf %dot_general3A_267, %add3A_237 : vector<96x512xf32>
    %dot_general3A_269 = arith.constant dense<0.000000e+00> : vector<96x256xf32>
    %dot_general3A_270 = tpu.matmul %sub3A_268, %slice3A_244, %dot_general3A_269 {dimension_numbers = #tpu.dot_dimension_numbers<[1], [0], [0], [1], [0, 0, 1, 1], [], []>, transpose_lhs_hint = false} : vector<96x512xf32>, vector<512x256xf32>, vector<96x256xf32> -> vector<96x256xf32>
    %add3A_271 = arith.addf %dot_general3A_270, %add3A_249 : vector<96x256xf32>
    %max3A_272 = arith.maximumf %add3A_260, %add3A_271 : vector<96x256xf32>
    %get3A_273 = arith.constant 2 : index
    %get3A_274 = arith.constant 0 : index
    %get3A_275 = arith.constant 0 : index
    %get3A_276 = vector.load %arg2[%get3A_273, %get3A_274, %get3A_275] : memref<4x96x96xf32, #tpu.memory_space<vmem>>, vector<1x96x96xf32>
    %get3A_277 = vector.shape_cast %get3A_276 : vector<1x96x96xf32> to vector<96x96xf32>
    %dot_general3A_278 = arith.constant dense<0.000000e+00> : vector<96x512xf32>
    %dot_general3A_279 = tpu.matmul %get3A_277, %add3A_237, %dot_general3A_278 {dimension_numbers = #tpu.dot_dimension_numbers<[1], [0], [0], [1], [0, 0, 1, 1], [], []>, precision = #tpu.contract_precision<fp32>, transpose_lhs_hint = false} : vector<96x96xf32>, vector<96x512xf32>, vector<96x512xf32> -> vector<96x512xf32>
    %sub3A_280 = arith.subf %dot_general3A_279, %add3A_237 : vector<96x512xf32>
    %dot_general3A_281 = arith.constant dense<0.000000e+00> : vector<96x256xf32>
    %dot_general3A_282 = tpu.matmul %sub3A_280, %slice3A_244, %dot_general3A_281 {dimension_numbers = #tpu.dot_dimension_numbers<[1], [0], [0], [1], [0, 0, 1, 1], [], []>, transpose_lhs_hint = false} : vector<96x512xf32>, vector<512x256xf32>, vector<96x256xf32> -> vector<96x256xf32>
    %add3A_283 = arith.addf %dot_general3A_282, %add3A_249 : vector<96x256xf32>
    %max3A_284 = arith.maximumf %max3A_272, %add3A_283 : vector<96x256xf32>
    %get3A_285 = arith.constant 3 : index
    %get3A_286 = arith.constant 0 : index
    %get3A_287 = arith.constant 0 : index
    %get3A_288 = vector.load %arg2[%get3A_285, %get3A_286, %get3A_287] : memref<4x96x96xf32, #tpu.memory_space<vmem>>, vector<1x96x96xf32>
    %get3A_289 = vector.shape_cast %get3A_288 : vector<1x96x96xf32> to vector<96x96xf32>
    %dot_general3A_290 = arith.constant dense<0.000000e+00> : vector<96x512xf32>
    %dot_general3A_291 = tpu.matmul %get3A_289, %add3A_237, %dot_general3A_290 {dimension_numbers = #tpu.dot_dimension_numbers<[1], [0], [0], [1], [0, 0, 1, 1], [], []>, precision = #tpu.contract_precision<fp32>, transpose_lhs_hint = false} : vector<96x96xf32>, vector<96x512xf32>, vector<96x512xf32> -> vector<96x512xf32>
    %sub3A_292 = arith.subf %dot_general3A_291, %add3A_237 : vector<96x512xf32>
    %dot_general3A_293 = arith.constant dense<0.000000e+00> : vector<96x256xf32>
    %dot_general3A_294 = tpu.matmul %sub3A_292, %slice3A_244, %dot_general3A_293 {dimension_numbers = #tpu.dot_dimension_numbers<[1], [0], [0], [1], [0, 0, 1, 1], [], []>, transpose_lhs_hint = false} : vector<96x512xf32>, vector<512x256xf32>, vector<96x256xf32> -> vector<96x256xf32>
    %add3A_295 = arith.addf %dot_general3A_294, %add3A_249 : vector<96x256xf32>
    %max3A_296 = arith.maximumf %max3A_284, %add3A_295 : vector<96x256xf32>
    %jit3A_297 = arith.constant 2.000000e-01 : f32
    %ge3A_298 = arith.constant 0.000000e+00 : f32
    %ge3A_299 = vector.broadcast %ge3A_298 : f32 to vector<96x256xf32>
    %ge3A_300 = arith.cmpf oge, %max3A_296, %ge3A_299 : vector<96x256xf32>
    %mul3A_301 = vector.broadcast %jit3A_297 : f32 to vector<96x256xf32>
    %mul3A_302 = arith.mulf %mul3A_301, %max3A_296 : vector<96x256xf32>
    %select_n3A_303 = arith.select %ge3A_300, %max3A_296, %mul3A_302 : vector<96x256xi1>, vector<96x256xf32>
    %get3A_304 = arith.constant 0 : index
    %get3A_305 = arith.constant 0 : index
    %get3A_306 = vector.load %arg17[%get3A_304, %get3A_305] : memref<512x128xf32, #tpu.memory_space<vmem>>, vector<512x128xf32>
    %get3A_307 = arith.constant 0 : index
    %get3A_308 = arith.constant 0 : index
    %get3A_309 = vector.load %arg18[%get3A_307, %get3A_308] : memref<1x128xf32, #tpu.memory_space<vmem>>, vector<1x128xf32>
    %slice3A_310 = vector.extract_strided_slice %get3A_306 {offsets = [0, 0], sizes = [256, 128], strides = [1, 1]} : vector<512x128xf32> to vector<256x128xf32>
    %slice3A_311 = vector.extract_strided_slice %get3A_306 {offsets = [256, 0], sizes = [256, 128], strides = [1, 1]} : vector<512x128xf32> to vector<256x128xf32>
    %dot_general3A_312 = arith.constant dense<0.000000e+00> : vector<96x128xf32>
    %dot_general3A_313 = tpu.matmul %select_n3A_303, %slice3A_311, %dot_general3A_312 {dimension_numbers = #tpu.dot_dimension_numbers<[1], [0], [0], [1], [0, 0, 1, 1], [], []>, transpose_lhs_hint = false} : vector<96x256xf32>, vector<256x128xf32>, vector<96x128xf32> -> vector<96x128xf32>
    %add3A_314 = vector.broadcast %get3A_309 : vector<1x128xf32> to vector<96x128xf32>
    %add3A_315 = arith.addf %dot_general3A_313, %add3A_314 : vector<96x128xf32>
    %get3A_316 = arith.constant 0 : index
    %get3A_317 = arith.constant 0 : index
    %get3A_318 = arith.constant 0 : index
    %get3A_319 = vector.load %arg2[%get3A_316, %get3A_317, %get3A_318] : memref<4x96x96xf32, #tpu.memory_space<vmem>>, vector<1x96x96xf32>
    %get3A_320 = vector.shape_cast %get3A_319 : vector<1x96x96xf32> to vector<96x96xf32>
    %dot_general3A_321 = arith.constant dense<0.000000e+00> : vector<96x256xf32>
    %dot_general3A_322 = tpu.matmul %get3A_320, %select_n3A_303, %dot_general3A_321 {dimension_numbers = #tpu.dot_dimension_numbers<[1], [0], [0], [1], [0, 0, 1, 1], [], []>, precision = #tpu.contract_precision<fp32>, transpose_lhs_hint = false} : vector<96x96xf32>, vector<96x256xf32>, vector<96x256xf32> -> vector<96x256xf32>
    %sub3A_323 = arith.subf %dot_general3A_322, %select_n3A_303 : vector<96x256xf32>
    %dot_general3A_324 = arith.constant dense<0.000000e+00> : vector<96x128xf32>
    %dot_general3A_325 = tpu.matmul %sub3A_323, %slice3A_310, %dot_general3A_324 {dimension_numbers = #tpu.dot_dimension_numbers<[1], [0], [0], [1], [0, 0, 1, 1], [], []>, transpose_lhs_hint = false} : vector<96x256xf32>, vector<256x128xf32>, vector<96x128xf32> -> vector<96x128xf32>
    %add3A_326 = arith.addf %dot_general3A_325, %add3A_315 : vector<96x128xf32>
    %get3A_327 = arith.constant 1 : index
    %get3A_328 = arith.constant 0 : index
    %get3A_329 = arith.constant 0 : index
    %get3A_330 = vector.load %arg2[%get3A_327, %get3A_328, %get3A_329] : memref<4x96x96xf32, #tpu.memory_space<vmem>>, vector<1x96x96xf32>
    %get3A_331 = vector.shape_cast %get3A_330 : vector<1x96x96xf32> to vector<96x96xf32>
    %dot_general3A_332 = arith.constant dense<0.000000e+00> : vector<96x256xf32>
    %dot_general3A_333 = tpu.matmul %get3A_331, %select_n3A_303, %dot_general3A_332 {dimension_numbers = #tpu.dot_dimension_numbers<[1], [0], [0], [1], [0, 0, 1, 1], [], []>, precision = #tpu.contract_precision<fp32>, transpose_lhs_hint = false} : vector<96x96xf32>, vector<96x256xf32>, vector<96x256xf32> -> vector<96x256xf32>
    %sub3A_334 = arith.subf %dot_general3A_333, %select_n3A_303 : vector<96x256xf32>
    %dot_general3A_335 = arith.constant dense<0.000000e+00> : vector<96x128xf32>
    %dot_general3A_336 = tpu.matmul %sub3A_334, %slice3A_310, %dot_general3A_335 {dimension_numbers = #tpu.dot_dimension_numbers<[1], [0], [0], [1], [0, 0, 1, 1], [], []>, transpose_lhs_hint = false} : vector<96x256xf32>, vector<256x128xf32>, vector<96x128xf32> -> vector<96x128xf32>
    %add3A_337 = arith.addf %dot_general3A_336, %add3A_315 : vector<96x128xf32>
    %max3A_338 = arith.maximumf %add3A_326, %add3A_337 : vector<96x128xf32>
    %get3A_339 = arith.constant 2 : index
    %get3A_340 = arith.constant 0 : index
    %get3A_341 = arith.constant 0 : index
    %get3A_342 = vector.load %arg2[%get3A_339, %get3A_340, %get3A_341] : memref<4x96x96xf32, #tpu.memory_space<vmem>>, vector<1x96x96xf32>
    %get3A_343 = vector.shape_cast %get3A_342 : vector<1x96x96xf32> to vector<96x96xf32>
    %dot_general3A_344 = arith.constant dense<0.000000e+00> : vector<96x256xf32>
    %dot_general3A_345 = tpu.matmul %get3A_343, %select_n3A_303, %dot_general3A_344 {dimension_numbers = #tpu.dot_dimension_numbers<[1], [0], [0], [1], [0, 0, 1, 1], [], []>, precision = #tpu.contract_precision<fp32>, transpose_lhs_hint = false} : vector<96x96xf32>, vector<96x256xf32>, vector<96x256xf32> -> vector<96x256xf32>
    %sub3A_346 = arith.subf %dot_general3A_345, %select_n3A_303 : vector<96x256xf32>
    %dot_general3A_347 = arith.constant dense<0.000000e+00> : vector<96x128xf32>
    %dot_general3A_348 = tpu.matmul %sub3A_346, %slice3A_310, %dot_general3A_347 {dimension_numbers = #tpu.dot_dimension_numbers<[1], [0], [0], [1], [0, 0, 1, 1], [], []>, transpose_lhs_hint = false} : vector<96x256xf32>, vector<256x128xf32>, vector<96x128xf32> -> vector<96x128xf32>
    %add3A_349 = arith.addf %dot_general3A_348, %add3A_315 : vector<96x128xf32>
    %max3A_350 = arith.maximumf %max3A_338, %add3A_349 : vector<96x128xf32>
    %get3A_351 = arith.constant 3 : index
    %get3A_352 = arith.constant 0 : index
    %get3A_353 = arith.constant 0 : index
    %get3A_354 = vector.load %arg2[%get3A_351, %get3A_352, %get3A_353] : memref<4x96x96xf32, #tpu.memory_space<vmem>>, vector<1x96x96xf32>
    %get3A_355 = vector.shape_cast %get3A_354 : vector<1x96x96xf32> to vector<96x96xf32>
    %dot_general3A_356 = arith.constant dense<0.000000e+00> : vector<96x256xf32>
    %dot_general3A_357 = tpu.matmul %get3A_355, %select_n3A_303, %dot_general3A_356 {dimension_numbers = #tpu.dot_dimension_numbers<[1], [0], [0], [1], [0, 0, 1, 1], [], []>, precision = #tpu.contract_precision<fp32>, transpose_lhs_hint = false} : vector<96x96xf32>, vector<96x256xf32>, vector<96x256xf32> -> vector<96x256xf32>
    %sub3A_358 = arith.subf %dot_general3A_357, %select_n3A_303 : vector<96x256xf32>
    %dot_general3A_359 = arith.constant dense<0.000000e+00> : vector<96x128xf32>
    %dot_general3A_360 = tpu.matmul %sub3A_358, %slice3A_310, %dot_general3A_359 {dimension_numbers = #tpu.dot_dimension_numbers<[1], [0], [0], [1], [0, 0, 1, 1], [], []>, transpose_lhs_hint = false} : vector<96x256xf32>, vector<256x128xf32>, vector<96x128xf32> -> vector<96x128xf32>
    %add3A_361 = arith.addf %dot_general3A_360, %add3A_315 : vector<96x128xf32>
    %max3A_362 = arith.maximumf %max3A_350, %add3A_361 : vector<96x128xf32>
    %jit3A_363 = arith.constant 2.000000e-01 : f32
    %ge3A_364 = arith.constant 0.000000e+00 : f32
    %ge3A_365 = vector.broadcast %ge3A_364 : f32 to vector<96x128xf32>
    %ge3A_366 = arith.cmpf oge, %max3A_362, %ge3A_365 : vector<96x128xf32>
    %mul3A_367 = vector.broadcast %jit3A_363 : f32 to vector<96x128xf32>
    %mul3A_368 = arith.mulf %mul3A_367, %max3A_362 : vector<96x128xf32>
    %select_n3A_369 = arith.select %ge3A_366, %max3A_362, %mul3A_368 : vector<96x128xi1>, vector<96x128xf32>
    %get3A_370 = arith.constant 0 : index
    %get3A_371 = arith.constant 0 : index
    %get3A_372 = vector.load %arg19[%get3A_370, %get3A_371] : memref<256x64xf32, #tpu.memory_space<vmem>>, vector<256x64xf32>
    %get3A_373 = arith.constant 0 : index
    %get3A_374 = arith.constant 0 : index
    %get3A_375 = vector.load %arg20[%get3A_373, %get3A_374] : memref<1x64xf32, #tpu.memory_space<vmem>>, vector<1x64xf32>
    %slice3A_376 = vector.extract_strided_slice %get3A_372 {offsets = [0, 0], sizes = [128, 64], strides = [1, 1]} : vector<256x64xf32> to vector<128x64xf32>
    %slice3A_377 = vector.extract_strided_slice %get3A_372 {offsets = [128, 0], sizes = [128, 64], strides = [1, 1]} : vector<256x64xf32> to vector<128x64xf32>
    %dot_general3A_378 = arith.constant dense<0.000000e+00> : vector<96x64xf32>
    %dot_general3A_379 = tpu.matmul %select_n3A_369, %slice3A_377, %dot_general3A_378 {dimension_numbers = #tpu.dot_dimension_numbers<[1], [0], [0], [1], [0, 0, 1, 1], [], []>, transpose_lhs_hint = false} : vector<96x128xf32>, vector<128x64xf32>, vector<96x64xf32> -> vector<96x64xf32>
    %add3A_380 = vector.broadcast %get3A_375 : vector<1x64xf32> to vector<96x64xf32>
    %add3A_381 = arith.addf %dot_general3A_379, %add3A_380 : vector<96x64xf32>
    %get3A_382 = arith.constant 0 : index
    %get3A_383 = arith.constant 0 : index
    %get3A_384 = arith.constant 0 : index
    %get3A_385 = vector.load %arg2[%get3A_382, %get3A_383, %get3A_384] : memref<4x96x96xf32, #tpu.memory_space<vmem>>, vector<1x96x96xf32>
    %get3A_386 = vector.shape_cast %get3A_385 : vector<1x96x96xf32> to vector<96x96xf32>
    %dot_general3A_387 = arith.constant dense<0.000000e+00> : vector<96x128xf32>
    %dot_general3A_388 = tpu.matmul %get3A_386, %select_n3A_369, %dot_general3A_387 {dimension_numbers = #tpu.dot_dimension_numbers<[1], [0], [0], [1], [0, 0, 1, 1], [], []>, precision = #tpu.contract_precision<fp32>, transpose_lhs_hint = false} : vector<96x96xf32>, vector<96x128xf32>, vector<96x128xf32> -> vector<96x128xf32>
    %sub3A_389 = arith.subf %dot_general3A_388, %select_n3A_369 : vector<96x128xf32>
    %dot_general3A_390 = arith.constant dense<0.000000e+00> : vector<96x64xf32>
    %dot_general3A_391 = tpu.matmul %sub3A_389, %slice3A_376, %dot_general3A_390 {dimension_numbers = #tpu.dot_dimension_numbers<[1], [0], [0], [1], [0, 0, 1, 1], [], []>, transpose_lhs_hint = false} : vector<96x128xf32>, vector<128x64xf32>, vector<96x64xf32> -> vector<96x64xf32>
    %add3A_392 = arith.addf %dot_general3A_391, %add3A_381 : vector<96x64xf32>
    %get3A_393 = arith.constant 1 : index
    %get3A_394 = arith.constant 0 : index
    %get3A_395 = arith.constant 0 : index
    %get3A_396 = vector.load %arg2[%get3A_393, %get3A_394, %get3A_395] : memref<4x96x96xf32, #tpu.memory_space<vmem>>, vector<1x96x96xf32>
    %get3A_397 = vector.shape_cast %get3A_396 : vector<1x96x96xf32> to vector<96x96xf32>
    %dot_general3A_398 = arith.constant dense<0.000000e+00> : vector<96x128xf32>
    %dot_general3A_399 = tpu.matmul %get3A_397, %select_n3A_369, %dot_general3A_398 {dimension_numbers = #tpu.dot_dimension_numbers<[1], [0], [0], [1], [0, 0, 1, 1], [], []>, precision = #tpu.contract_precision<fp32>, transpose_lhs_hint = false} : vector<96x96xf32>, vector<96x128xf32>, vector<96x128xf32> -> vector<96x128xf32>
    %sub3A_400 = arith.subf %dot_general3A_399, %select_n3A_369 : vector<96x128xf32>
    %dot_general3A_401 = arith.constant dense<0.000000e+00> : vector<96x64xf32>
    %dot_general3A_402 = tpu.matmul %sub3A_400, %slice3A_376, %dot_general3A_401 {dimension_numbers = #tpu.dot_dimension_numbers<[1], [0], [0], [1], [0, 0, 1, 1], [], []>, transpose_lhs_hint = false} : vector<96x128xf32>, vector<128x64xf32>, vector<96x64xf32> -> vector<96x64xf32>
    %add3A_403 = arith.addf %dot_general3A_402, %add3A_381 : vector<96x64xf32>
    %max3A_404 = arith.maximumf %add3A_392, %add3A_403 : vector<96x64xf32>
    %get3A_405 = arith.constant 2 : index
    %get3A_406 = arith.constant 0 : index
    %get3A_407 = arith.constant 0 : index
    %get3A_408 = vector.load %arg2[%get3A_405, %get3A_406, %get3A_407] : memref<4x96x96xf32, #tpu.memory_space<vmem>>, vector<1x96x96xf32>
    %get3A_409 = vector.shape_cast %get3A_408 : vector<1x96x96xf32> to vector<96x96xf32>
    %dot_general3A_410 = arith.constant dense<0.000000e+00> : vector<96x128xf32>
    %dot_general3A_411 = tpu.matmul %get3A_409, %select_n3A_369, %dot_general3A_410 {dimension_numbers = #tpu.dot_dimension_numbers<[1], [0], [0], [1], [0, 0, 1, 1], [], []>, precision = #tpu.contract_precision<fp32>, transpose_lhs_hint = false} : vector<96x96xf32>, vector<96x128xf32>, vector<96x128xf32> -> vector<96x128xf32>
    %sub3A_412 = arith.subf %dot_general3A_411, %select_n3A_369 : vector<96x128xf32>
    %dot_general3A_413 = arith.constant dense<0.000000e+00> : vector<96x64xf32>
    %dot_general3A_414 = tpu.matmul %sub3A_412, %slice3A_376, %dot_general3A_413 {dimension_numbers = #tpu.dot_dimension_numbers<[1], [0], [0], [1], [0, 0, 1, 1], [], []>, transpose_lhs_hint = false} : vector<96x128xf32>, vector<128x64xf32>, vector<96x64xf32> -> vector<96x64xf32>
    %add3A_415 = arith.addf %dot_general3A_414, %add3A_381 : vector<96x64xf32>
    %max3A_416 = arith.maximumf %max3A_404, %add3A_415 : vector<96x64xf32>
    %get3A_417 = arith.constant 3 : index
    %get3A_418 = arith.constant 0 : index
    %get3A_419 = arith.constant 0 : index
    %get3A_420 = vector.load %arg2[%get3A_417, %get3A_418, %get3A_419] : memref<4x96x96xf32, #tpu.memory_space<vmem>>, vector<1x96x96xf32>
    %get3A_421 = vector.shape_cast %get3A_420 : vector<1x96x96xf32> to vector<96x96xf32>
    %dot_general3A_422 = arith.constant dense<0.000000e+00> : vector<96x128xf32>
    %dot_general3A_423 = tpu.matmul %get3A_421, %select_n3A_369, %dot_general3A_422 {dimension_numbers = #tpu.dot_dimension_numbers<[1], [0], [0], [1], [0, 0, 1, 1], [], []>, precision = #tpu.contract_precision<fp32>, transpose_lhs_hint = false} : vector<96x96xf32>, vector<96x128xf32>, vector<96x128xf32> -> vector<96x128xf32>
    %sub3A_424 = arith.subf %dot_general3A_423, %select_n3A_369 : vector<96x128xf32>
    %dot_general3A_425 = arith.constant dense<0.000000e+00> : vector<96x64xf32>
    %dot_general3A_426 = tpu.matmul %sub3A_424, %slice3A_376, %dot_general3A_425 {dimension_numbers = #tpu.dot_dimension_numbers<[1], [0], [0], [1], [0, 0, 1, 1], [], []>, transpose_lhs_hint = false} : vector<96x128xf32>, vector<128x64xf32>, vector<96x64xf32> -> vector<96x64xf32>
    %add3A_427 = arith.addf %dot_general3A_426, %add3A_381 : vector<96x64xf32>
    %max3A_428 = arith.maximumf %max3A_416, %add3A_427 : vector<96x64xf32>
    %jit3A_429 = arith.constant 2.000000e-01 : f32
    %ge3A_430 = arith.constant 0.000000e+00 : f32
    %ge3A_431 = vector.broadcast %ge3A_430 : f32 to vector<96x64xf32>
    %ge3A_432 = arith.cmpf oge, %max3A_428, %ge3A_431 : vector<96x64xf32>
    %mul3A_433 = vector.broadcast %jit3A_429 : f32 to vector<96x64xf32>
    %mul3A_434 = arith.mulf %mul3A_433, %max3A_428 : vector<96x64xf32>
    %select_n3A_435 = arith.select %ge3A_432, %max3A_428, %mul3A_434 : vector<96x64xi1>, vector<96x64xf32>
    %concatenate3A_436 = tpu.concatenate %select_n3A_303, %select_n3A_369, %select_n3A_435 in 1 : vector<96x256xf32>, vector<96x128xf32>, vector<96x64xf32> -> vector<96x448xf32>
    %get3A_437 = arith.constant 0 : index
    %get3A_438 = arith.constant 0 : index
    %get3A_439 = vector.load %arg21[%get3A_437, %get3A_438] : memref<448x1024xf32, #tpu.memory_space<vmem>>, vector<448x1024xf32>
    %get3A_440 = arith.constant 0 : index
    %get3A_441 = arith.constant 0 : index
    %get3A_442 = vector.load %arg22[%get3A_440, %get3A_441] : memref<1x1024xf32, #tpu.memory_space<vmem>>, vector<1x1024xf32>
    %dot_general3A_443 = arith.constant dense<0.000000e+00> : vector<96x1024xf32>
    %dot_general3A_444 = tpu.matmul %concatenate3A_436, %get3A_439, %dot_general3A_443 {dimension_numbers = #tpu.dot_dimension_numbers<[1], [0], [0], [1], [0, 0, 1, 1], [], []>, transpose_lhs_hint = false} : vector<96x448xf32>, vector<448x1024xf32>, vector<96x1024xf32> -> vector<96x1024xf32>
    %add3A_445 = vector.broadcast %get3A_442 : vector<1x1024xf32> to vector<96x1024xf32>
    %add3A_446 = arith.addf %dot_general3A_444, %add3A_445 : vector<96x1024xf32>
    %jit3A_447 = arith.constant 2.000000e-01 : f32
    %ge3A_448 = arith.constant 0.000000e+00 : f32
    %ge3A_449 = vector.broadcast %ge3A_448 : f32 to vector<96x1024xf32>
    %ge3A_450 = arith.cmpf oge, %add3A_446, %ge3A_449 : vector<96x1024xf32>
    %mul3A_451 = vector.broadcast %jit3A_447 : f32 to vector<96x1024xf32>
    %mul3A_452 = arith.mulf %mul3A_451, %add3A_446 : vector<96x1024xf32>
    %select_n3A_453 = arith.select %ge3A_450, %add3A_446, %mul3A_452 : vector<96x1024xi1>, vector<96x1024xf32>
    %get3A_454 = arith.constant 0 : index
    %get3A_455 = arith.constant 0 : index
    %get3A_456 = vector.load %arg23[%get3A_454, %get3A_455] : memref<1024x512xf32, #tpu.memory_space<vmem>>, vector<1024x512xf32>
    %get3A_457 = arith.constant 0 : index
    %get3A_458 = arith.constant 0 : index
    %get3A_459 = vector.load %arg24[%get3A_457, %get3A_458] : memref<1x512xf32, #tpu.memory_space<vmem>>, vector<1x512xf32>
    %dot_general3A_460 = arith.constant dense<0.000000e+00> : vector<96x512xf32>
    %dot_general3A_461 = tpu.matmul %select_n3A_453, %get3A_456, %dot_general3A_460 {dimension_numbers = #tpu.dot_dimension_numbers<[1], [0], [0], [1], [0, 0, 1, 1], [], []>, transpose_lhs_hint = false} : vector<96x1024xf32>, vector<1024x512xf32>, vector<96x512xf32> -> vector<96x512xf32>
    %add3A_462 = vector.broadcast %get3A_459 : vector<1x512xf32> to vector<96x512xf32>
    %add3A_463 = arith.addf %dot_general3A_461, %add3A_462 : vector<96x512xf32>
    %jit3A_464 = arith.constant 2.000000e-01 : f32
    %ge3A_465 = arith.constant 0.000000e+00 : f32
    %ge3A_466 = vector.broadcast %ge3A_465 : f32 to vector<96x512xf32>
    %ge3A_467 = arith.cmpf oge, %add3A_463, %ge3A_466 : vector<96x512xf32>
    %mul3A_468 = vector.broadcast %jit3A_464 : f32 to vector<96x512xf32>
    %mul3A_469 = arith.mulf %mul3A_468, %add3A_463 : vector<96x512xf32>
    %select_n3A_470 = arith.select %ge3A_467, %add3A_463, %mul3A_469 : vector<96x512xi1>, vector<96x512xf32>
    %get3A_471 = arith.constant 0 : index
    %get3A_472 = arith.constant 0 : index
    %get3A_473 = vector.load %arg25[%get3A_471, %get3A_472] : memref<512x512xf32, #tpu.memory_space<vmem>>, vector<512x512xf32>
    %get3A_474 = arith.constant 0 : index
    %get3A_475 = arith.constant 0 : index
    %get3A_476 = vector.load %arg26[%get3A_474, %get3A_475] : memref<1x512xf32, #tpu.memory_space<vmem>>, vector<1x512xf32>
    %dot_general3A_477 = arith.constant dense<0.000000e+00> : vector<96x512xf32>
    %dot_general3A_478 = tpu.matmul %select_n3A_470, %get3A_473, %dot_general3A_477 {dimension_numbers = #tpu.dot_dimension_numbers<[1], [0], [0], [1], [0, 0, 1, 1], [], []>, transpose_lhs_hint = false} : vector<96x512xf32>, vector<512x512xf32>, vector<96x512xf32> -> vector<96x512xf32>
    %add3A_479 = vector.broadcast %get3A_476 : vector<1x512xf32> to vector<96x512xf32>
    %add3A_480 = arith.addf %dot_general3A_478, %add3A_479 : vector<96x512xf32>
    %add3A_481 = arith.addf %add3A_237, %add3A_480 : vector<96x512xf32>
    %get3A_482 = arith.constant 0 : index
    %get3A_483 = arith.constant 0 : index
    %get3A_484 = vector.load %arg27[%get3A_482, %get3A_483] : memref<1024x256xf32, #tpu.memory_space<vmem>>, vector<1024x256xf32>
    %get3A_485 = arith.constant 0 : index
    %get3A_486 = arith.constant 0 : index
    %get3A_487 = vector.load %arg28[%get3A_485, %get3A_486] : memref<1x256xf32, #tpu.memory_space<vmem>>, vector<1x256xf32>
    %slice3A_488 = vector.extract_strided_slice %get3A_484 {offsets = [0, 0], sizes = [512, 256], strides = [1, 1]} : vector<1024x256xf32> to vector<512x256xf32>
    %slice3A_489 = vector.extract_strided_slice %get3A_484 {offsets = [512, 0], sizes = [512, 256], strides = [1, 1]} : vector<1024x256xf32> to vector<512x256xf32>
    %dot_general3A_490 = arith.constant dense<0.000000e+00> : vector<96x256xf32>
    %dot_general3A_491 = tpu.matmul %add3A_481, %slice3A_489, %dot_general3A_490 {dimension_numbers = #tpu.dot_dimension_numbers<[1], [0], [0], [1], [0, 0, 1, 1], [], []>, transpose_lhs_hint = false} : vector<96x512xf32>, vector<512x256xf32>, vector<96x256xf32> -> vector<96x256xf32>
    %add3A_492 = vector.broadcast %get3A_487 : vector<1x256xf32> to vector<96x256xf32>
    %add3A_493 = arith.addf %dot_general3A_491, %add3A_492 : vector<96x256xf32>
    %get3A_494 = arith.constant 0 : index
    %get3A_495 = arith.constant 0 : index
    %get3A_496 = arith.constant 0 : index
    %get3A_497 = vector.load %arg2[%get3A_494, %get3A_495, %get3A_496] : memref<4x96x96xf32, #tpu.memory_space<vmem>>, vector<1x96x96xf32>
    %get3A_498 = vector.shape_cast %get3A_497 : vector<1x96x96xf32> to vector<96x96xf32>
    %dot_general3A_499 = arith.constant dense<0.000000e+00> : vector<96x512xf32>
    %dot_general3A_500 = tpu.matmul %get3A_498, %add3A_481, %dot_general3A_499 {dimension_numbers = #tpu.dot_dimension_numbers<[1], [0], [0], [1], [0, 0, 1, 1], [], []>, precision = #tpu.contract_precision<fp32>, transpose_lhs_hint = false} : vector<96x96xf32>, vector<96x512xf32>, vector<96x512xf32> -> vector<96x512xf32>
    %sub3A_501 = arith.subf %dot_general3A_500, %add3A_481 : vector<96x512xf32>
    %dot_general3A_502 = arith.constant dense<0.000000e+00> : vector<96x256xf32>
    %dot_general3A_503 = tpu.matmul %sub3A_501, %slice3A_488, %dot_general3A_502 {dimension_numbers = #tpu.dot_dimension_numbers<[1], [0], [0], [1], [0, 0, 1, 1], [], []>, transpose_lhs_hint = false} : vector<96x512xf32>, vector<512x256xf32>, vector<96x256xf32> -> vector<96x256xf32>
    %add3A_504 = arith.addf %dot_general3A_503, %add3A_493 : vector<96x256xf32>
    %get3A_505 = arith.constant 1 : index
    %get3A_506 = arith.constant 0 : index
    %get3A_507 = arith.constant 0 : index
    %get3A_508 = vector.load %arg2[%get3A_505, %get3A_506, %get3A_507] : memref<4x96x96xf32, #tpu.memory_space<vmem>>, vector<1x96x96xf32>
    %get3A_509 = vector.shape_cast %get3A_508 : vector<1x96x96xf32> to vector<96x96xf32>
    %dot_general3A_510 = arith.constant dense<0.000000e+00> : vector<96x512xf32>
    %dot_general3A_511 = tpu.matmul %get3A_509, %add3A_481, %dot_general3A_510 {dimension_numbers = #tpu.dot_dimension_numbers<[1], [0], [0], [1], [0, 0, 1, 1], [], []>, precision = #tpu.contract_precision<fp32>, transpose_lhs_hint = false} : vector<96x96xf32>, vector<96x512xf32>, vector<96x512xf32> -> vector<96x512xf32>
    %sub3A_512 = arith.subf %dot_general3A_511, %add3A_481 : vector<96x512xf32>
    %dot_general3A_513 = arith.constant dense<0.000000e+00> : vector<96x256xf32>
    %dot_general3A_514 = tpu.matmul %sub3A_512, %slice3A_488, %dot_general3A_513 {dimension_numbers = #tpu.dot_dimension_numbers<[1], [0], [0], [1], [0, 0, 1, 1], [], []>, transpose_lhs_hint = false} : vector<96x512xf32>, vector<512x256xf32>, vector<96x256xf32> -> vector<96x256xf32>
    %add3A_515 = arith.addf %dot_general3A_514, %add3A_493 : vector<96x256xf32>
    %max3A_516 = arith.maximumf %add3A_504, %add3A_515 : vector<96x256xf32>
    %get3A_517 = arith.constant 2 : index
    %get3A_518 = arith.constant 0 : index
    %get3A_519 = arith.constant 0 : index
    %get3A_520 = vector.load %arg2[%get3A_517, %get3A_518, %get3A_519] : memref<4x96x96xf32, #tpu.memory_space<vmem>>, vector<1x96x96xf32>
    %get3A_521 = vector.shape_cast %get3A_520 : vector<1x96x96xf32> to vector<96x96xf32>
    %dot_general3A_522 = arith.constant dense<0.000000e+00> : vector<96x512xf32>
    %dot_general3A_523 = tpu.matmul %get3A_521, %add3A_481, %dot_general3A_522 {dimension_numbers = #tpu.dot_dimension_numbers<[1], [0], [0], [1], [0, 0, 1, 1], [], []>, precision = #tpu.contract_precision<fp32>, transpose_lhs_hint = false} : vector<96x96xf32>, vector<96x512xf32>, vector<96x512xf32> -> vector<96x512xf32>
    %sub3A_524 = arith.subf %dot_general3A_523, %add3A_481 : vector<96x512xf32>
    %dot_general3A_525 = arith.constant dense<0.000000e+00> : vector<96x256xf32>
    %dot_general3A_526 = tpu.matmul %sub3A_524, %slice3A_488, %dot_general3A_525 {dimension_numbers = #tpu.dot_dimension_numbers<[1], [0], [0], [1], [0, 0, 1, 1], [], []>, transpose_lhs_hint = false} : vector<96x512xf32>, vector<512x256xf32>, vector<96x256xf32> -> vector<96x256xf32>
    %add3A_527 = arith.addf %dot_general3A_526, %add3A_493 : vector<96x256xf32>
    %max3A_528 = arith.maximumf %max3A_516, %add3A_527 : vector<96x256xf32>
    %get3A_529 = arith.constant 3 : index
    %get3A_530 = arith.constant 0 : index
    %get3A_531 = arith.constant 0 : index
    %get3A_532 = vector.load %arg2[%get3A_529, %get3A_530, %get3A_531] : memref<4x96x96xf32, #tpu.memory_space<vmem>>, vector<1x96x96xf32>
    %get3A_533 = vector.shape_cast %get3A_532 : vector<1x96x96xf32> to vector<96x96xf32>
    %dot_general3A_534 = arith.constant dense<0.000000e+00> : vector<96x512xf32>
    %dot_general3A_535 = tpu.matmul %get3A_533, %add3A_481, %dot_general3A_534 {dimension_numbers = #tpu.dot_dimension_numbers<[1], [0], [0], [1], [0, 0, 1, 1], [], []>, precision = #tpu.contract_precision<fp32>, transpose_lhs_hint = false} : vector<96x96xf32>, vector<96x512xf32>, vector<96x512xf32> -> vector<96x512xf32>
    %sub3A_536 = arith.subf %dot_general3A_535, %add3A_481 : vector<96x512xf32>
    %dot_general3A_537 = arith.constant dense<0.000000e+00> : vector<96x256xf32>
    %dot_general3A_538 = tpu.matmul %sub3A_536, %slice3A_488, %dot_general3A_537 {dimension_numbers = #tpu.dot_dimension_numbers<[1], [0], [0], [1], [0, 0, 1, 1], [], []>, transpose_lhs_hint = false} : vector<96x512xf32>, vector<512x256xf32>, vector<96x256xf32> -> vector<96x256xf32>
    %add3A_539 = arith.addf %dot_general3A_538, %add3A_493 : vector<96x256xf32>
    %max3A_540 = arith.maximumf %max3A_528, %add3A_539 : vector<96x256xf32>
    %jit3A_541 = arith.constant 2.000000e-01 : f32
    %ge3A_542 = arith.constant 0.000000e+00 : f32
    %ge3A_543 = vector.broadcast %ge3A_542 : f32 to vector<96x256xf32>
    %ge3A_544 = arith.cmpf oge, %max3A_540, %ge3A_543 : vector<96x256xf32>
    %mul3A_545 = vector.broadcast %jit3A_541 : f32 to vector<96x256xf32>
    %mul3A_546 = arith.mulf %mul3A_545, %max3A_540 : vector<96x256xf32>
    %select_n3A_547 = arith.select %ge3A_544, %max3A_540, %mul3A_546 : vector<96x256xi1>, vector<96x256xf32>
    %get3A_548 = arith.constant 0 : index
    %get3A_549 = arith.constant 0 : index
    %get3A_550 = vector.load %arg29[%get3A_548, %get3A_549] : memref<512x128xf32, #tpu.memory_space<vmem>>, vector<512x128xf32>
    %get3A_551 = arith.constant 0 : index
    %get3A_552 = arith.constant 0 : index
    %get3A_553 = vector.load %arg30[%get3A_551, %get3A_552] : memref<1x128xf32, #tpu.memory_space<vmem>>, vector<1x128xf32>
    %slice3A_554 = vector.extract_strided_slice %get3A_550 {offsets = [0, 0], sizes = [256, 128], strides = [1, 1]} : vector<512x128xf32> to vector<256x128xf32>
    %slice3A_555 = vector.extract_strided_slice %get3A_550 {offsets = [256, 0], sizes = [256, 128], strides = [1, 1]} : vector<512x128xf32> to vector<256x128xf32>
    %dot_general3A_556 = arith.constant dense<0.000000e+00> : vector<96x128xf32>
    %dot_general3A_557 = tpu.matmul %select_n3A_547, %slice3A_555, %dot_general3A_556 {dimension_numbers = #tpu.dot_dimension_numbers<[1], [0], [0], [1], [0, 0, 1, 1], [], []>, transpose_lhs_hint = false} : vector<96x256xf32>, vector<256x128xf32>, vector<96x128xf32> -> vector<96x128xf32>
    %add3A_558 = vector.broadcast %get3A_553 : vector<1x128xf32> to vector<96x128xf32>
    %add3A_559 = arith.addf %dot_general3A_557, %add3A_558 : vector<96x128xf32>
    %get3A_560 = arith.constant 0 : index
    %get3A_561 = arith.constant 0 : index
    %get3A_562 = arith.constant 0 : index
    %get3A_563 = vector.load %arg2[%get3A_560, %get3A_561, %get3A_562] : memref<4x96x96xf32, #tpu.memory_space<vmem>>, vector<1x96x96xf32>
    %get3A_564 = vector.shape_cast %get3A_563 : vector<1x96x96xf32> to vector<96x96xf32>
    %dot_general3A_565 = arith.constant dense<0.000000e+00> : vector<96x256xf32>
    %dot_general3A_566 = tpu.matmul %get3A_564, %select_n3A_547, %dot_general3A_565 {dimension_numbers = #tpu.dot_dimension_numbers<[1], [0], [0], [1], [0, 0, 1, 1], [], []>, precision = #tpu.contract_precision<fp32>, transpose_lhs_hint = false} : vector<96x96xf32>, vector<96x256xf32>, vector<96x256xf32> -> vector<96x256xf32>
    %sub3A_567 = arith.subf %dot_general3A_566, %select_n3A_547 : vector<96x256xf32>
    %dot_general3A_568 = arith.constant dense<0.000000e+00> : vector<96x128xf32>
    %dot_general3A_569 = tpu.matmul %sub3A_567, %slice3A_554, %dot_general3A_568 {dimension_numbers = #tpu.dot_dimension_numbers<[1], [0], [0], [1], [0, 0, 1, 1], [], []>, transpose_lhs_hint = false} : vector<96x256xf32>, vector<256x128xf32>, vector<96x128xf32> -> vector<96x128xf32>
    %add3A_570 = arith.addf %dot_general3A_569, %add3A_559 : vector<96x128xf32>
    %get3A_571 = arith.constant 1 : index
    %get3A_572 = arith.constant 0 : index
    %get3A_573 = arith.constant 0 : index
    %get3A_574 = vector.load %arg2[%get3A_571, %get3A_572, %get3A_573] : memref<4x96x96xf32, #tpu.memory_space<vmem>>, vector<1x96x96xf32>
    %get3A_575 = vector.shape_cast %get3A_574 : vector<1x96x96xf32> to vector<96x96xf32>
    %dot_general3A_576 = arith.constant dense<0.000000e+00> : vector<96x256xf32>
    %dot_general3A_577 = tpu.matmul %get3A_575, %select_n3A_547, %dot_general3A_576 {dimension_numbers = #tpu.dot_dimension_numbers<[1], [0], [0], [1], [0, 0, 1, 1], [], []>, precision = #tpu.contract_precision<fp32>, transpose_lhs_hint = false} : vector<96x96xf32>, vector<96x256xf32>, vector<96x256xf32> -> vector<96x256xf32>
    %sub3A_578 = arith.subf %dot_general3A_577, %select_n3A_547 : vector<96x256xf32>
    %dot_general3A_579 = arith.constant dense<0.000000e+00> : vector<96x128xf32>
    %dot_general3A_580 = tpu.matmul %sub3A_578, %slice3A_554, %dot_general3A_579 {dimension_numbers = #tpu.dot_dimension_numbers<[1], [0], [0], [1], [0, 0, 1, 1], [], []>, transpose_lhs_hint = false} : vector<96x256xf32>, vector<256x128xf32>, vector<96x128xf32> -> vector<96x128xf32>
    %add3A_581 = arith.addf %dot_general3A_580, %add3A_559 : vector<96x128xf32>
    %max3A_582 = arith.maximumf %add3A_570, %add3A_581 : vector<96x128xf32>
    %get3A_583 = arith.constant 2 : index
    %get3A_584 = arith.constant 0 : index
    %get3A_585 = arith.constant 0 : index
    %get3A_586 = vector.load %arg2[%get3A_583, %get3A_584, %get3A_585] : memref<4x96x96xf32, #tpu.memory_space<vmem>>, vector<1x96x96xf32>
    %get3A_587 = vector.shape_cast %get3A_586 : vector<1x96x96xf32> to vector<96x96xf32>
    %dot_general3A_588 = arith.constant dense<0.000000e+00> : vector<96x256xf32>
    %dot_general3A_589 = tpu.matmul %get3A_587, %select_n3A_547, %dot_general3A_588 {dimension_numbers = #tpu.dot_dimension_numbers<[1], [0], [0], [1], [0, 0, 1, 1], [], []>, precision = #tpu.contract_precision<fp32>, transpose_lhs_hint = false} : vector<96x96xf32>, vector<96x256xf32>, vector<96x256xf32> -> vector<96x256xf32>
    %sub3A_590 = arith.subf %dot_general3A_589, %select_n3A_547 : vector<96x256xf32>
    %dot_general3A_591 = arith.constant dense<0.000000e+00> : vector<96x128xf32>
    %dot_general3A_592 = tpu.matmul %sub3A_590, %slice3A_554, %dot_general3A_591 {dimension_numbers = #tpu.dot_dimension_numbers<[1], [0], [0], [1], [0, 0, 1, 1], [], []>, transpose_lhs_hint = false} : vector<96x256xf32>, vector<256x128xf32>, vector<96x128xf32> -> vector<96x128xf32>
    %add3A_593 = arith.addf %dot_general3A_592, %add3A_559 : vector<96x128xf32>
    %max3A_594 = arith.maximumf %max3A_582, %add3A_593 : vector<96x128xf32>
    %get3A_595 = arith.constant 3 : index
    %get3A_596 = arith.constant 0 : index
    %get3A_597 = arith.constant 0 : index
    %get3A_598 = vector.load %arg2[%get3A_595, %get3A_596, %get3A_597] : memref<4x96x96xf32, #tpu.memory_space<vmem>>, vector<1x96x96xf32>
    %get3A_599 = vector.shape_cast %get3A_598 : vector<1x96x96xf32> to vector<96x96xf32>
    %dot_general3A_600 = arith.constant dense<0.000000e+00> : vector<96x256xf32>
    %dot_general3A_601 = tpu.matmul %get3A_599, %select_n3A_547, %dot_general3A_600 {dimension_numbers = #tpu.dot_dimension_numbers<[1], [0], [0], [1], [0, 0, 1, 1], [], []>, precision = #tpu.contract_precision<fp32>, transpose_lhs_hint = false} : vector<96x96xf32>, vector<96x256xf32>, vector<96x256xf32> -> vector<96x256xf32>
    %sub3A_602 = arith.subf %dot_general3A_601, %select_n3A_547 : vector<96x256xf32>
    %dot_general3A_603 = arith.constant dense<0.000000e+00> : vector<96x128xf32>
    %dot_general3A_604 = tpu.matmul %sub3A_602, %slice3A_554, %dot_general3A_603 {dimension_numbers = #tpu.dot_dimension_numbers<[1], [0], [0], [1], [0, 0, 1, 1], [], []>, transpose_lhs_hint = false} : vector<96x256xf32>, vector<256x128xf32>, vector<96x128xf32> -> vector<96x128xf32>
    %add3A_605 = arith.addf %dot_general3A_604, %add3A_559 : vector<96x128xf32>
    %max3A_606 = arith.maximumf %max3A_594, %add3A_605 : vector<96x128xf32>
    %jit3A_607 = arith.constant 2.000000e-01 : f32
    %ge3A_608 = arith.constant 0.000000e+00 : f32
    %ge3A_609 = vector.broadcast %ge3A_608 : f32 to vector<96x128xf32>
    %ge3A_610 = arith.cmpf oge, %max3A_606, %ge3A_609 : vector<96x128xf32>
    %mul3A_611 = vector.broadcast %jit3A_607 : f32 to vector<96x128xf32>
    %mul3A_612 = arith.mulf %mul3A_611, %max3A_606 : vector<96x128xf32>
    %select_n3A_613 = arith.select %ge3A_610, %max3A_606, %mul3A_612 : vector<96x128xi1>, vector<96x128xf32>
    %get3A_614 = arith.constant 0 : index
    %get3A_615 = arith.constant 0 : index
    %get3A_616 = vector.load %arg31[%get3A_614, %get3A_615] : memref<256x64xf32, #tpu.memory_space<vmem>>, vector<256x64xf32>
    %get3A_617 = arith.constant 0 : index
    %get3A_618 = arith.constant 0 : index
    %get3A_619 = vector.load %arg32[%get3A_617, %get3A_618] : memref<1x64xf32, #tpu.memory_space<vmem>>, vector<1x64xf32>
    %slice3A_620 = vector.extract_strided_slice %get3A_616 {offsets = [0, 0], sizes = [128, 64], strides = [1, 1]} : vector<256x64xf32> to vector<128x64xf32>
    %slice3A_621 = vector.extract_strided_slice %get3A_616 {offsets = [128, 0], sizes = [128, 64], strides = [1, 1]} : vector<256x64xf32> to vector<128x64xf32>
    %dot_general3A_622 = arith.constant dense<0.000000e+00> : vector<96x64xf32>
    %dot_general3A_623 = tpu.matmul %select_n3A_613, %slice3A_621, %dot_general3A_622 {dimension_numbers = #tpu.dot_dimension_numbers<[1], [0], [0], [1], [0, 0, 1, 1], [], []>, transpose_lhs_hint = false} : vector<96x128xf32>, vector<128x64xf32>, vector<96x64xf32> -> vector<96x64xf32>
    %add3A_624 = vector.broadcast %get3A_619 : vector<1x64xf32> to vector<96x64xf32>
    %add3A_625 = arith.addf %dot_general3A_623, %add3A_624 : vector<96x64xf32>
    %get3A_626 = arith.constant 0 : index
    %get3A_627 = arith.constant 0 : index
    %get3A_628 = arith.constant 0 : index
    %get3A_629 = vector.load %arg2[%get3A_626, %get3A_627, %get3A_628] : memref<4x96x96xf32, #tpu.memory_space<vmem>>, vector<1x96x96xf32>
    %get3A_630 = vector.shape_cast %get3A_629 : vector<1x96x96xf32> to vector<96x96xf32>
    %dot_general3A_631 = arith.constant dense<0.000000e+00> : vector<96x128xf32>
    %dot_general3A_632 = tpu.matmul %get3A_630, %select_n3A_613, %dot_general3A_631 {dimension_numbers = #tpu.dot_dimension_numbers<[1], [0], [0], [1], [0, 0, 1, 1], [], []>, precision = #tpu.contract_precision<fp32>, transpose_lhs_hint = false} : vector<96x96xf32>, vector<96x128xf32>, vector<96x128xf32> -> vector<96x128xf32>
    %sub3A_633 = arith.subf %dot_general3A_632, %select_n3A_613 : vector<96x128xf32>
    %dot_general3A_634 = arith.constant dense<0.000000e+00> : vector<96x64xf32>
    %dot_general3A_635 = tpu.matmul %sub3A_633, %slice3A_620, %dot_general3A_634 {dimension_numbers = #tpu.dot_dimension_numbers<[1], [0], [0], [1], [0, 0, 1, 1], [], []>, transpose_lhs_hint = false} : vector<96x128xf32>, vector<128x64xf32>, vector<96x64xf32> -> vector<96x64xf32>
    %add3A_636 = arith.addf %dot_general3A_635, %add3A_625 : vector<96x64xf32>
    %get3A_637 = arith.constant 1 : index
    %get3A_638 = arith.constant 0 : index
    %get3A_639 = arith.constant 0 : index
    %get3A_640 = vector.load %arg2[%get3A_637, %get3A_638, %get3A_639] : memref<4x96x96xf32, #tpu.memory_space<vmem>>, vector<1x96x96xf32>
    %get3A_641 = vector.shape_cast %get3A_640 : vector<1x96x96xf32> to vector<96x96xf32>
    %dot_general3A_642 = arith.constant dense<0.000000e+00> : vector<96x128xf32>
    %dot_general3A_643 = tpu.matmul %get3A_641, %select_n3A_613, %dot_general3A_642 {dimension_numbers = #tpu.dot_dimension_numbers<[1], [0], [0], [1], [0, 0, 1, 1], [], []>, precision = #tpu.contract_precision<fp32>, transpose_lhs_hint = false} : vector<96x96xf32>, vector<96x128xf32>, vector<96x128xf32> -> vector<96x128xf32>
    %sub3A_644 = arith.subf %dot_general3A_643, %select_n3A_613 : vector<96x128xf32>
    %dot_general3A_645 = arith.constant dense<0.000000e+00> : vector<96x64xf32>
    %dot_general3A_646 = tpu.matmul %sub3A_644, %slice3A_620, %dot_general3A_645 {dimension_numbers = #tpu.dot_dimension_numbers<[1], [0], [0], [1], [0, 0, 1, 1], [], []>, transpose_lhs_hint = false} : vector<96x128xf32>, vector<128x64xf32>, vector<96x64xf32> -> vector<96x64xf32>
    %add3A_647 = arith.addf %dot_general3A_646, %add3A_625 : vector<96x64xf32>
    %max3A_648 = arith.maximumf %add3A_636, %add3A_647 : vector<96x64xf32>
    %get3A_649 = arith.constant 2 : index
    %get3A_650 = arith.constant 0 : index
    %get3A_651 = arith.constant 0 : index
    %get3A_652 = vector.load %arg2[%get3A_649, %get3A_650, %get3A_651] : memref<4x96x96xf32, #tpu.memory_space<vmem>>, vector<1x96x96xf32>
    %get3A_653 = vector.shape_cast %get3A_652 : vector<1x96x96xf32> to vector<96x96xf32>
    %dot_general3A_654 = arith.constant dense<0.000000e+00> : vector<96x128xf32>
    %dot_general3A_655 = tpu.matmul %get3A_653, %select_n3A_613, %dot_general3A_654 {dimension_numbers = #tpu.dot_dimension_numbers<[1], [0], [0], [1], [0, 0, 1, 1], [], []>, precision = #tpu.contract_precision<fp32>, transpose_lhs_hint = false} : vector<96x96xf32>, vector<96x128xf32>, vector<96x128xf32> -> vector<96x128xf32>
    %sub3A_656 = arith.subf %dot_general3A_655, %select_n3A_613 : vector<96x128xf32>
    %dot_general3A_657 = arith.constant dense<0.000000e+00> : vector<96x64xf32>
    %dot_general3A_658 = tpu.matmul %sub3A_656, %slice3A_620, %dot_general3A_657 {dimension_numbers = #tpu.dot_dimension_numbers<[1], [0], [0], [1], [0, 0, 1, 1], [], []>, transpose_lhs_hint = false} : vector<96x128xf32>, vector<128x64xf32>, vector<96x64xf32> -> vector<96x64xf32>
    %add3A_659 = arith.addf %dot_general3A_658, %add3A_625 : vector<96x64xf32>
    %max3A_660 = arith.maximumf %max3A_648, %add3A_659 : vector<96x64xf32>
    %get3A_661 = arith.constant 3 : index
    %get3A_662 = arith.constant 0 : index
    %get3A_663 = arith.constant 0 : index
    %get3A_664 = vector.load %arg2[%get3A_661, %get3A_662, %get3A_663] : memref<4x96x96xf32, #tpu.memory_space<vmem>>, vector<1x96x96xf32>
    %get3A_665 = vector.shape_cast %get3A_664 : vector<1x96x96xf32> to vector<96x96xf32>
    %dot_general3A_666 = arith.constant dense<0.000000e+00> : vector<96x128xf32>
    %dot_general3A_667 = tpu.matmul %get3A_665, %select_n3A_613, %dot_general3A_666 {dimension_numbers = #tpu.dot_dimension_numbers<[1], [0], [0], [1], [0, 0, 1, 1], [], []>, precision = #tpu.contract_precision<fp32>, transpose_lhs_hint = false} : vector<96x96xf32>, vector<96x128xf32>, vector<96x128xf32> -> vector<96x128xf32>
    %sub3A_668 = arith.subf %dot_general3A_667, %select_n3A_613 : vector<96x128xf32>
    %dot_general3A_669 = arith.constant dense<0.000000e+00> : vector<96x64xf32>
    %dot_general3A_670 = tpu.matmul %sub3A_668, %slice3A_620, %dot_general3A_669 {dimension_numbers = #tpu.dot_dimension_numbers<[1], [0], [0], [1], [0, 0, 1, 1], [], []>, transpose_lhs_hint = false} : vector<96x128xf32>, vector<128x64xf32>, vector<96x64xf32> -> vector<96x64xf32>
    %add3A_671 = arith.addf %dot_general3A_670, %add3A_625 : vector<96x64xf32>
    %max3A_672 = arith.maximumf %max3A_660, %add3A_671 : vector<96x64xf32>
    %jit3A_673 = arith.constant 2.000000e-01 : f32
    %ge3A_674 = arith.constant 0.000000e+00 : f32
    %ge3A_675 = vector.broadcast %ge3A_674 : f32 to vector<96x64xf32>
    %ge3A_676 = arith.cmpf oge, %max3A_672, %ge3A_675 : vector<96x64xf32>
    %mul3A_677 = vector.broadcast %jit3A_673 : f32 to vector<96x64xf32>
    %mul3A_678 = arith.mulf %mul3A_677, %max3A_672 : vector<96x64xf32>
    %select_n3A_679 = arith.select %ge3A_676, %max3A_672, %mul3A_678 : vector<96x64xi1>, vector<96x64xf32>
    %concatenate3A_680 = tpu.concatenate %select_n3A_547, %select_n3A_613, %select_n3A_679 in 1 : vector<96x256xf32>, vector<96x128xf32>, vector<96x64xf32> -> vector<96x448xf32>
    %get3A_681 = arith.constant 0 : index
    %get3A_682 = arith.constant 0 : index
    %get3A_683 = vector.load %arg33[%get3A_681, %get3A_682] : memref<448x1024xf32, #tpu.memory_space<vmem>>, vector<448x1024xf32>
    %get3A_684 = arith.constant 0 : index
    %get3A_685 = arith.constant 0 : index
    %get3A_686 = vector.load %arg34[%get3A_684, %get3A_685] : memref<1x1024xf32, #tpu.memory_space<vmem>>, vector<1x1024xf32>
    %dot_general3A_687 = arith.constant dense<0.000000e+00> : vector<96x1024xf32>
    %dot_general3A_688 = tpu.matmul %concatenate3A_680, %get3A_683, %dot_general3A_687 {dimension_numbers = #tpu.dot_dimension_numbers<[1], [0], [0], [1], [0, 0, 1, 1], [], []>, transpose_lhs_hint = false} : vector<96x448xf32>, vector<448x1024xf32>, vector<96x1024xf32> -> vector<96x1024xf32>
    %add3A_689 = vector.broadcast %get3A_686 : vector<1x1024xf32> to vector<96x1024xf32>
    %add3A_690 = arith.addf %dot_general3A_688, %add3A_689 : vector<96x1024xf32>
    %jit3A_691 = arith.constant 2.000000e-01 : f32
    %ge3A_692 = arith.constant 0.000000e+00 : f32
    %ge3A_693 = vector.broadcast %ge3A_692 : f32 to vector<96x1024xf32>
    %ge3A_694 = arith.cmpf oge, %add3A_690, %ge3A_693 : vector<96x1024xf32>
    %mul3A_695 = vector.broadcast %jit3A_691 : f32 to vector<96x1024xf32>
    %mul3A_696 = arith.mulf %mul3A_695, %add3A_690 : vector<96x1024xf32>
    %select_n3A_697 = arith.select %ge3A_694, %add3A_690, %mul3A_696 : vector<96x1024xi1>, vector<96x1024xf32>
    %get3A_698 = arith.constant 0 : index
    %get3A_699 = arith.constant 0 : index
    %get3A_700 = vector.load %arg35[%get3A_698, %get3A_699] : memref<1024x512xf32, #tpu.memory_space<vmem>>, vector<1024x512xf32>
    %get3A_701 = arith.constant 0 : index
    %get3A_702 = arith.constant 0 : index
    %get3A_703 = vector.load %arg36[%get3A_701, %get3A_702] : memref<1x512xf32, #tpu.memory_space<vmem>>, vector<1x512xf32>
    %dot_general3A_704 = arith.constant dense<0.000000e+00> : vector<96x512xf32>
    %dot_general3A_705 = tpu.matmul %select_n3A_697, %get3A_700, %dot_general3A_704 {dimension_numbers = #tpu.dot_dimension_numbers<[1], [0], [0], [1], [0, 0, 1, 1], [], []>, transpose_lhs_hint = false} : vector<96x1024xf32>, vector<1024x512xf32>, vector<96x512xf32> -> vector<96x512xf32>
    %add3A_706 = vector.broadcast %get3A_703 : vector<1x512xf32> to vector<96x512xf32>
    %add3A_707 = arith.addf %dot_general3A_705, %add3A_706 : vector<96x512xf32>
    %jit3A_708 = arith.constant 2.000000e-01 : f32
    %ge3A_709 = arith.constant 0.000000e+00 : f32
    %ge3A_710 = vector.broadcast %ge3A_709 : f32 to vector<96x512xf32>
    %ge3A_711 = arith.cmpf oge, %add3A_707, %ge3A_710 : vector<96x512xf32>
    %mul3A_712 = vector.broadcast %jit3A_708 : f32 to vector<96x512xf32>
    %mul3A_713 = arith.mulf %mul3A_712, %add3A_707 : vector<96x512xf32>
    %select_n3A_714 = arith.select %ge3A_711, %add3A_707, %mul3A_713 : vector<96x512xi1>, vector<96x512xf32>
    %get3A_715 = arith.constant 0 : index
    %get3A_716 = arith.constant 0 : index
    %get3A_717 = vector.load %arg37[%get3A_715, %get3A_716] : memref<512x512xf32, #tpu.memory_space<vmem>>, vector<512x512xf32>
    %get3A_718 = arith.constant 0 : index
    %get3A_719 = arith.constant 0 : index
    %get3A_720 = vector.load %arg38[%get3A_718, %get3A_719] : memref<1x512xf32, #tpu.memory_space<vmem>>, vector<1x512xf32>
    %dot_general3A_721 = arith.constant dense<0.000000e+00> : vector<96x512xf32>
    %dot_general3A_722 = tpu.matmul %select_n3A_714, %get3A_717, %dot_general3A_721 {dimension_numbers = #tpu.dot_dimension_numbers<[1], [0], [0], [1], [0, 0, 1, 1], [], []>, transpose_lhs_hint = false} : vector<96x512xf32>, vector<512x512xf32>, vector<96x512xf32> -> vector<96x512xf32>
    %add3A_723 = vector.broadcast %get3A_720 : vector<1x512xf32> to vector<96x512xf32>
    %add3A_724 = arith.addf %dot_general3A_722, %add3A_723 : vector<96x512xf32>
    %add3A_725 = arith.addf %add3A_481, %add3A_724 : vector<96x512xf32>
    %get3A_726 = arith.constant 0 : index
    %get3A_727 = arith.constant 0 : index
    %get3A_728 = vector.load %arg39[%get3A_726, %get3A_727] : memref<1024x256xf32, #tpu.memory_space<vmem>>, vector<1024x256xf32>
    %get3A_729 = arith.constant 0 : index
    %get3A_730 = arith.constant 0 : index
    %get3A_731 = vector.load %arg40[%get3A_729, %get3A_730] : memref<1x256xf32, #tpu.memory_space<vmem>>, vector<1x256xf32>
    %slice3A_732 = vector.extract_strided_slice %get3A_728 {offsets = [0, 0], sizes = [512, 256], strides = [1, 1]} : vector<1024x256xf32> to vector<512x256xf32>
    %slice3A_733 = vector.extract_strided_slice %get3A_728 {offsets = [512, 0], sizes = [512, 256], strides = [1, 1]} : vector<1024x256xf32> to vector<512x256xf32>
    %dot_general3A_734 = arith.constant dense<0.000000e+00> : vector<96x256xf32>
    %dot_general3A_735 = tpu.matmul %add3A_725, %slice3A_733, %dot_general3A_734 {dimension_numbers = #tpu.dot_dimension_numbers<[1], [0], [0], [1], [0, 0, 1, 1], [], []>, transpose_lhs_hint = false} : vector<96x512xf32>, vector<512x256xf32>, vector<96x256xf32> -> vector<96x256xf32>
    %add3A_736 = vector.broadcast %get3A_731 : vector<1x256xf32> to vector<96x256xf32>
    %add3A_737 = arith.addf %dot_general3A_735, %add3A_736 : vector<96x256xf32>
    %get3A_738 = arith.constant 0 : index
    %get3A_739 = arith.constant 0 : index
    %get3A_740 = arith.constant 0 : index
    %get3A_741 = vector.load %arg2[%get3A_738, %get3A_739, %get3A_740] : memref<4x96x96xf32, #tpu.memory_space<vmem>>, vector<1x96x96xf32>
    %get3A_742 = vector.shape_cast %get3A_741 : vector<1x96x96xf32> to vector<96x96xf32>
    %dot_general3A_743 = arith.constant dense<0.000000e+00> : vector<96x512xf32>
    %dot_general3A_744 = tpu.matmul %get3A_742, %add3A_725, %dot_general3A_743 {dimension_numbers = #tpu.dot_dimension_numbers<[1], [0], [0], [1], [0, 0, 1, 1], [], []>, precision = #tpu.contract_precision<fp32>, transpose_lhs_hint = false} : vector<96x96xf32>, vector<96x512xf32>, vector<96x512xf32> -> vector<96x512xf32>
    %sub3A_745 = arith.subf %dot_general3A_744, %add3A_725 : vector<96x512xf32>
    %dot_general3A_746 = arith.constant dense<0.000000e+00> : vector<96x256xf32>
    %dot_general3A_747 = tpu.matmul %sub3A_745, %slice3A_732, %dot_general3A_746 {dimension_numbers = #tpu.dot_dimension_numbers<[1], [0], [0], [1], [0, 0, 1, 1], [], []>, transpose_lhs_hint = false} : vector<96x512xf32>, vector<512x256xf32>, vector<96x256xf32> -> vector<96x256xf32>
    %add3A_748 = arith.addf %dot_general3A_747, %add3A_737 : vector<96x256xf32>
    %get3A_749 = arith.constant 1 : index
    %get3A_750 = arith.constant 0 : index
    %get3A_751 = arith.constant 0 : index
    %get3A_752 = vector.load %arg2[%get3A_749, %get3A_750, %get3A_751] : memref<4x96x96xf32, #tpu.memory_space<vmem>>, vector<1x96x96xf32>
    %get3A_753 = vector.shape_cast %get3A_752 : vector<1x96x96xf32> to vector<96x96xf32>
    %dot_general3A_754 = arith.constant dense<0.000000e+00> : vector<96x512xf32>
    %dot_general3A_755 = tpu.matmul %get3A_753, %add3A_725, %dot_general3A_754 {dimension_numbers = #tpu.dot_dimension_numbers<[1], [0], [0], [1], [0, 0, 1, 1], [], []>, precision = #tpu.contract_precision<fp32>, transpose_lhs_hint = false} : vector<96x96xf32>, vector<96x512xf32>, vector<96x512xf32> -> vector<96x512xf32>
    %sub3A_756 = arith.subf %dot_general3A_755, %add3A_725 : vector<96x512xf32>
    %dot_general3A_757 = arith.constant dense<0.000000e+00> : vector<96x256xf32>
    %dot_general3A_758 = tpu.matmul %sub3A_756, %slice3A_732, %dot_general3A_757 {dimension_numbers = #tpu.dot_dimension_numbers<[1], [0], [0], [1], [0, 0, 1, 1], [], []>, transpose_lhs_hint = false} : vector<96x512xf32>, vector<512x256xf32>, vector<96x256xf32> -> vector<96x256xf32>
    %add3A_759 = arith.addf %dot_general3A_758, %add3A_737 : vector<96x256xf32>
    %max3A_760 = arith.maximumf %add3A_748, %add3A_759 : vector<96x256xf32>
    %get3A_761 = arith.constant 2 : index
    %get3A_762 = arith.constant 0 : index
    %get3A_763 = arith.constant 0 : index
    %get3A_764 = vector.load %arg2[%get3A_761, %get3A_762, %get3A_763] : memref<4x96x96xf32, #tpu.memory_space<vmem>>, vector<1x96x96xf32>
    %get3A_765 = vector.shape_cast %get3A_764 : vector<1x96x96xf32> to vector<96x96xf32>
    %dot_general3A_766 = arith.constant dense<0.000000e+00> : vector<96x512xf32>
    %dot_general3A_767 = tpu.matmul %get3A_765, %add3A_725, %dot_general3A_766 {dimension_numbers = #tpu.dot_dimension_numbers<[1], [0], [0], [1], [0, 0, 1, 1], [], []>, precision = #tpu.contract_precision<fp32>, transpose_lhs_hint = false} : vector<96x96xf32>, vector<96x512xf32>, vector<96x512xf32> -> vector<96x512xf32>
    %sub3A_768 = arith.subf %dot_general3A_767, %add3A_725 : vector<96x512xf32>
    %dot_general3A_769 = arith.constant dense<0.000000e+00> : vector<96x256xf32>
    %dot_general3A_770 = tpu.matmul %sub3A_768, %slice3A_732, %dot_general3A_769 {dimension_numbers = #tpu.dot_dimension_numbers<[1], [0], [0], [1], [0, 0, 1, 1], [], []>, transpose_lhs_hint = false} : vector<96x512xf32>, vector<512x256xf32>, vector<96x256xf32> -> vector<96x256xf32>
    %add3A_771 = arith.addf %dot_general3A_770, %add3A_737 : vector<96x256xf32>
    %max3A_772 = arith.maximumf %max3A_760, %add3A_771 : vector<96x256xf32>
    %get3A_773 = arith.constant 3 : index
    %get3A_774 = arith.constant 0 : index
    %get3A_775 = arith.constant 0 : index
    %get3A_776 = vector.load %arg2[%get3A_773, %get3A_774, %get3A_775] : memref<4x96x96xf32, #tpu.memory_space<vmem>>, vector<1x96x96xf32>
    %get3A_777 = vector.shape_cast %get3A_776 : vector<1x96x96xf32> to vector<96x96xf32>
    %dot_general3A_778 = arith.constant dense<0.000000e+00> : vector<96x512xf32>
    %dot_general3A_779 = tpu.matmul %get3A_777, %add3A_725, %dot_general3A_778 {dimension_numbers = #tpu.dot_dimension_numbers<[1], [0], [0], [1], [0, 0, 1, 1], [], []>, precision = #tpu.contract_precision<fp32>, transpose_lhs_hint = false} : vector<96x96xf32>, vector<96x512xf32>, vector<96x512xf32> -> vector<96x512xf32>
    %sub3A_780 = arith.subf %dot_general3A_779, %add3A_725 : vector<96x512xf32>
    %dot_general3A_781 = arith.constant dense<0.000000e+00> : vector<96x256xf32>
    %dot_general3A_782 = tpu.matmul %sub3A_780, %slice3A_732, %dot_general3A_781 {dimension_numbers = #tpu.dot_dimension_numbers<[1], [0], [0], [1], [0, 0, 1, 1], [], []>, transpose_lhs_hint = false} : vector<96x512xf32>, vector<512x256xf32>, vector<96x256xf32> -> vector<96x256xf32>
    %add3A_783 = arith.addf %dot_general3A_782, %add3A_737 : vector<96x256xf32>
    %max3A_784 = arith.maximumf %max3A_772, %add3A_783 : vector<96x256xf32>
    %jit3A_785 = arith.constant 2.000000e-01 : f32
    %ge3A_786 = arith.constant 0.000000e+00 : f32
    %ge3A_787 = vector.broadcast %ge3A_786 : f32 to vector<96x256xf32>
    %ge3A_788 = arith.cmpf oge, %max3A_784, %ge3A_787 : vector<96x256xf32>
    %mul3A_789 = vector.broadcast %jit3A_785 : f32 to vector<96x256xf32>
    %mul3A_790 = arith.mulf %mul3A_789, %max3A_784 : vector<96x256xf32>
    %select_n3A_791 = arith.select %ge3A_788, %max3A_784, %mul3A_790 : vector<96x256xi1>, vector<96x256xf32>
    %get3A_792 = arith.constant 0 : index
    %get3A_793 = arith.constant 0 : index
    %get3A_794 = vector.load %arg41[%get3A_792, %get3A_793] : memref<512x128xf32, #tpu.memory_space<vmem>>, vector<512x128xf32>
    %get3A_795 = arith.constant 0 : index
    %get3A_796 = arith.constant 0 : index
    %get3A_797 = vector.load %arg42[%get3A_795, %get3A_796] : memref<1x128xf32, #tpu.memory_space<vmem>>, vector<1x128xf32>
    %slice3A_798 = vector.extract_strided_slice %get3A_794 {offsets = [0, 0], sizes = [256, 128], strides = [1, 1]} : vector<512x128xf32> to vector<256x128xf32>
    %slice3A_799 = vector.extract_strided_slice %get3A_794 {offsets = [256, 0], sizes = [256, 128], strides = [1, 1]} : vector<512x128xf32> to vector<256x128xf32>
    %dot_general3A_800 = arith.constant dense<0.000000e+00> : vector<96x128xf32>
    %dot_general3A_801 = tpu.matmul %select_n3A_791, %slice3A_799, %dot_general3A_800 {dimension_numbers = #tpu.dot_dimension_numbers<[1], [0], [0], [1], [0, 0, 1, 1], [], []>, transpose_lhs_hint = false} : vector<96x256xf32>, vector<256x128xf32>, vector<96x128xf32> -> vector<96x128xf32>
    %add3A_802 = vector.broadcast %get3A_797 : vector<1x128xf32> to vector<96x128xf32>
    %add3A_803 = arith.addf %dot_general3A_801, %add3A_802 : vector<96x128xf32>
    %get3A_804 = arith.constant 0 : index
    %get3A_805 = arith.constant 0 : index
    %get3A_806 = arith.constant 0 : index
    %get3A_807 = vector.load %arg2[%get3A_804, %get3A_805, %get3A_806] : memref<4x96x96xf32, #tpu.memory_space<vmem>>, vector<1x96x96xf32>
    %get3A_808 = vector.shape_cast %get3A_807 : vector<1x96x96xf32> to vector<96x96xf32>
    %dot_general3A_809 = arith.constant dense<0.000000e+00> : vector<96x256xf32>
    %dot_general3A_810 = tpu.matmul %get3A_808, %select_n3A_791, %dot_general3A_809 {dimension_numbers = #tpu.dot_dimension_numbers<[1], [0], [0], [1], [0, 0, 1, 1], [], []>, precision = #tpu.contract_precision<fp32>, transpose_lhs_hint = false} : vector<96x96xf32>, vector<96x256xf32>, vector<96x256xf32> -> vector<96x256xf32>
    %sub3A_811 = arith.subf %dot_general3A_810, %select_n3A_791 : vector<96x256xf32>
    %dot_general3A_812 = arith.constant dense<0.000000e+00> : vector<96x128xf32>
    %dot_general3A_813 = tpu.matmul %sub3A_811, %slice3A_798, %dot_general3A_812 {dimension_numbers = #tpu.dot_dimension_numbers<[1], [0], [0], [1], [0, 0, 1, 1], [], []>, transpose_lhs_hint = false} : vector<96x256xf32>, vector<256x128xf32>, vector<96x128xf32> -> vector<96x128xf32>
    %add3A_814 = arith.addf %dot_general3A_813, %add3A_803 : vector<96x128xf32>
    %get3A_815 = arith.constant 1 : index
    %get3A_816 = arith.constant 0 : index
    %get3A_817 = arith.constant 0 : index
    %get3A_818 = vector.load %arg2[%get3A_815, %get3A_816, %get3A_817] : memref<4x96x96xf32, #tpu.memory_space<vmem>>, vector<1x96x96xf32>
    %get3A_819 = vector.shape_cast %get3A_818 : vector<1x96x96xf32> to vector<96x96xf32>
    %dot_general3A_820 = arith.constant dense<0.000000e+00> : vector<96x256xf32>
    %dot_general3A_821 = tpu.matmul %get3A_819, %select_n3A_791, %dot_general3A_820 {dimension_numbers = #tpu.dot_dimension_numbers<[1], [0], [0], [1], [0, 0, 1, 1], [], []>, precision = #tpu.contract_precision<fp32>, transpose_lhs_hint = false} : vector<96x96xf32>, vector<96x256xf32>, vector<96x256xf32> -> vector<96x256xf32>
    %sub3A_822 = arith.subf %dot_general3A_821, %select_n3A_791 : vector<96x256xf32>
    %dot_general3A_823 = arith.constant dense<0.000000e+00> : vector<96x128xf32>
    %dot_general3A_824 = tpu.matmul %sub3A_822, %slice3A_798, %dot_general3A_823 {dimension_numbers = #tpu.dot_dimension_numbers<[1], [0], [0], [1], [0, 0, 1, 1], [], []>, transpose_lhs_hint = false} : vector<96x256xf32>, vector<256x128xf32>, vector<96x128xf32> -> vector<96x128xf32>
    %add3A_825 = arith.addf %dot_general3A_824, %add3A_803 : vector<96x128xf32>
    %max3A_826 = arith.maximumf %add3A_814, %add3A_825 : vector<96x128xf32>
    %get3A_827 = arith.constant 2 : index
    %get3A_828 = arith.constant 0 : index
    %get3A_829 = arith.constant 0 : index
    %get3A_830 = vector.load %arg2[%get3A_827, %get3A_828, %get3A_829] : memref<4x96x96xf32, #tpu.memory_space<vmem>>, vector<1x96x96xf32>
    %get3A_831 = vector.shape_cast %get3A_830 : vector<1x96x96xf32> to vector<96x96xf32>
    %dot_general3A_832 = arith.constant dense<0.000000e+00> : vector<96x256xf32>
    %dot_general3A_833 = tpu.matmul %get3A_831, %select_n3A_791, %dot_general3A_832 {dimension_numbers = #tpu.dot_dimension_numbers<[1], [0], [0], [1], [0, 0, 1, 1], [], []>, precision = #tpu.contract_precision<fp32>, transpose_lhs_hint = false} : vector<96x96xf32>, vector<96x256xf32>, vector<96x256xf32> -> vector<96x256xf32>
    %sub3A_834 = arith.subf %dot_general3A_833, %select_n3A_791 : vector<96x256xf32>
    %dot_general3A_835 = arith.constant dense<0.000000e+00> : vector<96x128xf32>
    %dot_general3A_836 = tpu.matmul %sub3A_834, %slice3A_798, %dot_general3A_835 {dimension_numbers = #tpu.dot_dimension_numbers<[1], [0], [0], [1], [0, 0, 1, 1], [], []>, transpose_lhs_hint = false} : vector<96x256xf32>, vector<256x128xf32>, vector<96x128xf32> -> vector<96x128xf32>
    %add3A_837 = arith.addf %dot_general3A_836, %add3A_803 : vector<96x128xf32>
    %max3A_838 = arith.maximumf %max3A_826, %add3A_837 : vector<96x128xf32>
    %get3A_839 = arith.constant 3 : index
    %get3A_840 = arith.constant 0 : index
    %get3A_841 = arith.constant 0 : index
    %get3A_842 = vector.load %arg2[%get3A_839, %get3A_840, %get3A_841] : memref<4x96x96xf32, #tpu.memory_space<vmem>>, vector<1x96x96xf32>
    %get3A_843 = vector.shape_cast %get3A_842 : vector<1x96x96xf32> to vector<96x96xf32>
    %dot_general3A_844 = arith.constant dense<0.000000e+00> : vector<96x256xf32>
    %dot_general3A_845 = tpu.matmul %get3A_843, %select_n3A_791, %dot_general3A_844 {dimension_numbers = #tpu.dot_dimension_numbers<[1], [0], [0], [1], [0, 0, 1, 1], [], []>, precision = #tpu.contract_precision<fp32>, transpose_lhs_hint = false} : vector<96x96xf32>, vector<96x256xf32>, vector<96x256xf32> -> vector<96x256xf32>
    %sub3A_846 = arith.subf %dot_general3A_845, %select_n3A_791 : vector<96x256xf32>
    %dot_general3A_847 = arith.constant dense<0.000000e+00> : vector<96x128xf32>
    %dot_general3A_848 = tpu.matmul %sub3A_846, %slice3A_798, %dot_general3A_847 {dimension_numbers = #tpu.dot_dimension_numbers<[1], [0], [0], [1], [0, 0, 1, 1], [], []>, transpose_lhs_hint = false} : vector<96x256xf32>, vector<256x128xf32>, vector<96x128xf32> -> vector<96x128xf32>
    %add3A_849 = arith.addf %dot_general3A_848, %add3A_803 : vector<96x128xf32>
    %max3A_850 = arith.maximumf %max3A_838, %add3A_849 : vector<96x128xf32>
    %jit3A_851 = arith.constant 2.000000e-01 : f32
    %ge3A_852 = arith.constant 0.000000e+00 : f32
    %ge3A_853 = vector.broadcast %ge3A_852 : f32 to vector<96x128xf32>
    %ge3A_854 = arith.cmpf oge, %max3A_850, %ge3A_853 : vector<96x128xf32>
    %mul3A_855 = vector.broadcast %jit3A_851 : f32 to vector<96x128xf32>
    %mul3A_856 = arith.mulf %mul3A_855, %max3A_850 : vector<96x128xf32>
    %select_n3A_857 = arith.select %ge3A_854, %max3A_850, %mul3A_856 : vector<96x128xi1>, vector<96x128xf32>
    %get3A_858 = arith.constant 0 : index
    %get3A_859 = arith.constant 0 : index
    %get3A_860 = vector.load %arg43[%get3A_858, %get3A_859] : memref<256x64xf32, #tpu.memory_space<vmem>>, vector<256x64xf32>
    %get3A_861 = arith.constant 0 : index
    %get3A_862 = arith.constant 0 : index
    %get3A_863 = vector.load %arg44[%get3A_861, %get3A_862] : memref<1x64xf32, #tpu.memory_space<vmem>>, vector<1x64xf32>
    %slice3A_864 = vector.extract_strided_slice %get3A_860 {offsets = [0, 0], sizes = [128, 64], strides = [1, 1]} : vector<256x64xf32> to vector<128x64xf32>
    %slice3A_865 = vector.extract_strided_slice %get3A_860 {offsets = [128, 0], sizes = [128, 64], strides = [1, 1]} : vector<256x64xf32> to vector<128x64xf32>
    %dot_general3A_866 = arith.constant dense<0.000000e+00> : vector<96x64xf32>
    %dot_general3A_867 = tpu.matmul %select_n3A_857, %slice3A_865, %dot_general3A_866 {dimension_numbers = #tpu.dot_dimension_numbers<[1], [0], [0], [1], [0, 0, 1, 1], [], []>, transpose_lhs_hint = false} : vector<96x128xf32>, vector<128x64xf32>, vector<96x64xf32> -> vector<96x64xf32>
    %add3A_868 = vector.broadcast %get3A_863 : vector<1x64xf32> to vector<96x64xf32>
    %add3A_869 = arith.addf %dot_general3A_867, %add3A_868 : vector<96x64xf32>
    %get3A_870 = arith.constant 0 : index
    %get3A_871 = arith.constant 0 : index
    %get3A_872 = arith.constant 0 : index
    %get3A_873 = vector.load %arg2[%get3A_870, %get3A_871, %get3A_872] : memref<4x96x96xf32, #tpu.memory_space<vmem>>, vector<1x96x96xf32>
    %get3A_874 = vector.shape_cast %get3A_873 : vector<1x96x96xf32> to vector<96x96xf32>
    %dot_general3A_875 = arith.constant dense<0.000000e+00> : vector<96x128xf32>
    %dot_general3A_876 = tpu.matmul %get3A_874, %select_n3A_857, %dot_general3A_875 {dimension_numbers = #tpu.dot_dimension_numbers<[1], [0], [0], [1], [0, 0, 1, 1], [], []>, precision = #tpu.contract_precision<fp32>, transpose_lhs_hint = false} : vector<96x96xf32>, vector<96x128xf32>, vector<96x128xf32> -> vector<96x128xf32>
    %sub3A_877 = arith.subf %dot_general3A_876, %select_n3A_857 : vector<96x128xf32>
    %dot_general3A_878 = arith.constant dense<0.000000e+00> : vector<96x64xf32>
    %dot_general3A_879 = tpu.matmul %sub3A_877, %slice3A_864, %dot_general3A_878 {dimension_numbers = #tpu.dot_dimension_numbers<[1], [0], [0], [1], [0, 0, 1, 1], [], []>, transpose_lhs_hint = false} : vector<96x128xf32>, vector<128x64xf32>, vector<96x64xf32> -> vector<96x64xf32>
    %add3A_880 = arith.addf %dot_general3A_879, %add3A_869 : vector<96x64xf32>
    %get3A_881 = arith.constant 1 : index
    %get3A_882 = arith.constant 0 : index
    %get3A_883 = arith.constant 0 : index
    %get3A_884 = vector.load %arg2[%get3A_881, %get3A_882, %get3A_883] : memref<4x96x96xf32, #tpu.memory_space<vmem>>, vector<1x96x96xf32>
    %get3A_885 = vector.shape_cast %get3A_884 : vector<1x96x96xf32> to vector<96x96xf32>
    %dot_general3A_886 = arith.constant dense<0.000000e+00> : vector<96x128xf32>
    %dot_general3A_887 = tpu.matmul %get3A_885, %select_n3A_857, %dot_general3A_886 {dimension_numbers = #tpu.dot_dimension_numbers<[1], [0], [0], [1], [0, 0, 1, 1], [], []>, precision = #tpu.contract_precision<fp32>, transpose_lhs_hint = false} : vector<96x96xf32>, vector<96x128xf32>, vector<96x128xf32> -> vector<96x128xf32>
    %sub3A_888 = arith.subf %dot_general3A_887, %select_n3A_857 : vector<96x128xf32>
    %dot_general3A_889 = arith.constant dense<0.000000e+00> : vector<96x64xf32>
    %dot_general3A_890 = tpu.matmul %sub3A_888, %slice3A_864, %dot_general3A_889 {dimension_numbers = #tpu.dot_dimension_numbers<[1], [0], [0], [1], [0, 0, 1, 1], [], []>, transpose_lhs_hint = false} : vector<96x128xf32>, vector<128x64xf32>, vector<96x64xf32> -> vector<96x64xf32>
    %add3A_891 = arith.addf %dot_general3A_890, %add3A_869 : vector<96x64xf32>
    %max3A_892 = arith.maximumf %add3A_880, %add3A_891 : vector<96x64xf32>
    %get3A_893 = arith.constant 2 : index
    %get3A_894 = arith.constant 0 : index
    %get3A_895 = arith.constant 0 : index
    %get3A_896 = vector.load %arg2[%get3A_893, %get3A_894, %get3A_895] : memref<4x96x96xf32, #tpu.memory_space<vmem>>, vector<1x96x96xf32>
    %get3A_897 = vector.shape_cast %get3A_896 : vector<1x96x96xf32> to vector<96x96xf32>
    %dot_general3A_898 = arith.constant dense<0.000000e+00> : vector<96x128xf32>
    %dot_general3A_899 = tpu.matmul %get3A_897, %select_n3A_857, %dot_general3A_898 {dimension_numbers = #tpu.dot_dimension_numbers<[1], [0], [0], [1], [0, 0, 1, 1], [], []>, precision = #tpu.contract_precision<fp32>, transpose_lhs_hint = false} : vector<96x96xf32>, vector<96x128xf32>, vector<96x128xf32> -> vector<96x128xf32>
    %sub3A_900 = arith.subf %dot_general3A_899, %select_n3A_857 : vector<96x128xf32>
    %dot_general3A_901 = arith.constant dense<0.000000e+00> : vector<96x64xf32>
    %dot_general3A_902 = tpu.matmul %sub3A_900, %slice3A_864, %dot_general3A_901 {dimension_numbers = #tpu.dot_dimension_numbers<[1], [0], [0], [1], [0, 0, 1, 1], [], []>, transpose_lhs_hint = false} : vector<96x128xf32>, vector<128x64xf32>, vector<96x64xf32> -> vector<96x64xf32>
    %add3A_903 = arith.addf %dot_general3A_902, %add3A_869 : vector<96x64xf32>
    %max3A_904 = arith.maximumf %max3A_892, %add3A_903 : vector<96x64xf32>
    %get3A_905 = arith.constant 3 : index
    %get3A_906 = arith.constant 0 : index
    %get3A_907 = arith.constant 0 : index
    %get3A_908 = vector.load %arg2[%get3A_905, %get3A_906, %get3A_907] : memref<4x96x96xf32, #tpu.memory_space<vmem>>, vector<1x96x96xf32>
    %get3A_909 = vector.shape_cast %get3A_908 : vector<1x96x96xf32> to vector<96x96xf32>
    %dot_general3A_910 = arith.constant dense<0.000000e+00> : vector<96x128xf32>
    %dot_general3A_911 = tpu.matmul %get3A_909, %select_n3A_857, %dot_general3A_910 {dimension_numbers = #tpu.dot_dimension_numbers<[1], [0], [0], [1], [0, 0, 1, 1], [], []>, precision = #tpu.contract_precision<fp32>, transpose_lhs_hint = false} : vector<96x96xf32>, vector<96x128xf32>, vector<96x128xf32> -> vector<96x128xf32>
    %sub3A_912 = arith.subf %dot_general3A_911, %select_n3A_857 : vector<96x128xf32>
    %dot_general3A_913 = arith.constant dense<0.000000e+00> : vector<96x64xf32>
    %dot_general3A_914 = tpu.matmul %sub3A_912, %slice3A_864, %dot_general3A_913 {dimension_numbers = #tpu.dot_dimension_numbers<[1], [0], [0], [1], [0, 0, 1, 1], [], []>, transpose_lhs_hint = false} : vector<96x128xf32>, vector<128x64xf32>, vector<96x64xf32> -> vector<96x64xf32>
    %add3A_915 = arith.addf %dot_general3A_914, %add3A_869 : vector<96x64xf32>
    %max3A_916 = arith.maximumf %max3A_904, %add3A_915 : vector<96x64xf32>
    %jit3A_917 = arith.constant 2.000000e-01 : f32
    %ge3A_918 = arith.constant 0.000000e+00 : f32
    %ge3A_919 = vector.broadcast %ge3A_918 : f32 to vector<96x64xf32>
    %ge3A_920 = arith.cmpf oge, %max3A_916, %ge3A_919 : vector<96x64xf32>
    %mul3A_921 = vector.broadcast %jit3A_917 : f32 to vector<96x64xf32>
    %mul3A_922 = arith.mulf %mul3A_921, %max3A_916 : vector<96x64xf32>
    %select_n3A_923 = arith.select %ge3A_920, %max3A_916, %mul3A_922 : vector<96x64xi1>, vector<96x64xf32>
    %concatenate3A_924 = tpu.concatenate %select_n3A_791, %select_n3A_857, %select_n3A_923 in 1 : vector<96x256xf32>, vector<96x128xf32>, vector<96x64xf32> -> vector<96x448xf32>
    %get3A_925 = arith.constant 0 : index
    %get3A_926 = arith.constant 0 : index
    %get3A_927 = vector.load %arg45[%get3A_925, %get3A_926] : memref<448x1024xf32, #tpu.memory_space<vmem>>, vector<448x1024xf32>
    %get3A_928 = arith.constant 0 : index
    %get3A_929 = arith.constant 0 : index
    %get3A_930 = vector.load %arg46[%get3A_928, %get3A_929] : memref<1x1024xf32, #tpu.memory_space<vmem>>, vector<1x1024xf32>
    %dot_general3A_931 = arith.constant dense<0.000000e+00> : vector<96x1024xf32>
    %dot_general3A_932 = tpu.matmul %concatenate3A_924, %get3A_927, %dot_general3A_931 {dimension_numbers = #tpu.dot_dimension_numbers<[1], [0], [0], [1], [0, 0, 1, 1], [], []>, transpose_lhs_hint = false} : vector<96x448xf32>, vector<448x1024xf32>, vector<96x1024xf32> -> vector<96x1024xf32>
    %add3A_933 = vector.broadcast %get3A_930 : vector<1x1024xf32> to vector<96x1024xf32>
    %add3A_934 = arith.addf %dot_general3A_932, %add3A_933 : vector<96x1024xf32>
    %jit3A_935 = arith.constant 2.000000e-01 : f32
    %ge3A_936 = arith.constant 0.000000e+00 : f32
    %ge3A_937 = vector.broadcast %ge3A_936 : f32 to vector<96x1024xf32>
    %ge3A_938 = arith.cmpf oge, %add3A_934, %ge3A_937 : vector<96x1024xf32>
    %mul3A_939 = vector.broadcast %jit3A_935 : f32 to vector<96x1024xf32>
    %mul3A_940 = arith.mulf %mul3A_939, %add3A_934 : vector<96x1024xf32>
    %select_n3A_941 = arith.select %ge3A_938, %add3A_934, %mul3A_940 : vector<96x1024xi1>, vector<96x1024xf32>
    %get3A_942 = arith.constant 0 : index
    %get3A_943 = arith.constant 0 : index
    %get3A_944 = vector.load %arg47[%get3A_942, %get3A_943] : memref<1024x512xf32, #tpu.memory_space<vmem>>, vector<1024x512xf32>
    %get3A_945 = arith.constant 0 : index
    %get3A_946 = arith.constant 0 : index
    %get3A_947 = vector.load %arg48[%get3A_945, %get3A_946] : memref<1x512xf32, #tpu.memory_space<vmem>>, vector<1x512xf32>
    %dot_general3A_948 = arith.constant dense<0.000000e+00> : vector<96x512xf32>
    %dot_general3A_949 = tpu.matmul %select_n3A_941, %get3A_944, %dot_general3A_948 {dimension_numbers = #tpu.dot_dimension_numbers<[1], [0], [0], [1], [0, 0, 1, 1], [], []>, transpose_lhs_hint = false} : vector<96x1024xf32>, vector<1024x512xf32>, vector<96x512xf32> -> vector<96x512xf32>
    %add3A_950 = vector.broadcast %get3A_947 : vector<1x512xf32> to vector<96x512xf32>
    %add3A_951 = arith.addf %dot_general3A_949, %add3A_950 : vector<96x512xf32>
    %jit3A_952 = arith.constant 2.000000e-01 : f32
    %ge3A_953 = arith.constant 0.000000e+00 : f32
    %ge3A_954 = vector.broadcast %ge3A_953 : f32 to vector<96x512xf32>
    %ge3A_955 = arith.cmpf oge, %add3A_951, %ge3A_954 : vector<96x512xf32>
    %mul3A_956 = vector.broadcast %jit3A_952 : f32 to vector<96x512xf32>
    %mul3A_957 = arith.mulf %mul3A_956, %add3A_951 : vector<96x512xf32>
    %select_n3A_958 = arith.select %ge3A_955, %add3A_951, %mul3A_957 : vector<96x512xi1>, vector<96x512xf32>
    %get3A_959 = arith.constant 0 : index
    %get3A_960 = arith.constant 0 : index
    %get3A_961 = vector.load %arg49[%get3A_959, %get3A_960] : memref<512x512xf32, #tpu.memory_space<vmem>>, vector<512x512xf32>
    %get3A_962 = arith.constant 0 : index
    %get3A_963 = arith.constant 0 : index
    %get3A_964 = vector.load %arg50[%get3A_962, %get3A_963] : memref<1x512xf32, #tpu.memory_space<vmem>>, vector<1x512xf32>
    %dot_general3A_965 = arith.constant dense<0.000000e+00> : vector<96x512xf32>
    %dot_general3A_966 = tpu.matmul %select_n3A_958, %get3A_961, %dot_general3A_965 {dimension_numbers = #tpu.dot_dimension_numbers<[1], [0], [0], [1], [0, 0, 1, 1], [], []>, transpose_lhs_hint = false} : vector<96x512xf32>, vector<512x512xf32>, vector<96x512xf32> -> vector<96x512xf32>
    %add3A_967 = vector.broadcast %get3A_964 : vector<1x512xf32> to vector<96x512xf32>
    %add3A_968 = arith.addf %dot_general3A_966, %add3A_967 : vector<96x512xf32>
    %add3A_969 = arith.addf %add3A_725, %add3A_968 : vector<96x512xf32>
    %get3A_970 = arith.constant 0 : index
    %get3A_971 = arith.constant 0 : index
    %get3A_972 = vector.load %arg51[%get3A_970, %get3A_971] : memref<1024x256xf32, #tpu.memory_space<vmem>>, vector<1024x256xf32>
    %get3A_973 = arith.constant 0 : index
    %get3A_974 = arith.constant 0 : index
    %get3A_975 = vector.load %arg52[%get3A_973, %get3A_974] : memref<1x256xf32, #tpu.memory_space<vmem>>, vector<1x256xf32>
    %slice3A_976 = vector.extract_strided_slice %get3A_972 {offsets = [0, 0], sizes = [512, 256], strides = [1, 1]} : vector<1024x256xf32> to vector<512x256xf32>
    %slice3A_977 = vector.extract_strided_slice %get3A_972 {offsets = [512, 0], sizes = [512, 256], strides = [1, 1]} : vector<1024x256xf32> to vector<512x256xf32>
    %dot_general3A_978 = arith.constant dense<0.000000e+00> : vector<96x256xf32>
    %dot_general3A_979 = tpu.matmul %add3A_969, %slice3A_977, %dot_general3A_978 {dimension_numbers = #tpu.dot_dimension_numbers<[1], [0], [0], [1], [0, 0, 1, 1], [], []>, transpose_lhs_hint = false} : vector<96x512xf32>, vector<512x256xf32>, vector<96x256xf32> -> vector<96x256xf32>
    %add3A_980 = vector.broadcast %get3A_975 : vector<1x256xf32> to vector<96x256xf32>
    %add3A_981 = arith.addf %dot_general3A_979, %add3A_980 : vector<96x256xf32>
    %get3A_982 = arith.constant 0 : index
    %get3A_983 = arith.constant 0 : index
    %get3A_984 = arith.constant 0 : index
    %get3A_985 = vector.load %arg2[%get3A_982, %get3A_983, %get3A_984] : memref<4x96x96xf32, #tpu.memory_space<vmem>>, vector<1x96x96xf32>
    %get3A_986 = vector.shape_cast %get3A_985 : vector<1x96x96xf32> to vector<96x96xf32>
    %dot_general3A_987 = arith.constant dense<0.000000e+00> : vector<96x512xf32>
    %dot_general3A_988 = tpu.matmul %get3A_986, %add3A_969, %dot_general3A_987 {dimension_numbers = #tpu.dot_dimension_numbers<[1], [0], [0], [1], [0, 0, 1, 1], [], []>, precision = #tpu.contract_precision<fp32>, transpose_lhs_hint = false} : vector<96x96xf32>, vector<96x512xf32>, vector<96x512xf32> -> vector<96x512xf32>
    %sub3A_989 = arith.subf %dot_general3A_988, %add3A_969 : vector<96x512xf32>
    %dot_general3A_990 = arith.constant dense<0.000000e+00> : vector<96x256xf32>
    %dot_general3A_991 = tpu.matmul %sub3A_989, %slice3A_976, %dot_general3A_990 {dimension_numbers = #tpu.dot_dimension_numbers<[1], [0], [0], [1], [0, 0, 1, 1], [], []>, transpose_lhs_hint = false} : vector<96x512xf32>, vector<512x256xf32>, vector<96x256xf32> -> vector<96x256xf32>
    %add3A_992 = arith.addf %dot_general3A_991, %add3A_981 : vector<96x256xf32>
    %get3A_993 = arith.constant 1 : index
    %get3A_994 = arith.constant 0 : index
    %get3A_995 = arith.constant 0 : index
    %get3A_996 = vector.load %arg2[%get3A_993, %get3A_994, %get3A_995] : memref<4x96x96xf32, #tpu.memory_space<vmem>>, vector<1x96x96xf32>
    %get3A_997 = vector.shape_cast %get3A_996 : vector<1x96x96xf32> to vector<96x96xf32>
    %dot_general3A_998 = arith.constant dense<0.000000e+00> : vector<96x512xf32>
    %dot_general3A_999 = tpu.matmul %get3A_997, %add3A_969, %dot_general3A_998 {dimension_numbers = #tpu.dot_dimension_numbers<[1], [0], [0], [1], [0, 0, 1, 1], [], []>, precision = #tpu.contract_precision<fp32>, transpose_lhs_hint = false} : vector<96x96xf32>, vector<96x512xf32>, vector<96x512xf32> -> vector<96x512xf32>
    %sub3A_1000 = arith.subf %dot_general3A_999, %add3A_969 : vector<96x512xf32>
    %dot_general3A_1001 = arith.constant dense<0.000000e+00> : vector<96x256xf32>
    %dot_general3A_1002 = tpu.matmul %sub3A_1000, %slice3A_976, %dot_general3A_1001 {dimension_numbers = #tpu.dot_dimension_numbers<[1], [0], [0], [1], [0, 0, 1, 1], [], []>, transpose_lhs_hint = false} : vector<96x512xf32>, vector<512x256xf32>, vector<96x256xf32> -> vector<96x256xf32>
    %add3A_1003 = arith.addf %dot_general3A_1002, %add3A_981 : vector<96x256xf32>
    %max3A_1004 = arith.maximumf %add3A_992, %add3A_1003 : vector<96x256xf32>
    %get3A_1005 = arith.constant 2 : index
    %get3A_1006 = arith.constant 0 : index
    %get3A_1007 = arith.constant 0 : index
    %get3A_1008 = vector.load %arg2[%get3A_1005, %get3A_1006, %get3A_1007] : memref<4x96x96xf32, #tpu.memory_space<vmem>>, vector<1x96x96xf32>
    %get3A_1009 = vector.shape_cast %get3A_1008 : vector<1x96x96xf32> to vector<96x96xf32>
    %dot_general3A_1010 = arith.constant dense<0.000000e+00> : vector<96x512xf32>
    %dot_general3A_1011 = tpu.matmul %get3A_1009, %add3A_969, %dot_general3A_1010 {dimension_numbers = #tpu.dot_dimension_numbers<[1], [0], [0], [1], [0, 0, 1, 1], [], []>, precision = #tpu.contract_precision<fp32>, transpose_lhs_hint = false} : vector<96x96xf32>, vector<96x512xf32>, vector<96x512xf32> -> vector<96x512xf32>
    %sub3A_1012 = arith.subf %dot_general3A_1011, %add3A_969 : vector<96x512xf32>
    %dot_general3A_1013 = arith.constant dense<0.000000e+00> : vector<96x256xf32>
    %dot_general3A_1014 = tpu.matmul %sub3A_1012, %slice3A_976, %dot_general3A_1013 {dimension_numbers = #tpu.dot_dimension_numbers<[1], [0], [0], [1], [0, 0, 1, 1], [], []>, transpose_lhs_hint = false} : vector<96x512xf32>, vector<512x256xf32>, vector<96x256xf32> -> vector<96x256xf32>
    %add3A_1015 = arith.addf %dot_general3A_1014, %add3A_981 : vector<96x256xf32>
    %max3A_1016 = arith.maximumf %max3A_1004, %add3A_1015 : vector<96x256xf32>
    %get3A_1017 = arith.constant 3 : index
    %get3A_1018 = arith.constant 0 : index
    %get3A_1019 = arith.constant 0 : index
    %get3A_1020 = vector.load %arg2[%get3A_1017, %get3A_1018, %get3A_1019] : memref<4x96x96xf32, #tpu.memory_space<vmem>>, vector<1x96x96xf32>
    %get3A_1021 = vector.shape_cast %get3A_1020 : vector<1x96x96xf32> to vector<96x96xf32>
    %dot_general3A_1022 = arith.constant dense<0.000000e+00> : vector<96x512xf32>
    %dot_general3A_1023 = tpu.matmul %get3A_1021, %add3A_969, %dot_general3A_1022 {dimension_numbers = #tpu.dot_dimension_numbers<[1], [0], [0], [1], [0, 0, 1, 1], [], []>, precision = #tpu.contract_precision<fp32>, transpose_lhs_hint = false} : vector<96x96xf32>, vector<96x512xf32>, vector<96x512xf32> -> vector<96x512xf32>
    %sub3A_1024 = arith.subf %dot_general3A_1023, %add3A_969 : vector<96x512xf32>
    %dot_general3A_1025 = arith.constant dense<0.000000e+00> : vector<96x256xf32>
    %dot_general3A_1026 = tpu.matmul %sub3A_1024, %slice3A_976, %dot_general3A_1025 {dimension_numbers = #tpu.dot_dimension_numbers<[1], [0], [0], [1], [0, 0, 1, 1], [], []>, transpose_lhs_hint = false} : vector<96x512xf32>, vector<512x256xf32>, vector<96x256xf32> -> vector<96x256xf32>
    %add3A_1027 = arith.addf %dot_general3A_1026, %add3A_981 : vector<96x256xf32>
    %max3A_1028 = arith.maximumf %max3A_1016, %add3A_1027 : vector<96x256xf32>
    %jit3A_1029 = arith.constant 2.000000e-01 : f32
    %ge3A_1030 = arith.constant 0.000000e+00 : f32
    %ge3A_1031 = vector.broadcast %ge3A_1030 : f32 to vector<96x256xf32>
    %ge3A_1032 = arith.cmpf oge, %max3A_1028, %ge3A_1031 : vector<96x256xf32>
    %mul3A_1033 = vector.broadcast %jit3A_1029 : f32 to vector<96x256xf32>
    %mul3A_1034 = arith.mulf %mul3A_1033, %max3A_1028 : vector<96x256xf32>
    %select_n3A_1035 = arith.select %ge3A_1032, %max3A_1028, %mul3A_1034 : vector<96x256xi1>, vector<96x256xf32>
    %get3A_1036 = arith.constant 0 : index
    %get3A_1037 = arith.constant 0 : index
    %get3A_1038 = vector.load %arg53[%get3A_1036, %get3A_1037] : memref<512x128xf32, #tpu.memory_space<vmem>>, vector<512x128xf32>
    %get3A_1039 = arith.constant 0 : index
    %get3A_1040 = arith.constant 0 : index
    %get3A_1041 = vector.load %arg54[%get3A_1039, %get3A_1040] : memref<1x128xf32, #tpu.memory_space<vmem>>, vector<1x128xf32>
    %slice3A_1042 = vector.extract_strided_slice %get3A_1038 {offsets = [0, 0], sizes = [256, 128], strides = [1, 1]} : vector<512x128xf32> to vector<256x128xf32>
    %slice3A_1043 = vector.extract_strided_slice %get3A_1038 {offsets = [256, 0], sizes = [256, 128], strides = [1, 1]} : vector<512x128xf32> to vector<256x128xf32>
    %dot_general3A_1044 = arith.constant dense<0.000000e+00> : vector<96x128xf32>
    %dot_general3A_1045 = tpu.matmul %select_n3A_1035, %slice3A_1043, %dot_general3A_1044 {dimension_numbers = #tpu.dot_dimension_numbers<[1], [0], [0], [1], [0, 0, 1, 1], [], []>, transpose_lhs_hint = false} : vector<96x256xf32>, vector<256x128xf32>, vector<96x128xf32> -> vector<96x128xf32>
    %add3A_1046 = vector.broadcast %get3A_1041 : vector<1x128xf32> to vector<96x128xf32>
    %add3A_1047 = arith.addf %dot_general3A_1045, %add3A_1046 : vector<96x128xf32>
    %get3A_1048 = arith.constant 0 : index
    %get3A_1049 = arith.constant 0 : index
    %get3A_1050 = arith.constant 0 : index
    %get3A_1051 = vector.load %arg2[%get3A_1048, %get3A_1049, %get3A_1050] : memref<4x96x96xf32, #tpu.memory_space<vmem>>, vector<1x96x96xf32>
    %get3A_1052 = vector.shape_cast %get3A_1051 : vector<1x96x96xf32> to vector<96x96xf32>
    %dot_general3A_1053 = arith.constant dense<0.000000e+00> : vector<96x256xf32>
    %dot_general3A_1054 = tpu.matmul %get3A_1052, %select_n3A_1035, %dot_general3A_1053 {dimension_numbers = #tpu.dot_dimension_numbers<[1], [0], [0], [1], [0, 0, 1, 1], [], []>, precision = #tpu.contract_precision<fp32>, transpose_lhs_hint = false} : vector<96x96xf32>, vector<96x256xf32>, vector<96x256xf32> -> vector<96x256xf32>
    %sub3A_1055 = arith.subf %dot_general3A_1054, %select_n3A_1035 : vector<96x256xf32>
    %dot_general3A_1056 = arith.constant dense<0.000000e+00> : vector<96x128xf32>
    %dot_general3A_1057 = tpu.matmul %sub3A_1055, %slice3A_1042, %dot_general3A_1056 {dimension_numbers = #tpu.dot_dimension_numbers<[1], [0], [0], [1], [0, 0, 1, 1], [], []>, transpose_lhs_hint = false} : vector<96x256xf32>, vector<256x128xf32>, vector<96x128xf32> -> vector<96x128xf32>
    %add3A_1058 = arith.addf %dot_general3A_1057, %add3A_1047 : vector<96x128xf32>
    %get3A_1059 = arith.constant 1 : index
    %get3A_1060 = arith.constant 0 : index
    %get3A_1061 = arith.constant 0 : index
    %get3A_1062 = vector.load %arg2[%get3A_1059, %get3A_1060, %get3A_1061] : memref<4x96x96xf32, #tpu.memory_space<vmem>>, vector<1x96x96xf32>
    %get3A_1063 = vector.shape_cast %get3A_1062 : vector<1x96x96xf32> to vector<96x96xf32>
    %dot_general3A_1064 = arith.constant dense<0.000000e+00> : vector<96x256xf32>
    %dot_general3A_1065 = tpu.matmul %get3A_1063, %select_n3A_1035, %dot_general3A_1064 {dimension_numbers = #tpu.dot_dimension_numbers<[1], [0], [0], [1], [0, 0, 1, 1], [], []>, precision = #tpu.contract_precision<fp32>, transpose_lhs_hint = false} : vector<96x96xf32>, vector<96x256xf32>, vector<96x256xf32> -> vector<96x256xf32>
    %sub3A_1066 = arith.subf %dot_general3A_1065, %select_n3A_1035 : vector<96x256xf32>
    %dot_general3A_1067 = arith.constant dense<0.000000e+00> : vector<96x128xf32>
    %dot_general3A_1068 = tpu.matmul %sub3A_1066, %slice3A_1042, %dot_general3A_1067 {dimension_numbers = #tpu.dot_dimension_numbers<[1], [0], [0], [1], [0, 0, 1, 1], [], []>, transpose_lhs_hint = false} : vector<96x256xf32>, vector<256x128xf32>, vector<96x128xf32> -> vector<96x128xf32>
    %add3A_1069 = arith.addf %dot_general3A_1068, %add3A_1047 : vector<96x128xf32>
    %max3A_1070 = arith.maximumf %add3A_1058, %add3A_1069 : vector<96x128xf32>
    %get3A_1071 = arith.constant 2 : index
    %get3A_1072 = arith.constant 0 : index
    %get3A_1073 = arith.constant 0 : index
    %get3A_1074 = vector.load %arg2[%get3A_1071, %get3A_1072, %get3A_1073] : memref<4x96x96xf32, #tpu.memory_space<vmem>>, vector<1x96x96xf32>
    %get3A_1075 = vector.shape_cast %get3A_1074 : vector<1x96x96xf32> to vector<96x96xf32>
    %dot_general3A_1076 = arith.constant dense<0.000000e+00> : vector<96x256xf32>
    %dot_general3A_1077 = tpu.matmul %get3A_1075, %select_n3A_1035, %dot_general3A_1076 {dimension_numbers = #tpu.dot_dimension_numbers<[1], [0], [0], [1], [0, 0, 1, 1], [], []>, precision = #tpu.contract_precision<fp32>, transpose_lhs_hint = false} : vector<96x96xf32>, vector<96x256xf32>, vector<96x256xf32> -> vector<96x256xf32>
    %sub3A_1078 = arith.subf %dot_general3A_1077, %select_n3A_1035 : vector<96x256xf32>
    %dot_general3A_1079 = arith.constant dense<0.000000e+00> : vector<96x128xf32>
    %dot_general3A_1080 = tpu.matmul %sub3A_1078, %slice3A_1042, %dot_general3A_1079 {dimension_numbers = #tpu.dot_dimension_numbers<[1], [0], [0], [1], [0, 0, 1, 1], [], []>, transpose_lhs_hint = false} : vector<96x256xf32>, vector<256x128xf32>, vector<96x128xf32> -> vector<96x128xf32>
    %add3A_1081 = arith.addf %dot_general3A_1080, %add3A_1047 : vector<96x128xf32>
    %max3A_1082 = arith.maximumf %max3A_1070, %add3A_1081 : vector<96x128xf32>
    %get3A_1083 = arith.constant 3 : index
    %get3A_1084 = arith.constant 0 : index
    %get3A_1085 = arith.constant 0 : index
    %get3A_1086 = vector.load %arg2[%get3A_1083, %get3A_1084, %get3A_1085] : memref<4x96x96xf32, #tpu.memory_space<vmem>>, vector<1x96x96xf32>
    %get3A_1087 = vector.shape_cast %get3A_1086 : vector<1x96x96xf32> to vector<96x96xf32>
    %dot_general3A_1088 = arith.constant dense<0.000000e+00> : vector<96x256xf32>
    %dot_general3A_1089 = tpu.matmul %get3A_1087, %select_n3A_1035, %dot_general3A_1088 {dimension_numbers = #tpu.dot_dimension_numbers<[1], [0], [0], [1], [0, 0, 1, 1], [], []>, precision = #tpu.contract_precision<fp32>, transpose_lhs_hint = false} : vector<96x96xf32>, vector<96x256xf32>, vector<96x256xf32> -> vector<96x256xf32>
    %sub3A_1090 = arith.subf %dot_general3A_1089, %select_n3A_1035 : vector<96x256xf32>
    %dot_general3A_1091 = arith.constant dense<0.000000e+00> : vector<96x128xf32>
    %dot_general3A_1092 = tpu.matmul %sub3A_1090, %slice3A_1042, %dot_general3A_1091 {dimension_numbers = #tpu.dot_dimension_numbers<[1], [0], [0], [1], [0, 0, 1, 1], [], []>, transpose_lhs_hint = false} : vector<96x256xf32>, vector<256x128xf32>, vector<96x128xf32> -> vector<96x128xf32>
    %add3A_1093 = arith.addf %dot_general3A_1092, %add3A_1047 : vector<96x128xf32>
    %max3A_1094 = arith.maximumf %max3A_1082, %add3A_1093 : vector<96x128xf32>
    %jit3A_1095 = arith.constant 2.000000e-01 : f32
    %ge3A_1096 = arith.constant 0.000000e+00 : f32
    %ge3A_1097 = vector.broadcast %ge3A_1096 : f32 to vector<96x128xf32>
    %ge3A_1098 = arith.cmpf oge, %max3A_1094, %ge3A_1097 : vector<96x128xf32>
    %mul3A_1099 = vector.broadcast %jit3A_1095 : f32 to vector<96x128xf32>
    %mul3A_1100 = arith.mulf %mul3A_1099, %max3A_1094 : vector<96x128xf32>
    %select_n3A_1101 = arith.select %ge3A_1098, %max3A_1094, %mul3A_1100 : vector<96x128xi1>, vector<96x128xf32>
    %get3A_1102 = arith.constant 0 : index
    %get3A_1103 = arith.constant 0 : index
    %get3A_1104 = vector.load %arg55[%get3A_1102, %get3A_1103] : memref<256x64xf32, #tpu.memory_space<vmem>>, vector<256x64xf32>
    %get3A_1105 = arith.constant 0 : index
    %get3A_1106 = arith.constant 0 : index
    %get3A_1107 = vector.load %arg56[%get3A_1105, %get3A_1106] : memref<1x64xf32, #tpu.memory_space<vmem>>, vector<1x64xf32>
    %slice3A_1108 = vector.extract_strided_slice %get3A_1104 {offsets = [0, 0], sizes = [128, 64], strides = [1, 1]} : vector<256x64xf32> to vector<128x64xf32>
    %slice3A_1109 = vector.extract_strided_slice %get3A_1104 {offsets = [128, 0], sizes = [128, 64], strides = [1, 1]} : vector<256x64xf32> to vector<128x64xf32>
    %dot_general3A_1110 = arith.constant dense<0.000000e+00> : vector<96x64xf32>
    %dot_general3A_1111 = tpu.matmul %select_n3A_1101, %slice3A_1109, %dot_general3A_1110 {dimension_numbers = #tpu.dot_dimension_numbers<[1], [0], [0], [1], [0, 0, 1, 1], [], []>, transpose_lhs_hint = false} : vector<96x128xf32>, vector<128x64xf32>, vector<96x64xf32> -> vector<96x64xf32>
    %add3A_1112 = vector.broadcast %get3A_1107 : vector<1x64xf32> to vector<96x64xf32>
    %add3A_1113 = arith.addf %dot_general3A_1111, %add3A_1112 : vector<96x64xf32>
    %get3A_1114 = arith.constant 0 : index
    %get3A_1115 = arith.constant 0 : index
    %get3A_1116 = arith.constant 0 : index
    %get3A_1117 = vector.load %arg2[%get3A_1114, %get3A_1115, %get3A_1116] : memref<4x96x96xf32, #tpu.memory_space<vmem>>, vector<1x96x96xf32>
    %get3A_1118 = vector.shape_cast %get3A_1117 : vector<1x96x96xf32> to vector<96x96xf32>
    %dot_general3A_1119 = arith.constant dense<0.000000e+00> : vector<96x128xf32>
    %dot_general3A_1120 = tpu.matmul %get3A_1118, %select_n3A_1101, %dot_general3A_1119 {dimension_numbers = #tpu.dot_dimension_numbers<[1], [0], [0], [1], [0, 0, 1, 1], [], []>, precision = #tpu.contract_precision<fp32>, transpose_lhs_hint = false} : vector<96x96xf32>, vector<96x128xf32>, vector<96x128xf32> -> vector<96x128xf32>
    %sub3A_1121 = arith.subf %dot_general3A_1120, %select_n3A_1101 : vector<96x128xf32>
    %dot_general3A_1122 = arith.constant dense<0.000000e+00> : vector<96x64xf32>
    %dot_general3A_1123 = tpu.matmul %sub3A_1121, %slice3A_1108, %dot_general3A_1122 {dimension_numbers = #tpu.dot_dimension_numbers<[1], [0], [0], [1], [0, 0, 1, 1], [], []>, transpose_lhs_hint = false} : vector<96x128xf32>, vector<128x64xf32>, vector<96x64xf32> -> vector<96x64xf32>
    %add3A_1124 = arith.addf %dot_general3A_1123, %add3A_1113 : vector<96x64xf32>
    %get3A_1125 = arith.constant 1 : index
    %get3A_1126 = arith.constant 0 : index
    %get3A_1127 = arith.constant 0 : index
    %get3A_1128 = vector.load %arg2[%get3A_1125, %get3A_1126, %get3A_1127] : memref<4x96x96xf32, #tpu.memory_space<vmem>>, vector<1x96x96xf32>
    %get3A_1129 = vector.shape_cast %get3A_1128 : vector<1x96x96xf32> to vector<96x96xf32>
    %dot_general3A_1130 = arith.constant dense<0.000000e+00> : vector<96x128xf32>
    %dot_general3A_1131 = tpu.matmul %get3A_1129, %select_n3A_1101, %dot_general3A_1130 {dimension_numbers = #tpu.dot_dimension_numbers<[1], [0], [0], [1], [0, 0, 1, 1], [], []>, precision = #tpu.contract_precision<fp32>, transpose_lhs_hint = false} : vector<96x96xf32>, vector<96x128xf32>, vector<96x128xf32> -> vector<96x128xf32>
    %sub3A_1132 = arith.subf %dot_general3A_1131, %select_n3A_1101 : vector<96x128xf32>
    %dot_general3A_1133 = arith.constant dense<0.000000e+00> : vector<96x64xf32>
    %dot_general3A_1134 = tpu.matmul %sub3A_1132, %slice3A_1108, %dot_general3A_1133 {dimension_numbers = #tpu.dot_dimension_numbers<[1], [0], [0], [1], [0, 0, 1, 1], [], []>, transpose_lhs_hint = false} : vector<96x128xf32>, vector<128x64xf32>, vector<96x64xf32> -> vector<96x64xf32>
    %add3A_1135 = arith.addf %dot_general3A_1134, %add3A_1113 : vector<96x64xf32>
    %max3A_1136 = arith.maximumf %add3A_1124, %add3A_1135 : vector<96x64xf32>
    %get3A_1137 = arith.constant 2 : index
    %get3A_1138 = arith.constant 0 : index
    %get3A_1139 = arith.constant 0 : index
    %get3A_1140 = vector.load %arg2[%get3A_1137, %get3A_1138, %get3A_1139] : memref<4x96x96xf32, #tpu.memory_space<vmem>>, vector<1x96x96xf32>
    %get3A_1141 = vector.shape_cast %get3A_1140 : vector<1x96x96xf32> to vector<96x96xf32>
    %dot_general3A_1142 = arith.constant dense<0.000000e+00> : vector<96x128xf32>
    %dot_general3A_1143 = tpu.matmul %get3A_1141, %select_n3A_1101, %dot_general3A_1142 {dimension_numbers = #tpu.dot_dimension_numbers<[1], [0], [0], [1], [0, 0, 1, 1], [], []>, precision = #tpu.contract_precision<fp32>, transpose_lhs_hint = false} : vector<96x96xf32>, vector<96x128xf32>, vector<96x128xf32> -> vector<96x128xf32>
    %sub3A_1144 = arith.subf %dot_general3A_1143, %select_n3A_1101 : vector<96x128xf32>
    %dot_general3A_1145 = arith.constant dense<0.000000e+00> : vector<96x64xf32>
    %dot_general3A_1146 = tpu.matmul %sub3A_1144, %slice3A_1108, %dot_general3A_1145 {dimension_numbers = #tpu.dot_dimension_numbers<[1], [0], [0], [1], [0, 0, 1, 1], [], []>, transpose_lhs_hint = false} : vector<96x128xf32>, vector<128x64xf32>, vector<96x64xf32> -> vector<96x64xf32>
    %add3A_1147 = arith.addf %dot_general3A_1146, %add3A_1113 : vector<96x64xf32>
    %max3A_1148 = arith.maximumf %max3A_1136, %add3A_1147 : vector<96x64xf32>
    %get3A_1149 = arith.constant 3 : index
    %get3A_1150 = arith.constant 0 : index
    %get3A_1151 = arith.constant 0 : index
    %get3A_1152 = vector.load %arg2[%get3A_1149, %get3A_1150, %get3A_1151] : memref<4x96x96xf32, #tpu.memory_space<vmem>>, vector<1x96x96xf32>
    %get3A_1153 = vector.shape_cast %get3A_1152 : vector<1x96x96xf32> to vector<96x96xf32>
    %dot_general3A_1154 = arith.constant dense<0.000000e+00> : vector<96x128xf32>
    %dot_general3A_1155 = tpu.matmul %get3A_1153, %select_n3A_1101, %dot_general3A_1154 {dimension_numbers = #tpu.dot_dimension_numbers<[1], [0], [0], [1], [0, 0, 1, 1], [], []>, precision = #tpu.contract_precision<fp32>, transpose_lhs_hint = false} : vector<96x96xf32>, vector<96x128xf32>, vector<96x128xf32> -> vector<96x128xf32>
    %sub3A_1156 = arith.subf %dot_general3A_1155, %select_n3A_1101 : vector<96x128xf32>
    %dot_general3A_1157 = arith.constant dense<0.000000e+00> : vector<96x64xf32>
    %dot_general3A_1158 = tpu.matmul %sub3A_1156, %slice3A_1108, %dot_general3A_1157 {dimension_numbers = #tpu.dot_dimension_numbers<[1], [0], [0], [1], [0, 0, 1, 1], [], []>, transpose_lhs_hint = false} : vector<96x128xf32>, vector<128x64xf32>, vector<96x64xf32> -> vector<96x64xf32>
    %add3A_1159 = arith.addf %dot_general3A_1158, %add3A_1113 : vector<96x64xf32>
    %max3A_1160 = arith.maximumf %max3A_1148, %add3A_1159 : vector<96x64xf32>
    %jit3A_1161 = arith.constant 2.000000e-01 : f32
    %ge3A_1162 = arith.constant 0.000000e+00 : f32
    %ge3A_1163 = vector.broadcast %ge3A_1162 : f32 to vector<96x64xf32>
    %ge3A_1164 = arith.cmpf oge, %max3A_1160, %ge3A_1163 : vector<96x64xf32>
    %mul3A_1165 = vector.broadcast %jit3A_1161 : f32 to vector<96x64xf32>
    %mul3A_1166 = arith.mulf %mul3A_1165, %max3A_1160 : vector<96x64xf32>
    %select_n3A_1167 = arith.select %ge3A_1164, %max3A_1160, %mul3A_1166 : vector<96x64xi1>, vector<96x64xf32>
    %concatenate3A_1168 = tpu.concatenate %select_n3A_1035, %select_n3A_1101, %select_n3A_1167 in 1 : vector<96x256xf32>, vector<96x128xf32>, vector<96x64xf32> -> vector<96x448xf32>
    %get3A_1169 = arith.constant 0 : index
    %get3A_1170 = arith.constant 0 : index
    %get3A_1171 = vector.load %arg57[%get3A_1169, %get3A_1170] : memref<448x1024xf32, #tpu.memory_space<vmem>>, vector<448x1024xf32>
    %get3A_1172 = arith.constant 0 : index
    %get3A_1173 = arith.constant 0 : index
    %get3A_1174 = vector.load %arg58[%get3A_1172, %get3A_1173] : memref<1x1024xf32, #tpu.memory_space<vmem>>, vector<1x1024xf32>
    %dot_general3A_1175 = arith.constant dense<0.000000e+00> : vector<96x1024xf32>
    %dot_general3A_1176 = tpu.matmul %concatenate3A_1168, %get3A_1171, %dot_general3A_1175 {dimension_numbers = #tpu.dot_dimension_numbers<[1], [0], [0], [1], [0, 0, 1, 1], [], []>, transpose_lhs_hint = false} : vector<96x448xf32>, vector<448x1024xf32>, vector<96x1024xf32> -> vector<96x1024xf32>
    %add3A_1177 = vector.broadcast %get3A_1174 : vector<1x1024xf32> to vector<96x1024xf32>
    %add3A_1178 = arith.addf %dot_general3A_1176, %add3A_1177 : vector<96x1024xf32>
    %jit3A_1179 = arith.constant 2.000000e-01 : f32
    %ge3A_1180 = arith.constant 0.000000e+00 : f32
    %ge3A_1181 = vector.broadcast %ge3A_1180 : f32 to vector<96x1024xf32>
    %ge3A_1182 = arith.cmpf oge, %add3A_1178, %ge3A_1181 : vector<96x1024xf32>
    %mul3A_1183 = vector.broadcast %jit3A_1179 : f32 to vector<96x1024xf32>
    %mul3A_1184 = arith.mulf %mul3A_1183, %add3A_1178 : vector<96x1024xf32>
    %select_n3A_1185 = arith.select %ge3A_1182, %add3A_1178, %mul3A_1184 : vector<96x1024xi1>, vector<96x1024xf32>
    %get3A_1186 = arith.constant 0 : index
    %get3A_1187 = arith.constant 0 : index
    %get3A_1188 = vector.load %arg59[%get3A_1186, %get3A_1187] : memref<1024x512xf32, #tpu.memory_space<vmem>>, vector<1024x512xf32>
    %get3A_1189 = arith.constant 0 : index
    %get3A_1190 = arith.constant 0 : index
    %get3A_1191 = vector.load %arg60[%get3A_1189, %get3A_1190] : memref<1x512xf32, #tpu.memory_space<vmem>>, vector<1x512xf32>
    %dot_general3A_1192 = arith.constant dense<0.000000e+00> : vector<96x512xf32>
    %dot_general3A_1193 = tpu.matmul %select_n3A_1185, %get3A_1188, %dot_general3A_1192 {dimension_numbers = #tpu.dot_dimension_numbers<[1], [0], [0], [1], [0, 0, 1, 1], [], []>, transpose_lhs_hint = false} : vector<96x1024xf32>, vector<1024x512xf32>, vector<96x512xf32> -> vector<96x512xf32>
    %add3A_1194 = vector.broadcast %get3A_1191 : vector<1x512xf32> to vector<96x512xf32>
    %add3A_1195 = arith.addf %dot_general3A_1193, %add3A_1194 : vector<96x512xf32>
    %jit3A_1196 = arith.constant 2.000000e-01 : f32
    %ge3A_1197 = arith.constant 0.000000e+00 : f32
    %ge3A_1198 = vector.broadcast %ge3A_1197 : f32 to vector<96x512xf32>
    %ge3A_1199 = arith.cmpf oge, %add3A_1195, %ge3A_1198 : vector<96x512xf32>
    %mul3A_1200 = vector.broadcast %jit3A_1196 : f32 to vector<96x512xf32>
    %mul3A_1201 = arith.mulf %mul3A_1200, %add3A_1195 : vector<96x512xf32>
    %select_n3A_1202 = arith.select %ge3A_1199, %add3A_1195, %mul3A_1201 : vector<96x512xi1>, vector<96x512xf32>
    %get3A_1203 = arith.constant 0 : index
    %get3A_1204 = arith.constant 0 : index
    %get3A_1205 = vector.load %arg61[%get3A_1203, %get3A_1204] : memref<512x512xf32, #tpu.memory_space<vmem>>, vector<512x512xf32>
    %get3A_1206 = arith.constant 0 : index
    %get3A_1207 = arith.constant 0 : index
    %get3A_1208 = vector.load %arg62[%get3A_1206, %get3A_1207] : memref<1x512xf32, #tpu.memory_space<vmem>>, vector<1x512xf32>
    %dot_general3A_1209 = arith.constant dense<0.000000e+00> : vector<96x512xf32>
    %dot_general3A_1210 = tpu.matmul %select_n3A_1202, %get3A_1205, %dot_general3A_1209 {dimension_numbers = #tpu.dot_dimension_numbers<[1], [0], [0], [1], [0, 0, 1, 1], [], []>, transpose_lhs_hint = false} : vector<96x512xf32>, vector<512x512xf32>, vector<96x512xf32> -> vector<96x512xf32>
    %add3A_1211 = vector.broadcast %get3A_1208 : vector<1x512xf32> to vector<96x512xf32>
    %add3A_1212 = arith.addf %dot_general3A_1210, %add3A_1211 : vector<96x512xf32>
    %add3A_1213 = arith.addf %add3A_969, %add3A_1212 : vector<96x512xf32>
    %get3A_1214 = arith.constant 0 : index
    %get3A_1215 = arith.constant 0 : index
    %get3A_1216 = vector.load %arg63[%get3A_1214, %get3A_1215] : memref<1024x256xf32, #tpu.memory_space<vmem>>, vector<1024x256xf32>
    %get3A_1217 = arith.constant 0 : index
    %get3A_1218 = arith.constant 0 : index
    %get3A_1219 = vector.load %arg64[%get3A_1217, %get3A_1218] : memref<1x256xf32, #tpu.memory_space<vmem>>, vector<1x256xf32>
    %slice3A_1220 = vector.extract_strided_slice %get3A_1216 {offsets = [0, 0], sizes = [512, 256], strides = [1, 1]} : vector<1024x256xf32> to vector<512x256xf32>
    %slice3A_1221 = vector.extract_strided_slice %get3A_1216 {offsets = [512, 0], sizes = [512, 256], strides = [1, 1]} : vector<1024x256xf32> to vector<512x256xf32>
    %dot_general3A_1222 = arith.constant dense<0.000000e+00> : vector<96x256xf32>
    %dot_general3A_1223 = tpu.matmul %add3A_1213, %slice3A_1221, %dot_general3A_1222 {dimension_numbers = #tpu.dot_dimension_numbers<[1], [0], [0], [1], [0, 0, 1, 1], [], []>, transpose_lhs_hint = false} : vector<96x512xf32>, vector<512x256xf32>, vector<96x256xf32> -> vector<96x256xf32>
    %add3A_1224 = vector.broadcast %get3A_1219 : vector<1x256xf32> to vector<96x256xf32>
    %add3A_1225 = arith.addf %dot_general3A_1223, %add3A_1224 : vector<96x256xf32>
    %get3A_1226 = arith.constant 0 : index
    %get3A_1227 = arith.constant 0 : index
    %get3A_1228 = arith.constant 0 : index
    %get3A_1229 = vector.load %arg2[%get3A_1226, %get3A_1227, %get3A_1228] : memref<4x96x96xf32, #tpu.memory_space<vmem>>, vector<1x96x96xf32>
    %get3A_1230 = vector.shape_cast %get3A_1229 : vector<1x96x96xf32> to vector<96x96xf32>
    %dot_general3A_1231 = arith.constant dense<0.000000e+00> : vector<96x512xf32>
    %dot_general3A_1232 = tpu.matmul %get3A_1230, %add3A_1213, %dot_general3A_1231 {dimension_numbers = #tpu.dot_dimension_numbers<[1], [0], [0], [1], [0, 0, 1, 1], [], []>, precision = #tpu.contract_precision<fp32>, transpose_lhs_hint = false} : vector<96x96xf32>, vector<96x512xf32>, vector<96x512xf32> -> vector<96x512xf32>
    %sub3A_1233 = arith.subf %dot_general3A_1232, %add3A_1213 : vector<96x512xf32>
    %dot_general3A_1234 = arith.constant dense<0.000000e+00> : vector<96x256xf32>
    %dot_general3A_1235 = tpu.matmul %sub3A_1233, %slice3A_1220, %dot_general3A_1234 {dimension_numbers = #tpu.dot_dimension_numbers<[1], [0], [0], [1], [0, 0, 1, 1], [], []>, transpose_lhs_hint = false} : vector<96x512xf32>, vector<512x256xf32>, vector<96x256xf32> -> vector<96x256xf32>
    %add3A_1236 = arith.addf %dot_general3A_1235, %add3A_1225 : vector<96x256xf32>
    %get3A_1237 = arith.constant 1 : index
    %get3A_1238 = arith.constant 0 : index
    %get3A_1239 = arith.constant 0 : index
    %get3A_1240 = vector.load %arg2[%get3A_1237, %get3A_1238, %get3A_1239] : memref<4x96x96xf32, #tpu.memory_space<vmem>>, vector<1x96x96xf32>
    %get3A_1241 = vector.shape_cast %get3A_1240 : vector<1x96x96xf32> to vector<96x96xf32>
    %dot_general3A_1242 = arith.constant dense<0.000000e+00> : vector<96x512xf32>
    %dot_general3A_1243 = tpu.matmul %get3A_1241, %add3A_1213, %dot_general3A_1242 {dimension_numbers = #tpu.dot_dimension_numbers<[1], [0], [0], [1], [0, 0, 1, 1], [], []>, precision = #tpu.contract_precision<fp32>, transpose_lhs_hint = false} : vector<96x96xf32>, vector<96x512xf32>, vector<96x512xf32> -> vector<96x512xf32>
    %sub3A_1244 = arith.subf %dot_general3A_1243, %add3A_1213 : vector<96x512xf32>
    %dot_general3A_1245 = arith.constant dense<0.000000e+00> : vector<96x256xf32>
    %dot_general3A_1246 = tpu.matmul %sub3A_1244, %slice3A_1220, %dot_general3A_1245 {dimension_numbers = #tpu.dot_dimension_numbers<[1], [0], [0], [1], [0, 0, 1, 1], [], []>, transpose_lhs_hint = false} : vector<96x512xf32>, vector<512x256xf32>, vector<96x256xf32> -> vector<96x256xf32>
    %add3A_1247 = arith.addf %dot_general3A_1246, %add3A_1225 : vector<96x256xf32>
    %max3A_1248 = arith.maximumf %add3A_1236, %add3A_1247 : vector<96x256xf32>
    %get3A_1249 = arith.constant 2 : index
    %get3A_1250 = arith.constant 0 : index
    %get3A_1251 = arith.constant 0 : index
    %get3A_1252 = vector.load %arg2[%get3A_1249, %get3A_1250, %get3A_1251] : memref<4x96x96xf32, #tpu.memory_space<vmem>>, vector<1x96x96xf32>
    %get3A_1253 = vector.shape_cast %get3A_1252 : vector<1x96x96xf32> to vector<96x96xf32>
    %dot_general3A_1254 = arith.constant dense<0.000000e+00> : vector<96x512xf32>
    %dot_general3A_1255 = tpu.matmul %get3A_1253, %add3A_1213, %dot_general3A_1254 {dimension_numbers = #tpu.dot_dimension_numbers<[1], [0], [0], [1], [0, 0, 1, 1], [], []>, precision = #tpu.contract_precision<fp32>, transpose_lhs_hint = false} : vector<96x96xf32>, vector<96x512xf32>, vector<96x512xf32> -> vector<96x512xf32>
    %sub3A_1256 = arith.subf %dot_general3A_1255, %add3A_1213 : vector<96x512xf32>
    %dot_general3A_1257 = arith.constant dense<0.000000e+00> : vector<96x256xf32>
    %dot_general3A_1258 = tpu.matmul %sub3A_1256, %slice3A_1220, %dot_general3A_1257 {dimension_numbers = #tpu.dot_dimension_numbers<[1], [0], [0], [1], [0, 0, 1, 1], [], []>, transpose_lhs_hint = false} : vector<96x512xf32>, vector<512x256xf32>, vector<96x256xf32> -> vector<96x256xf32>
    %add3A_1259 = arith.addf %dot_general3A_1258, %add3A_1225 : vector<96x256xf32>
    %max3A_1260 = arith.maximumf %max3A_1248, %add3A_1259 : vector<96x256xf32>
    %get3A_1261 = arith.constant 3 : index
    %get3A_1262 = arith.constant 0 : index
    %get3A_1263 = arith.constant 0 : index
    %get3A_1264 = vector.load %arg2[%get3A_1261, %get3A_1262, %get3A_1263] : memref<4x96x96xf32, #tpu.memory_space<vmem>>, vector<1x96x96xf32>
    %get3A_1265 = vector.shape_cast %get3A_1264 : vector<1x96x96xf32> to vector<96x96xf32>
    %dot_general3A_1266 = arith.constant dense<0.000000e+00> : vector<96x512xf32>
    %dot_general3A_1267 = tpu.matmul %get3A_1265, %add3A_1213, %dot_general3A_1266 {dimension_numbers = #tpu.dot_dimension_numbers<[1], [0], [0], [1], [0, 0, 1, 1], [], []>, precision = #tpu.contract_precision<fp32>, transpose_lhs_hint = false} : vector<96x96xf32>, vector<96x512xf32>, vector<96x512xf32> -> vector<96x512xf32>
    %sub3A_1268 = arith.subf %dot_general3A_1267, %add3A_1213 : vector<96x512xf32>
    %dot_general3A_1269 = arith.constant dense<0.000000e+00> : vector<96x256xf32>
    %dot_general3A_1270 = tpu.matmul %sub3A_1268, %slice3A_1220, %dot_general3A_1269 {dimension_numbers = #tpu.dot_dimension_numbers<[1], [0], [0], [1], [0, 0, 1, 1], [], []>, transpose_lhs_hint = false} : vector<96x512xf32>, vector<512x256xf32>, vector<96x256xf32> -> vector<96x256xf32>
    %add3A_1271 = arith.addf %dot_general3A_1270, %add3A_1225 : vector<96x256xf32>
    %max3A_1272 = arith.maximumf %max3A_1260, %add3A_1271 : vector<96x256xf32>
    %jit3A_1273 = arith.constant 2.000000e-01 : f32
    %ge3A_1274 = arith.constant 0.000000e+00 : f32
    %ge3A_1275 = vector.broadcast %ge3A_1274 : f32 to vector<96x256xf32>
    %ge3A_1276 = arith.cmpf oge, %max3A_1272, %ge3A_1275 : vector<96x256xf32>
    %mul3A_1277 = vector.broadcast %jit3A_1273 : f32 to vector<96x256xf32>
    %mul3A_1278 = arith.mulf %mul3A_1277, %max3A_1272 : vector<96x256xf32>
    %select_n3A_1279 = arith.select %ge3A_1276, %max3A_1272, %mul3A_1278 : vector<96x256xi1>, vector<96x256xf32>
    %get3A_1280 = arith.constant 0 : index
    %get3A_1281 = arith.constant 0 : index
    %get3A_1282 = vector.load %arg65[%get3A_1280, %get3A_1281] : memref<512x128xf32, #tpu.memory_space<vmem>>, vector<512x128xf32>
    %get3A_1283 = arith.constant 0 : index
    %get3A_1284 = arith.constant 0 : index
    %get3A_1285 = vector.load %arg66[%get3A_1283, %get3A_1284] : memref<1x128xf32, #tpu.memory_space<vmem>>, vector<1x128xf32>
    %slice3A_1286 = vector.extract_strided_slice %get3A_1282 {offsets = [0, 0], sizes = [256, 128], strides = [1, 1]} : vector<512x128xf32> to vector<256x128xf32>
    %slice3A_1287 = vector.extract_strided_slice %get3A_1282 {offsets = [256, 0], sizes = [256, 128], strides = [1, 1]} : vector<512x128xf32> to vector<256x128xf32>
    %dot_general3A_1288 = arith.constant dense<0.000000e+00> : vector<96x128xf32>
    %dot_general3A_1289 = tpu.matmul %select_n3A_1279, %slice3A_1287, %dot_general3A_1288 {dimension_numbers = #tpu.dot_dimension_numbers<[1], [0], [0], [1], [0, 0, 1, 1], [], []>, transpose_lhs_hint = false} : vector<96x256xf32>, vector<256x128xf32>, vector<96x128xf32> -> vector<96x128xf32>
    %add3A_1290 = vector.broadcast %get3A_1285 : vector<1x128xf32> to vector<96x128xf32>
    %add3A_1291 = arith.addf %dot_general3A_1289, %add3A_1290 : vector<96x128xf32>
    %get3A_1292 = arith.constant 0 : index
    %get3A_1293 = arith.constant 0 : index
    %get3A_1294 = arith.constant 0 : index
    %get3A_1295 = vector.load %arg2[%get3A_1292, %get3A_1293, %get3A_1294] : memref<4x96x96xf32, #tpu.memory_space<vmem>>, vector<1x96x96xf32>
    %get3A_1296 = vector.shape_cast %get3A_1295 : vector<1x96x96xf32> to vector<96x96xf32>
    %dot_general3A_1297 = arith.constant dense<0.000000e+00> : vector<96x256xf32>
    %dot_general3A_1298 = tpu.matmul %get3A_1296, %select_n3A_1279, %dot_general3A_1297 {dimension_numbers = #tpu.dot_dimension_numbers<[1], [0], [0], [1], [0, 0, 1, 1], [], []>, precision = #tpu.contract_precision<fp32>, transpose_lhs_hint = false} : vector<96x96xf32>, vector<96x256xf32>, vector<96x256xf32> -> vector<96x256xf32>
    %sub3A_1299 = arith.subf %dot_general3A_1298, %select_n3A_1279 : vector<96x256xf32>
    %dot_general3A_1300 = arith.constant dense<0.000000e+00> : vector<96x128xf32>
    %dot_general3A_1301 = tpu.matmul %sub3A_1299, %slice3A_1286, %dot_general3A_1300 {dimension_numbers = #tpu.dot_dimension_numbers<[1], [0], [0], [1], [0, 0, 1, 1], [], []>, transpose_lhs_hint = false} : vector<96x256xf32>, vector<256x128xf32>, vector<96x128xf32> -> vector<96x128xf32>
    %add3A_1302 = arith.addf %dot_general3A_1301, %add3A_1291 : vector<96x128xf32>
    %get3A_1303 = arith.constant 1 : index
    %get3A_1304 = arith.constant 0 : index
    %get3A_1305 = arith.constant 0 : index
    %get3A_1306 = vector.load %arg2[%get3A_1303, %get3A_1304, %get3A_1305] : memref<4x96x96xf32, #tpu.memory_space<vmem>>, vector<1x96x96xf32>
    %get3A_1307 = vector.shape_cast %get3A_1306 : vector<1x96x96xf32> to vector<96x96xf32>
    %dot_general3A_1308 = arith.constant dense<0.000000e+00> : vector<96x256xf32>
    %dot_general3A_1309 = tpu.matmul %get3A_1307, %select_n3A_1279, %dot_general3A_1308 {dimension_numbers = #tpu.dot_dimension_numbers<[1], [0], [0], [1], [0, 0, 1, 1], [], []>, precision = #tpu.contract_precision<fp32>, transpose_lhs_hint = false} : vector<96x96xf32>, vector<96x256xf32>, vector<96x256xf32> -> vector<96x256xf32>
    %sub3A_1310 = arith.subf %dot_general3A_1309, %select_n3A_1279 : vector<96x256xf32>
    %dot_general3A_1311 = arith.constant dense<0.000000e+00> : vector<96x128xf32>
    %dot_general3A_1312 = tpu.matmul %sub3A_1310, %slice3A_1286, %dot_general3A_1311 {dimension_numbers = #tpu.dot_dimension_numbers<[1], [0], [0], [1], [0, 0, 1, 1], [], []>, transpose_lhs_hint = false} : vector<96x256xf32>, vector<256x128xf32>, vector<96x128xf32> -> vector<96x128xf32>
    %add3A_1313 = arith.addf %dot_general3A_1312, %add3A_1291 : vector<96x128xf32>
    %max3A_1314 = arith.maximumf %add3A_1302, %add3A_1313 : vector<96x128xf32>
    %get3A_1315 = arith.constant 2 : index
    %get3A_1316 = arith.constant 0 : index
    %get3A_1317 = arith.constant 0 : index
    %get3A_1318 = vector.load %arg2[%get3A_1315, %get3A_1316, %get3A_1317] : memref<4x96x96xf32, #tpu.memory_space<vmem>>, vector<1x96x96xf32>
    %get3A_1319 = vector.shape_cast %get3A_1318 : vector<1x96x96xf32> to vector<96x96xf32>
    %dot_general3A_1320 = arith.constant dense<0.000000e+00> : vector<96x256xf32>
    %dot_general3A_1321 = tpu.matmul %get3A_1319, %select_n3A_1279, %dot_general3A_1320 {dimension_numbers = #tpu.dot_dimension_numbers<[1], [0], [0], [1], [0, 0, 1, 1], [], []>, precision = #tpu.contract_precision<fp32>, transpose_lhs_hint = false} : vector<96x96xf32>, vector<96x256xf32>, vector<96x256xf32> -> vector<96x256xf32>
    %sub3A_1322 = arith.subf %dot_general3A_1321, %select_n3A_1279 : vector<96x256xf32>
    %dot_general3A_1323 = arith.constant dense<0.000000e+00> : vector<96x128xf32>
    %dot_general3A_1324 = tpu.matmul %sub3A_1322, %slice3A_1286, %dot_general3A_1323 {dimension_numbers = #tpu.dot_dimension_numbers<[1], [0], [0], [1], [0, 0, 1, 1], [], []>, transpose_lhs_hint = false} : vector<96x256xf32>, vector<256x128xf32>, vector<96x128xf32> -> vector<96x128xf32>
    %add3A_1325 = arith.addf %dot_general3A_1324, %add3A_1291 : vector<96x128xf32>
    %max3A_1326 = arith.maximumf %max3A_1314, %add3A_1325 : vector<96x128xf32>
    %get3A_1327 = arith.constant 3 : index
    %get3A_1328 = arith.constant 0 : index
    %get3A_1329 = arith.constant 0 : index
    %get3A_1330 = vector.load %arg2[%get3A_1327, %get3A_1328, %get3A_1329] : memref<4x96x96xf32, #tpu.memory_space<vmem>>, vector<1x96x96xf32>
    %get3A_1331 = vector.shape_cast %get3A_1330 : vector<1x96x96xf32> to vector<96x96xf32>
    %dot_general3A_1332 = arith.constant dense<0.000000e+00> : vector<96x256xf32>
    %dot_general3A_1333 = tpu.matmul %get3A_1331, %select_n3A_1279, %dot_general3A_1332 {dimension_numbers = #tpu.dot_dimension_numbers<[1], [0], [0], [1], [0, 0, 1, 1], [], []>, precision = #tpu.contract_precision<fp32>, transpose_lhs_hint = false} : vector<96x96xf32>, vector<96x256xf32>, vector<96x256xf32> -> vector<96x256xf32>
    %sub3A_1334 = arith.subf %dot_general3A_1333, %select_n3A_1279 : vector<96x256xf32>
    %dot_general3A_1335 = arith.constant dense<0.000000e+00> : vector<96x128xf32>
    %dot_general3A_1336 = tpu.matmul %sub3A_1334, %slice3A_1286, %dot_general3A_1335 {dimension_numbers = #tpu.dot_dimension_numbers<[1], [0], [0], [1], [0, 0, 1, 1], [], []>, transpose_lhs_hint = false} : vector<96x256xf32>, vector<256x128xf32>, vector<96x128xf32> -> vector<96x128xf32>
    %add3A_1337 = arith.addf %dot_general3A_1336, %add3A_1291 : vector<96x128xf32>
    %max3A_1338 = arith.maximumf %max3A_1326, %add3A_1337 : vector<96x128xf32>
    %jit3A_1339 = arith.constant 2.000000e-01 : f32
    %ge3A_1340 = arith.constant 0.000000e+00 : f32
    %ge3A_1341 = vector.broadcast %ge3A_1340 : f32 to vector<96x128xf32>
    %ge3A_1342 = arith.cmpf oge, %max3A_1338, %ge3A_1341 : vector<96x128xf32>
    %mul3A_1343 = vector.broadcast %jit3A_1339 : f32 to vector<96x128xf32>
    %mul3A_1344 = arith.mulf %mul3A_1343, %max3A_1338 : vector<96x128xf32>
    %select_n3A_1345 = arith.select %ge3A_1342, %max3A_1338, %mul3A_1344 : vector<96x128xi1>, vector<96x128xf32>
    %get3A_1346 = arith.constant 0 : index
    %get3A_1347 = arith.constant 0 : index
    %get3A_1348 = vector.load %arg67[%get3A_1346, %get3A_1347] : memref<256x64xf32, #tpu.memory_space<vmem>>, vector<256x64xf32>
    %get3A_1349 = arith.constant 0 : index
    %get3A_1350 = arith.constant 0 : index
    %get3A_1351 = vector.load %arg68[%get3A_1349, %get3A_1350] : memref<1x64xf32, #tpu.memory_space<vmem>>, vector<1x64xf32>
    %slice3A_1352 = vector.extract_strided_slice %get3A_1348 {offsets = [0, 0], sizes = [128, 64], strides = [1, 1]} : vector<256x64xf32> to vector<128x64xf32>
    %slice3A_1353 = vector.extract_strided_slice %get3A_1348 {offsets = [128, 0], sizes = [128, 64], strides = [1, 1]} : vector<256x64xf32> to vector<128x64xf32>
    %dot_general3A_1354 = arith.constant dense<0.000000e+00> : vector<96x64xf32>
    %dot_general3A_1355 = tpu.matmul %select_n3A_1345, %slice3A_1353, %dot_general3A_1354 {dimension_numbers = #tpu.dot_dimension_numbers<[1], [0], [0], [1], [0, 0, 1, 1], [], []>, transpose_lhs_hint = false} : vector<96x128xf32>, vector<128x64xf32>, vector<96x64xf32> -> vector<96x64xf32>
    %add3A_1356 = vector.broadcast %get3A_1351 : vector<1x64xf32> to vector<96x64xf32>
    %add3A_1357 = arith.addf %dot_general3A_1355, %add3A_1356 : vector<96x64xf32>
    %get3A_1358 = arith.constant 0 : index
    %get3A_1359 = arith.constant 0 : index
    %get3A_1360 = arith.constant 0 : index
    %get3A_1361 = vector.load %arg2[%get3A_1358, %get3A_1359, %get3A_1360] : memref<4x96x96xf32, #tpu.memory_space<vmem>>, vector<1x96x96xf32>
    %get3A_1362 = vector.shape_cast %get3A_1361 : vector<1x96x96xf32> to vector<96x96xf32>
    %dot_general3A_1363 = arith.constant dense<0.000000e+00> : vector<96x128xf32>
    %dot_general3A_1364 = tpu.matmul %get3A_1362, %select_n3A_1345, %dot_general3A_1363 {dimension_numbers = #tpu.dot_dimension_numbers<[1], [0], [0], [1], [0, 0, 1, 1], [], []>, precision = #tpu.contract_precision<fp32>, transpose_lhs_hint = false} : vector<96x96xf32>, vector<96x128xf32>, vector<96x128xf32> -> vector<96x128xf32>
    %sub3A_1365 = arith.subf %dot_general3A_1364, %select_n3A_1345 : vector<96x128xf32>
    %dot_general3A_1366 = arith.constant dense<0.000000e+00> : vector<96x64xf32>
    %dot_general3A_1367 = tpu.matmul %sub3A_1365, %slice3A_1352, %dot_general3A_1366 {dimension_numbers = #tpu.dot_dimension_numbers<[1], [0], [0], [1], [0, 0, 1, 1], [], []>, transpose_lhs_hint = false} : vector<96x128xf32>, vector<128x64xf32>, vector<96x64xf32> -> vector<96x64xf32>
    %add3A_1368 = arith.addf %dot_general3A_1367, %add3A_1357 : vector<96x64xf32>
    %get3A_1369 = arith.constant 1 : index
    %get3A_1370 = arith.constant 0 : index
    %get3A_1371 = arith.constant 0 : index
    %get3A_1372 = vector.load %arg2[%get3A_1369, %get3A_1370, %get3A_1371] : memref<4x96x96xf32, #tpu.memory_space<vmem>>, vector<1x96x96xf32>
    %get3A_1373 = vector.shape_cast %get3A_1372 : vector<1x96x96xf32> to vector<96x96xf32>
    %dot_general3A_1374 = arith.constant dense<0.000000e+00> : vector<96x128xf32>
    %dot_general3A_1375 = tpu.matmul %get3A_1373, %select_n3A_1345, %dot_general3A_1374 {dimension_numbers = #tpu.dot_dimension_numbers<[1], [0], [0], [1], [0, 0, 1, 1], [], []>, precision = #tpu.contract_precision<fp32>, transpose_lhs_hint = false} : vector<96x96xf32>, vector<96x128xf32>, vector<96x128xf32> -> vector<96x128xf32>
    %sub3A_1376 = arith.subf %dot_general3A_1375, %select_n3A_1345 : vector<96x128xf32>
    %dot_general3A_1377 = arith.constant dense<0.000000e+00> : vector<96x64xf32>
    %dot_general3A_1378 = tpu.matmul %sub3A_1376, %slice3A_1352, %dot_general3A_1377 {dimension_numbers = #tpu.dot_dimension_numbers<[1], [0], [0], [1], [0, 0, 1, 1], [], []>, transpose_lhs_hint = false} : vector<96x128xf32>, vector<128x64xf32>, vector<96x64xf32> -> vector<96x64xf32>
    %add3A_1379 = arith.addf %dot_general3A_1378, %add3A_1357 : vector<96x64xf32>
    %max3A_1380 = arith.maximumf %add3A_1368, %add3A_1379 : vector<96x64xf32>
    %get3A_1381 = arith.constant 2 : index
    %get3A_1382 = arith.constant 0 : index
    %get3A_1383 = arith.constant 0 : index
    %get3A_1384 = vector.load %arg2[%get3A_1381, %get3A_1382, %get3A_1383] : memref<4x96x96xf32, #tpu.memory_space<vmem>>, vector<1x96x96xf32>
    %get3A_1385 = vector.shape_cast %get3A_1384 : vector<1x96x96xf32> to vector<96x96xf32>
    %dot_general3A_1386 = arith.constant dense<0.000000e+00> : vector<96x128xf32>
    %dot_general3A_1387 = tpu.matmul %get3A_1385, %select_n3A_1345, %dot_general3A_1386 {dimension_numbers = #tpu.dot_dimension_numbers<[1], [0], [0], [1], [0, 0, 1, 1], [], []>, precision = #tpu.contract_precision<fp32>, transpose_lhs_hint = false} : vector<96x96xf32>, vector<96x128xf32>, vector<96x128xf32> -> vector<96x128xf32>
    %sub3A_1388 = arith.subf %dot_general3A_1387, %select_n3A_1345 : vector<96x128xf32>
    %dot_general3A_1389 = arith.constant dense<0.000000e+00> : vector<96x64xf32>
    %dot_general3A_1390 = tpu.matmul %sub3A_1388, %slice3A_1352, %dot_general3A_1389 {dimension_numbers = #tpu.dot_dimension_numbers<[1], [0], [0], [1], [0, 0, 1, 1], [], []>, transpose_lhs_hint = false} : vector<96x128xf32>, vector<128x64xf32>, vector<96x64xf32> -> vector<96x64xf32>
    %add3A_1391 = arith.addf %dot_general3A_1390, %add3A_1357 : vector<96x64xf32>
    %max3A_1392 = arith.maximumf %max3A_1380, %add3A_1391 : vector<96x64xf32>
    %get3A_1393 = arith.constant 3 : index
    %get3A_1394 = arith.constant 0 : index
    %get3A_1395 = arith.constant 0 : index
    %get3A_1396 = vector.load %arg2[%get3A_1393, %get3A_1394, %get3A_1395] : memref<4x96x96xf32, #tpu.memory_space<vmem>>, vector<1x96x96xf32>
    %get3A_1397 = vector.shape_cast %get3A_1396 : vector<1x96x96xf32> to vector<96x96xf32>
    %dot_general3A_1398 = arith.constant dense<0.000000e+00> : vector<96x128xf32>
    %dot_general3A_1399 = tpu.matmul %get3A_1397, %select_n3A_1345, %dot_general3A_1398 {dimension_numbers = #tpu.dot_dimension_numbers<[1], [0], [0], [1], [0, 0, 1, 1], [], []>, precision = #tpu.contract_precision<fp32>, transpose_lhs_hint = false} : vector<96x96xf32>, vector<96x128xf32>, vector<96x128xf32> -> vector<96x128xf32>
    %sub3A_1400 = arith.subf %dot_general3A_1399, %select_n3A_1345 : vector<96x128xf32>
    %dot_general3A_1401 = arith.constant dense<0.000000e+00> : vector<96x64xf32>
    %dot_general3A_1402 = tpu.matmul %sub3A_1400, %slice3A_1352, %dot_general3A_1401 {dimension_numbers = #tpu.dot_dimension_numbers<[1], [0], [0], [1], [0, 0, 1, 1], [], []>, transpose_lhs_hint = false} : vector<96x128xf32>, vector<128x64xf32>, vector<96x64xf32> -> vector<96x64xf32>
    %add3A_1403 = arith.addf %dot_general3A_1402, %add3A_1357 : vector<96x64xf32>
    %max3A_1404 = arith.maximumf %max3A_1392, %add3A_1403 : vector<96x64xf32>
    %jit3A_1405 = arith.constant 2.000000e-01 : f32
    %ge3A_1406 = arith.constant 0.000000e+00 : f32
    %ge3A_1407 = vector.broadcast %ge3A_1406 : f32 to vector<96x64xf32>
    %ge3A_1408 = arith.cmpf oge, %max3A_1404, %ge3A_1407 : vector<96x64xf32>
    %mul3A_1409 = vector.broadcast %jit3A_1405 : f32 to vector<96x64xf32>
    %mul3A_1410 = arith.mulf %mul3A_1409, %max3A_1404 : vector<96x64xf32>
    %select_n3A_1411 = arith.select %ge3A_1408, %max3A_1404, %mul3A_1410 : vector<96x64xi1>, vector<96x64xf32>
    %concatenate3A_1412 = tpu.concatenate %select_n3A_1279, %select_n3A_1345, %select_n3A_1411 in 1 : vector<96x256xf32>, vector<96x128xf32>, vector<96x64xf32> -> vector<96x448xf32>
    %get3A_1413 = arith.constant 0 : index
    %get3A_1414 = arith.constant 0 : index
    %get3A_1415 = vector.load %arg69[%get3A_1413, %get3A_1414] : memref<448x512xf32, #tpu.memory_space<vmem>>, vector<448x512xf32>
    %get3A_1416 = arith.constant 0 : index
    %get3A_1417 = arith.constant 0 : index
    %get3A_1418 = vector.load %arg70[%get3A_1416, %get3A_1417] : memref<1x512xf32, #tpu.memory_space<vmem>>, vector<1x512xf32>
    %dot_general3A_1419 = arith.constant dense<0.000000e+00> : vector<96x512xf32>
    %dot_general3A_1420 = tpu.matmul %concatenate3A_1412, %get3A_1415, %dot_general3A_1419 {dimension_numbers = #tpu.dot_dimension_numbers<[1], [0], [0], [1], [0, 0, 1, 1], [], []>, transpose_lhs_hint = false} : vector<96x448xf32>, vector<448x512xf32>, vector<96x512xf32> -> vector<96x512xf32>
    %add3A_1421 = vector.broadcast %get3A_1418 : vector<1x512xf32> to vector<96x512xf32>
    %add3A_1422 = arith.addf %dot_general3A_1420, %add3A_1421 : vector<96x512xf32>
    %jit3A_1423 = arith.constant 2.000000e-01 : f32
    %ge3A_1424 = arith.constant 0.000000e+00 : f32
    %ge3A_1425 = vector.broadcast %ge3A_1424 : f32 to vector<96x512xf32>
    %ge3A_1426 = arith.cmpf oge, %add3A_1422, %ge3A_1425 : vector<96x512xf32>
    %mul3A_1427 = vector.broadcast %jit3A_1423 : f32 to vector<96x512xf32>
    %mul3A_1428 = arith.mulf %mul3A_1427, %add3A_1422 : vector<96x512xf32>
    %select_n3A_1429 = arith.select %ge3A_1426, %add3A_1422, %mul3A_1428 : vector<96x512xi1>, vector<96x512xf32>
    %get3A_1430 = arith.constant 0 : index
    %get3A_1431 = arith.constant 0 : index
    %get3A_1432 = vector.load %arg71[%get3A_1430, %get3A_1431] : memref<512x256xf32, #tpu.memory_space<vmem>>, vector<512x256xf32>
    %get3A_1433 = arith.constant 0 : index
    %get3A_1434 = arith.constant 0 : index
    %get3A_1435 = vector.load %arg72[%get3A_1433, %get3A_1434] : memref<1x256xf32, #tpu.memory_space<vmem>>, vector<1x256xf32>
    %dot_general3A_1436 = arith.constant dense<0.000000e+00> : vector<96x256xf32>
    %dot_general3A_1437 = tpu.matmul %select_n3A_1429, %get3A_1432, %dot_general3A_1436 {dimension_numbers = #tpu.dot_dimension_numbers<[1], [0], [0], [1], [0, 0, 1, 1], [], []>, transpose_lhs_hint = false} : vector<96x512xf32>, vector<512x256xf32>, vector<96x256xf32> -> vector<96x256xf32>
    %add3A_1438 = vector.broadcast %get3A_1435 : vector<1x256xf32> to vector<96x256xf32>
    %add3A_1439 = arith.addf %dot_general3A_1437, %add3A_1438 : vector<96x256xf32>
    %jit3A_1440 = arith.constant 2.000000e-01 : f32
    %ge3A_1441 = arith.constant 0.000000e+00 : f32
    %ge3A_1442 = vector.broadcast %ge3A_1441 : f32 to vector<96x256xf32>
    %ge3A_1443 = arith.cmpf oge, %add3A_1439, %ge3A_1442 : vector<96x256xf32>
    %mul3A_1444 = vector.broadcast %jit3A_1440 : f32 to vector<96x256xf32>
    %mul3A_1445 = arith.mulf %mul3A_1444, %add3A_1439 : vector<96x256xf32>
    %select_n3A_1446 = arith.select %ge3A_1443, %add3A_1439, %mul3A_1445 : vector<96x256xi1>, vector<96x256xf32>
    %get3A_1447 = arith.constant 0 : index
    %get3A_1448 = arith.constant 0 : index
    %get3A_1449 = vector.load %arg73[%get3A_1447, %get3A_1448] : memref<256x3xf32, #tpu.memory_space<vmem>>, vector<256x3xf32>
    %get3A_1450 = arith.constant 0 : index
    %get3A_1451 = arith.constant 0 : index
    %get3A_1452 = vector.load %arg74[%get3A_1450, %get3A_1451] : memref<1x3xf32, #tpu.memory_space<vmem>>, vector<1x3xf32>
    %dot_general3A_1453 = arith.constant dense<0.000000e+00> : vector<96x3xf32>
    %dot_general3A_1454 = tpu.matmul %select_n3A_1446, %get3A_1449, %dot_general3A_1453 {dimension_numbers = #tpu.dot_dimension_numbers<[1], [0], [0], [1], [0, 0, 1, 1], [], []>, transpose_lhs_hint = false} : vector<96x256xf32>, vector<256x3xf32>, vector<96x3xf32> -> vector<96x3xf32>
    %add3A_1455 = vector.broadcast %get3A_1452 : vector<1x3xf32> to vector<96x3xf32>
    %add3A_1456 = arith.addf %dot_general3A_1454, %add3A_1455 : vector<96x3xf32>
    %swap3A = arith.constant 0 : index
    %swap3A_1457 = arith.constant 0 : index
    %swap3A_1458 = vector.load %arg75[%swap3A, %swap3A_1457] : memref<96x3xf32, #tpu.memory_space<vmem>>, vector<96x3xf32>
    tpu.vector_store %arg75[%swap3A, %swap3A_1457], %add3A_1456 {strides = array<i32>} : memref<96x3xf32, #tpu.memory_space<vmem>>, vector<96x3xf32>,
    return
  }
}

</mosaic_0001>

<sc_bundles>
// kernel: kernel.17.cloned.1.call-start
scs
__scs_entry_jumppad:
0x0: {  	(pc) =	sbr.rel $0x88, $3  }
0x1: {  	(tag) =	ssettag $0x0;
	lr =	simm.s32 $0x1  }
0x2: {  	[smem:$0x3F4A] =	sst lr;
	_ =	strace $0xD0000000  }
0x3: {  	_ = 	snop  }
0x4: {  	_ = 	snop  }
0x5: {  	_ = 	snop  }
0x6: {  	_ = 	snop  }
0x7: {  	_ = 	snop  }
__scs_overlays_trampoline_lowered:
0x8: {  	[smem:$0x3F59] =	sst s0  }
0x9: {  	[smem:$0x3F5A] =	sst s1  }
0xa: {  	[smem:$0x3F5B] =	sst s2  }
0xb: {  	[smem:$0x3F5C] =	sst s3  }
0xc: {  	[smem:$0x3F5D] =	sst s4  }
0xd: {  	[smem:$0x3F5E] =	sst s5  }
0xe: {  	[smem:$0x3F5F] =	sst s6  }
0xf: {  	[smem:$0x3F60] =	sst s7  }
0x10: {  	[smem:$0x3F61] =	sst s8  }
0x11: {  	[smem:$0x3F62] =	sst s9;
	s0 =	simm.s32 @!p0 $0x0  }
0x12: {  	s1 =	sld [smem:$0x3F48];
	s0 =	simm.s32 @p0 $0x1  }
0x13: {  	[smem:$0x3F63] =	sst s0;
	s0 =	simm.s32 @!p1 $0x0  }
0x14: {  	s2 =	sld [smem:$0x3F47];
	s0 =	simm.s32 @p1 $0x1  }
0x15: {  	[smem:$0x3F64] =	sst s0;
	s0 =	simm.s32 @!p2 $0x0  }
0x16: {  	s3 =	sld [smem:$0x3FDB];
	s0 =	simm.s32 @p2 $0x1  }
0x17: {  	s4 =	simm.s32 $0x1BF5;
	[smem:$0x3F66] =	sst s0  }
0x18: {  	s0 =	sld [smem:$0x3F49];
	_ =	swait.ge [sflag:s4], $0x0  }
0x19: {  	s7 =	sld [smem:$0x3F4A]  }
0x1a: {  	s8 =	sadd.s32 $0xFFFFE003, lr  }
0x1b: {  	s9 =	sadd.s32 $0xFFFFFEF7, lr;
	s5 =	simm.s32 $0xFFFFFFFF;
	p2 =	slt.u32 s8, $0xFFFFF086  }
0x1c: {  	p1 =	slt.u32 s9, $0xF7A;
	s5 =	simm.s32 @!p2 $0x0  }
0x1d: {  	s5 =	simm.s32 @p1 $0x1;
	p0 =	seq.s32 s7, s2  }
0x1e: {  	s7 =	smul.u32 @!p0 $0xF7A, s2;
	p2 =	seq.s32 @!p0 s5, $0x0  }
0x1f: {  	s9 =	smul.u32 $0xF7A, s1;
	s8 =	simm.s32 @!p0 $0x1BF5;
	p2 =	por !p2, p0  }
0x20: {  	[sflag:s8] =	ssyncset.s32 @!p0 $0xFFFFF086;
	s6 =	sadd.s32 @!p0 s3, s7;
	s7 =	simm.s32 @!p0 $0x108  }
0x21: {  	s3 =	sadd.s32 s3, s9;
	s6 =	sadd.s32 @!p0 $0x88, s6;
	s7 =	simm.s32 @p2 $0x1082  }
0x22: {  	[simem:s7], [sflag:s8] =	dma.local @!p0 [hbm:s6], $0xF7A  }
0x23: {  	s9 =	sor.u32 $0xD0000000, s2;
	s6 =	simm.s32 $0x108;
	_ =	swait.ge @!p0 [sflag:s8], $0x0  }
0x24: {  	s3 =	sadd.s32 $0x88, s3;
	s6 =	simm.s32 @!p1 $0x1082;
	[sflag:s4] =	ssyncset.s32 $0xFFFFF086  }
0x25: {  	[simem:s6], [sflag:s4] =	dma.local [hbm:s3], $0xF7A  }
0x26: {  	[smem:$0x3F4A] =	sst s1;
	(tag) =	ssettag s2;
	_ =	strace s9  }
0x27: {  	s1 =	sld [smem:$0x3F5A]  }
0x28: {  	s2 =	sld [smem:$0x3F5B]  }
0x29: {  	s4 =	sld [smem:$0x3F5D]  }
0x2a: {  	p0 =	seq.s32 s5, $0x0;
	s5 =	sld [smem:$0x3F5E]  }
0x2b: {  	s6 =	sld [smem:$0x3F5F]  }
0x2c: {  	s7 =	sld [smem:$0x3F60]  }
0x2d: {  	s3 =	simm.s32 $0x108;
	s8 =	sld [smem:$0x3F61]  }
0x2e: {  	s3 =	simm.s32 @!p0 $0x1082;
	s9 =	sld [smem:$0x3F62]  }
0x2f: {  	lr =	sadd.s32 s0, s3;
	s0 =	sld [smem:$0x3F59]  }
0x30: {  	s3 =	sld [smem:$0x3F5C]  }
0x31: {  	[smem:$0x3F65] =	sst s10  }
0x32: {  	s10 =	sld [smem:$0x3F63];
	_ =	sdelay $0x3  }
0x33: {  	p0 =	seq.s32 s10, $0x1;
	s10 =	sld [smem:$0x3F65];
	_ =	sdelay $0x3  }
0x34: {  	[smem:$0x3F65] =	sst s10  }
0x35: {  	s10 =	sld [smem:$0x3F64];
	_ =	sdelay $0x3  }
0x36: {  	p1 =	seq.s32 s10, $0x1;
	s10 =	sld [smem:$0x3F65];
	_ =	sdelay $0x3  }
0x37: {  	[smem:$0x3F65] =	sst s10  }
0x38: {  	s10 =	sld [smem:$0x3F66]  }
0x39: {  	_ = 	snop;
	(pc) =	sbr.ind lr, $3  }
0x3a: {  	_ = 	snop  }
0x3b: {  	_ = 	snop  }
0x3c: {  	p2 =	seq.s32 s10, $0x1;
	s10 =	sld [smem:$0x3F65]  }
0x3d: {  	_ =	shalt  }
0x3e: {  	_ =	shalt  }
0x3f: {  	_ =	shalt  }
0x40: {  	_ =	shalt  }
0x41: {  	_ =	shalt  }
0x42: {  	_ =	shalt  }
0x43: {  	_ =	shalt  }
0x44: {  	_ =	shalt  }
0x45: {  	_ =	shalt  }
0x46: {  	_ =	shalt  }
0x47: {  	_ =	shalt  }
0x48: {  	_ =	shalt  }
0x49: {  	_ =	shalt  }
0x4a: {  	_ =	shalt  }
0x4b: {  	_ =	shalt  }
0x4c: {  	_ =	shalt  }
0x4d: {  	_ =	shalt  }
0x4e: {  	_ =	shalt  }
0x4f: {  	_ =	shalt  }
0x50: {  	_ =	shalt  }
0x51: {  	_ =	shalt  }
0x52: {  	_ =	shalt  }
0x53: {  	_ =	shalt  }
0x54: {  	_ =	shalt  }
0x55: {  	_ =	shalt  }
0x56: {  	_ =	shalt  }
0x57: {  	_ =	shalt  }
0x58: {  	_ =	shalt  }
0x59: {  	_ =	shalt  }
0x5a: {  	_ =	shalt  }
0x5b: {  	_ =	shalt  }
0x5c: {  	_ =	shalt  }
0x5d: {  	_ =	shalt  }
0x5e: {  	_ =	shalt  }
0x5f: {  	_ =	shalt  }
0x60: {  	_ =	shalt  }
0x61: {  	_ =	shalt  }
0x62: {  	_ =	shalt  }
0x63: {  	_ =	shalt  }
0x64: {  	_ =	shalt  }
0x65: {  	_ =	shalt  }
0x66: {  	_ =	shalt  }
0x67: {  	_ =	shalt  }
0x68: {  	_ =	shalt  }
0x69: {  	_ =	shalt  }
0x6a: {  	_ =	shalt  }
0x6b: {  	_ =	shalt  }
0x6c: {  	_ =	shalt  }
0x6d: {  	_ =	shalt  }
0x6e: {  	_ =	shalt  }
0x6f: {  	_ =	shalt  }
0x70: {  	_ =	shalt  }
0x71: {  	_ =	shalt  }
0x72: {  	_ =	shalt  }
0x73: {  	_ =	shalt  }
0x74: {  	_ =	shalt  }
0x75: {  	_ =	shalt  }
0x76: {  	_ =	shalt  }
0x77: {  	_ =	shalt  }
0x78: {  	_ =	shalt  }
0x79: {  	_ =	shalt  }
0x7a: {  	_ =	shalt  }
0x7b: {  	_ =	shalt  }
0x7c: {  	_ =	shalt  }
0x7d: {  	_ =	shalt  }
0x7e: {  	_ =	shalt  }
0x7f: {  	_ =	shalt  }
0x80: {  	_ =	shalt  }
0x81: {  	_ =	shalt  }
0x82: {  	_ =	shalt  }
0x83: {  	_ =	shalt  }
0x84: {  	_ =	shalt  }
0x85: {  	_ =	shalt  }
0x86: {  	_ =	shalt  }
0x87: {  	_ =	shalt  }
.Lfunc_end0:
.L_simem_size_0:
called_computation_lowered:
.L_overlay_start_0:
0x88: {  	s2 =	sld [smem:$0x3FD9]  }
0x89: {  	s3 =	sld [smem:$0x3FFE];
	_ =	sdelay $0x1  }
0x8a: {  	s1 =	srdreg.scid  }
0x8b: {  	s0 =	sand.u32 $0x1, s1  }
0x8c: {  	s16 =	sshll.u32 s0, $0xA;
	s2 =	sadd.s32 s3, s2  }
0x8d: {  	s2 =	sadd.s32 s2, s16  }
0x8e: {  	[smem:$0x3F71] =	sst s2  }
0x8f: {  	_ = 	snop  }
0x90: {  	(tm) =	ssettm $0x1  }
0x91: {  	s17 =	sld [smem:$0x3FFB];
	_ =	sdelay $0x3  }
0x92: {  	_ =	strace s17  }
0x93: {  	s2 =	sld [smem:$0x3FFC];
	_ =	sdelay $0x3  }
0x94: {  	_ =	strace s2  }
0x95: {  	s2 =	sld [smem:$0x3FFD];
	_ =	sdelay $0x3  }
0x96: {  	_ =	strace s2  }
0x97: {  	_ =	strace $0x8FFFFFFF  }
0x98: {  	s18 =	sld [smem:$0x3FDB];
	_ =	sdelay $0x1  }
0x99: {  	s19 =	simm.s32 $_scs_section_size  }
0x9a: {  	s4 =	simm.s32 $_size__tile_overlayer_lowered;
	s5 =	simm.s32 $_tile_overlayer_lowered  }
0x9b: {  	s22 =	simm.s32 $0x1BFF;
	s21 =	sshll.u32 s5, $0x1;
	s2 =	sadd.s32 s19, s18  }
0x9c: {  	s6 =	simm.s32 $0x0;
	s20 =	sshll.u32 s4, $0x1;
	s4 =	sadd.s32 s21, s2  }
0x9d: {  	[timem:s6], [sflag:s22] =	dma.local [hbm:s4], s20  }
0x9e: {  	_ =	swait.ge [sflag:s22], s20  }
0x9f: {  	s3 =	ssub.s32 $0x0, s20;
	[sflag:s22] =	ssyncset.done $0x0  }
0xa0: {  	[sflag:s22] =	ssyncadd.s32 s3;
	_ =	sdelay $0x1  }
0xa1: {  	s23 =	simm.s32 $0x1B8B  }
0xa2: {  	_ =	swait.ge [sflag:s23], $0x1  }
0xa3: {  	[sflag:s23] =	ssyncset.done $0x0  }
0xa4: {  	s25 =	simm.s32 $0x1B8E;
	s24 =	sld [smem:$0x3FFE];
	[sflag:s23] =	ssyncadd.s32 $0xFFFFFFFF  }
0xa5: {  	s26 =	simm.s32 $execute0_lowered;
	[smem:$0x3FD2] =	sst s25  }
0xa6: {  	s4 =	sshll.u32 s26, $0x1;
	_ =	strace $0x80000046;
	[dreg:$0x1] =	wrdreg $0xFFFFFFFF  }
0xa7: {  	s28 =	simm.s32 $_size_execute0_lowered;
	s2 =	sadd.s32 s2, s4;
	[dreg:$0x0] =	wrdreg $0x0  }
0xa8: {  	s4 =	sshll.u32 s28, $0x1;
	[dreg:$0x2] =	wrdreg s2  }
0xa9: {  	[dreg:$0x3] =	wrdreg s4  }
0xaa: {  	[dreg:$0x4] =	wrdreg $0xC0  }
0xab: {  	_ =	task [dreg:s6], $0x5FFFF  }
0xac: {  	[dreg:$0x1] =	wrdreg $0xFFFFFFFF  }
0xad: {  	[dreg:$0x0] =	wrdreg $0x60  }
0xae: {  	[dreg:$0x2] =	wrdreg s24  }
0xaf: {  	[dreg:$0x3] =	wrdreg $0x9  }
0xb0: {  	_ =	task.clear_ibuf [dreg:s6], $0x4FFFF;
	_ =	strace $0x90000046  }
0xb1: {  	s29 =	simm.s32 $0x9;
	_ =	strace $0x80000048  }
0xb2: {  	_ =	swait.ge [sflag:s29], $0x1  }
0xb3: {  	[sflag:s29] =	ssyncadd.s32 $0xFFFFFFFF  }
0xb4: {  	_ =	strace $0x90000048  }
0xb5: {  	_ =	sfence  }
0xb6: {  	s30 =	sld [smem:$0x0];
	_ =	sdelay $0x2  }
0xb7: {  	s31 =	sshll.u32 s1, $0xD;
	s1 =	sshrl.u32 s1, $0x2  }
0xb8: {  	s3 =	sand.u32 $0x4000, s31;
	s1 =	sadd.s32 s1, s30  }
0xb9: {  	s0 =	sor.u32 s3, s0;
	s1 =	sshll.u32 s1, $0x11  }
0xba: {  	s0 =	sor.u32 s1, s0  }
0xbb: {  	s0 =	sadd.s32 $0x8F2B, s0  }
0xbc: {  	[sflag:s0] =	ssyncadd.remote.s32 $0x1  }
0xbd: {  	_ =	sfence.sel $0xFFFF  }
0xbe: {  	[dreg:$0x0] =	wrdreg $0xFFFFFFFF;
	(pc) =	sbr.abs _section_cstart, $3  }
0xbf: {  	[dreg:$0x1] =	wrdreg $0xFFFFFFFF  }
0xc0: {  	_ =	task.clear_ibuf [dreg:s6], $0x2FFFF;
	_ =	strace $0x9FFFFFFF  }
0xc1: {  	(tm) =	ssettm $0x7FFFFFFF  }
tec
execute0_lowered:
.L_overlay_start_1:
0x0: {  	(tag) =	ssettag $0x1  }
0x1: {  	s4 =	rddreg [dreg:$0x0];
	s2 =	srdreg.scid  }
0x2: {  	s0 =	rddreg [dreg:$0x1];
	s1 =	stileid.u32  }
0x3: {  	s11 =	simm.s32 $0x1000;
	s12 =	simm.s32 $0x5000;
	s13 =	simm.s32 $0x1  }
0x4: {  	s14 =	simm.s32 $0x3;
	s15 =	simm.s32 $0x2;
	s16 =	simm.s32 $0x4  }
0x5: {  	s17 =	simm.s32 $0x0;
	s6 =	sand.u32 $0x1, s2;
	s2 =	simm.s32 $0x0  }
0x6: {  	s3 =	sshll.u32 s1, $0xD;
	s10 =	sadd.s32 $0x33000, s4;
	s30 =	sshll.u32 s1, $0x11  }
0x7: {  	s5 =	sshll.u32 s6, $0xC;
	[smem:$0x7FF] =	sst s2;
	s8 =	ssub.s32 $0x2, s6  }
0x8: {  	s31 =	sshll.u32 s6, $0x10;
	s5 =	sor.u32 s5, s3;
	_ =	strace $0x80000047  }
0x9: {  	s3 =	sadd.s32 $0x13000, s4;
	s9 =	sshrl.u32 s8, $0x1;
	s7 =	sshrl.u32 s5, $0x3  }
0xa: {  	s8 =	ssub.s32 s8, s9;
	s5 =	sshll.u32 s5, $0x4;
	s9 =	sadd.s32 s30, s10  }
0xb: {  	s7 =	sadd.s32 s7, s4;
	s29 =	sadd.s32 s5, s10;
	s10 =	simm.s32 $0x80  }
0xc: {  	s4 =	sadd.s32 $0xF000, s7;
	s5 =	sadd.s32 $0xF000, s29;
	s6 =	sadd.s32 $0xF800, s29  }
0xd: {  	s7 =	smax.u32 s8, $0x1;
	s8 =	sadd.s32 s31, s9;
	s9 =	simm.s32 $0x5  }
.LBB2_1:
0xe: {  	[tilespmem:s2], [sflag:$0x5] =	stream.linear.gather [hbm4b:s4+s2], $0x1000, $0x38;
	[tilespmem:$0x9000] =	vst v63  }
0xf: {  	_ =	swait.ge [sflag:s9], $0x1000  }
0x10: {  	[sflag:s9] =	ssyncset.done $0x0  }
0x11: {  	[sflag:s9] =	ssyncadd.s32 $0xFFFFF000  }
0x12: {  	[tilespmem:s11], [sflag:$0x1] =	stream.indirect.gather [hbm4b:s3+s10], $0x80, s2, s10, $0xb8;
	[tilespmem:$0x9000] =	vst v63  }
0x13: {  	_ = 	snop  }
0x14: {  	[tilespmem:s12], [sflag:$0x2] =	stream.indirect.gather [hbm4b:s3+s10], $0x80, s10, s10, $0xb8;
	[tilespmem:$0x9000] =	vst v63  }
0x15: {  	_ =	swait.ge [sflag:s13], $0x4000  }
0x16: {  	[sflag:s13] =	ssyncset.done $0x0  }
0x17: {  	s18 =	sadd.s32 $0x0, s8;
	[sflag:s13] =	ssyncadd.s32 $0xFFFFC000  }
0x18: {  	[hbm4b:s18+s2] =	stream.linear.scatter [tilespmem:s11], [sflag:$0x3], $0x4000, $0x38;
	[tilespmem:$0x9000] =	vst v63  }
0x19: {  	_ =	swait.ge [sflag:s14], $0x4000  }
0x1a: {  	[sflag:s14] =	ssyncset.done $0x0  }
0x1b: {  	s19 =	simm.s32 $0x100;
	[sflag:s14] =	ssyncadd.s32 $0xFFFFC000  }
0x1c: {  	[tilespmem:s11], [sflag:$0x1] =	stream.indirect.gather [hbm4b:s3+s10], $0x80, s19, s10, $0xb8;
	[tilespmem:$0x9000] =	vst v63  }
0x1d: {  	_ =	swait.ge [sflag:s15], $0x4000  }
0x1e: {  	[sflag:s15] =	ssyncset.done $0x0  }
0x1f: {  	s18 =	sadd.s32 $0x800, s18;
	[sflag:s15] =	ssyncadd.s32 $0xFFFFC000  }
0x20: {  	[hbm4b:s18+s2] =	stream.linear.scatter [tilespmem:s12], [sflag:$0x4], $0x4000, $0x38;
	[tilespmem:$0x9000] =	vst v63  }
0x21: {  	_ =	swait.ge [sflag:s16], $0x4000  }
0x22: {  	s20 =	simm.s32 $0x280;
	[sflag:s16] =	ssyncset.done $0x0  }
0x23: {  	s19 =	simm.s32 $0x1000;
	s18 =	simm.s32 $0x180;
	[sflag:s16] =	ssyncadd.s32 $0xFFFFC000  }
.LBB2_2:
0x24: {  	[tilespmem:s12], [sflag:$0x2] =	stream.indirect.gather [hbm4b:s3+s10], $0x80, s18, s10, $0xb8;
	[tilespmem:$0x9000] =	vst v63  }
0x25: {  	s21 =	smov.u32 s19;
	s18 =	smov.u32 s20  }
0x26: {  	p0 =	sne.s32 s19, $0xE000;
	s19 =	sadd.s32 $0x1000, s19;
	_ =	swait.ge [sflag:s13], $0x4000  }
0x27: {  	[sflag:s13] =	ssyncset.done $0x0  }
0x28: {  	s21 =	sadd.s32 s21, s8;
	[sflag:s13] =	ssyncadd.s32 $0xFFFFC000  }
0x29: {  	[hbm4b:s21+s2] =	stream.linear.scatter [tilespmem:s11], [sflag:$0x3], $0x4000, $0x38;
	[tilespmem:$0x9000] =	vst v63  }
0x2a: {  	_ =	swait.ge [sflag:s14], $0x4000  }
0x2b: {  	[sflag:s14] =	ssyncset.done $0x0  }
0x2c: {  	s22 =	sadd.s32 $0xFFFFFF80, s20;
	[sflag:s14] =	ssyncadd.s32 $0xFFFFC000  }
0x2d: {  	[tilespmem:s11], [sflag:$0x1] =	stream.indirect.gather [hbm4b:s3+s10], $0x80, s22, s10, $0xb8;
	[tilespmem:$0x9000] =	vst v63  }
0x2e: {  	_ =	swait.ge [sflag:s15], $0x4000  }
0x2f: {  	[sflag:s15] =	ssyncset.done $0x0  }
.Ltmp0:
0x30: {  	s21 =	sadd.s32 $0x800, s21;
	[sflag:s15] =	ssyncadd.s32 $0xFFFFC000;
	(pc) =	sbr.rel @p0 .LBB2_2-.Ltmp0, $4  }
0x31: {  	[hbm4b:s21+s2] =	stream.linear.scatter [tilespmem:s12], [sflag:$0x4], $0x4000, $0x38;
	[tilespmem:$0x9000] =	vst v63  }
0x32: {  	_ =	swait.ge [sflag:s16], $0x4000  }
0x33: {  	[sflag:s16] =	ssyncset.done $0x0  }
0x34: {  	s20 =	sadd.s32 $0x100, s20;
	[sflag:s16] =	ssyncadd.s32 $0xFFFFC000  }
0x35: {  	[tilespmem:s12], [sflag:$0x2] =	stream.indirect.gather [hbm4b:s3+s10], $0x80, s18, s10, $0xb8;
	[tilespmem:$0x9000] =	vst v63  }
0x36: {  	_ =	swait.ge [sflag:s13], $0x4000  }
0x37: {  	[sflag:s13] =	ssyncset.done $0x0  }
0x38: {  	[sflag:s13] =	ssyncadd.s32 $0xFFFFC000  }
0x39: {  	[hbm4b:s5+s2] =	stream.linear.scatter [tilespmem:s11], [sflag:$0x3], $0x4000, $0x38;
	[tilespmem:$0x9000] =	vst v63  }
0x3a: {  	_ =	swait.ge [sflag:s15], $0x4000  }
0x3b: {  	[sflag:s15] =	ssyncset.done $0x0  }
0x3c: {  	s17 =	sadd.s32 $0x1, s17;
	[sflag:s15] =	ssyncadd.s32 $0xFFFFC000  }
0x3d: {  	[hbm4b:s6+s2] =	stream.linear.scatter [tilespmem:s12], [sflag:$0x4], $0x4000, $0x38;
	[tilespmem:$0x9000] =	vst v63  }
0x3e: {  	p0 =	sne.s32 s17, s7;
	_ =	swait.ge [sflag:s14], $0x4000  }
.Ltmp1:
0x3f: {  	[sflag:s14] =	ssyncset.done $0x0;
	(pc) =	sbr.rel @p0 .LBB2_1-.Ltmp1, $4  }
0x40: {  	[sflag:s14] =	ssyncadd.s32 $0xFFFFC000  }
0x41: {  	_ =	swait.ge [sflag:s16], $0x4000  }
0x42: {  	[sflag:s16] =	ssyncset.done $0x0  }
0x43: {  	[sflag:s16] =	ssyncadd.s32 $0xFFFFC000  }
0x44: {  	_ =	sfence.sel $0x180000  }
0x45: {  	[bflag:$0x0] =	sbarrier.arrive $0xFFFF  }
0x46: {  	p0 =	sne.s32 s1, $0x0;
	_ =	strace $0x90000047  }
0x47: {  	s0 =	sadd.s32 @!p0 $0x100000, s0;
	[bflag:$0x2] =	sbarrier.arrive $0xFFFF  }
0x48: {  	[sflag:s0] =	ssyncadd.tile.s32 @!p0 $0x1;
	_ =	shalt  }
.Lfunc_end2:
_tile_overlayer_lowered:
.L_overlay_start_2:
0x49: {  	(tag) =	ssettag $0x2  }
0x4a: {  	s0 =	rddreg [dreg:$0x0];
	s2 =	stileid.u32  }
0x4b: {  	s1 =	rddreg [dreg:$0x1];
	p0 =	sne.s32 s2, $0x0  }
0x4c: {  	s3 =	rddreg [dreg:$0x2];
	[bflag:$0x3] =	sbarrier.arrive $0xFFFF;
	s2 =	simm.s32 @!p0 $0x1C05  }
0x4d: {  	[timem:s3], [sflag:s2] =	dma.local @!p0 [hbm:s0], s1  }
0x4e: {  	s0 =	simm.s32 @!p0 $0x5  }
0x4f: {  	_ =	swait.ge @!p0 [sflag:s0], s1  }
0x50: {  	s1 =	ssub.s32 @!p0 $0x0, s1;
	[sflag:s0] =	ssyncset.done @!p0 $0x0  }
0x51: {  	[sflag:s0] =	ssyncadd.s32 @!p0 s1  }
0x52: {  	[bflag:$0x3] =	sbarrier.arrive $0xFFFF  }
0x53: {  	_ =	shalt  }

// kernel: kernel.20.cloned.1.call-start
scs
__scs_entry_jumppad:
0x0: {  	(pc) =	sbr.rel $0x88, $3  }
0x1: {  	(tag) =	ssettag $0x0;
	lr =	simm.s32 $0x1  }
0x2: {  	[smem:$0x3F4A] =	sst lr;
	_ =	strace $0xD0000000  }
0x3: {  	_ = 	snop  }
0x4: {  	_ = 	snop  }
0x5: {  	_ = 	snop  }
0x6: {  	_ = 	snop  }
0x7: {  	_ = 	snop  }
__scs_overlays_trampoline_lowered:
0x8: {  	[smem:$0x3F59] =	sst s0  }
0x9: {  	[smem:$0x3F5A] =	sst s1  }
0xa: {  	[smem:$0x3F5B] =	sst s2  }
0xb: {  	[smem:$0x3F5C] =	sst s3  }
0xc: {  	[smem:$0x3F5D] =	sst s4  }
0xd: {  	[smem:$0x3F5E] =	sst s5  }
0xe: {  	[smem:$0x3F5F] =	sst s6  }
0xf: {  	[smem:$0x3F60] =	sst s7  }
0x10: {  	[smem:$0x3F61] =	sst s8  }
0x11: {  	[smem:$0x3F62] =	sst s9;
	s0 =	simm.s32 @!p0 $0x0  }
0x12: {  	s1 =	sld [smem:$0x3F48];
	s0 =	simm.s32 @p0 $0x1  }
0x13: {  	[smem:$0x3F63] =	sst s0;
	s0 =	simm.s32 @!p1 $0x0  }
0x14: {  	s2 =	sld [smem:$0x3F47];
	s0 =	simm.s32 @p1 $0x1  }
0x15: {  	[smem:$0x3F64] =	sst s0;
	s0 =	simm.s32 @!p2 $0x0  }
0x16: {  	s3 =	sld [smem:$0x3FDB];
	s0 =	simm.s32 @p2 $0x1  }
0x17: {  	s4 =	simm.s32 $0x1BF5;
	[smem:$0x3F66] =	sst s0  }
0x18: {  	s0 =	sld [smem:$0x3F49];
	_ =	swait.ge [sflag:s4], $0x0  }
0x19: {  	s7 =	sld [smem:$0x3F4A]  }
0x1a: {  	s8 =	sadd.s32 $0xFFFFE003, lr  }
0x1b: {  	s9 =	sadd.s32 $0xFFFFFEF7, lr;
	s5 =	simm.s32 $0xFFFFFFFF;
	p2 =	slt.u32 s8, $0xFFFFF086  }
0x1c: {  	p1 =	slt.u32 s9, $0xF7A;
	s5 =	simm.s32 @!p2 $0x0  }
0x1d: {  	s5 =	simm.s32 @p1 $0x1;
	p0 =	seq.s32 s7, s2  }
0x1e: {  	s7 =	smul.u32 @!p0 $0xF7A, s2;
	p2 =	seq.s32 @!p0 s5, $0x0  }
0x1f: {  	s9 =	smul.u32 $0xF7A, s1;
	s8 =	simm.s32 @!p0 $0x1BF5;
	p2 =	por !p2, p0  }
0x20: {  	[sflag:s8] =	ssyncset.s32 @!p0 $0xFFFFF086;
	s6 =	sadd.s32 @!p0 s3, s7;
	s7 =	simm.s32 @!p0 $0x108  }
0x21: {  	s3 =	sadd.s32 s3, s9;
	s6 =	sadd.s32 @!p0 $0x88, s6;
	s7 =	simm.s32 @p2 $0x1082  }
0x22: {  	[simem:s7], [sflag:s8] =	dma.local @!p0 [hbm:s6], $0xF7A  }
0x23: {  	s9 =	sor.u32 $0xD0000000, s2;
	s6 =	simm.s32 $0x108;
	_ =	swait.ge @!p0 [sflag:s8], $0x0  }
0x24: {  	s3 =	sadd.s32 $0x88, s3;
	s6 =	simm.s32 @!p1 $0x1082;
	[sflag:s4] =	ssyncset.s32 $0xFFFFF086  }
0x25: {  	[simem:s6], [sflag:s4] =	dma.local [hbm:s3], $0xF7A  }
0x26: {  	[smem:$0x3F4A] =	sst s1;
	(tag) =	ssettag s2;
	_ =	strace s9  }
0x27: {  	s1 =	sld [smem:$0x3F5A]  }
0x28: {  	s2 =	sld [smem:$0x3F5B]  }
0x29: {  	s4 =	sld [smem:$0x3F5D]  }
0x2a: {  	p0 =	seq.s32 s5, $0x0;
	s5 =	sld [smem:$0x3F5E]  }
0x2b: {  	s6 =	sld [smem:$0x3F5F]  }
0x2c: {  	s7 =	sld [smem:$0x3F60]  }
0x2d: {  	s3 =	simm.s32 $0x108;
	s8 =	sld [smem:$0x3F61]  }
0x2e: {  	s3 =	simm.s32 @!p0 $0x1082;
	s9 =	sld [smem:$0x3F62]  }
0x2f: {  	lr =	sadd.s32 s0, s3;
	s0 =	sld [smem:$0x3F59]  }
0x30: {  	s3 =	sld [smem:$0x3F5C]  }
0x31: {  	[smem:$0x3F65] =	sst s10  }
0x32: {  	s10 =	sld [smem:$0x3F63];
	_ =	sdelay $0x3  }
0x33: {  	p0 =	seq.s32 s10, $0x1;
	s10 =	sld [smem:$0x3F65];
	_ =	sdelay $0x3  }
0x34: {  	[smem:$0x3F65] =	sst s10  }
0x35: {  	s10 =	sld [smem:$0x3F64];
	_ =	sdelay $0x3  }
0x36: {  	p1 =	seq.s32 s10, $0x1;
	s10 =	sld [smem:$0x3F65];
	_ =	sdelay $0x3  }
0x37: {  	[smem:$0x3F65] =	sst s10  }
0x38: {  	s10 =	sld [smem:$0x3F66]  }
0x39: {  	_ = 	snop;
	(pc) =	sbr.ind lr, $3  }
0x3a: {  	_ = 	snop  }
0x3b: {  	_ = 	snop  }
0x3c: {  	p2 =	seq.s32 s10, $0x1;
	s10 =	sld [smem:$0x3F65]  }
0x3d: {  	_ =	shalt  }
0x3e: {  	_ =	shalt  }
0x3f: {  	_ =	shalt  }
0x40: {  	_ =	shalt  }
0x41: {  	_ =	shalt  }
0x42: {  	_ =	shalt  }
0x43: {  	_ =	shalt  }
0x44: {  	_ =	shalt  }
0x45: {  	_ =	shalt  }
0x46: {  	_ =	shalt  }
0x47: {  	_ =	shalt  }
0x48: {  	_ =	shalt  }
0x49: {  	_ =	shalt  }
0x4a: {  	_ =	shalt  }
0x4b: {  	_ =	shalt  }
0x4c: {  	_ =	shalt  }
0x4d: {  	_ =	shalt  }
0x4e: {  	_ =	shalt  }
0x4f: {  	_ =	shalt  }
0x50: {  	_ =	shalt  }
0x51: {  	_ =	shalt  }
0x52: {  	_ =	shalt  }
0x53: {  	_ =	shalt  }
0x54: {  	_ =	shalt  }
0x55: {  	_ =	shalt  }
0x56: {  	_ =	shalt  }
0x57: {  	_ =	shalt  }
0x58: {  	_ =	shalt  }
0x59: {  	_ =	shalt  }
0x5a: {  	_ =	shalt  }
0x5b: {  	_ =	shalt  }
0x5c: {  	_ =	shalt  }
0x5d: {  	_ =	shalt  }
0x5e: {  	_ =	shalt  }
0x5f: {  	_ =	shalt  }
0x60: {  	_ =	shalt  }
0x61: {  	_ =	shalt  }
0x62: {  	_ =	shalt  }
0x63: {  	_ =	shalt  }
0x64: {  	_ =	shalt  }
0x65: {  	_ =	shalt  }
0x66: {  	_ =	shalt  }
0x67: {  	_ =	shalt  }
0x68: {  	_ =	shalt  }
0x69: {  	_ =	shalt  }
0x6a: {  	_ =	shalt  }
0x6b: {  	_ =	shalt  }
0x6c: {  	_ =	shalt  }
0x6d: {  	_ =	shalt  }
0x6e: {  	_ =	shalt  }
0x6f: {  	_ =	shalt  }
0x70: {  	_ =	shalt  }
0x71: {  	_ =	shalt  }
0x72: {  	_ =	shalt  }
0x73: {  	_ =	shalt  }
0x74: {  	_ =	shalt  }
0x75: {  	_ =	shalt  }
0x76: {  	_ =	shalt  }
0x77: {  	_ =	shalt  }
0x78: {  	_ =	shalt  }
0x79: {  	_ =	shalt  }
0x7a: {  	_ =	shalt  }
0x7b: {  	_ =	shalt  }
0x7c: {  	_ =	shalt  }
0x7d: {  	_ =	shalt  }
0x7e: {  	_ =	shalt  }
0x7f: {  	_ =	shalt  }
0x80: {  	_ =	shalt  }
0x81: {  	_ =	shalt  }
0x82: {  	_ =	shalt  }
0x83: {  	_ =	shalt  }
0x84: {  	_ =	shalt  }
0x85: {  	_ =	shalt  }
0x86: {  	_ =	shalt  }
0x87: {  	_ =	shalt  }
.Lfunc_end0:
.L_simem_size_0:
called_computation.1_lowered:
.L_overlay_start_0:
0x88: {  	s2 =	sld [smem:$0x3FD9]  }
0x89: {  	s3 =	sld [smem:$0x3FFE];
	_ =	sdelay $0x1  }
0x8a: {  	s1 =	srdreg.scid  }
0x8b: {  	s0 =	sand.u32 $0x1, s1  }
0x8c: {  	s17 =	sshll.u32 s0, $0xA;
	s2 =	sadd.s32 s3, s2  }
0x8d: {  	s2 =	sadd.s32 s2, s17  }
0x8e: {  	[smem:$0x3F71] =	sst s2  }
0x8f: {  	_ = 	snop  }
0x90: {  	(tm) =	ssettm $0x1  }
0x91: {  	s18 =	sld [smem:$0x3FFB];
	_ =	sdelay $0x3  }
0x92: {  	_ =	strace s18  }
0x93: {  	s2 =	sld [smem:$0x3FFC];
	_ =	sdelay $0x3  }
0x94: {  	_ =	strace s2  }
0x95: {  	s2 =	sld [smem:$0x3FFD];
	_ =	sdelay $0x3  }
0x96: {  	_ =	strace s2  }
0x97: {  	_ =	strace $0x8FFFFFFF  }
0x98: {  	s19 =	sld [smem:$0x3FDB];
	_ =	sdelay $0x1  }
0x99: {  	s20 =	simm.s32 $_scs_section_size  }
0x9a: {  	s4 =	simm.s32 $_size__tile_overlayer_lowered;
	s5 =	simm.s32 $_tile_overlayer_lowered  }
0x9b: {  	s6 =	simm.s32 $0x1BFF;
	s21 =	sshll.u32 s5, $0x1;
	s3 =	sadd.s32 s20, s19  }
0x9c: {  	s22 =	simm.s32 $0x0;
	s4 =	sshll.u32 s4, $0x1;
	s5 =	sadd.s32 s21, s3  }
0x9d: {  	[timem:s22], [sflag:s6] =	dma.local [hbm:s5], s4  }
0x9e: {  	_ =	swait.ge [sflag:s6], s4  }
0x9f: {  	s4 =	ssub.s32 $0x0, s4;
	[sflag:s6] =	ssyncset.done $0x0  }
0xa0: {  	[sflag:s6] =	ssyncadd.s32 s4;
	_ =	sdelay $0x1  }
0xa1: {  	s23 =	simm.s32 $0x1B8B  }
0xa2: {  	_ =	swait.ge [sflag:s23], $0x1  }
0xa3: {  	[sflag:s23] =	ssyncset.done $0x0  }
0xa4: {  	[sflag:s23] =	ssyncadd.s32 $0xFFFFFFFF  }
0xa5: {  	s4 =	sld [smem:$0x0]  }
0xa6: {  	s5 =	sand.u32 $0xFFFFFFFE, s1  }
0xa7: {  	p0 =	sne.s32 s1, s5  }
0xa8: {  	s5 =	sshll.u32 @p0 s5, $0xE  }
0xa9: {  	s5 =	sadd.s32 @p0 $0x11B8D, s5;
	s6 =	sshll.u32 @p0 s4, $0x11  }
0xaa: {  	s5 =	sor.u32 @p0 s6, s5  }
0xab: {  	[sflag:s5] =	ssyncadd.remote.s32 @p0 $0x1;
	_ =	sdelay $0x1  }
0xac: {  	s5 =	simm.s32 @p0 $0x1B8D  }
0xad: {  	_ =	swait.eq @p0 [sflag:s5], $0x1  }
0xae: {  	[sflag:s5] =	ssyncadd.s32 @p0 $0xFFFFFFFF  }
0xaf: {  	s6 =	sshll.u32 @!p0 s1, $0xE  }
0xb0: {  	s6 =	sor.u32 @!p0 $0x4000, s6;
	s5 =	simm.s32 @!p0 $0x1B8D  }
0xb1: {  	s4 =	sshll.u32 @!p0 s4, $0x11;
	s6 =	sadd.s32 @!p0 $0x11B8D, s6;
	_ =	swait.eq @!p0 [sflag:s5], $0x1  }
0xb2: {  	s4 =	sor.u32 @!p0 s4, s6;
	[sflag:s5] =	ssyncadd.s32 @!p0 $0xFFFFFFFF  }
0xb3: {  	s25 =	simm.s32 $0x1B8E;
	s24 =	sld [smem:$0x3FFE];
	[sflag:s4] =	ssyncadd.remote.s32 @!p0 $0x1  }
0xb4: {  	s26 =	simm.s32 $execute0_lowered;
	[smem:$0x3FD2] =	sst s25  }
0xb5: {  	s5 =	sshll.u32 s26, $0x1;
	_ =	strace $0x8000004C;
	[dreg:$0x1] =	wrdreg $0xFFFFFFFF  }
0xb6: {  	s28 =	simm.s32 $_size_execute0_lowered;
	s3 =	sadd.s32 s3, s5;
	[dreg:$0x0] =	wrdreg $0x0  }
0xb7: {  	s5 =	sshll.u32 s28, $0x1;
	[dreg:$0x2] =	wrdreg s3  }
0xb8: {  	[dreg:$0x3] =	wrdreg s5  }
0xb9: {  	[dreg:$0x4] =	wrdreg $0xC0  }
0xba: {  	_ =	task [dreg:s22], $0x5FFFF  }
0xbb: {  	[dreg:$0x1] =	wrdreg $0xFFFFFFFF  }
0xbc: {  	[dreg:$0x0] =	wrdreg $0x60  }
0xbd: {  	[dreg:$0x2] =	wrdreg s24  }
0xbe: {  	[dreg:$0x3] =	wrdreg $0x9  }
0xbf: {  	_ =	task.clear_ibuf [dreg:s22], $0x4FFFF;
	_ =	strace $0x9000004C  }
0xc0: {  	s29 =	simm.s32 $0x9;
	_ =	strace $0x8000004E  }
0xc1: {  	_ =	swait.ge [sflag:s29], $0x1  }
0xc2: {  	[sflag:s29] =	ssyncadd.s32 $0xFFFFFFFF  }
0xc3: {  	_ =	strace $0x9000004E  }
0xc4: {  	_ =	sfence  }
0xc5: {  	s30 =	sld [smem:$0x0];
	_ =	sdelay $0x2  }
0xc6: {  	s31 =	sshll.u32 s1, $0xD;
	s1 =	sshrl.u32 s1, $0x2  }
0xc7: {  	s4 =	sand.u32 $0x4000, s31;
	s1 =	sadd.s32 s1, s30  }
0xc8: {  	s0 =	sor.u32 s4, s0;
	s1 =	sshll.u32 s1, $0x11  }
0xc9: {  	s0 =	sor.u32 s1, s0  }
0xca: {  	s0 =	sadd.s32 $0x8F2B, s0  }
0xcb: {  	[sflag:s0] =	ssyncadd.remote.s32 $0x1  }
0xcc: {  	_ =	sfence.sel $0xFFFF  }
0xcd: {  	[dreg:$0x0] =	wrdreg $0xFFFFFFFF;
	(pc) =	sbr.abs _section_cstart, $3  }
0xce: {  	[dreg:$0x1] =	wrdreg $0xFFFFFFFF  }
0xcf: {  	_ =	task.clear_ibuf [dreg:s22], $0x2FFFF;
	_ =	strace $0x9FFFFFFF  }
0xd0: {  	(tm) =	ssettm $0x7FFFFFFF  }
0xd1: {  	_ =	shalt  }
tec
execute0_lowered:
.L_overlay_start_1:
0x0: {  	(tag) =	ssettag $0x1  }
0x1: {  	s4 =	rddreg [dreg:$0x0];
	s2 =	srdreg.scid  }
0x2: {  	s0 =	rddreg [dreg:$0x1];
	s1 =	stileid.u32  }
0x3: {  	s11 =	simm.s32 $0x1000;
	s12 =	simm.s32 $0x5000;
	s13 =	simm.s32 $0x1  }
0x4: {  	s14 =	simm.s32 $0x3;
	s15 =	simm.s32 $0x2;
	s16 =	simm.s32 $0x4  }
0x5: {  	s17 =	simm.s32 $0x0;
	s6 =	sand.u32 $0x1, s2;
	s2 =	simm.s32 $0x0  }
0x6: {  	s3 =	sshll.u32 s1, $0xD;
	s10 =	sadd.s32 $0x33000, s4;
	s30 =	sshll.u32 s1, $0x11  }
0x7: {  	s5 =	sshll.u32 s6, $0xC;
	[smem:$0x7FF] =	sst s2;
	s8 =	ssub.s32 $0x2, s6  }
0x8: {  	s31 =	sshll.u32 s6, $0x10;
	s5 =	sor.u32 s5, s3;
	_ =	strace $0x8000004D  }
0x9: {  	s3 =	sadd.s32 $0x13000, s4;
	s9 =	sshrl.u32 s8, $0x1;
	s7 =	sshrl.u32 s5, $0x3  }
0xa: {  	s8 =	ssub.s32 s8, s9;
	s5 =	sshll.u32 s5, $0x4;
	s9 =	sadd.s32 s30, s10  }
0xb: {  	s7 =	sadd.s32 s7, s4;
	s29 =	sadd.s32 s5, s10;
	s10 =	simm.s32 $0x80  }
0xc: {  	s4 =	sadd.s32 $0xF000, s7;
	s5 =	sadd.s32 $0xF000, s29;
	s6 =	sadd.s32 $0xF800, s29  }
0xd: {  	s7 =	smax.u32 s8, $0x1;
	s8 =	sadd.s32 s31, s9;
	s9 =	simm.s32 $0x5  }
.LBB2_1:
0xe: {  	[tilespmem:s2], [sflag:$0x5] =	stream.linear.gather [hbm4b:s4+s2], $0x1000, $0x38;
	[tilespmem:$0x9000] =	vst v63  }
0xf: {  	_ =	swait.ge [sflag:s9], $0x1000  }
0x10: {  	[sflag:s9] =	ssyncset.done $0x0  }
0x11: {  	[sflag:s9] =	ssyncadd.s32 $0xFFFFF000  }
0x12: {  	[tilespmem:s11], [sflag:$0x1] =	stream.indirect.gather [hbm4b:s3+s10], $0x80, s2, s10, $0xb8;
	[tilespmem:$0x9000] =	vst v63  }
0x13: {  	_ = 	snop  }
0x14: {  	[tilespmem:s12], [sflag:$0x2] =	stream.indirect.gather [hbm4b:s3+s10], $0x80, s10, s10, $0xb8;
	[tilespmem:$0x9000] =	vst v63  }
0x15: {  	_ =	swait.ge [sflag:s13], $0x4000  }
0x16: {  	[sflag:s13] =	ssyncset.done $0x0  }
0x17: {  	s18 =	sadd.s32 $0x0, s8;
	[sflag:s13] =	ssyncadd.s32 $0xFFFFC000  }
0x18: {  	[hbm4b:s18+s2] =	stream.linear.scatter [tilespmem:s11], [sflag:$0x3], $0x4000, $0x38;
	[tilespmem:$0x9000] =	vst v63  }
0x19: {  	_ =	swait.ge [sflag:s14], $0x4000  }
0x1a: {  	[sflag:s14] =	ssyncset.done $0x0  }
0x1b: {  	s19 =	simm.s32 $0x100;
	[sflag:s14] =	ssyncadd.s32 $0xFFFFC000  }
0x1c: {  	[tilespmem:s11], [sflag:$0x1] =	stream.indirect.gather [hbm4b:s3+s10], $0x80, s19, s10, $0xb8;
	[tilespmem:$0x9000] =	vst v63  }
0x1d: {  	_ =	swait.ge [sflag:s15], $0x4000  }
0x1e: {  	[sflag:s15] =	ssyncset.done $0x0  }
0x1f: {  	s18 =	sadd.s32 $0x800, s18;
	[sflag:s15] =	ssyncadd.s32 $0xFFFFC000  }
0x20: {  	[hbm4b:s18+s2] =	stream.linear.scatter [tilespmem:s12], [sflag:$0x4], $0x4000, $0x38;
	[tilespmem:$0x9000] =	vst v63  }
0x21: {  	_ =	swait.ge [sflag:s16], $0x4000  }
0x22: {  	s20 =	simm.s32 $0x280;
	[sflag:s16] =	ssyncset.done $0x0  }
0x23: {  	s19 =	simm.s32 $0x1000;
	s18 =	simm.s32 $0x180;
	[sflag:s16] =	ssyncadd.s32 $0xFFFFC000  }
.LBB2_2:
0x24: {  	[tilespmem:s12], [sflag:$0x2] =	stream.indirect.gather [hbm4b:s3+s10], $0x80, s18, s10, $0xb8;
	[tilespmem:$0x9000] =	vst v63  }
0x25: {  	s21 =	smov.u32 s19;
	s18 =	smov.u32 s20  }
0x26: {  	p0 =	sne.s32 s19, $0xE000;
	s19 =	sadd.s32 $0x1000, s19;
	_ =	swait.ge [sflag:s13], $0x4000  }
0x27: {  	[sflag:s13] =	ssyncset.done $0x0  }
0x28: {  	s21 =	sadd.s32 s21, s8;
	[sflag:s13] =	ssyncadd.s32 $0xFFFFC000  }
0x29: {  	[hbm4b:s21+s2] =	stream.linear.scatter [tilespmem:s11], [sflag:$0x3], $0x4000, $0x38;
	[tilespmem:$0x9000] =	vst v63  }
0x2a: {  	_ =	swait.ge [sflag:s14], $0x4000  }
0x2b: {  	[sflag:s14] =	ssyncset.done $0x0  }
0x2c: {  	s22 =	sadd.s32 $0xFFFFFF80, s20;
	[sflag:s14] =	ssyncadd.s32 $0xFFFFC000  }
0x2d: {  	[tilespmem:s11], [sflag:$0x1] =	stream.indirect.gather [hbm4b:s3+s10], $0x80, s22, s10, $0xb8;
	[tilespmem:$0x9000] =	vst v63  }
0x2e: {  	_ =	swait.ge [sflag:s15], $0x4000  }
0x2f: {  	[sflag:s15] =	ssyncset.done $0x0  }
.Ltmp0:
0x30: {  	s21 =	sadd.s32 $0x800, s21;
	[sflag:s15] =	ssyncadd.s32 $0xFFFFC000;
	(pc) =	sbr.rel @p0 .LBB2_2-.Ltmp0, $4  }
0x31: {  	[hbm4b:s21+s2] =	stream.linear.scatter [tilespmem:s12], [sflag:$0x4], $0x4000, $0x38;
	[tilespmem:$0x9000] =	vst v63  }
0x32: {  	_ =	swait.ge [sflag:s16], $0x4000  }
0x33: {  	[sflag:s16] =	ssyncset.done $0x0  }
0x34: {  	s20 =	sadd.s32 $0x100, s20;
	[sflag:s16] =	ssyncadd.s32 $0xFFFFC000  }
0x35: {  	[tilespmem:s12], [sflag:$0x2] =	stream.indirect.gather [hbm4b:s3+s10], $0x80, s18, s10, $0xb8;
	[tilespmem:$0x9000] =	vst v63  }
0x36: {  	_ =	swait.ge [sflag:s13], $0x4000  }
0x37: {  	[sflag:s13] =	ssyncset.done $0x0  }
0x38: {  	[sflag:s13] =	ssyncadd.s32 $0xFFFFC000  }
0x39: {  	[hbm4b:s5+s2] =	stream.linear.scatter [tilespmem:s11], [sflag:$0x3], $0x4000, $0x38;
	[tilespmem:$0x9000] =	vst v63  }
0x3a: {  	_ =	swait.ge [sflag:s15], $0x4000  }
0x3b: {  	[sflag:s15] =	ssyncset.done $0x0  }
0x3c: {  	s17 =	sadd.s32 $0x1, s17;
	[sflag:s15] =	ssyncadd.s32 $0xFFFFC000  }
0x3d: {  	[hbm4b:s6+s2] =	stream.linear.scatter [tilespmem:s12], [sflag:$0x4], $0x4000, $0x38;
	[tilespmem:$0x9000] =	vst v63  }
0x3e: {  	p0 =	sne.s32 s17, s7;
	_ =	swait.ge [sflag:s14], $0x4000  }
.Ltmp1:
0x3f: {  	[sflag:s14] =	ssyncset.done $0x0;
	(pc) =	sbr.rel @p0 .LBB2_1-.Ltmp1, $4  }
0x40: {  	[sflag:s14] =	ssyncadd.s32 $0xFFFFC000  }
0x41: {  	_ =	swait.ge [sflag:s16], $0x4000  }
0x42: {  	[sflag:s16] =	ssyncset.done $0x0  }
0x43: {  	[sflag:s16] =	ssyncadd.s32 $0xFFFFC000  }
0x44: {  	_ =	sfence.sel $0x180000  }
0x45: {  	[bflag:$0x0] =	sbarrier.arrive $0xFFFF  }
0x46: {  	p0 =	sne.s32 s1, $0x0;
	_ =	strace $0x9000004D  }
0x47: {  	s0 =	sadd.s32 @!p0 $0x100000, s0;
	[bflag:$0x2] =	sbarrier.arrive $0xFFFF  }
0x48: {  	[sflag:s0] =	ssyncadd.tile.s32 @!p0 $0x1;
	_ =	shalt  }
.Lfunc_end2:
_tile_overlayer_lowered:
.L_overlay_start_2:
0x49: {  	(tag) =	ssettag $0x2  }
0x4a: {  	s0 =	rddreg [dreg:$0x0];
	s2 =	stileid.u32  }
0x4b: {  	s1 =	rddreg [dreg:$0x1];
	p0 =	sne.s32 s2, $0x0  }
0x4c: {  	s3 =	rddreg [dreg:$0x2];
	[bflag:$0x3] =	sbarrier.arrive $0xFFFF;
	s2 =	simm.s32 @!p0 $0x1C05  }
0x4d: {  	[timem:s3], [sflag:s2] =	dma.local @!p0 [hbm:s0], s1  }
0x4e: {  	s0 =	simm.s32 @!p0 $0x5  }
0x4f: {  	_ =	swait.ge @!p0 [sflag:s0], s1  }
0x50: {  	s1 =	ssub.s32 @!p0 $0x0, s1;
	[sflag:s0] =	ssyncset.done @!p0 $0x0  }
0x51: {  	[sflag:s0] =	ssyncadd.s32 @!p0 s1  }
0x52: {  	[bflag:$0x3] =	sbarrier.arrive $0xFFFF  }
0x53: {  	_ =	shalt  }

// kernel: kernel.23.cloned.1.call-start
scs
__scs_entry_jumppad:
0x0: {  	(pc) =	sbr.rel $0x88, $3  }
0x1: {  	(tag) =	ssettag $0x0;
	lr =	simm.s32 $0x1  }
0x2: {  	[smem:$0x3F4A] =	sst lr;
	_ =	strace $0xD0000000  }
0x3: {  	_ = 	snop  }
0x4: {  	_ = 	snop  }
0x5: {  	_ = 	snop  }
0x6: {  	_ = 	snop  }
0x7: {  	_ = 	snop  }
__scs_overlays_trampoline_lowered:
0x8: {  	[smem:$0x3F59] =	sst s0  }
0x9: {  	[smem:$0x3F5A] =	sst s1  }
0xa: {  	[smem:$0x3F5B] =	sst s2  }
0xb: {  	[smem:$0x3F5C] =	sst s3  }
0xc: {  	[smem:$0x3F5D] =	sst s4  }
0xd: {  	[smem:$0x3F5E] =	sst s5  }
0xe: {  	[smem:$0x3F5F] =	sst s6  }
0xf: {  	[smem:$0x3F60] =	sst s7  }
0x10: {  	[smem:$0x3F61] =	sst s8  }
0x11: {  	[smem:$0x3F62] =	sst s9;
	s0 =	simm.s32 @!p0 $0x0  }
0x12: {  	s1 =	sld [smem:$0x3F48];
	s0 =	simm.s32 @p0 $0x1  }
0x13: {  	[smem:$0x3F63] =	sst s0;
	s0 =	simm.s32 @!p1 $0x0  }
0x14: {  	s2 =	sld [smem:$0x3F47];
	s0 =	simm.s32 @p1 $0x1  }
0x15: {  	[smem:$0x3F64] =	sst s0;
	s0 =	simm.s32 @!p2 $0x0  }
0x16: {  	s3 =	sld [smem:$0x3FDB];
	s0 =	simm.s32 @p2 $0x1  }
0x17: {  	s4 =	simm.s32 $0x1BF5;
	[smem:$0x3F66] =	sst s0  }
0x18: {  	s0 =	sld [smem:$0x3F49];
	_ =	swait.ge [sflag:s4], $0x0  }
0x19: {  	s7 =	sld [smem:$0x3F4A]  }
0x1a: {  	s8 =	sadd.s32 $0xFFFFE003, lr  }
0x1b: {  	s9 =	sadd.s32 $0xFFFFFEF7, lr;
	s5 =	simm.s32 $0xFFFFFFFF;
	p2 =	slt.u32 s8, $0xFFFFF086  }
0x1c: {  	p1 =	slt.u32 s9, $0xF7A;
	s5 =	simm.s32 @!p2 $0x0  }
0x1d: {  	s5 =	simm.s32 @p1 $0x1;
	p0 =	seq.s32 s7, s2  }
0x1e: {  	s7 =	smul.u32 @!p0 $0xF7A, s2;
	p2 =	seq.s32 @!p0 s5, $0x0  }
0x1f: {  	s9 =	smul.u32 $0xF7A, s1;
	s8 =	simm.s32 @!p0 $0x1BF5;
	p2 =	por !p2, p0  }
0x20: {  	[sflag:s8] =	ssyncset.s32 @!p0 $0xFFFFF086;
	s6 =	sadd.s32 @!p0 s3, s7;
	s7 =	simm.s32 @!p0 $0x108  }
0x21: {  	s3 =	sadd.s32 s3, s9;
	s6 =	sadd.s32 @!p0 $0x88, s6;
	s7 =	simm.s32 @p2 $0x1082  }
0x22: {  	[simem:s7], [sflag:s8] =	dma.local @!p0 [hbm:s6], $0xF7A  }
0x23: {  	s9 =	sor.u32 $0xD0000000, s2;
	s6 =	simm.s32 $0x108;
	_ =	swait.ge @!p0 [sflag:s8], $0x0  }
0x24: {  	s3 =	sadd.s32 $0x88, s3;
	s6 =	simm.s32 @!p1 $0x1082;
	[sflag:s4] =	ssyncset.s32 $0xFFFFF086  }
0x25: {  	[simem:s6], [sflag:s4] =	dma.local [hbm:s3], $0xF7A  }
0x26: {  	[smem:$0x3F4A] =	sst s1;
	(tag) =	ssettag s2;
	_ =	strace s9  }
0x27: {  	s1 =	sld [smem:$0x3F5A]  }
0x28: {  	s2 =	sld [smem:$0x3F5B]  }
0x29: {  	s4 =	sld [smem:$0x3F5D]  }
0x2a: {  	p0 =	seq.s32 s5, $0x0;
	s5 =	sld [smem:$0x3F5E]  }
0x2b: {  	s6 =	sld [smem:$0x3F5F]  }
0x2c: {  	s7 =	sld [smem:$0x3F60]  }
0x2d: {  	s3 =	simm.s32 $0x108;
	s8 =	sld [smem:$0x3F61]  }
0x2e: {  	s3 =	simm.s32 @!p0 $0x1082;
	s9 =	sld [smem:$0x3F62]  }
0x2f: {  	lr =	sadd.s32 s0, s3;
	s0 =	sld [smem:$0x3F59]  }
0x30: {  	s3 =	sld [smem:$0x3F5C]  }
0x31: {  	[smem:$0x3F65] =	sst s10  }
0x32: {  	s10 =	sld [smem:$0x3F63];
	_ =	sdelay $0x3  }
0x33: {  	p0 =	seq.s32 s10, $0x1;
	s10 =	sld [smem:$0x3F65];
	_ =	sdelay $0x3  }
0x34: {  	[smem:$0x3F65] =	sst s10  }
0x35: {  	s10 =	sld [smem:$0x3F64];
	_ =	sdelay $0x3  }
0x36: {  	p1 =	seq.s32 s10, $0x1;
	s10 =	sld [smem:$0x3F65];
	_ =	sdelay $0x3  }
0x37: {  	[smem:$0x3F65] =	sst s10  }
0x38: {  	s10 =	sld [smem:$0x3F66]  }
0x39: {  	_ = 	snop;
	(pc) =	sbr.ind lr, $3  }
0x3a: {  	_ = 	snop  }
0x3b: {  	_ = 	snop  }
0x3c: {  	p2 =	seq.s32 s10, $0x1;
	s10 =	sld [smem:$0x3F65]  }
0x3d: {  	_ =	shalt  }
0x3e: {  	_ =	shalt  }
0x3f: {  	_ =	shalt  }
0x40: {  	_ =	shalt  }
0x41: {  	_ =	shalt  }
0x42: {  	_ =	shalt  }
0x43: {  	_ =	shalt  }
0x44: {  	_ =	shalt  }
0x45: {  	_ =	shalt  }
0x46: {  	_ =	shalt  }
0x47: {  	_ =	shalt  }
0x48: {  	_ =	shalt  }
0x49: {  	_ =	shalt  }
0x4a: {  	_ =	shalt  }
0x4b: {  	_ =	shalt  }
0x4c: {  	_ =	shalt  }
0x4d: {  	_ =	shalt  }
0x4e: {  	_ =	shalt  }
0x4f: {  	_ =	shalt  }
0x50: {  	_ =	shalt  }
0x51: {  	_ =	shalt  }
0x52: {  	_ =	shalt  }
0x53: {  	_ =	shalt  }
0x54: {  	_ =	shalt  }
0x55: {  	_ =	shalt  }
0x56: {  	_ =	shalt  }
0x57: {  	_ =	shalt  }
0x58: {  	_ =	shalt  }
0x59: {  	_ =	shalt  }
0x5a: {  	_ =	shalt  }
0x5b: {  	_ =	shalt  }
0x5c: {  	_ =	shalt  }
0x5d: {  	_ =	shalt  }
0x5e: {  	_ =	shalt  }
0x5f: {  	_ =	shalt  }
0x60: {  	_ =	shalt  }
0x61: {  	_ =	shalt  }
0x62: {  	_ =	shalt  }
0x63: {  	_ =	shalt  }
0x64: {  	_ =	shalt  }
0x65: {  	_ =	shalt  }
0x66: {  	_ =	shalt  }
0x67: {  	_ =	shalt  }
0x68: {  	_ =	shalt  }
0x69: {  	_ =	shalt  }
0x6a: {  	_ =	shalt  }
0x6b: {  	_ =	shalt  }
0x6c: {  	_ =	shalt  }
0x6d: {  	_ =	shalt  }
0x6e: {  	_ =	shalt  }
0x6f: {  	_ =	shalt  }
0x70: {  	_ =	shalt  }
0x71: {  	_ =	shalt  }
0x72: {  	_ =	shalt  }
0x73: {  	_ =	shalt  }
0x74: {  	_ =	shalt  }
0x75: {  	_ =	shalt  }
0x76: {  	_ =	shalt  }
0x77: {  	_ =	shalt  }
0x78: {  	_ =	shalt  }
0x79: {  	_ =	shalt  }
0x7a: {  	_ =	shalt  }
0x7b: {  	_ =	shalt  }
0x7c: {  	_ =	shalt  }
0x7d: {  	_ =	shalt  }
0x7e: {  	_ =	shalt  }
0x7f: {  	_ =	shalt  }
0x80: {  	_ =	shalt  }
0x81: {  	_ =	shalt  }
0x82: {  	_ =	shalt  }
0x83: {  	_ =	shalt  }
0x84: {  	_ =	shalt  }
0x85: {  	_ =	shalt  }
0x86: {  	_ =	shalt  }
0x87: {  	_ =	shalt  }
.Lfunc_end0:
.L_simem_size_0:
called_computation.2_lowered:
.L_overlay_start_0:
0x88: {  	s2 =	sld [smem:$0x3FD9]  }
0x89: {  	s3 =	sld [smem:$0x3FFE];
	_ =	sdelay $0x1  }
0x8a: {  	s1 =	srdreg.scid  }
0x8b: {  	s0 =	sand.u32 $0x1, s1  }
0x8c: {  	s17 =	sshll.u32 s0, $0xA;
	s2 =	sadd.s32 s3, s2  }
0x8d: {  	s2 =	sadd.s32 s2, s17  }
0x8e: {  	[smem:$0x3F71] =	sst s2  }
0x8f: {  	_ = 	snop  }
0x90: {  	(tm) =	ssettm $0x1  }
0x91: {  	s18 =	sld [smem:$0x3FFB];
	_ =	sdelay $0x3  }
0x92: {  	_ =	strace s18  }
0x93: {  	s2 =	sld [smem:$0x3FFC];
	_ =	sdelay $0x3  }
0x94: {  	_ =	strace s2  }
0x95: {  	s2 =	sld [smem:$0x3FFD];
	_ =	sdelay $0x3  }
0x96: {  	_ =	strace s2  }
0x97: {  	_ =	strace $0x8FFFFFFF  }
0x98: {  	s19 =	sld [smem:$0x3FDB];
	_ =	sdelay $0x1  }
0x99: {  	s20 =	simm.s32 $_scs_section_size  }
0x9a: {  	s4 =	simm.s32 $_size__tile_overlayer_lowered;
	s5 =	simm.s32 $_tile_overlayer_lowered  }
0x9b: {  	s6 =	simm.s32 $0x1BFF;
	s21 =	sshll.u32 s5, $0x1;
	s3 =	sadd.s32 s20, s19  }
0x9c: {  	s22 =	simm.s32 $0x0;
	s4 =	sshll.u32 s4, $0x1;
	s5 =	sadd.s32 s21, s3  }
0x9d: {  	[timem:s22], [sflag:s6] =	dma.local [hbm:s5], s4  }
0x9e: {  	_ =	swait.ge [sflag:s6], s4  }
0x9f: {  	s4 =	ssub.s32 $0x0, s4;
	[sflag:s6] =	ssyncset.done $0x0  }
0xa0: {  	[sflag:s6] =	ssyncadd.s32 s4;
	_ =	sdelay $0x1  }
0xa1: {  	s23 =	simm.s32 $0x1B8B  }
0xa2: {  	_ =	swait.ge [sflag:s23], $0x1  }
0xa3: {  	[sflag:s23] =	ssyncset.done $0x0  }
0xa4: {  	[sflag:s23] =	ssyncadd.s32 $0xFFFFFFFF  }
0xa5: {  	s4 =	sld [smem:$0x0]  }
0xa6: {  	s5 =	sand.u32 $0xFFFFFFFE, s1  }
0xa7: {  	p0 =	sne.s32 s1, s5  }
0xa8: {  	s5 =	sshll.u32 @p0 s5, $0xE  }
0xa9: {  	s5 =	sadd.s32 @p0 $0x11B8D, s5;
	s6 =	sshll.u32 @p0 s4, $0x11  }
0xaa: {  	s5 =	sor.u32 @p0 s6, s5  }
0xab: {  	[sflag:s5] =	ssyncadd.remote.s32 @p0 $0x1;
	_ =	sdelay $0x1  }
0xac: {  	s5 =	simm.s32 @p0 $0x1B8D  }
0xad: {  	_ =	swait.eq @p0 [sflag:s5], $0x1  }
0xae: {  	[sflag:s5] =	ssyncadd.s32 @p0 $0xFFFFFFFF  }
0xaf: {  	s6 =	sshll.u32 @!p0 s1, $0xE  }
0xb0: {  	s6 =	sor.u32 @!p0 $0x4000, s6;
	s5 =	simm.s32 @!p0 $0x1B8D  }
0xb1: {  	s4 =	sshll.u32 @!p0 s4, $0x11;
	s6 =	sadd.s32 @!p0 $0x11B8D, s6;
	_ =	swait.eq @!p0 [sflag:s5], $0x1  }
0xb2: {  	s4 =	sor.u32 @!p0 s4, s6;
	[sflag:s5] =	ssyncadd.s32 @!p0 $0xFFFFFFFF  }
0xb3: {  	s25 =	simm.s32 $0x1B8E;
	s24 =	sld [smem:$0x3FFE];
	[sflag:s4] =	ssyncadd.remote.s32 @!p0 $0x1  }
0xb4: {  	s26 =	simm.s32 $execute0_lowered;
	[smem:$0x3FD2] =	sst s25  }
0xb5: {  	s5 =	sshll.u32 s26, $0x1;
	_ =	strace $0x80000052;
	[dreg:$0x1] =	wrdreg $0xFFFFFFFF  }
0xb6: {  	s28 =	simm.s32 $_size_execute0_lowered;
	s3 =	sadd.s32 s3, s5;
	[dreg:$0x0] =	wrdreg $0x0  }
0xb7: {  	s5 =	sshll.u32 s28, $0x1;
	[dreg:$0x2] =	wrdreg s3  }
0xb8: {  	[dreg:$0x3] =	wrdreg s5  }
0xb9: {  	[dreg:$0x4] =	wrdreg $0xC0  }
0xba: {  	_ =	task [dreg:s22], $0x5FFFF  }
0xbb: {  	[dreg:$0x1] =	wrdreg $0xFFFFFFFF  }
0xbc: {  	[dreg:$0x0] =	wrdreg $0x60  }
0xbd: {  	[dreg:$0x2] =	wrdreg s24  }
0xbe: {  	[dreg:$0x3] =	wrdreg $0x9  }
0xbf: {  	_ =	task.clear_ibuf [dreg:s22], $0x4FFFF;
	_ =	strace $0x90000052  }
0xc0: {  	s29 =	simm.s32 $0x9;
	_ =	strace $0x80000054  }
0xc1: {  	_ =	swait.ge [sflag:s29], $0x1  }
0xc2: {  	[sflag:s29] =	ssyncadd.s32 $0xFFFFFFFF  }
0xc3: {  	_ =	strace $0x90000054  }
0xc4: {  	_ =	sfence  }
0xc5: {  	s30 =	sld [smem:$0x0];
	_ =	sdelay $0x2  }
0xc6: {  	s31 =	sshll.u32 s1, $0xD;
	s1 =	sshrl.u32 s1, $0x2  }
0xc7: {  	s4 =	sand.u32 $0x4000, s31;
	s1 =	sadd.s32 s1, s30  }
0xc8: {  	s0 =	sor.u32 s4, s0;
	s1 =	sshll.u32 s1, $0x11  }
0xc9: {  	s0 =	sor.u32 s1, s0  }
0xca: {  	s0 =	sadd.s32 $0x8F2B, s0  }
0xcb: {  	[sflag:s0] =	ssyncadd.remote.s32 $0x1  }
0xcc: {  	_ =	sfence.sel $0xFFFF  }
0xcd: {  	[dreg:$0x0] =	wrdreg $0xFFFFFFFF;
	(pc) =	sbr.abs _section_cstart, $3  }
0xce: {  	[dreg:$0x1] =	wrdreg $0xFFFFFFFF  }
0xcf: {  	_ =	task.clear_ibuf [dreg:s22], $0x2FFFF;
	_ =	strace $0x9FFFFFFF  }
0xd0: {  	(tm) =	ssettm $0x7FFFFFFF  }
0xd1: {  	_ =	shalt  }
tec
execute0_lowered:
.L_overlay_start_1:
0x0: {  	(tag) =	ssettag $0x1  }
0x1: {  	s4 =	rddreg [dreg:$0x0];
	s2 =	srdreg.scid  }
0x2: {  	s0 =	rddreg [dreg:$0x1];
	s1 =	stileid.u32  }
0x3: {  	s11 =	simm.s32 $0x1000;
	s12 =	simm.s32 $0x5000;
	s13 =	simm.s32 $0x1  }
0x4: {  	s14 =	simm.s32 $0x3;
	s15 =	simm.s32 $0x2;
	s16 =	simm.s32 $0x4  }
0x5: {  	s17 =	simm.s32 $0x0;
	s6 =	sand.u32 $0x1, s2;
	s2 =	simm.s32 $0x0  }
0x6: {  	s3 =	sshll.u32 s1, $0xD;
	s10 =	sadd.s32 $0x457000, s4;
	s30 =	sshll.u32 s1, $0x11  }
0x7: {  	s5 =	sshll.u32 s6, $0xC;
	[smem:$0x7FF] =	sst s2;
	s8 =	ssub.s32 $0x2, s6  }
0x8: {  	s31 =	sshll.u32 s6, $0x10;
	s5 =	sor.u32 s5, s3;
	_ =	strace $0x80000053  }
0x9: {  	s3 =	sadd.s32 $0x33000, s4;
	s9 =	sshrl.u32 s8, $0x1;
	s7 =	sshrl.u32 s5, $0x3  }
0xa: {  	s8 =	ssub.s32 s8, s9;
	s5 =	sshll.u32 s5, $0x4;
	s9 =	sadd.s32 s30, s10  }
0xb: {  	s7 =	sadd.s32 s7, s4;
	s29 =	sadd.s32 s5, s10;
	s10 =	simm.s32 $0x80  }
0xc: {  	s4 =	sadd.s32 $0xF000, s7;
	s5 =	sadd.s32 $0xF000, s29;
	s6 =	sadd.s32 $0xF800, s29  }
0xd: {  	s7 =	smax.u32 s8, $0x1;
	s8 =	sadd.s32 s31, s9;
	s9 =	simm.s32 $0x5  }
.LBB2_1:
0xe: {  	[tilespmem:s2], [sflag:$0x5] =	stream.linear.gather [hbm4b:s4+s2], $0x1000, $0x38;
	[tilespmem:$0x9000] =	vst v63  }
0xf: {  	_ =	swait.ge [sflag:s9], $0x1000  }
0x10: {  	[sflag:s9] =	ssyncset.done $0x0  }
0x11: {  	[sflag:s9] =	ssyncadd.s32 $0xFFFFF000  }
0x12: {  	[tilespmem:s11], [sflag:$0x1] =	stream.indirect.gather [hbm4b:s3+s10], $0x80, s2, s10, $0xb8;
	[tilespmem:$0x9000] =	vst v63  }
0x13: {  	_ = 	snop  }
0x14: {  	[tilespmem:s12], [sflag:$0x2] =	stream.indirect.gather [hbm4b:s3+s10], $0x80, s10, s10, $0xb8;
	[tilespmem:$0x9000] =	vst v63  }
0x15: {  	_ =	swait.ge [sflag:s13], $0x4000  }
0x16: {  	[sflag:s13] =	ssyncset.done $0x0  }
0x17: {  	s18 =	sadd.s32 $0x0, s8;
	[sflag:s13] =	ssyncadd.s32 $0xFFFFC000  }
0x18: {  	[hbm4b:s18+s2] =	stream.linear.scatter [tilespmem:s11], [sflag:$0x3], $0x4000, $0x38;
	[tilespmem:$0x9000] =	vst v63  }
0x19: {  	_ =	swait.ge [sflag:s14], $0x4000  }
0x1a: {  	[sflag:s14] =	ssyncset.done $0x0  }
0x1b: {  	s19 =	simm.s32 $0x100;
	[sflag:s14] =	ssyncadd.s32 $0xFFFFC000  }
0x1c: {  	[tilespmem:s11], [sflag:$0x1] =	stream.indirect.gather [hbm4b:s3+s10], $0x80, s19, s10, $0xb8;
	[tilespmem:$0x9000] =	vst v63  }
0x1d: {  	_ =	swait.ge [sflag:s15], $0x4000  }
0x1e: {  	[sflag:s15] =	ssyncset.done $0x0  }
0x1f: {  	s18 =	sadd.s32 $0x800, s18;
	[sflag:s15] =	ssyncadd.s32 $0xFFFFC000  }
0x20: {  	[hbm4b:s18+s2] =	stream.linear.scatter [tilespmem:s12], [sflag:$0x4], $0x4000, $0x38;
	[tilespmem:$0x9000] =	vst v63  }
0x21: {  	_ =	swait.ge [sflag:s16], $0x4000  }
0x22: {  	s20 =	simm.s32 $0x280;
	[sflag:s16] =	ssyncset.done $0x0  }
0x23: {  	s19 =	simm.s32 $0x1000;
	s18 =	simm.s32 $0x180;
	[sflag:s16] =	ssyncadd.s32 $0xFFFFC000  }
.LBB2_2:
0x24: {  	[tilespmem:s12], [sflag:$0x2] =	stream.indirect.gather [hbm4b:s3+s10], $0x80, s18, s10, $0xb8;
	[tilespmem:$0x9000] =	vst v63  }
0x25: {  	s21 =	smov.u32 s19;
	s18 =	smov.u32 s20  }
0x26: {  	p0 =	sne.s32 s19, $0xE000;
	s19 =	sadd.s32 $0x1000, s19;
	_ =	swait.ge [sflag:s13], $0x4000  }
0x27: {  	[sflag:s13] =	ssyncset.done $0x0  }
0x28: {  	s21 =	sadd.s32 s21, s8;
	[sflag:s13] =	ssyncadd.s32 $0xFFFFC000  }
0x29: {  	[hbm4b:s21+s2] =	stream.linear.scatter [tilespmem:s11], [sflag:$0x3], $0x4000, $0x38;
	[tilespmem:$0x9000] =	vst v63  }
0x2a: {  	_ =	swait.ge [sflag:s14], $0x4000  }
0x2b: {  	[sflag:s14] =	ssyncset.done $0x0  }
0x2c: {  	s22 =	sadd.s32 $0xFFFFFF80, s20;
	[sflag:s14] =	ssyncadd.s32 $0xFFFFC000  }
0x2d: {  	[tilespmem:s11], [sflag:$0x1] =	stream.indirect.gather [hbm4b:s3+s10], $0x80, s22, s10, $0xb8;
	[tilespmem:$0x9000] =	vst v63  }
0x2e: {  	_ =	swait.ge [sflag:s15], $0x4000  }
0x2f: {  	[sflag:s15] =	ssyncset.done $0x0  }
.Ltmp0:
0x30: {  	s21 =	sadd.s32 $0x800, s21;
	[sflag:s15] =	ssyncadd.s32 $0xFFFFC000;
	(pc) =	sbr.rel @p0 .LBB2_2-.Ltmp0, $4  }
0x31: {  	[hbm4b:s21+s2] =	stream.linear.scatter [tilespmem:s12], [sflag:$0x4], $0x4000, $0x38;
	[tilespmem:$0x9000] =	vst v63  }
0x32: {  	_ =	swait.ge [sflag:s16], $0x4000  }
0x33: {  	[sflag:s16] =	ssyncset.done $0x0  }
0x34: {  	s20 =	sadd.s32 $0x100, s20;
	[sflag:s16] =	ssyncadd.s32 $0xFFFFC000  }
0x35: {  	[tilespmem:s12], [sflag:$0x2] =	stream.indirect.gather [hbm4b:s3+s10], $0x80, s18, s10, $0xb8;
	[tilespmem:$0x9000] =	vst v63  }
0x36: {  	_ =	swait.ge [sflag:s13], $0x4000  }
0x37: {  	[sflag:s13] =	ssyncset.done $0x0  }
0x38: {  	[sflag:s13] =	ssyncadd.s32 $0xFFFFC000  }
0x39: {  	[hbm4b:s5+s2] =	stream.linear.scatter [tilespmem:s11], [sflag:$0x3], $0x4000, $0x38;
	[tilespmem:$0x9000] =	vst v63  }
0x3a: {  	_ =	swait.ge [sflag:s15], $0x4000  }
0x3b: {  	[sflag:s15] =	ssyncset.done $0x0  }
0x3c: {  	s17 =	sadd.s32 $0x1, s17;
	[sflag:s15] =	ssyncadd.s32 $0xFFFFC000  }
0x3d: {  	[hbm4b:s6+s2] =	stream.linear.scatter [tilespmem:s12], [sflag:$0x4], $0x4000, $0x38;
	[tilespmem:$0x9000] =	vst v63  }
0x3e: {  	p0 =	sne.s32 s17, s7;
	_ =	swait.ge [sflag:s14], $0x4000  }
.Ltmp1:
0x3f: {  	[sflag:s14] =	ssyncset.done $0x0;
	(pc) =	sbr.rel @p0 .LBB2_1-.Ltmp1, $4  }
0x40: {  	[sflag:s14] =	ssyncadd.s32 $0xFFFFC000  }
0x41: {  	_ =	swait.ge [sflag:s16], $0x4000  }
0x42: {  	[sflag:s16] =	ssyncset.done $0x0  }
0x43: {  	[sflag:s16] =	ssyncadd.s32 $0xFFFFC000  }
0x44: {  	_ =	sfence.sel $0x180000  }
0x45: {  	[bflag:$0x0] =	sbarrier.arrive $0xFFFF  }
0x46: {  	p0 =	sne.s32 s1, $0x0;
	_ =	strace $0x90000053  }
0x47: {  	s0 =	sadd.s32 @!p0 $0x100000, s0;
	[bflag:$0x2] =	sbarrier.arrive $0xFFFF  }
0x48: {  	[sflag:s0] =	ssyncadd.tile.s32 @!p0 $0x1;
	_ =	shalt  }
.Lfunc_end2:
_tile_overlayer_lowered:
.L_overlay_start_2:
0x49: {  	(tag) =	ssettag $0x2  }
0x4a: {  	s0 =	rddreg [dreg:$0x0];
	s2 =	stileid.u32  }
0x4b: {  	s1 =	rddreg [dreg:$0x1];
	p0 =	sne.s32 s2, $0x0  }
0x4c: {  	s3 =	rddreg [dreg:$0x2];
	[bflag:$0x3] =	sbarrier.arrive $0xFFFF;
	s2 =	simm.s32 @!p0 $0x1C05  }
0x4d: {  	[timem:s3], [sflag:s2] =	dma.local @!p0 [hbm:s0], s1  }
0x4e: {  	s0 =	simm.s32 @!p0 $0x5  }
0x4f: {  	_ =	swait.ge @!p0 [sflag:s0], s1  }
0x50: {  	s1 =	ssub.s32 @!p0 $0x0, s1;
	[sflag:s0] =	ssyncset.done @!p0 $0x0  }
0x51: {  	[sflag:s0] =	ssyncadd.s32 @!p0 s1  }
0x52: {  	[bflag:$0x3] =	sbarrier.arrive $0xFFFF  }
0x53: {  	_ =	shalt  }

// kernel: kernel.26.cloned.1.call-start
scs
__scs_entry_jumppad:
0x0: {  	(pc) =	sbr.rel $0x88, $3  }
0x1: {  	(tag) =	ssettag $0x0;
	lr =	simm.s32 $0x1  }
0x2: {  	[smem:$0x3F4A] =	sst lr;
	_ =	strace $0xD0000000  }
0x3: {  	_ = 	snop  }
0x4: {  	_ = 	snop  }
0x5: {  	_ = 	snop  }
0x6: {  	_ = 	snop  }
0x7: {  	_ = 	snop  }
__scs_overlays_trampoline_lowered:
0x8: {  	[smem:$0x3F59] =	sst s0  }
0x9: {  	[smem:$0x3F5A] =	sst s1  }
0xa: {  	[smem:$0x3F5B] =	sst s2  }
0xb: {  	[smem:$0x3F5C] =	sst s3  }
0xc: {  	[smem:$0x3F5D] =	sst s4  }
0xd: {  	[smem:$0x3F5E] =	sst s5  }
0xe: {  	[smem:$0x3F5F] =	sst s6  }
0xf: {  	[smem:$0x3F60] =	sst s7  }
0x10: {  	[smem:$0x3F61] =	sst s8  }
0x11: {  	[smem:$0x3F62] =	sst s9;
	s0 =	simm.s32 @!p0 $0x0  }
0x12: {  	s1 =	sld [smem:$0x3F48];
	s0 =	simm.s32 @p0 $0x1  }
0x13: {  	[smem:$0x3F63] =	sst s0;
	s0 =	simm.s32 @!p1 $0x0  }
0x14: {  	s2 =	sld [smem:$0x3F47];
	s0 =	simm.s32 @p1 $0x1  }
0x15: {  	[smem:$0x3F64] =	sst s0;
	s0 =	simm.s32 @!p2 $0x0  }
0x16: {  	s3 =	sld [smem:$0x3FDB];
	s0 =	simm.s32 @p2 $0x1  }
0x17: {  	s4 =	simm.s32 $0x1BF5;
	[smem:$0x3F66] =	sst s0  }
0x18: {  	s0 =	sld [smem:$0x3F49];
	_ =	swait.ge [sflag:s4], $0x0  }
0x19: {  	s7 =	sld [smem:$0x3F4A]  }
0x1a: {  	s8 =	sadd.s32 $0xFFFFE003, lr  }
0x1b: {  	s9 =	sadd.s32 $0xFFFFFEF7, lr;
	s5 =	simm.s32 $0xFFFFFFFF;
	p2 =	slt.u32 s8, $0xFFFFF086  }
0x1c: {  	p1 =	slt.u32 s9, $0xF7A;
	s5 =	simm.s32 @!p2 $0x0  }
0x1d: {  	s5 =	simm.s32 @p1 $0x1;
	p0 =	seq.s32 s7, s2  }
0x1e: {  	s7 =	smul.u32 @!p0 $0xF7A, s2;
	p2 =	seq.s32 @!p0 s5, $0x0  }
0x1f: {  	s9 =	smul.u32 $0xF7A, s1;
	s8 =	simm.s32 @!p0 $0x1BF5;
	p2 =	por !p2, p0  }
0x20: {  	[sflag:s8] =	ssyncset.s32 @!p0 $0xFFFFF086;
	s6 =	sadd.s32 @!p0 s3, s7;
	s7 =	simm.s32 @!p0 $0x108  }
0x21: {  	s3 =	sadd.s32 s3, s9;
	s6 =	sadd.s32 @!p0 $0x88, s6;
	s7 =	simm.s32 @p2 $0x1082  }
0x22: {  	[simem:s7], [sflag:s8] =	dma.local @!p0 [hbm:s6], $0xF7A  }
0x23: {  	s9 =	sor.u32 $0xD0000000, s2;
	s6 =	simm.s32 $0x108;
	_ =	swait.ge @!p0 [sflag:s8], $0x0  }
0x24: {  	s3 =	sadd.s32 $0x88, s3;
	s6 =	simm.s32 @!p1 $0x1082;
	[sflag:s4] =	ssyncset.s32 $0xFFFFF086  }
0x25: {  	[simem:s6], [sflag:s4] =	dma.local [hbm:s3], $0xF7A  }
0x26: {  	[smem:$0x3F4A] =	sst s1;
	(tag) =	ssettag s2;
	_ =	strace s9  }
0x27: {  	s1 =	sld [smem:$0x3F5A]  }
0x28: {  	s2 =	sld [smem:$0x3F5B]  }
0x29: {  	s4 =	sld [smem:$0x3F5D]  }
0x2a: {  	p0 =	seq.s32 s5, $0x0;
	s5 =	sld [smem:$0x3F5E]  }
0x2b: {  	s6 =	sld [smem:$0x3F5F]  }
0x2c: {  	s7 =	sld [smem:$0x3F60]  }
0x2d: {  	s3 =	simm.s32 $0x108;
	s8 =	sld [smem:$0x3F61]  }
0x2e: {  	s3 =	simm.s32 @!p0 $0x1082;
	s9 =	sld [smem:$0x3F62]  }
0x2f: {  	lr =	sadd.s32 s0, s3;
	s0 =	sld [smem:$0x3F59]  }
0x30: {  	s3 =	sld [smem:$0x3F5C]  }
0x31: {  	[smem:$0x3F65] =	sst s10  }
0x32: {  	s10 =	sld [smem:$0x3F63];
	_ =	sdelay $0x3  }
0x33: {  	p0 =	seq.s32 s10, $0x1;
	s10 =	sld [smem:$0x3F65];
	_ =	sdelay $0x3  }
0x34: {  	[smem:$0x3F65] =	sst s10  }
0x35: {  	s10 =	sld [smem:$0x3F64];
	_ =	sdelay $0x3  }
0x36: {  	p1 =	seq.s32 s10, $0x1;
	s10 =	sld [smem:$0x3F65];
	_ =	sdelay $0x3  }
0x37: {  	[smem:$0x3F65] =	sst s10  }
0x38: {  	s10 =	sld [smem:$0x3F66]  }
0x39: {  	_ = 	snop;
	(pc) =	sbr.ind lr, $3  }
0x3a: {  	_ = 	snop  }
0x3b: {  	_ = 	snop  }
0x3c: {  	p2 =	seq.s32 s10, $0x1;
	s10 =	sld [smem:$0x3F65]  }
0x3d: {  	_ =	shalt  }
0x3e: {  	_ =	shalt  }
0x3f: {  	_ =	shalt  }
0x40: {  	_ =	shalt  }
0x41: {  	_ =	shalt  }
0x42: {  	_ =	shalt  }
0x43: {  	_ =	shalt  }
0x44: {  	_ =	shalt  }
0x45: {  	_ =	shalt  }
0x46: {  	_ =	shalt  }
0x47: {  	_ =	shalt  }
0x48: {  	_ =	shalt  }
0x49: {  	_ =	shalt  }
0x4a: {  	_ =	shalt  }
0x4b: {  	_ =	shalt  }
0x4c: {  	_ =	shalt  }
0x4d: {  	_ =	shalt  }
0x4e: {  	_ =	shalt  }
0x4f: {  	_ =	shalt  }
0x50: {  	_ =	shalt  }
0x51: {  	_ =	shalt  }
0x52: {  	_ =	shalt  }
0x53: {  	_ =	shalt  }
0x54: {  	_ =	shalt  }
0x55: {  	_ =	shalt  }
0x56: {  	_ =	shalt  }
0x57: {  	_ =	shalt  }
0x58: {  	_ =	shalt  }
0x59: {  	_ =	shalt  }
0x5a: {  	_ =	shalt  }
0x5b: {  	_ =	shalt  }
0x5c: {  	_ =	shalt  }
0x5d: {  	_ =	shalt  }
0x5e: {  	_ =	shalt  }
0x5f: {  	_ =	shalt  }
0x60: {  	_ =	shalt  }
0x61: {  	_ =	shalt  }
0x62: {  	_ =	shalt  }
0x63: {  	_ =	shalt  }
0x64: {  	_ =	shalt  }
0x65: {  	_ =	shalt  }
0x66: {  	_ =	shalt  }
0x67: {  	_ =	shalt  }
0x68: {  	_ =	shalt  }
0x69: {  	_ =	shalt  }
0x6a: {  	_ =	shalt  }
0x6b: {  	_ =	shalt  }
0x6c: {  	_ =	shalt  }
0x6d: {  	_ =	shalt  }
0x6e: {  	_ =	shalt  }
0x6f: {  	_ =	shalt  }
0x70: {  	_ =	shalt  }
0x71: {  	_ =	shalt  }
0x72: {  	_ =	shalt  }
0x73: {  	_ =	shalt  }
0x74: {  	_ =	shalt  }
0x75: {  	_ =	shalt  }
0x76: {  	_ =	shalt  }
0x77: {  	_ =	shalt  }
0x78: {  	_ =	shalt  }
0x79: {  	_ =	shalt  }
0x7a: {  	_ =	shalt  }
0x7b: {  	_ =	shalt  }
0x7c: {  	_ =	shalt  }
0x7d: {  	_ =	shalt  }
0x7e: {  	_ =	shalt  }
0x7f: {  	_ =	shalt  }
0x80: {  	_ =	shalt  }
0x81: {  	_ =	shalt  }
0x82: {  	_ =	shalt  }
0x83: {  	_ =	shalt  }
0x84: {  	_ =	shalt  }
0x85: {  	_ =	shalt  }
0x86: {  	_ =	shalt  }
0x87: {  	_ =	shalt  }
.Lfunc_end0:
.L_simem_size_0:
called_computation.3_lowered:
.L_overlay_start_0:
0x88: {  	s2 =	sld [smem:$0x3FD9]  }
0x89: {  	s3 =	sld [smem:$0x3FFE];
	_ =	sdelay $0x1  }
0x8a: {  	s1 =	srdreg.scid  }
0x8b: {  	s0 =	sand.u32 $0x1, s1  }
0x8c: {  	s17 =	sshll.u32 s0, $0xA;
	s2 =	sadd.s32 s3, s2  }
0x8d: {  	s2 =	sadd.s32 s2, s17  }
0x8e: {  	[smem:$0x3F71] =	sst s2  }
0x8f: {  	_ = 	snop  }
0x90: {  	(tm) =	ssettm $0x1  }
0x91: {  	s18 =	sld [smem:$0x3FFB];
	_ =	sdelay $0x3  }
0x92: {  	_ =	strace s18  }
0x93: {  	s2 =	sld [smem:$0x3FFC];
	_ =	sdelay $0x3  }
0x94: {  	_ =	strace s2  }
0x95: {  	s2 =	sld [smem:$0x3FFD];
	_ =	sdelay $0x3  }
0x96: {  	_ =	strace s2  }
0x97: {  	_ =	strace $0x8FFFFFFF  }
0x98: {  	s19 =	sld [smem:$0x3FDB];
	_ =	sdelay $0x1  }
0x99: {  	s20 =	simm.s32 $_scs_section_size  }
0x9a: {  	s4 =	simm.s32 $_size__tile_overlayer_lowered;
	s5 =	simm.s32 $_tile_overlayer_lowered  }
0x9b: {  	s6 =	simm.s32 $0x1BFF;
	s21 =	sshll.u32 s5, $0x1;
	s3 =	sadd.s32 s20, s19  }
0x9c: {  	s22 =	simm.s32 $0x0;
	s4 =	sshll.u32 s4, $0x1;
	s5 =	sadd.s32 s21, s3  }
0x9d: {  	[timem:s22], [sflag:s6] =	dma.local [hbm:s5], s4  }
0x9e: {  	_ =	swait.ge [sflag:s6], s4  }
0x9f: {  	s4 =	ssub.s32 $0x0, s4;
	[sflag:s6] =	ssyncset.done $0x0  }
0xa0: {  	[sflag:s6] =	ssyncadd.s32 s4;
	_ =	sdelay $0x1  }
0xa1: {  	s23 =	simm.s32 $0x1B8B  }
0xa2: {  	_ =	swait.ge [sflag:s23], $0x1  }
0xa3: {  	[sflag:s23] =	ssyncset.done $0x0  }
0xa4: {  	[sflag:s23] =	ssyncadd.s32 $0xFFFFFFFF  }
0xa5: {  	s4 =	sld [smem:$0x0]  }
0xa6: {  	s5 =	sand.u32 $0xFFFFFFFE, s1  }
0xa7: {  	p0 =	sne.s32 s1, s5  }
0xa8: {  	s5 =	sshll.u32 @p0 s5, $0xE  }
0xa9: {  	s5 =	sadd.s32 @p0 $0x11B8D, s5;
	s6 =	sshll.u32 @p0 s4, $0x11  }
0xaa: {  	s5 =	sor.u32 @p0 s6, s5  }
0xab: {  	[sflag:s5] =	ssyncadd.remote.s32 @p0 $0x1;
	_ =	sdelay $0x1  }
0xac: {  	s5 =	simm.s32 @p0 $0x1B8D  }
0xad: {  	_ =	swait.eq @p0 [sflag:s5], $0x1  }
0xae: {  	[sflag:s5] =	ssyncadd.s32 @p0 $0xFFFFFFFF  }
0xaf: {  	s6 =	sshll.u32 @!p0 s1, $0xE  }
0xb0: {  	s6 =	sor.u32 @!p0 $0x4000, s6;
	s5 =	simm.s32 @!p0 $0x1B8D  }
0xb1: {  	s4 =	sshll.u32 @!p0 s4, $0x11;
	s6 =	sadd.s32 @!p0 $0x11B8D, s6;
	_ =	swait.eq @!p0 [sflag:s5], $0x1  }
0xb2: {  	s4 =	sor.u32 @!p0 s4, s6;
	[sflag:s5] =	ssyncadd.s32 @!p0 $0xFFFFFFFF  }
0xb3: {  	s25 =	simm.s32 $0x1B8E;
	s24 =	sld [smem:$0x3FFE];
	[sflag:s4] =	ssyncadd.remote.s32 @!p0 $0x1  }
0xb4: {  	s26 =	simm.s32 $execute0_lowered;
	[smem:$0x3FD2] =	sst s25  }
0xb5: {  	s5 =	sshll.u32 s26, $0x1;
	_ =	strace $0x80000049;
	[dreg:$0x1] =	wrdreg $0xFFFFFFFF  }
0xb6: {  	s28 =	simm.s32 $_size_execute0_lowered;
	s3 =	sadd.s32 s3, s5;
	[dreg:$0x0] =	wrdreg $0x0  }
0xb7: {  	s5 =	sshll.u32 s28, $0x1;
	[dreg:$0x2] =	wrdreg s3  }
0xb8: {  	[dreg:$0x3] =	wrdreg s5  }
0xb9: {  	[dreg:$0x4] =	wrdreg $0xC0  }
0xba: {  	_ =	task [dreg:s22], $0x5FFFF  }
0xbb: {  	[dreg:$0x1] =	wrdreg $0xFFFFFFFF  }
0xbc: {  	[dreg:$0x0] =	wrdreg $0x60  }
0xbd: {  	[dreg:$0x2] =	wrdreg s24  }
0xbe: {  	[dreg:$0x3] =	wrdreg $0xA  }
0xbf: {  	_ =	task.clear_ibuf [dreg:s22], $0x4FFFF;
	_ =	strace $0x90000049  }
0xc0: {  	s29 =	simm.s32 $0xA;
	_ =	strace $0x8000004B  }
0xc1: {  	_ =	swait.ge [sflag:s29], $0x1  }
0xc2: {  	[sflag:s29] =	ssyncadd.s32 $0xFFFFFFFF  }
0xc3: {  	_ =	strace $0x9000004B  }
0xc4: {  	_ =	sfence  }
0xc5: {  	s30 =	sld [smem:$0x0];
	_ =	sdelay $0x2  }
0xc6: {  	s31 =	sshll.u32 s1, $0xD;
	s1 =	sshrl.u32 s1, $0x2  }
0xc7: {  	s4 =	sand.u32 $0x4000, s31;
	s1 =	sadd.s32 s1, s30  }
0xc8: {  	s0 =	sor.u32 s4, s0;
	s1 =	sshll.u32 s1, $0x11  }
0xc9: {  	s0 =	sor.u32 s1, s0  }
0xca: {  	s0 =	sadd.s32 $0x8F2B, s0  }
0xcb: {  	[sflag:s0] =	ssyncadd.remote.s32 $0x1  }
0xcc: {  	_ =	sfence.sel $0xFFFF  }
0xcd: {  	[dreg:$0x0] =	wrdreg $0xFFFFFFFF;
	(pc) =	sbr.abs _section_cstart, $3  }
0xce: {  	[dreg:$0x1] =	wrdreg $0xFFFFFFFF  }
0xcf: {  	_ =	task.clear_ibuf [dreg:s22], $0x2FFFF;
	_ =	strace $0x9FFFFFFF  }
0xd0: {  	(tm) =	ssettm $0x7FFFFFFF  }
0xd1: {  	_ =	shalt  }
tec
execute0_lowered:
.L_overlay_start_1:
0x0: {  	(tag) =	ssettag $0x1  }
0x1: {  	s4 =	rddreg [dreg:$0x0];
	s2 =	srdreg.scid  }
0x2: {  	s0 =	rddreg [dreg:$0x1];
	s1 =	stileid.u32  }
0x3: {  	s11 =	simm.s32 $0x1000;
	s12 =	simm.s32 $0x5000;
	s13 =	simm.s32 $0x1  }
0x4: {  	s14 =	simm.s32 $0x3;
	s15 =	simm.s32 $0x2;
	s16 =	simm.s32 $0x4  }
0x5: {  	s17 =	simm.s32 $0x0;
	s6 =	sand.u32 $0x1, s2;
	s2 =	simm.s32 $0x0  }
0x6: {  	s3 =	sshll.u32 s1, $0xD;
	s10 =	sadd.s32 $0x257000, s4;
	s30 =	sshll.u32 s1, $0x11  }
0x7: {  	s5 =	sshll.u32 s6, $0xC;
	[smem:$0x7FF] =	sst s2;
	s8 =	ssub.s32 $0x2, s6  }
0x8: {  	s31 =	sshll.u32 s6, $0x10;
	s5 =	sor.u32 s5, s3;
	_ =	strace $0x8000004A  }
0x9: {  	s3 =	sadd.s32 $0x237000, s4;
	s9 =	sshrl.u32 s8, $0x1;
	s7 =	sshrl.u32 s5, $0x3  }
0xa: {  	s8 =	ssub.s32 s8, s9;
	s5 =	sshll.u32 s5, $0x4;
	s9 =	sadd.s32 s30, s10  }
0xb: {  	s7 =	sadd.s32 s7, s4;
	s29 =	sadd.s32 s5, s10;
	s10 =	simm.s32 $0x80  }
0xc: {  	s4 =	sadd.s32 $0x233000, s7;
	s5 =	sadd.s32 $0xF000, s29;
	s6 =	sadd.s32 $0xF800, s29  }
0xd: {  	s7 =	smax.u32 s8, $0x1;
	s8 =	sadd.s32 s31, s9;
	s9 =	simm.s32 $0x5  }
.LBB2_1:
0xe: {  	[tilespmem:s2], [sflag:$0x5] =	stream.linear.gather [hbm4b:s4+s2], $0x1000, $0x38;
	[tilespmem:$0x9000] =	vst v63  }
0xf: {  	_ =	swait.ge [sflag:s9], $0x1000  }
0x10: {  	[sflag:s9] =	ssyncset.done $0x0  }
0x11: {  	[sflag:s9] =	ssyncadd.s32 $0xFFFFF000  }
0x12: {  	[tilespmem:s11], [sflag:$0x1] =	stream.indirect.gather [hbm4b:s3+s10], $0x80, s2, s10, $0xb8;
	[tilespmem:$0x9000] =	vst v63  }
0x13: {  	_ = 	snop  }
0x14: {  	[tilespmem:s12], [sflag:$0x2] =	stream.indirect.gather [hbm4b:s3+s10], $0x80, s10, s10, $0xb8;
	[tilespmem:$0x9000] =	vst v63  }
0x15: {  	_ =	swait.ge [sflag:s13], $0x4000  }
0x16: {  	[sflag:s13] =	ssyncset.done $0x0  }
0x17: {  	s18 =	sadd.s32 $0x0, s8;
	[sflag:s13] =	ssyncadd.s32 $0xFFFFC000  }
0x18: {  	[hbm4b:s18+s2] =	stream.linear.scatter [tilespmem:s11], [sflag:$0x3], $0x4000, $0x38;
	[tilespmem:$0x9000] =	vst v63  }
0x19: {  	_ =	swait.ge [sflag:s14], $0x4000  }
0x1a: {  	[sflag:s14] =	ssyncset.done $0x0  }
0x1b: {  	s19 =	simm.s32 $0x100;
	[sflag:s14] =	ssyncadd.s32 $0xFFFFC000  }
0x1c: {  	[tilespmem:s11], [sflag:$0x1] =	stream.indirect.gather [hbm4b:s3+s10], $0x80, s19, s10, $0xb8;
	[tilespmem:$0x9000] =	vst v63  }
0x1d: {  	_ =	swait.ge [sflag:s15], $0x4000  }
0x1e: {  	[sflag:s15] =	ssyncset.done $0x0  }
0x1f: {  	s18 =	sadd.s32 $0x800, s18;
	[sflag:s15] =	ssyncadd.s32 $0xFFFFC000  }
0x20: {  	[hbm4b:s18+s2] =	stream.linear.scatter [tilespmem:s12], [sflag:$0x4], $0x4000, $0x38;
	[tilespmem:$0x9000] =	vst v63  }
0x21: {  	_ =	swait.ge [sflag:s16], $0x4000  }
0x22: {  	s20 =	simm.s32 $0x280;
	[sflag:s16] =	ssyncset.done $0x0  }
0x23: {  	s19 =	simm.s32 $0x1000;
	s18 =	simm.s32 $0x180;
	[sflag:s16] =	ssyncadd.s32 $0xFFFFC000  }
.LBB2_2:
0x24: {  	[tilespmem:s12], [sflag:$0x2] =	stream.indirect.gather [hbm4b:s3+s10], $0x80, s18, s10, $0xb8;
	[tilespmem:$0x9000] =	vst v63  }
0x25: {  	s21 =	smov.u32 s19;
	s18 =	smov.u32 s20  }
0x26: {  	p0 =	sne.s32 s19, $0xE000;
	s19 =	sadd.s32 $0x1000, s19;
	_ =	swait.ge [sflag:s13], $0x4000  }
0x27: {  	[sflag:s13] =	ssyncset.done $0x0  }
0x28: {  	s21 =	sadd.s32 s21, s8;
	[sflag:s13] =	ssyncadd.s32 $0xFFFFC000  }
0x29: {  	[hbm4b:s21+s2] =	stream.linear.scatter [tilespmem:s11], [sflag:$0x3], $0x4000, $0x38;
	[tilespmem:$0x9000] =	vst v63  }
0x2a: {  	_ =	swait.ge [sflag:s14], $0x4000  }
0x2b: {  	[sflag:s14] =	ssyncset.done $0x0  }
0x2c: {  	s22 =	sadd.s32 $0xFFFFFF80, s20;
	[sflag:s14] =	ssyncadd.s32 $0xFFFFC000  }
0x2d: {  	[tilespmem:s11], [sflag:$0x1] =	stream.indirect.gather [hbm4b:s3+s10], $0x80, s22, s10, $0xb8;
	[tilespmem:$0x9000] =	vst v63  }
0x2e: {  	_ =	swait.ge [sflag:s15], $0x4000  }
0x2f: {  	[sflag:s15] =	ssyncset.done $0x0  }
.Ltmp0:
0x30: {  	s21 =	sadd.s32 $0x800, s21;
	[sflag:s15] =	ssyncadd.s32 $0xFFFFC000;
	(pc) =	sbr.rel @p0 .LBB2_2-.Ltmp0, $4  }
0x31: {  	[hbm4b:s21+s2] =	stream.linear.scatter [tilespmem:s12], [sflag:$0x4], $0x4000, $0x38;
	[tilespmem:$0x9000] =	vst v63  }
0x32: {  	_ =	swait.ge [sflag:s16], $0x4000  }
0x33: {  	[sflag:s16] =	ssyncset.done $0x0  }
0x34: {  	s20 =	sadd.s32 $0x100, s20;
	[sflag:s16] =	ssyncadd.s32 $0xFFFFC000  }
0x35: {  	[tilespmem:s12], [sflag:$0x2] =	stream.indirect.gather [hbm4b:s3+s10], $0x80, s18, s10, $0xb8;
	[tilespmem:$0x9000] =	vst v63  }
0x36: {  	_ =	swait.ge [sflag:s13], $0x4000  }
0x37: {  	[sflag:s13] =	ssyncset.done $0x0  }
0x38: {  	[sflag:s13] =	ssyncadd.s32 $0xFFFFC000  }
0x39: {  	[hbm4b:s5+s2] =	stream.linear.scatter [tilespmem:s11], [sflag:$0x3], $0x4000, $0x38;
	[tilespmem:$0x9000] =	vst v63  }
0x3a: {  	_ =	swait.ge [sflag:s15], $0x4000  }
0x3b: {  	[sflag:s15] =	ssyncset.done $0x0  }
0x3c: {  	s17 =	sadd.s32 $0x1, s17;
	[sflag:s15] =	ssyncadd.s32 $0xFFFFC000  }
0x3d: {  	[hbm4b:s6+s2] =	stream.linear.scatter [tilespmem:s12], [sflag:$0x4], $0x4000, $0x38;
	[tilespmem:$0x9000] =	vst v63  }
0x3e: {  	p0 =	sne.s32 s17, s7;
	_ =	swait.ge [sflag:s14], $0x4000  }
.Ltmp1:
0x3f: {  	[sflag:s14] =	ssyncset.done $0x0;
	(pc) =	sbr.rel @p0 .LBB2_1-.Ltmp1, $4  }
0x40: {  	[sflag:s14] =	ssyncadd.s32 $0xFFFFC000  }
0x41: {  	_ =	swait.ge [sflag:s16], $0x4000  }
0x42: {  	[sflag:s16] =	ssyncset.done $0x0  }
0x43: {  	[sflag:s16] =	ssyncadd.s32 $0xFFFFC000  }
0x44: {  	_ =	sfence.sel $0x180000  }
0x45: {  	[bflag:$0x0] =	sbarrier.arrive $0xFFFF  }
0x46: {  	p0 =	sne.s32 s1, $0x0;
	_ =	strace $0x9000004A  }
0x47: {  	s0 =	sadd.s32 @!p0 $0x100000, s0;
	[bflag:$0x2] =	sbarrier.arrive $0xFFFF  }
0x48: {  	[sflag:s0] =	ssyncadd.tile.s32 @!p0 $0x1;
	_ =	shalt  }
.Lfunc_end2:
_tile_overlayer_lowered:
.L_overlay_start_2:
0x49: {  	(tag) =	ssettag $0x2  }
0x4a: {  	s0 =	rddreg [dreg:$0x0];
	s2 =	stileid.u32  }
0x4b: {  	s1 =	rddreg [dreg:$0x1];
	p0 =	sne.s32 s2, $0x0  }
0x4c: {  	s3 =	rddreg [dreg:$0x2];
	[bflag:$0x3] =	sbarrier.arrive $0xFFFF;
	s2 =	simm.s32 @!p0 $0x1C05  }
0x4d: {  	[timem:s3], [sflag:s2] =	dma.local @!p0 [hbm:s0], s1  }
0x4e: {  	s0 =	simm.s32 @!p0 $0x5  }
0x4f: {  	_ =	swait.ge @!p0 [sflag:s0], s1  }
0x50: {  	s1 =	ssub.s32 @!p0 $0x0, s1;
	[sflag:s0] =	ssyncset.done @!p0 $0x0  }
0x51: {  	[sflag:s0] =	ssyncadd.s32 @!p0 s1  }
0x52: {  	[bflag:$0x3] =	sbarrier.arrive $0xFFFF  }
0x53: {  	_ =	shalt  }

// kernel: kernel.29.cloned.1.call-start
scs
__scs_entry_jumppad:
0x0: {  	(pc) =	sbr.rel $0x88, $3  }
0x1: {  	(tag) =	ssettag $0x0;
	lr =	simm.s32 $0x1  }
0x2: {  	[smem:$0x3F4A] =	sst lr;
	_ =	strace $0xD0000000  }
0x3: {  	_ = 	snop  }
0x4: {  	_ = 	snop  }
0x5: {  	_ = 	snop  }
0x6: {  	_ = 	snop  }
0x7: {  	_ = 	snop  }
__scs_overlays_trampoline_lowered:
0x8: {  	[smem:$0x3F59] =	sst s0  }
0x9: {  	[smem:$0x3F5A] =	sst s1  }
0xa: {  	[smem:$0x3F5B] =	sst s2  }
0xb: {  	[smem:$0x3F5C] =	sst s3  }
0xc: {  	[smem:$0x3F5D] =	sst s4  }
0xd: {  	[smem:$0x3F5E] =	sst s5  }
0xe: {  	[smem:$0x3F5F] =	sst s6  }
0xf: {  	[smem:$0x3F60] =	sst s7  }
0x10: {  	[smem:$0x3F61] =	sst s8  }
0x11: {  	[smem:$0x3F62] =	sst s9;
	s0 =	simm.s32 @!p0 $0x0  }
0x12: {  	s1 =	sld [smem:$0x3F48];
	s0 =	simm.s32 @p0 $0x1  }
0x13: {  	[smem:$0x3F63] =	sst s0;
	s0 =	simm.s32 @!p1 $0x0  }
0x14: {  	s2 =	sld [smem:$0x3F47];
	s0 =	simm.s32 @p1 $0x1  }
0x15: {  	[smem:$0x3F64] =	sst s0;
	s0 =	simm.s32 @!p2 $0x0  }
0x16: {  	s3 =	sld [smem:$0x3FDB];
	s0 =	simm.s32 @p2 $0x1  }
0x17: {  	s4 =	simm.s32 $0x1BF5;
	[smem:$0x3F66] =	sst s0  }
0x18: {  	s0 =	sld [smem:$0x3F49];
	_ =	swait.ge [sflag:s4], $0x0  }
0x19: {  	s7 =	sld [smem:$0x3F4A]  }
0x1a: {  	s8 =	sadd.s32 $0xFFFFE003, lr  }
0x1b: {  	s9 =	sadd.s32 $0xFFFFFEF7, lr;
	s5 =	simm.s32 $0xFFFFFFFF;
	p2 =	slt.u32 s8, $0xFFFFF086  }
0x1c: {  	p1 =	slt.u32 s9, $0xF7A;
	s5 =	simm.s32 @!p2 $0x0  }
0x1d: {  	s5 =	simm.s32 @p1 $0x1;
	p0 =	seq.s32 s7, s2  }
0x1e: {  	s7 =	smul.u32 @!p0 $0xF7A, s2;
	p2 =	seq.s32 @!p0 s5, $0x0  }
0x1f: {  	s9 =	smul.u32 $0xF7A, s1;
	s8 =	simm.s32 @!p0 $0x1BF5;
	p2 =	por !p2, p0  }
0x20: {  	[sflag:s8] =	ssyncset.s32 @!p0 $0xFFFFF086;
	s6 =	sadd.s32 @!p0 s3, s7;
	s7 =	simm.s32 @!p0 $0x108  }
0x21: {  	s3 =	sadd.s32 s3, s9;
	s6 =	sadd.s32 @!p0 $0x88, s6;
	s7 =	simm.s32 @p2 $0x1082  }
0x22: {  	[simem:s7], [sflag:s8] =	dma.local @!p0 [hbm:s6], $0xF7A  }
0x23: {  	s9 =	sor.u32 $0xD0000000, s2;
	s6 =	simm.s32 $0x108;
	_ =	swait.ge @!p0 [sflag:s8], $0x0  }
0x24: {  	s3 =	sadd.s32 $0x88, s3;
	s6 =	simm.s32 @!p1 $0x1082;
	[sflag:s4] =	ssyncset.s32 $0xFFFFF086  }
0x25: {  	[simem:s6], [sflag:s4] =	dma.local [hbm:s3], $0xF7A  }
0x26: {  	[smem:$0x3F4A] =	sst s1;
	(tag) =	ssettag s2;
	_ =	strace s9  }
0x27: {  	s1 =	sld [smem:$0x3F5A]  }
0x28: {  	s2 =	sld [smem:$0x3F5B]  }
0x29: {  	s4 =	sld [smem:$0x3F5D]  }
0x2a: {  	p0 =	seq.s32 s5, $0x0;
	s5 =	sld [smem:$0x3F5E]  }
0x2b: {  	s6 =	sld [smem:$0x3F5F]  }
0x2c: {  	s7 =	sld [smem:$0x3F60]  }
0x2d: {  	s3 =	simm.s32 $0x108;
	s8 =	sld [smem:$0x3F61]  }
0x2e: {  	s3 =	simm.s32 @!p0 $0x1082;
	s9 =	sld [smem:$0x3F62]  }
0x2f: {  	lr =	sadd.s32 s0, s3;
	s0 =	sld [smem:$0x3F59]  }
0x30: {  	s3 =	sld [smem:$0x3F5C]  }
0x31: {  	[smem:$0x3F65] =	sst s10  }
0x32: {  	s10 =	sld [smem:$0x3F63];
	_ =	sdelay $0x3  }
0x33: {  	p0 =	seq.s32 s10, $0x1;
	s10 =	sld [smem:$0x3F65];
	_ =	sdelay $0x3  }
0x34: {  	[smem:$0x3F65] =	sst s10  }
0x35: {  	s10 =	sld [smem:$0x3F64];
	_ =	sdelay $0x3  }
0x36: {  	p1 =	seq.s32 s10, $0x1;
	s10 =	sld [smem:$0x3F65];
	_ =	sdelay $0x3  }
0x37: {  	[smem:$0x3F65] =	sst s10  }
0x38: {  	s10 =	sld [smem:$0x3F66]  }
0x39: {  	_ = 	snop;
	(pc) =	sbr.ind lr, $3  }
0x3a: {  	_ = 	snop  }
0x3b: {  	_ = 	snop  }
0x3c: {  	p2 =	seq.s32 s10, $0x1;
	s10 =	sld [smem:$0x3F65]  }
0x3d: {  	_ =	shalt  }
0x3e: {  	_ =	shalt  }
0x3f: {  	_ =	shalt  }
0x40: {  	_ =	shalt  }
0x41: {  	_ =	shalt  }
0x42: {  	_ =	shalt  }
0x43: {  	_ =	shalt  }
0x44: {  	_ =	shalt  }
0x45: {  	_ =	shalt  }
0x46: {  	_ =	shalt  }
0x47: {  	_ =	shalt  }
0x48: {  	_ =	shalt  }
0x49: {  	_ =	shalt  }
0x4a: {  	_ =	shalt  }
0x4b: {  	_ =	shalt  }
0x4c: {  	_ =	shalt  }
0x4d: {  	_ =	shalt  }
0x4e: {  	_ =	shalt  }
0x4f: {  	_ =	shalt  }
0x50: {  	_ =	shalt  }
0x51: {  	_ =	shalt  }
0x52: {  	_ =	shalt  }
0x53: {  	_ =	shalt  }
0x54: {  	_ =	shalt  }
0x55: {  	_ =	shalt  }
0x56: {  	_ =	shalt  }
0x57: {  	_ =	shalt  }
0x58: {  	_ =	shalt  }
0x59: {  	_ =	shalt  }
0x5a: {  	_ =	shalt  }
0x5b: {  	_ =	shalt  }
0x5c: {  	_ =	shalt  }
0x5d: {  	_ =	shalt  }
0x5e: {  	_ =	shalt  }
0x5f: {  	_ =	shalt  }
0x60: {  	_ =	shalt  }
0x61: {  	_ =	shalt  }
0x62: {  	_ =	shalt  }
0x63: {  	_ =	shalt  }
0x64: {  	_ =	shalt  }
0x65: {  	_ =	shalt  }
0x66: {  	_ =	shalt  }
0x67: {  	_ =	shalt  }
0x68: {  	_ =	shalt  }
0x69: {  	_ =	shalt  }
0x6a: {  	_ =	shalt  }
0x6b: {  	_ =	shalt  }
0x6c: {  	_ =	shalt  }
0x6d: {  	_ =	shalt  }
0x6e: {  	_ =	shalt  }
0x6f: {  	_ =	shalt  }
0x70: {  	_ =	shalt  }
0x71: {  	_ =	shalt  }
0x72: {  	_ =	shalt  }
0x73: {  	_ =	shalt  }
0x74: {  	_ =	shalt  }
0x75: {  	_ =	shalt  }
0x76: {  	_ =	shalt  }
0x77: {  	_ =	shalt  }
0x78: {  	_ =	shalt  }
0x79: {  	_ =	shalt  }
0x7a: {  	_ =	shalt  }
0x7b: {  	_ =	shalt  }
0x7c: {  	_ =	shalt  }
0x7d: {  	_ =	shalt  }
0x7e: {  	_ =	shalt  }
0x7f: {  	_ =	shalt  }
0x80: {  	_ =	shalt  }
0x81: {  	_ =	shalt  }
0x82: {  	_ =	shalt  }
0x83: {  	_ =	shalt  }
0x84: {  	_ =	shalt  }
0x85: {  	_ =	shalt  }
0x86: {  	_ =	shalt  }
0x87: {  	_ =	shalt  }
.Lfunc_end0:
.L_simem_size_0:
called_computation.4_lowered:
.L_overlay_start_0:
0x88: {  	s2 =	sld [smem:$0x3FD9]  }
0x89: {  	s3 =	sld [smem:$0x3FFE];
	_ =	sdelay $0x1  }
0x8a: {  	s1 =	srdreg.scid  }
0x8b: {  	s0 =	sand.u32 $0x1, s1  }
0x8c: {  	s17 =	sshll.u32 s0, $0xA;
	s2 =	sadd.s32 s3, s2  }
0x8d: {  	s2 =	sadd.s32 s2, s17  }
0x8e: {  	[smem:$0x3F71] =	sst s2  }
0x8f: {  	_ = 	snop  }
0x90: {  	(tm) =	ssettm $0x1  }
0x91: {  	s18 =	sld [smem:$0x3FFB];
	_ =	sdelay $0x3  }
0x92: {  	_ =	strace s18  }
0x93: {  	s2 =	sld [smem:$0x3FFC];
	_ =	sdelay $0x3  }
0x94: {  	_ =	strace s2  }
0x95: {  	s2 =	sld [smem:$0x3FFD];
	_ =	sdelay $0x3  }
0x96: {  	_ =	strace s2  }
0x97: {  	_ =	strace $0x8FFFFFFF  }
0x98: {  	s19 =	sld [smem:$0x3FDB];
	_ =	sdelay $0x1  }
0x99: {  	s20 =	simm.s32 $_scs_section_size  }
0x9a: {  	s4 =	simm.s32 $_size__tile_overlayer_lowered;
	s5 =	simm.s32 $_tile_overlayer_lowered  }
0x9b: {  	s6 =	simm.s32 $0x1BFF;
	s21 =	sshll.u32 s5, $0x1;
	s3 =	sadd.s32 s20, s19  }
0x9c: {  	s22 =	simm.s32 $0x0;
	s4 =	sshll.u32 s4, $0x1;
	s5 =	sadd.s32 s21, s3  }
0x9d: {  	[timem:s22], [sflag:s6] =	dma.local [hbm:s5], s4  }
0x9e: {  	_ =	swait.ge [sflag:s6], s4  }
0x9f: {  	s4 =	ssub.s32 $0x0, s4;
	[sflag:s6] =	ssyncset.done $0x0  }
0xa0: {  	[sflag:s6] =	ssyncadd.s32 s4;
	_ =	sdelay $0x1  }
0xa1: {  	s23 =	simm.s32 $0x1B8B  }
0xa2: {  	_ =	swait.ge [sflag:s23], $0x1  }
0xa3: {  	[sflag:s23] =	ssyncset.done $0x0  }
0xa4: {  	[sflag:s23] =	ssyncadd.s32 $0xFFFFFFFF  }
0xa5: {  	s4 =	sld [smem:$0x0]  }
0xa6: {  	s5 =	sand.u32 $0xFFFFFFFE, s1  }
0xa7: {  	p0 =	sne.s32 s1, s5  }
0xa8: {  	s5 =	sshll.u32 @p0 s5, $0xE  }
0xa9: {  	s5 =	sadd.s32 @p0 $0x11B8D, s5;
	s6 =	sshll.u32 @p0 s4, $0x11  }
0xaa: {  	s5 =	sor.u32 @p0 s6, s5  }
0xab: {  	[sflag:s5] =	ssyncadd.remote.s32 @p0 $0x1;
	_ =	sdelay $0x1  }
0xac: {  	s5 =	simm.s32 @p0 $0x1B8D  }
0xad: {  	_ =	swait.eq @p0 [sflag:s5], $0x1  }
0xae: {  	[sflag:s5] =	ssyncadd.s32 @p0 $0xFFFFFFFF  }
0xaf: {  	s6 =	sshll.u32 @!p0 s1, $0xE  }
0xb0: {  	s6 =	sor.u32 @!p0 $0x4000, s6;
	s5 =	simm.s32 @!p0 $0x1B8D  }
0xb1: {  	s4 =	sshll.u32 @!p0 s4, $0x11;
	s6 =	sadd.s32 @!p0 $0x11B8D, s6;
	_ =	swait.eq @!p0 [sflag:s5], $0x1  }
0xb2: {  	s4 =	sor.u32 @!p0 s4, s6;
	[sflag:s5] =	ssyncadd.s32 @!p0 $0xFFFFFFFF  }
0xb3: {  	s25 =	simm.s32 $0x1B8E;
	s24 =	sld [smem:$0x3FFE];
	[sflag:s4] =	ssyncadd.remote.s32 @!p0 $0x1  }
0xb4: {  	s26 =	simm.s32 $execute0_lowered;
	[smem:$0x3FD2] =	sst s25  }
0xb5: {  	s5 =	sshll.u32 s26, $0x1;
	_ =	strace $0x8000004F;
	[dreg:$0x1] =	wrdreg $0xFFFFFFFF  }
0xb6: {  	s28 =	simm.s32 $_size_execute0_lowered;
	s3 =	sadd.s32 s3, s5;
	[dreg:$0x0] =	wrdreg $0x0  }
0xb7: {  	s5 =	sshll.u32 s28, $0x1;
	[dreg:$0x2] =	wrdreg s3  }
0xb8: {  	[dreg:$0x3] =	wrdreg s5  }
0xb9: {  	[dreg:$0x4] =	wrdreg $0xC0  }
0xba: {  	_ =	task [dreg:s22], $0x5FFFF  }
0xbb: {  	[dreg:$0x1] =	wrdreg $0xFFFFFFFF  }
0xbc: {  	[dreg:$0x0] =	wrdreg $0x60  }
0xbd: {  	[dreg:$0x2] =	wrdreg s24  }
0xbe: {  	[dreg:$0x3] =	wrdreg $0xA  }
0xbf: {  	_ =	task.clear_ibuf [dreg:s22], $0x4FFFF;
	_ =	strace $0x9000004F  }
0xc0: {  	s29 =	simm.s32 $0xA;
	_ =	strace $0x80000051  }
0xc1: {  	_ =	swait.ge [sflag:s29], $0x1  }
0xc2: {  	[sflag:s29] =	ssyncadd.s32 $0xFFFFFFFF  }
0xc3: {  	_ =	strace $0x90000051  }
0xc4: {  	_ =	sfence  }
0xc5: {  	s30 =	sld [smem:$0x0];
	_ =	sdelay $0x2  }
0xc6: {  	s31 =	sshll.u32 s1, $0xD;
	s1 =	sshrl.u32 s1, $0x2  }
0xc7: {  	s4 =	sand.u32 $0x4000, s31;
	s1 =	sadd.s32 s1, s30  }
0xc8: {  	s0 =	sor.u32 s4, s0;
	s1 =	sshll.u32 s1, $0x11  }
0xc9: {  	s0 =	sor.u32 s1, s0  }
0xca: {  	s0 =	sadd.s32 $0x8F2B, s0  }
0xcb: {  	[sflag:s0] =	ssyncadd.remote.s32 $0x1  }
0xcc: {  	_ =	sfence.sel $0xFFFF  }
0xcd: {  	[dreg:$0x0] =	wrdreg $0xFFFFFFFF;
	(pc) =	sbr.abs _section_cstart, $3  }
0xce: {  	[dreg:$0x1] =	wrdreg $0xFFFFFFFF  }
0xcf: {  	_ =	task.clear_ibuf [dreg:s22], $0x2FFFF;
	_ =	strace $0x9FFFFFFF  }
0xd0: {  	(tm) =	ssettm $0x7FFFFFFF  }
0xd1: {  	_ =	shalt  }
tec
execute0_lowered:
.L_overlay_start_1:
0x0: {  	(tag) =	ssettag $0x1  }
0x1: {  	s4 =	rddreg [dreg:$0x0];
	s2 =	srdreg.scid  }
0x2: {  	s0 =	rddreg [dreg:$0x1];
	s1 =	stileid.u32  }
0x3: {  	s11 =	simm.s32 $0x1000;
	s12 =	simm.s32 $0x5000;
	s13 =	simm.s32 $0x1  }
0x4: {  	s14 =	simm.s32 $0x3;
	s15 =	simm.s32 $0x2;
	s16 =	simm.s32 $0x4  }
0x5: {  	s17 =	simm.s32 $0x0;
	s6 =	sand.u32 $0x1, s2;
	s2 =	simm.s32 $0x0  }
0x6: {  	s3 =	sshll.u32 s1, $0xD;
	s10 =	sadd.s32 $0x257000, s4;
	s30 =	sshll.u32 s1, $0x11  }
0x7: {  	s5 =	sshll.u32 s6, $0xC;
	[smem:$0x7FF] =	sst s2;
	s8 =	ssub.s32 $0x2, s6  }
0x8: {  	s31 =	sshll.u32 s6, $0x10;
	s5 =	sor.u32 s5, s3;
	_ =	strace $0x80000050  }
0x9: {  	s3 =	sadd.s32 $0x237000, s4;
	s9 =	sshrl.u32 s8, $0x1;
	s7 =	sshrl.u32 s5, $0x3  }
0xa: {  	s8 =	ssub.s32 s8, s9;
	s5 =	sshll.u32 s5, $0x4;
	s9 =	sadd.s32 s30, s10  }
0xb: {  	s7 =	sadd.s32 s7, s4;
	s29 =	sadd.s32 s5, s10;
	s10 =	simm.s32 $0x80  }
0xc: {  	s4 =	sadd.s32 $0x233000, s7;
	s5 =	sadd.s32 $0xF000, s29;
	s6 =	sadd.s32 $0xF800, s29  }
0xd: {  	s7 =	smax.u32 s8, $0x1;
	s8 =	sadd.s32 s31, s9;
	s9 =	simm.s32 $0x5  }
.LBB2_1:
0xe: {  	[tilespmem:s2], [sflag:$0x5] =	stream.linear.gather [hbm4b:s4+s2], $0x1000, $0x38;
	[tilespmem:$0x9000] =	vst v63  }
0xf: {  	_ =	swait.ge [sflag:s9], $0x1000  }
0x10: {  	[sflag:s9] =	ssyncset.done $0x0  }
0x11: {  	[sflag:s9] =	ssyncadd.s32 $0xFFFFF000  }
0x12: {  	[tilespmem:s11], [sflag:$0x1] =	stream.indirect.gather [hbm4b:s3+s10], $0x80, s2, s10, $0xb8;
	[tilespmem:$0x9000] =	vst v63  }
0x13: {  	_ = 	snop  }
0x14: {  	[tilespmem:s12], [sflag:$0x2] =	stream.indirect.gather [hbm4b:s3+s10], $0x80, s10, s10, $0xb8;
	[tilespmem:$0x9000] =	vst v63  }
0x15: {  	_ =	swait.ge [sflag:s13], $0x4000  }
0x16: {  	[sflag:s13] =	ssyncset.done $0x0  }
0x17: {  	s18 =	sadd.s32 $0x0, s8;
	[sflag:s13] =	ssyncadd.s32 $0xFFFFC000  }
0x18: {  	[hbm4b:s18+s2] =	stream.linear.scatter [tilespmem:s11], [sflag:$0x3], $0x4000, $0x38;
	[tilespmem:$0x9000] =	vst v63  }
0x19: {  	_ =	swait.ge [sflag:s14], $0x4000  }
0x1a: {  	[sflag:s14] =	ssyncset.done $0x0  }
0x1b: {  	s19 =	simm.s32 $0x100;
	[sflag:s14] =	ssyncadd.s32 $0xFFFFC000  }
0x1c: {  	[tilespmem:s11], [sflag:$0x1] =	stream.indirect.gather [hbm4b:s3+s10], $0x80, s19, s10, $0xb8;
	[tilespmem:$0x9000] =	vst v63  }
0x1d: {  	_ =	swait.ge [sflag:s15], $0x4000  }
0x1e: {  	[sflag:s15] =	ssyncset.done $0x0  }
0x1f: {  	s18 =	sadd.s32 $0x800, s18;
	[sflag:s15] =	ssyncadd.s32 $0xFFFFC000  }
0x20: {  	[hbm4b:s18+s2] =	stream.linear.scatter [tilespmem:s12], [sflag:$0x4], $0x4000, $0x38;
	[tilespmem:$0x9000] =	vst v63  }
0x21: {  	_ =	swait.ge [sflag:s16], $0x4000  }
0x22: {  	s20 =	simm.s32 $0x280;
	[sflag:s16] =	ssyncset.done $0x0  }
0x23: {  	s19 =	simm.s32 $0x1000;
	s18 =	simm.s32 $0x180;
	[sflag:s16] =	ssyncadd.s32 $0xFFFFC000  }
.LBB2_2:
0x24: {  	[tilespmem:s12], [sflag:$0x2] =	stream.indirect.gather [hbm4b:s3+s10], $0x80, s18, s10, $0xb8;
	[tilespmem:$0x9000] =	vst v63  }
0x25: {  	s21 =	smov.u32 s19;
	s18 =	smov.u32 s20  }
0x26: {  	p0 =	sne.s32 s19, $0xE000;
	s19 =	sadd.s32 $0x1000, s19;
	_ =	swait.ge [sflag:s13], $0x4000  }
0x27: {  	[sflag:s13] =	ssyncset.done $0x0  }
0x28: {  	s21 =	sadd.s32 s21, s8;
	[sflag:s13] =	ssyncadd.s32 $0xFFFFC000  }
0x29: {  	[hbm4b:s21+s2] =	stream.linear.scatter [tilespmem:s11], [sflag:$0x3], $0x4000, $0x38;
	[tilespmem:$0x9000] =	vst v63  }
0x2a: {  	_ =	swait.ge [sflag:s14], $0x4000  }
0x2b: {  	[sflag:s14] =	ssyncset.done $0x0  }
0x2c: {  	s22 =	sadd.s32 $0xFFFFFF80, s20;
	[sflag:s14] =	ssyncadd.s32 $0xFFFFC000  }
0x2d: {  	[tilespmem:s11], [sflag:$0x1] =	stream.indirect.gather [hbm4b:s3+s10], $0x80, s22, s10, $0xb8;
	[tilespmem:$0x9000] =	vst v63  }
0x2e: {  	_ =	swait.ge [sflag:s15], $0x4000  }
0x2f: {  	[sflag:s15] =	ssyncset.done $0x0  }
.Ltmp0:
0x30: {  	s21 =	sadd.s32 $0x800, s21;
	[sflag:s15] =	ssyncadd.s32 $0xFFFFC000;
	(pc) =	sbr.rel @p0 .LBB2_2-.Ltmp0, $4  }
0x31: {  	[hbm4b:s21+s2] =	stream.linear.scatter [tilespmem:s12], [sflag:$0x4], $0x4000, $0x38;
	[tilespmem:$0x9000] =	vst v63  }
0x32: {  	_ =	swait.ge [sflag:s16], $0x4000  }
0x33: {  	[sflag:s16] =	ssyncset.done $0x0  }
0x34: {  	s20 =	sadd.s32 $0x100, s20;
	[sflag:s16] =	ssyncadd.s32 $0xFFFFC000  }
0x35: {  	[tilespmem:s12], [sflag:$0x2] =	stream.indirect.gather [hbm4b:s3+s10], $0x80, s18, s10, $0xb8;
	[tilespmem:$0x9000] =	vst v63  }
0x36: {  	_ =	swait.ge [sflag:s13], $0x4000  }
0x37: {  	[sflag:s13] =	ssyncset.done $0x0  }
0x38: {  	[sflag:s13] =	ssyncadd.s32 $0xFFFFC000  }
0x39: {  	[hbm4b:s5+s2] =	stream.linear.scatter [tilespmem:s11], [sflag:$0x3], $0x4000, $0x38;
	[tilespmem:$0x9000] =	vst v63  }
0x3a: {  	_ =	swait.ge [sflag:s15], $0x4000  }
0x3b: {  	[sflag:s15] =	ssyncset.done $0x0  }
0x3c: {  	s17 =	sadd.s32 $0x1, s17;
	[sflag:s15] =	ssyncadd.s32 $0xFFFFC000  }
0x3d: {  	[hbm4b:s6+s2] =	stream.linear.scatter [tilespmem:s12], [sflag:$0x4], $0x4000, $0x38;
	[tilespmem:$0x9000] =	vst v63  }
0x3e: {  	p0 =	sne.s32 s17, s7;
	_ =	swait.ge [sflag:s14], $0x4000  }
.Ltmp1:
0x3f: {  	[sflag:s14] =	ssyncset.done $0x0;
	(pc) =	sbr.rel @p0 .LBB2_1-.Ltmp1, $4  }
0x40: {  	[sflag:s14] =	ssyncadd.s32 $0xFFFFC000  }
0x41: {  	_ =	swait.ge [sflag:s16], $0x4000  }
0x42: {  	[sflag:s16] =	ssyncset.done $0x0  }
0x43: {  	[sflag:s16] =	ssyncadd.s32 $0xFFFFC000  }
0x44: {  	_ =	sfence.sel $0x180000  }
0x45: {  	[bflag:$0x0] =	sbarrier.arrive $0xFFFF  }
0x46: {  	p0 =	sne.s32 s1, $0x0;
	_ =	strace $0x90000050  }
0x47: {  	s0 =	sadd.s32 @!p0 $0x100000, s0;
	[bflag:$0x2] =	sbarrier.arrive $0xFFFF  }
0x48: {  	[sflag:s0] =	ssyncadd.tile.s32 @!p0 $0x1;
	_ =	shalt  }
.Lfunc_end2:
_tile_overlayer_lowered:
.L_overlay_start_2:
0x49: {  	(tag) =	ssettag $0x2  }
0x4a: {  	s0 =	rddreg [dreg:$0x0];
	s2 =	stileid.u32  }
0x4b: {  	s1 =	rddreg [dreg:$0x1];
	p0 =	sne.s32 s2, $0x0  }
0x4c: {  	s3 =	rddreg [dreg:$0x2];
	[bflag:$0x3] =	sbarrier.arrive $0xFFFF;
	s2 =	simm.s32 @!p0 $0x1C05  }
0x4d: {  	[timem:s3], [sflag:s2] =	dma.local @!p0 [hbm:s0], s1  }
0x4e: {  	s0 =	simm.s32 @!p0 $0x5  }
0x4f: {  	_ =	swait.ge @!p0 [sflag:s0], s1  }
0x50: {  	s1 =	ssub.s32 @!p0 $0x0, s1;
	[sflag:s0] =	ssyncset.done @!p0 $0x0  }
0x51: {  	[sflag:s0] =	ssyncadd.s32 @!p0 s1  }
0x52: {  	[bflag:$0x3] =	sbarrier.arrive $0xFFFF  }
0x53: {  	_ =	shalt  }

// kernel: kernel.32.cloned.1.call-start
scs
__scs_entry_jumppad:
0x0: {  	(pc) =	sbr.rel $0x88, $3  }
0x1: {  	(tag) =	ssettag $0x0;
	lr =	simm.s32 $0x1  }
0x2: {  	[smem:$0x3F4A] =	sst lr;
	_ =	strace $0xD0000000  }
0x3: {  	_ = 	snop  }
0x4: {  	_ = 	snop  }
0x5: {  	_ = 	snop  }
0x6: {  	_ = 	snop  }
0x7: {  	_ = 	snop  }
__scs_overlays_trampoline_lowered:
0x8: {  	[smem:$0x3F59] =	sst s0  }
0x9: {  	[smem:$0x3F5A] =	sst s1  }
0xa: {  	[smem:$0x3F5B] =	sst s2  }
0xb: {  	[smem:$0x3F5C] =	sst s3  }
0xc: {  	[smem:$0x3F5D] =	sst s4  }
0xd: {  	[smem:$0x3F5E] =	sst s5  }
0xe: {  	[smem:$0x3F5F] =	sst s6  }
0xf: {  	[smem:$0x3F60] =	sst s7  }
0x10: {  	[smem:$0x3F61] =	sst s8  }
0x11: {  	[smem:$0x3F62] =	sst s9;
	s0 =	simm.s32 @!p0 $0x0  }
0x12: {  	s1 =	sld [smem:$0x3F48];
	s0 =	simm.s32 @p0 $0x1  }
0x13: {  	[smem:$0x3F63] =	sst s0;
	s0 =	simm.s32 @!p1 $0x0  }
0x14: {  	s2 =	sld [smem:$0x3F47];
	s0 =	simm.s32 @p1 $0x1  }
0x15: {  	[smem:$0x3F64] =	sst s0;
	s0 =	simm.s32 @!p2 $0x0  }
0x16: {  	s3 =	sld [smem:$0x3FDB];
	s0 =	simm.s32 @p2 $0x1  }
0x17: {  	s4 =	simm.s32 $0x1BF5;
	[smem:$0x3F66] =	sst s0  }
0x18: {  	s0 =	sld [smem:$0x3F49];
	_ =	swait.ge [sflag:s4], $0x0  }
0x19: {  	s7 =	sld [smem:$0x3F4A]  }
0x1a: {  	s8 =	sadd.s32 $0xFFFFE003, lr  }
0x1b: {  	s9 =	sadd.s32 $0xFFFFFEF7, lr;
	s5 =	simm.s32 $0xFFFFFFFF;
	p2 =	slt.u32 s8, $0xFFFFF086  }
0x1c: {  	p1 =	slt.u32 s9, $0xF7A;
	s5 =	simm.s32 @!p2 $0x0  }
0x1d: {  	s5 =	simm.s32 @p1 $0x1;
	p0 =	seq.s32 s7, s2  }
0x1e: {  	s7 =	smul.u32 @!p0 $0xF7A, s2;
	p2 =	seq.s32 @!p0 s5, $0x0  }
0x1f: {  	s9 =	smul.u32 $0xF7A, s1;
	s8 =	simm.s32 @!p0 $0x1BF5;
	p2 =	por !p2, p0  }
0x20: {  	[sflag:s8] =	ssyncset.s32 @!p0 $0xFFFFF086;
	s6 =	sadd.s32 @!p0 s3, s7;
	s7 =	simm.s32 @!p0 $0x108  }
0x21: {  	s3 =	sadd.s32 s3, s9;
	s6 =	sadd.s32 @!p0 $0x88, s6;
	s7 =	simm.s32 @p2 $0x1082  }
0x22: {  	[simem:s7], [sflag:s8] =	dma.local @!p0 [hbm:s6], $0xF7A  }
0x23: {  	s9 =	sor.u32 $0xD0000000, s2;
	s6 =	simm.s32 $0x108;
	_ =	swait.ge @!p0 [sflag:s8], $0x0  }
0x24: {  	s3 =	sadd.s32 $0x88, s3;
	s6 =	simm.s32 @!p1 $0x1082;
	[sflag:s4] =	ssyncset.s32 $0xFFFFF086  }
0x25: {  	[simem:s6], [sflag:s4] =	dma.local [hbm:s3], $0xF7A  }
0x26: {  	[smem:$0x3F4A] =	sst s1;
	(tag) =	ssettag s2;
	_ =	strace s9  }
0x27: {  	s1 =	sld [smem:$0x3F5A]  }
0x28: {  	s2 =	sld [smem:$0x3F5B]  }
0x29: {  	s4 =	sld [smem:$0x3F5D]  }
0x2a: {  	p0 =	seq.s32 s5, $0x0;
	s5 =	sld [smem:$0x3F5E]  }
0x2b: {  	s6 =	sld [smem:$0x3F5F]  }
0x2c: {  	s7 =	sld [smem:$0x3F60]  }
0x2d: {  	s3 =	simm.s32 $0x108;
	s8 =	sld [smem:$0x3F61]  }
0x2e: {  	s3 =	simm.s32 @!p0 $0x1082;
	s9 =	sld [smem:$0x3F62]  }
0x2f: {  	lr =	sadd.s32 s0, s3;
	s0 =	sld [smem:$0x3F59]  }
0x30: {  	s3 =	sld [smem:$0x3F5C]  }
0x31: {  	[smem:$0x3F65] =	sst s10  }
0x32: {  	s10 =	sld [smem:$0x3F63];
	_ =	sdelay $0x3  }
0x33: {  	p0 =	seq.s32 s10, $0x1;
	s10 =	sld [smem:$0x3F65];
	_ =	sdelay $0x3  }
0x34: {  	[smem:$0x3F65] =	sst s10  }
0x35: {  	s10 =	sld [smem:$0x3F64];
	_ =	sdelay $0x3  }
0x36: {  	p1 =	seq.s32 s10, $0x1;
	s10 =	sld [smem:$0x3F65];
	_ =	sdelay $0x3  }
0x37: {  	[smem:$0x3F65] =	sst s10  }
0x38: {  	s10 =	sld [smem:$0x3F66]  }
0x39: {  	_ = 	snop;
	(pc) =	sbr.ind lr, $3  }
0x3a: {  	_ = 	snop  }
0x3b: {  	_ = 	snop  }
0x3c: {  	p2 =	seq.s32 s10, $0x1;
	s10 =	sld [smem:$0x3F65]  }
0x3d: {  	_ =	shalt  }
0x3e: {  	_ =	shalt  }
0x3f: {  	_ =	shalt  }
0x40: {  	_ =	shalt  }
0x41: {  	_ =	shalt  }
0x42: {  	_ =	shalt  }
0x43: {  	_ =	shalt  }
0x44: {  	_ =	shalt  }
0x45: {  	_ =	shalt  }
0x46: {  	_ =	shalt  }
0x47: {  	_ =	shalt  }
0x48: {  	_ =	shalt  }
0x49: {  	_ =	shalt  }
0x4a: {  	_ =	shalt  }
0x4b: {  	_ =	shalt  }
0x4c: {  	_ =	shalt  }
0x4d: {  	_ =	shalt  }
0x4e: {  	_ =	shalt  }
0x4f: {  	_ =	shalt  }
0x50: {  	_ =	shalt  }
0x51: {  	_ =	shalt  }
0x52: {  	_ =	shalt  }
0x53: {  	_ =	shalt  }
0x54: {  	_ =	shalt  }
0x55: {  	_ =	shalt  }
0x56: {  	_ =	shalt  }
0x57: {  	_ =	shalt  }
0x58: {  	_ =	shalt  }
0x59: {  	_ =	shalt  }
0x5a: {  	_ =	shalt  }
0x5b: {  	_ =	shalt  }
0x5c: {  	_ =	shalt  }
0x5d: {  	_ =	shalt  }
0x5e: {  	_ =	shalt  }
0x5f: {  	_ =	shalt  }
0x60: {  	_ =	shalt  }
0x61: {  	_ =	shalt  }
0x62: {  	_ =	shalt  }
0x63: {  	_ =	shalt  }
0x64: {  	_ =	shalt  }
0x65: {  	_ =	shalt  }
0x66: {  	_ =	shalt  }
0x67: {  	_ =	shalt  }
0x68: {  	_ =	shalt  }
0x69: {  	_ =	shalt  }
0x6a: {  	_ =	shalt  }
0x6b: {  	_ =	shalt  }
0x6c: {  	_ =	shalt  }
0x6d: {  	_ =	shalt  }
0x6e: {  	_ =	shalt  }
0x6f: {  	_ =	shalt  }
0x70: {  	_ =	shalt  }
0x71: {  	_ =	shalt  }
0x72: {  	_ =	shalt  }
0x73: {  	_ =	shalt  }
0x74: {  	_ =	shalt  }
0x75: {  	_ =	shalt  }
0x76: {  	_ =	shalt  }
0x77: {  	_ =	shalt  }
0x78: {  	_ =	shalt  }
0x79: {  	_ =	shalt  }
0x7a: {  	_ =	shalt  }
0x7b: {  	_ =	shalt  }
0x7c: {  	_ =	shalt  }
0x7d: {  	_ =	shalt  }
0x7e: {  	_ =	shalt  }
0x7f: {  	_ =	shalt  }
0x80: {  	_ =	shalt  }
0x81: {  	_ =	shalt  }
0x82: {  	_ =	shalt  }
0x83: {  	_ =	shalt  }
0x84: {  	_ =	shalt  }
0x85: {  	_ =	shalt  }
0x86: {  	_ =	shalt  }
0x87: {  	_ =	shalt  }
.Lfunc_end0:
.L_simem_size_0:
called_computation.5_lowered:
.L_overlay_start_0:
0x88: {  	s2 =	sld [smem:$0x3FD9]  }
0x89: {  	s3 =	sld [smem:$0x3FFE];
	_ =	sdelay $0x1  }
0x8a: {  	s1 =	srdreg.scid  }
0x8b: {  	s0 =	sand.u32 $0x1, s1  }
0x8c: {  	s17 =	sshll.u32 s0, $0xA;
	s2 =	sadd.s32 s3, s2  }
0x8d: {  	s2 =	sadd.s32 s2, s17  }
0x8e: {  	[smem:$0x3F71] =	sst s2  }
0x8f: {  	_ = 	snop  }
0x90: {  	(tm) =	ssettm $0x1  }
0x91: {  	s18 =	sld [smem:$0x3FFB];
	_ =	sdelay $0x3  }
0x92: {  	_ =	strace s18  }
0x93: {  	s2 =	sld [smem:$0x3FFC];
	_ =	sdelay $0x3  }
0x94: {  	_ =	strace s2  }
0x95: {  	s2 =	sld [smem:$0x3FFD];
	_ =	sdelay $0x3  }
0x96: {  	_ =	strace s2  }
0x97: {  	_ =	strace $0x8FFFFFFF  }
0x98: {  	s19 =	sld [smem:$0x3FDB];
	_ =	sdelay $0x1  }
0x99: {  	s20 =	simm.s32 $_scs_section_size  }
0x9a: {  	s4 =	simm.s32 $_size__tile_overlayer_lowered;
	s5 =	simm.s32 $_tile_overlayer_lowered  }
0x9b: {  	s6 =	simm.s32 $0x1BFF;
	s21 =	sshll.u32 s5, $0x1;
	s3 =	sadd.s32 s20, s19  }
0x9c: {  	s22 =	simm.s32 $0x0;
	s4 =	sshll.u32 s4, $0x1;
	s5 =	sadd.s32 s21, s3  }
0x9d: {  	[timem:s22], [sflag:s6] =	dma.local [hbm:s5], s4  }
0x9e: {  	_ =	swait.ge [sflag:s6], s4  }
0x9f: {  	s4 =	ssub.s32 $0x0, s4;
	[sflag:s6] =	ssyncset.done $0x0  }
0xa0: {  	[sflag:s6] =	ssyncadd.s32 s4;
	_ =	sdelay $0x1  }
0xa1: {  	s23 =	simm.s32 $0x1B8B  }
0xa2: {  	_ =	swait.ge [sflag:s23], $0x1  }
0xa3: {  	[sflag:s23] =	ssyncset.done $0x0  }
0xa4: {  	[sflag:s23] =	ssyncadd.s32 $0xFFFFFFFF  }
0xa5: {  	s4 =	sld [smem:$0x0]  }
0xa6: {  	s5 =	sand.u32 $0xFFFFFFFE, s1  }
0xa7: {  	p0 =	sne.s32 s1, s5  }
0xa8: {  	s5 =	sshll.u32 @p0 s5, $0xE  }
0xa9: {  	s5 =	sadd.s32 @p0 $0x11B8D, s5;
	s6 =	sshll.u32 @p0 s4, $0x11  }
0xaa: {  	s5 =	sor.u32 @p0 s6, s5  }
0xab: {  	[sflag:s5] =	ssyncadd.remote.s32 @p0 $0x1;
	_ =	sdelay $0x1  }
0xac: {  	s5 =	simm.s32 @p0 $0x1B8D  }
0xad: {  	_ =	swait.eq @p0 [sflag:s5], $0x1  }
0xae: {  	[sflag:s5] =	ssyncadd.s32 @p0 $0xFFFFFFFF  }
0xaf: {  	s6 =	sshll.u32 @!p0 s1, $0xE  }
0xb0: {  	s6 =	sor.u32 @!p0 $0x4000, s6;
	s5 =	simm.s32 @!p0 $0x1B8D  }
0xb1: {  	s4 =	sshll.u32 @!p0 s4, $0x11;
	s6 =	sadd.s32 @!p0 $0x11B8D, s6;
	_ =	swait.eq @!p0 [sflag:s5], $0x1  }
0xb2: {  	s4 =	sor.u32 @!p0 s4, s6;
	[sflag:s5] =	ssyncadd.s32 @!p0 $0xFFFFFFFF  }
0xb3: {  	s25 =	simm.s32 $0x1B8E;
	s24 =	sld [smem:$0x3FFE];
	[sflag:s4] =	ssyncadd.remote.s32 @!p0 $0x1  }
0xb4: {  	s26 =	simm.s32 $execute0_lowered;
	[smem:$0x3FD2] =	sst s25  }
0xb5: {  	s5 =	sshll.u32 s26, $0x1;
	_ =	strace $0x80000055;
	[dreg:$0x1] =	wrdreg $0xFFFFFFFF  }
0xb6: {  	s28 =	simm.s32 $_size_execute0_lowered;
	s3 =	sadd.s32 s3, s5;
	[dreg:$0x0] =	wrdreg $0x0  }
0xb7: {  	s5 =	sshll.u32 s28, $0x1;
	[dreg:$0x2] =	wrdreg s3  }
0xb8: {  	[dreg:$0x3] =	wrdreg s5  }
0xb9: {  	[dreg:$0x4] =	wrdreg $0xC0  }
0xba: {  	_ =	task [dreg:s22], $0x5FFFF  }
0xbb: {  	[dreg:$0x1] =	wrdreg $0xFFFFFFFF  }
0xbc: {  	[dreg:$0x0] =	wrdreg $0x60  }
0xbd: {  	[dreg:$0x2] =	wrdreg s24  }
0xbe: {  	[dreg:$0x3] =	wrdreg $0xA  }
0xbf: {  	_ =	task.clear_ibuf [dreg:s22], $0x4FFFF;
	_ =	strace $0x90000055  }
0xc0: {  	s29 =	simm.s32 $0xA;
	_ =	strace $0x80000057  }
0xc1: {  	_ =	swait.ge [sflag:s29], $0x1  }
0xc2: {  	[sflag:s29] =	ssyncadd.s32 $0xFFFFFFFF  }
0xc3: {  	_ =	strace $0x90000057  }
0xc4: {  	_ =	sfence  }
0xc5: {  	s30 =	sld [smem:$0x0];
	_ =	sdelay $0x2  }
0xc6: {  	s31 =	sshll.u32 s1, $0xD;
	s1 =	sshrl.u32 s1, $0x2  }
0xc7: {  	s4 =	sand.u32 $0x4000, s31;
	s1 =	sadd.s32 s1, s30  }
0xc8: {  	s0 =	sor.u32 s4, s0;
	s1 =	sshll.u32 s1, $0x11  }
0xc9: {  	s0 =	sor.u32 s1, s0  }
0xca: {  	s0 =	sadd.s32 $0x8F2B, s0  }
0xcb: {  	[sflag:s0] =	ssyncadd.remote.s32 $0x1  }
0xcc: {  	_ =	sfence.sel $0xFFFF  }
0xcd: {  	[dreg:$0x0] =	wrdreg $0xFFFFFFFF;
	(pc) =	sbr.abs _section_cstart, $3  }
0xce: {  	[dreg:$0x1] =	wrdreg $0xFFFFFFFF  }
0xcf: {  	_ =	task.clear_ibuf [dreg:s22], $0x2FFFF;
	_ =	strace $0x9FFFFFFF  }
0xd0: {  	(tm) =	ssettm $0x7FFFFFFF  }
0xd1: {  	_ =	shalt  }
tec
execute0_lowered:
.L_overlay_start_1:
0x0: {  	(tag) =	ssettag $0x1  }
0x1: {  	s4 =	rddreg [dreg:$0x0];
	s2 =	srdreg.scid  }
0x2: {  	s0 =	rddreg [dreg:$0x1];
	s1 =	stileid.u32  }
0x3: {  	s11 =	simm.s32 $0x1000;
	s12 =	simm.s32 $0x5000;
	s13 =	simm.s32 $0x1  }
0x4: {  	s14 =	simm.s32 $0x3;
	s15 =	simm.s32 $0x2;
	s16 =	simm.s32 $0x4  }
0x5: {  	s17 =	simm.s32 $0x0;
	s6 =	sand.u32 $0x1, s2;
	s2 =	simm.s32 $0x0  }
0x6: {  	s3 =	sshll.u32 s1, $0xD;
	s10 =	sadd.s32 $0x237000, s4;
	s30 =	sshll.u32 s1, $0x11  }
0x7: {  	s5 =	sshll.u32 s6, $0xC;
	[smem:$0x7FF] =	sst s2;
	s8 =	ssub.s32 $0x2, s6  }
0x8: {  	s31 =	sshll.u32 s6, $0x10;
	s5 =	sor.u32 s5, s3;
	_ =	strace $0x80000056  }
0x9: {  	s3 =	sadd.s32 $0x53000, s4;
	s9 =	sshrl.u32 s8, $0x1;
	s7 =	sshrl.u32 s5, $0x3  }
0xa: {  	s8 =	ssub.s32 s8, s9;
	s5 =	sshll.u32 s5, $0x4;
	s9 =	sadd.s32 s30, s10  }
0xb: {  	s7 =	sadd.s32 s7, s4;
	s29 =	sadd.s32 s5, s10;
	s10 =	simm.s32 $0x80  }
0xc: {  	s4 =	sadd.s32 $0x233000, s7;
	s5 =	sadd.s32 $0xF000, s29;
	s6 =	sadd.s32 $0xF800, s29  }
0xd: {  	s7 =	smax.u32 s8, $0x1;
	s8 =	sadd.s32 s31, s9;
	s9 =	simm.s32 $0x5  }
.LBB2_1:
0xe: {  	[tilespmem:s2], [sflag:$0x5] =	stream.linear.gather [hbm4b:s4+s2], $0x1000, $0x38;
	[tilespmem:$0x9000] =	vst v63  }
0xf: {  	_ =	swait.ge [sflag:s9], $0x1000  }
0x10: {  	[sflag:s9] =	ssyncset.done $0x0  }
0x11: {  	[sflag:s9] =	ssyncadd.s32 $0xFFFFF000  }
0x12: {  	[tilespmem:s11], [sflag:$0x1] =	stream.indirect.gather [hbm4b:s3+s10], $0x80, s2, s10, $0xb8;
	[tilespmem:$0x9000] =	vst v63  }
0x13: {  	_ = 	snop  }
0x14: {  	[tilespmem:s12], [sflag:$0x2] =	stream.indirect.gather [hbm4b:s3+s10], $0x80, s10, s10, $0xb8;
	[tilespmem:$0x9000] =	vst v63  }
0x15: {  	_ =	swait.ge [sflag:s13], $0x4000  }
0x16: {  	[sflag:s13] =	ssyncset.done $0x0  }
0x17: {  	s18 =	sadd.s32 $0x0, s8;
	[sflag:s13] =	ssyncadd.s32 $0xFFFFC000  }
0x18: {  	[hbm4b:s18+s2] =	stream.linear.scatter [tilespmem:s11], [sflag:$0x3], $0x4000, $0x38;
	[tilespmem:$0x9000] =	vst v63  }
0x19: {  	_ =	swait.ge [sflag:s14], $0x4000  }
0x1a: {  	[sflag:s14] =	ssyncset.done $0x0  }
0x1b: {  	s19 =	simm.s32 $0x100;
	[sflag:s14] =	ssyncadd.s32 $0xFFFFC000  }
0x1c: {  	[tilespmem:s11], [sflag:$0x1] =	stream.indirect.gather [hbm4b:s3+s10], $0x80, s19, s10, $0xb8;
	[tilespmem:$0x9000] =	vst v63  }
0x1d: {  	_ =	swait.ge [sflag:s15], $0x4000  }
0x1e: {  	[sflag:s15] =	ssyncset.done $0x0  }
0x1f: {  	s18 =	sadd.s32 $0x800, s18;
	[sflag:s15] =	ssyncadd.s32 $0xFFFFC000  }
0x20: {  	[hbm4b:s18+s2] =	stream.linear.scatter [tilespmem:s12], [sflag:$0x4], $0x4000, $0x38;
	[tilespmem:$0x9000] =	vst v63  }
0x21: {  	_ =	swait.ge [sflag:s16], $0x4000  }
0x22: {  	s20 =	simm.s32 $0x280;
	[sflag:s16] =	ssyncset.done $0x0  }
0x23: {  	s19 =	simm.s32 $0x1000;
	s18 =	simm.s32 $0x180;
	[sflag:s16] =	ssyncadd.s32 $0xFFFFC000  }
.LBB2_2:
0x24: {  	[tilespmem:s12], [sflag:$0x2] =	stream.indirect.gather [hbm4b:s3+s10], $0x80, s18, s10, $0xb8;
	[tilespmem:$0x9000] =	vst v63  }
0x25: {  	s21 =	smov.u32 s19;
	s18 =	smov.u32 s20  }
0x26: {  	p0 =	sne.s32 s19, $0xE000;
	s19 =	sadd.s32 $0x1000, s19;
	_ =	swait.ge [sflag:s13], $0x4000  }
0x27: {  	[sflag:s13] =	ssyncset.done $0x0  }
0x28: {  	s21 =	sadd.s32 s21, s8;
	[sflag:s13] =	ssyncadd.s32 $0xFFFFC000  }
0x29: {  	[hbm4b:s21+s2] =	stream.linear.scatter [tilespmem:s11], [sflag:$0x3], $0x4000, $0x38;
	[tilespmem:$0x9000] =	vst v63  }
0x2a: {  	_ =	swait.ge [sflag:s14], $0x4000  }
0x2b: {  	[sflag:s14] =	ssyncset.done $0x0  }
0x2c: {  	s22 =	sadd.s32 $0xFFFFFF80, s20;
	[sflag:s14] =	ssyncadd.s32 $0xFFFFC000  }
0x2d: {  	[tilespmem:s11], [sflag:$0x1] =	stream.indirect.gather [hbm4b:s3+s10], $0x80, s22, s10, $0xb8;
	[tilespmem:$0x9000] =	vst v63  }
0x2e: {  	_ =	swait.ge [sflag:s15], $0x4000  }
0x2f: {  	[sflag:s15] =	ssyncset.done $0x0  }
.Ltmp0:
0x30: {  	s21 =	sadd.s32 $0x800, s21;
	[sflag:s15] =	ssyncadd.s32 $0xFFFFC000;
	(pc) =	sbr.rel @p0 .LBB2_2-.Ltmp0, $4  }
0x31: {  	[hbm4b:s21+s2] =	stream.linear.scatter [tilespmem:s12], [sflag:$0x4], $0x4000, $0x38;
	[tilespmem:$0x9000] =	vst v63  }
0x32: {  	_ =	swait.ge [sflag:s16], $0x4000  }
0x33: {  	[sflag:s16] =	ssyncset.done $0x0  }
0x34: {  	s20 =	sadd.s32 $0x100, s20;
	[sflag:s16] =	ssyncadd.s32 $0xFFFFC000  }
0x35: {  	[tilespmem:s12], [sflag:$0x2] =	stream.indirect.gather [hbm4b:s3+s10], $0x80, s18, s10, $0xb8;
	[tilespmem:$0x9000] =	vst v63  }
0x36: {  	_ =	swait.ge [sflag:s13], $0x4000  }
0x37: {  	[sflag:s13] =	ssyncset.done $0x0  }
0x38: {  	[sflag:s13] =	ssyncadd.s32 $0xFFFFC000  }
0x39: {  	[hbm4b:s5+s2] =	stream.linear.scatter [tilespmem:s11], [sflag:$0x3], $0x4000, $0x38;
	[tilespmem:$0x9000] =	vst v63  }
0x3a: {  	_ =	swait.ge [sflag:s15], $0x4000  }
0x3b: {  	[sflag:s15] =	ssyncset.done $0x0  }
0x3c: {  	s17 =	sadd.s32 $0x1, s17;
	[sflag:s15] =	ssyncadd.s32 $0xFFFFC000  }
0x3d: {  	[hbm4b:s6+s2] =	stream.linear.scatter [tilespmem:s12], [sflag:$0x4], $0x4000, $0x38;
	[tilespmem:$0x9000] =	vst v63  }
0x3e: {  	p0 =	sne.s32 s17, s7;
	_ =	swait.ge [sflag:s14], $0x4000  }
.Ltmp1:
0x3f: {  	[sflag:s14] =	ssyncset.done $0x0;
	(pc) =	sbr.rel @p0 .LBB2_1-.Ltmp1, $4  }
0x40: {  	[sflag:s14] =	ssyncadd.s32 $0xFFFFC000  }
0x41: {  	_ =	swait.ge [sflag:s16], $0x4000  }
0x42: {  	[sflag:s16] =	ssyncset.done $0x0  }
0x43: {  	[sflag:s16] =	ssyncadd.s32 $0xFFFFC000  }
0x44: {  	_ =	sfence.sel $0x180000  }
0x45: {  	[bflag:$0x0] =	sbarrier.arrive $0xFFFF  }
0x46: {  	p0 =	sne.s32 s1, $0x0;
	_ =	strace $0x90000056  }
0x47: {  	s0 =	sadd.s32 @!p0 $0x100000, s0;
	[bflag:$0x2] =	sbarrier.arrive $0xFFFF  }
0x48: {  	[sflag:s0] =	ssyncadd.tile.s32 @!p0 $0x1;
	_ =	shalt  }
.Lfunc_end2:
_tile_overlayer_lowered:
.L_overlay_start_2:
0x49: {  	(tag) =	ssettag $0x2  }
0x4a: {  	s0 =	rddreg [dreg:$0x0];
	s2 =	stileid.u32  }
0x4b: {  	s1 =	rddreg [dreg:$0x1];
	p0 =	sne.s32 s2, $0x0  }
0x4c: {  	s3 =	rddreg [dreg:$0x2];
	[bflag:$0x3] =	sbarrier.arrive $0xFFFF;
	s2 =	simm.s32 @!p0 $0x1C05  }
0x4d: {  	[timem:s3], [sflag:s2] =	dma.local @!p0 [hbm:s0], s1  }
0x4e: {  	s0 =	simm.s32 @!p0 $0x5  }
0x4f: {  	_ =	swait.ge @!p0 [sflag:s0], s1  }
0x50: {  	s1 =	ssub.s32 @!p0 $0x0, s1;
	[sflag:s0] =	ssyncset.done @!p0 $0x0  }
0x51: {  	[sflag:s0] =	ssyncadd.s32 @!p0 s1  }
0x52: {  	[bflag:$0x3] =	sbarrier.arrive $0xFFFF  }
0x53: {  	_ =	shalt  }

</sc_bundles>
